<compile_context>
chip_gen: v7x
topology: tpu7x:2x2x1
jax: 0.10.2.dev20260603
libtpu: 0.0.44.dev20260713+nightly
codegen_flags: <defaults>
</compile_context>

<pallas_src>
import functools
import math

import jax
import jax.numpy as jnp
from jax import lax
from jax.experimental import pallas as pl
from jax.experimental.pallas import tpu as pltpu
from jax.experimental.pallas import tpu_sc as plsc

B = 16384
D = 128
L = 16
NC, NS = 2, 16
NW = NC * NS
ROWS_PER_W = B // NW
R = 128
NCHUNK = ROWS_PER_W // R
NBUF = 3
NCLS = 1000
TROWS = 64
HALF_LOG_2PI = 0.5 * math.log(2.0 * math.pi)

_mesh = plsc.VectorSubcoreMesh(core_axis_name="c", subcore_axis_name="s")

TPAD = 1024

_scratch = [
    pltpu.VMEM_SHARED((TPAD, D), jnp.float32),
    pltpu.VMEM((NBUF, R), jnp.int32),
    pltpu.VMEM((NBUF, R, D), jnp.float32),
    pltpu.VMEM((NBUF, R, D), jnp.float32),
    pltpu.VMEM((NBUF, R), jnp.float32),
    pltpu.VMEM((R * L,), jnp.float32),
] + [pltpu.SemaphoreType.DMA] * (4 * NBUF + 1)


@functools.partial(
    pl.kernel,
    mesh=_mesh,
    compiler_params=pltpu.CompilerParams(needs_layout_passes=False),
    out_type=[
        jax.ShapeDtypeStruct((B,), jnp.float32),
        jax.ShapeDtypeStruct((B, D), jnp.float32),
    ],
    scratch_types=_scratch,
)
def _sc_logprob(x_hbm, y_hbm, muf_hbm, loss_hbm, lu_hbm,
                stab, idx_v, x_v, o_v, l_v, acc_v, *sems):
    sem_i = sems[0:NBUF]
    sem_x = sems[NBUF:2 * NBUF]
    sem_g = sems[2 * NBUF:3 * NBUF]
    sem_o = sems[3 * NBUF:4 * NBUF]
    sem_p = sems[4 * NBUF]
    sid = lax.axis_index("s")
    wid = sid * NC + lax.axis_index("c")
    base = wid * ROWS_PER_W
    col_idx = lax.iota(jnp.int32, L) * L

    def issue_in(ci):
        b = ci % NBUF
        off = base + ci * R
        pltpu.async_copy(y_hbm.at[pl.ds(off, R)], idx_v.at[b], sem_i[b])
        pltpu.async_copy(x_hbm.at[pl.ds(off, R), :], x_v.at[b], sem_x[b])

    def issue_gather(ci):
        b = ci % NBUF
        off = base + ci * R
        pltpu.make_async_copy(y_hbm.at[pl.ds(off, R)], idx_v.at[b],
                              sem_i[b]).wait()
        pltpu.make_async_copy(x_hbm.at[pl.ds(off, R), :], x_v.at[b],
                              sem_x[b]).wait()
        pltpu.async_copy(stab.at[idx_v.at[b]], x_v.at[b], sem_g[b],
                         add=True)

    def compute(ci):
        b = ci % NBUF
        pltpu.make_async_copy(stab.at[idx_v.at[b]], x_v.at[b],
                              sem_g[b]).wait()

        @plsc.parallel_loop(0, R, unroll=4)
        def row_body(row):
            acc0 = jnp.zeros((L,), jnp.float32)
            acc1 = jnp.zeros((L,), jnp.float32)
            for j in range(D // L):
                d = x_v[b, row, pl.ds(j * L, L)]
                o = 0.5 * (d * d) + HALF_LOG_2PI
                if j % 2 == 0:
                    acc0 = acc0 + o
                else:
                    acc1 = acc1 + o
                o_v[b, row, pl.ds(j * L, L)] = o
            acc_v[pl.ds(row * L, L)] = acc0 + acc1

        @plsc.parallel_loop(0, R // L, unroll=2)
        def red_body(gi):
            gb = gi * (L * L)
            rowsums = jnp.zeros((L,), jnp.float32)
            for c in range(L):
                rowsums = rowsums + plsc.load_gather(acc_v, [gb + col_idx + c])
            l_v[b, pl.ds(gi * L, L)] = rowsums

    def issue_out(ci):
        b = ci % NBUF
        off = base + ci * R
        pltpu.async_copy(o_v.at[b], lu_hbm.at[pl.ds(off, R), :], sem_o[b])
        pltpu.async_copy(l_v.at[b], loss_hbm.at[pl.ds(off, R)], sem_o[b])

    def wait_out(ci):
        b = ci % NBUF
        off = base + ci * R
        pltpu.make_async_copy(o_v.at[b], lu_hbm.at[pl.ds(off, R), :],
                              sem_o[b]).wait()
        pltpu.make_async_copy(l_v.at[b], loss_hbm.at[pl.ds(off, R)],
                              sem_o[b]).wait()

    toff = sid * TROWS
    pltpu.async_copy(muf_hbm.at[pl.ds(toff, TROWS), :],
                     stab.at[pl.ds(toff, TROWS), :], sem_p)
    issue_in(0)
    if NCHUNK > 1:
        issue_in(1)
    pltpu.make_async_copy(muf_hbm.at[pl.ds(toff, TROWS), :],
                          stab.at[pl.ds(toff, TROWS), :], sem_p).wait()
    plsc.subcore_barrier()
    issue_gather(0)

    for ci in range(NCHUNK):
        if ci + 2 < NCHUNK:
            issue_in(ci + 2)
        if ci + 1 < NCHUNK:
            issue_gather(ci + 1)
        if ci >= NBUF:
            wait_out(ci - NBUF)
        compute(ci)
        issue_out(ci)
    for ci in range(max(0, NCHUNK - NBUF), NCHUNK):
        wait_out(ci)


def kernel(x, y, mu0, mu):
    ntab_pad = -(jnp.pad(mu, ((1, TPAD - NCLS), (0, 0))) + mu0[None, :])
    loss, loss_unsummed = _sc_logprob(x, y.astype(jnp.int32), ntab_pad)
    return (loss, loss_unsummed)

# --- scband reference (transcript-rebuilt; emitter-appended) ---
"""Pipeline reference for scband-regression-intercept-model-12841952215191 (READ-ONLY COPY).

The authoritative reference and input builder live on the scoring server;
editing this copy changes nothing except your own understanding.
"""

import jax, jax.numpy as jnp
import numpy as np

N_CLASSES = 1000
N_FEATURES = 128
BATCH = 16384


def setup_inputs(seed: int = 0) -> dict:
    key = jax.random.key(seed)
    k1, k2, k3, k4 = jax.random.split(key, 4)
    x = jax.random.normal(k1, (BATCH, N_FEATURES), dtype=jnp.float32)
    y = jax.random.randint(k2, (BATCH,), 0, N_CLASSES, dtype=jnp.int32)
    # learned parameters (per setup(): normal init)
    mu0 = jax.random.normal(k3, (N_FEATURES,), dtype=jnp.float32) * 0.01
    mu = jax.random.normal(k4, (N_CLASSES - 1, N_FEATURES), dtype=jnp.float32) * 0.01
    return {"x": x, "y": y, "mu0": mu0, "mu": mu}


def reference(x, y, mu0, mu):
    # family == 'gaussian'
    y_ = y.astype(jnp.int32)
    mu_placeholder = jnp.zeros_like(mu0)
    mu_full = jnp.concatenate([mu_placeholder[None], mu], axis=0)  # [n_classes, n_features]
    # y_oh @ mu_full is an embedding lookup: map one-hot matmul -> gather
    mus_ = jnp.take(mu_full, y_, axis=0) + mu0  # [batch, n_features]
    # Normal(loc=mus_, scale=1.0).log_prob(x)
    log_px_c_unsummed = -0.5 * jnp.square(x - mus_) - 0.5 * jnp.log(2.0 * jnp.pi)
    log_px_c = log_px_c_unsummed.sum(axis=-1)
    loss = -log_px_c
    loss_unsummed = -log_px_c_unsummed
    return (loss, loss_unsummed)

if __name__ == "__main__":
    import jax
    _d = setup_inputs()
    print(jax.jit(kernel)(*tuple(_d.values())))

</pallas_src>

<mosaic_0001>
#map = affine_map<(d0, d1) -> (0, 0)>
#map1 = affine_map<(d0, d1) -> (0)>
module attributes {stable_mosaic.version = 14 : i64} {
  func.func @_sc_logprob(%arg0: i32, %arg1: i32, %arg2: memref<16384x128xf32, #tpu.memory_space<hbm>>, %arg3: memref<16384xi32, #tpu.memory_space<hbm>>, %arg4: memref<1024x128xf32, #tpu.memory_space<hbm>>, %arg5: memref<16384xf32, #tpu.memory_space<hbm>>, %arg6: memref<16384x128xf32, #tpu.memory_space<hbm>>, %arg7: memref<1024x128xf32, #tpu.memory_space<vmem_shared>>, %arg8: memref<3x128xi32, #tpu.memory_space<vmem>>, %arg9: memref<3x128x128xf32, #tpu.memory_space<vmem>>, %arg10: memref<3x128x128xf32, #tpu.memory_space<vmem>>, %arg11: memref<3x128xf32, #tpu.memory_space<vmem>>, %arg12: memref<2048xf32, #tpu.memory_space<vmem>>, %arg13: memref<!tpu.dma_semaphore, #tpu.memory_space<semaphore_mem>>, %arg14: memref<!tpu.dma_semaphore, #tpu.memory_space<semaphore_mem>>, %arg15: memref<!tpu.dma_semaphore, #tpu.memory_space<semaphore_mem>>, %arg16: memref<!tpu.dma_semaphore, #tpu.memory_space<semaphore_mem>>, %arg17: memref<!tpu.dma_semaphore, #tpu.memory_space<semaphore_mem>>, %arg18: memref<!tpu.dma_semaphore, #tpu.memory_space<semaphore_mem>>, %arg19: memref<!tpu.dma_semaphore, #tpu.memory_space<semaphore_mem>>, %arg20: memref<!tpu.dma_semaphore, #tpu.memory_space<semaphore_mem>>, %arg21: memref<!tpu.dma_semaphore, #tpu.memory_space<semaphore_mem>>, %arg22: memref<!tpu.dma_semaphore, #tpu.memory_space<semaphore_mem>>, %arg23: memref<!tpu.dma_semaphore, #tpu.memory_space<semaphore_mem>>, %arg24: memref<!tpu.dma_semaphore, #tpu.memory_space<semaphore_mem>>, %arg25: memref<!tpu.dma_semaphore, #tpu.memory_space<semaphore_mem>>) attributes {dimension_semantics = [#tpu.dimension_semantics<core_parallel>, #tpu.dimension_semantics<subcore_parallel>], iteration_bounds = array<i64: 2, 16>, scalar_prefetch = 0 : i64, scratch_operands = 19 : i64, tpu.core_type = #tpu.core_type<sc_vector_subcore>, window_params = [{transform_indices = #map}, {transform_indices = #map1}, {transform_indices = #map}, {transform_indices = #map1}, {transform_indices = #map}]} {
    %mul3A = arith.constant 2 : i32
    %mul3A_0 = arith.muli %arg1, %mul3A : i32
    %add3A = arith.addi %mul3A_0, %arg0 : i32
    %mul3A_1 = arith.constant 512 : i32
    %mul3A_2 = arith.muli %add3A, %mul3A_1 : i32
    %iota3A = tpu.iota {dimensions = array<i32: 0>} : vector<16xi32>
    %mul3A_3 = arith.constant 16 : i32
    %mul3A_4 = vector.broadcast %mul3A_3 : i32 to vector<16xi32>
    %mul3A_5 = arith.muli %iota3A, %mul3A_4 : vector<16xi32>
    %mul3A_6 = arith.constant 64 : i32
    %mul3A_7 = arith.muli %arg1, %mul3A_6 : i32
    %dma_start3A = arith.constant 0 : i32
    %dma_start3A_8 = tpu.memref_slice %arg7[%mul3A_7, %dma_start3A] : memref<1024x128xf32, #tpu.memory_space<vmem_shared>> -> memref<64x128xf32, #tpu.memory_space<vmem_shared>>
    %dma_start3A_9 = arith.constant 0 : i32
    %dma_start3A_10 = tpu.memref_slice %arg4[%mul3A_7, %dma_start3A_9] : memref<1024x128xf32, #tpu.memory_space<hbm>> -> memref<64x128xf32, #tpu.memory_space<hbm>>
    tpu.enqueue_dma source(%dma_start3A_10 : memref<64x128xf32, #tpu.memory_space<hbm>>) target(%dma_start3A_8 : memref<64x128xf32, #tpu.memory_space<vmem_shared>>) target_semaphore(%arg25 : memref<!tpu.dma_semaphore, #tpu.memory_space<semaphore_mem>>)
    %add3A_11 = arith.constant 0 : i32
    %add3A_12 = arith.addi %mul3A_2, %add3A_11 : i32
    %dma_start3A_13 = arith.constant 0 : i32
    %dma_start3A_14 = arith.constant 0 : i32
    %dma_start3A_15 = tpu.memref_slice %arg8[%dma_start3A_13, %dma_start3A_14] : memref<3x128xi32, #tpu.memory_space<vmem>> -> memref<1x128xi32, #tpu.memory_space<vmem>>
    %dma_start3A_16 = tpu.memref_squeeze %dma_start3A_15 : memref<1x128xi32, #tpu.memory_space<vmem>> -> memref<128xi32, #tpu.memory_space<vmem>>
    %dma_start3A_17 = tpu.memref_slice %arg3[%add3A_12] : memref<16384xi32, #tpu.memory_space<hbm>> -> memref<128xi32, #tpu.memory_space<hbm>>
    %dma_start3A_18 = arith.constant 0 : i32
    %dma_start3A_19 = tpu.memref_slice %arg8[%dma_start3A_13, %dma_start3A_18] : memref<3x128xi32, #tpu.memory_space<vmem>> -> memref<1x128xi32, #tpu.memory_space<vmem>>
    %dma_start3A_20 = tpu.memref_squeeze %dma_start3A_19 : memref<1x128xi32, #tpu.memory_space<vmem>> -> memref<128xi32, #tpu.memory_space<vmem>>
    %dma_start3A_21 = tpu.memref_slice %arg3[%add3A_12] : memref<16384xi32, #tpu.memory_space<hbm>> -> memref<128xi32, #tpu.memory_space<hbm>>
    tpu.enqueue_dma source(%dma_start3A_21 : memref<128xi32, #tpu.memory_space<hbm>>) target(%dma_start3A_20 : memref<128xi32, #tpu.memory_space<vmem>>) target_semaphore(%arg13 : memref<!tpu.dma_semaphore, #tpu.memory_space<semaphore_mem>>)
    %dma_start3A_22 = arith.constant 0 : i32
    %dma_start3A_23 = arith.constant 0 : i32
    %dma_start3A_24 = arith.constant 0 : i32
    %dma_start3A_25 = tpu.memref_slice %arg9[%dma_start3A_22, %dma_start3A_23, %dma_start3A_24] : memref<3x128x128xf32, #tpu.memory_space<vmem>> -> memref<1x128x128xf32, #tpu.memory_space<vmem>>
    %dma_start3A_26 = tpu.memref_squeeze %dma_start3A_25 : memref<1x128x128xf32, #tpu.memory_space<vmem>> -> memref<128x128xf32, #tpu.memory_space<vmem>>
    %dma_start3A_27 = arith.constant 0 : i32
    %dma_start3A_28 = tpu.memref_slice %arg2[%add3A_12, %dma_start3A_27] : memref<16384x128xf32, #tpu.memory_space<hbm>> -> memref<128x128xf32, #tpu.memory_space<hbm>>
    %dma_start3A_29 = arith.constant 0 : i32
    %dma_start3A_30 = arith.constant 0 : i32
    %dma_start3A_31 = tpu.memref_slice %arg9[%dma_start3A_22, %dma_start3A_29, %dma_start3A_30] : memref<3x128x128xf32, #tpu.memory_space<vmem>> -> memref<1x128x128xf32, #tpu.memory_space<vmem>>
    %dma_start3A_32 = tpu.memref_squeeze %dma_start3A_31 : memref<1x128x128xf32, #tpu.memory_space<vmem>> -> memref<128x128xf32, #tpu.memory_space<vmem>>
    %dma_start3A_33 = arith.constant 0 : i32
    %dma_start3A_34 = tpu.memref_slice %arg2[%add3A_12, %dma_start3A_33] : memref<16384x128xf32, #tpu.memory_space<hbm>> -> memref<128x128xf32, #tpu.memory_space<hbm>>
    tpu.enqueue_dma source(%dma_start3A_34 : memref<128x128xf32, #tpu.memory_space<hbm>>) target(%dma_start3A_32 : memref<128x128xf32, #tpu.memory_space<vmem>>) target_semaphore(%arg16 : memref<!tpu.dma_semaphore, #tpu.memory_space<semaphore_mem>>)
    %add3A_35 = arith.constant 128 : i32
    %add3A_36 = arith.addi %mul3A_2, %add3A_35 : i32
    %dma_start3A_37 = arith.constant 1 : i32
    %dma_start3A_38 = arith.constant 0 : i32
    %dma_start3A_39 = tpu.memref_slice %arg8[%dma_start3A_37, %dma_start3A_38] : memref<3x128xi32, #tpu.memory_space<vmem>> -> memref<1x128xi32, #tpu.memory_space<vmem>>
    %dma_start3A_40 = tpu.memref_squeeze %dma_start3A_39 : memref<1x128xi32, #tpu.memory_space<vmem>> -> memref<128xi32, #tpu.memory_space<vmem>>
    %dma_start3A_41 = tpu.memref_slice %arg3[%add3A_36] : memref<16384xi32, #tpu.memory_space<hbm>> -> memref<128xi32, #tpu.memory_space<hbm>>
    %dma_start3A_42 = arith.constant 0 : i32
    %dma_start3A_43 = tpu.memref_slice %arg8[%dma_start3A_37, %dma_start3A_42] : memref<3x128xi32, #tpu.memory_space<vmem>> -> memref<1x128xi32, #tpu.memory_space<vmem>>
    %dma_start3A_44 = tpu.memref_squeeze %dma_start3A_43 : memref<1x128xi32, #tpu.memory_space<vmem>> -> memref<128xi32, #tpu.memory_space<vmem>>
    %dma_start3A_45 = tpu.memref_slice %arg3[%add3A_36] : memref<16384xi32, #tpu.memory_space<hbm>> -> memref<128xi32, #tpu.memory_space<hbm>>
    tpu.enqueue_dma source(%dma_start3A_45 : memref<128xi32, #tpu.memory_space<hbm>>) target(%dma_start3A_44 : memref<128xi32, #tpu.memory_space<vmem>>) target_semaphore(%arg14 : memref<!tpu.dma_semaphore, #tpu.memory_space<semaphore_mem>>)
    %dma_start3A_46 = arith.constant 1 : i32
    %dma_start3A_47 = arith.constant 0 : i32
    %dma_start3A_48 = arith.constant 0 : i32
    %dma_start3A_49 = tpu.memref_slice %arg9[%dma_start3A_46, %dma_start3A_47, %dma_start3A_48] : memref<3x128x128xf32, #tpu.memory_space<vmem>> -> memref<1x128x128xf32, #tpu.memory_space<vmem>>
    %dma_start3A_50 = tpu.memref_squeeze %dma_start3A_49 : memref<1x128x128xf32, #tpu.memory_space<vmem>> -> memref<128x128xf32, #tpu.memory_space<vmem>>
    %dma_start3A_51 = arith.constant 0 : i32
    %dma_start3A_52 = tpu.memref_slice %arg2[%add3A_36, %dma_start3A_51] : memref<16384x128xf32, #tpu.memory_space<hbm>> -> memref<128x128xf32, #tpu.memory_space<hbm>>
    %dma_start3A_53 = arith.constant 0 : i32
    %dma_start3A_54 = arith.constant 0 : i32
    %dma_start3A_55 = tpu.memref_slice %arg9[%dma_start3A_46, %dma_start3A_53, %dma_start3A_54] : memref<3x128x128xf32, #tpu.memory_space<vmem>> -> memref<1x128x128xf32, #tpu.memory_space<vmem>>
    %dma_start3A_56 = tpu.memref_squeeze %dma_start3A_55 : memref<1x128x128xf32, #tpu.memory_space<vmem>> -> memref<128x128xf32, #tpu.memory_space<vmem>>
    %dma_start3A_57 = arith.constant 0 : i32
    %dma_start3A_58 = tpu.memref_slice %arg2[%add3A_36, %dma_start3A_57] : memref<16384x128xf32, #tpu.memory_space<hbm>> -> memref<128x128xf32, #tpu.memory_space<hbm>>
    tpu.enqueue_dma source(%dma_start3A_58 : memref<128x128xf32, #tpu.memory_space<hbm>>) target(%dma_start3A_56 : memref<128x128xf32, #tpu.memory_space<vmem>>) target_semaphore(%arg17 : memref<!tpu.dma_semaphore, #tpu.memory_space<semaphore_mem>>)
    %dma_wait3A = arith.constant 0 : i32
    %dma_wait3A_59 = tpu.memref_slice %arg7[%mul3A_7, %dma_wait3A] : memref<1024x128xf32, #tpu.memory_space<vmem_shared>> -> memref<64x128xf32, #tpu.memory_space<vmem_shared>>
    %dma_wait3A_60 = arith.constant 0 : i32
    %dma_wait3A_61 = tpu.memref_slice %arg4[%mul3A_7, %dma_wait3A_60] : memref<1024x128xf32, #tpu.memory_space<hbm>> -> memref<64x128xf32, #tpu.memory_space<hbm>>
    tpu.wait_dma2 semaphore(%arg25 : memref<!tpu.dma_semaphore, #tpu.memory_space<semaphore_mem>>) src(%dma_wait3A_61 : memref<64x128xf32, #tpu.memory_space<hbm>>) dst(%dma_wait3A_59 : memref<64x128xf32, #tpu.memory_space<vmem_shared>>)
    %barrier3A = arith.constant 0 : index
    tpu.barrier barrier_id(%barrier3A)
    %add3A_62 = arith.constant 0 : i32
    %add3A_63 = arith.addi %mul3A_2, %add3A_62 : i32
    %dma_wait3A_64 = arith.constant 0 : i32
    %dma_wait3A_65 = arith.constant 0 : i32
    %dma_wait3A_66 = tpu.memref_slice %arg8[%dma_wait3A_64, %dma_wait3A_65] : memref<3x128xi32, #tpu.memory_space<vmem>> -> memref<1x128xi32, #tpu.memory_space<vmem>>
    %dma_wait3A_67 = tpu.memref_squeeze %dma_wait3A_66 : memref<1x128xi32, #tpu.memory_space<vmem>> -> memref<128xi32, #tpu.memory_space<vmem>>
    %dma_wait3A_68 = tpu.memref_slice %arg3[%add3A_63] : memref<16384xi32, #tpu.memory_space<hbm>> -> memref<128xi32, #tpu.memory_space<hbm>>
    %dma_wait3A_69 = arith.constant 0 : i32
    %dma_wait3A_70 = tpu.memref_slice %arg8[%dma_wait3A_64, %dma_wait3A_69] : memref<3x128xi32, #tpu.memory_space<vmem>> -> memref<1x128xi32, #tpu.memory_space<vmem>>
    %dma_wait3A_71 = tpu.memref_squeeze %dma_wait3A_70 : memref<1x128xi32, #tpu.memory_space<vmem>> -> memref<128xi32, #tpu.memory_space<vmem>>
    %dma_wait3A_72 = tpu.memref_slice %arg3[%add3A_63] : memref<16384xi32, #tpu.memory_space<hbm>> -> memref<128xi32, #tpu.memory_space<hbm>>
    tpu.wait_dma2 semaphore(%arg13 : memref<!tpu.dma_semaphore, #tpu.memory_space<semaphore_mem>>) src(%dma_wait3A_72 : memref<128xi32, #tpu.memory_space<hbm>>) dst(%dma_wait3A_71 : memref<128xi32, #tpu.memory_space<vmem>>)
    %dma_wait3A_73 = arith.constant 0 : i32
    %dma_wait3A_74 = arith.constant 0 : i32
    %dma_wait3A_75 = arith.constant 0 : i32
    %dma_wait3A_76 = tpu.memref_slice %arg9[%dma_wait3A_73, %dma_wait3A_74, %dma_wait3A_75] : memref<3x128x128xf32, #tpu.memory_space<vmem>> -> memref<1x128x128xf32, #tpu.memory_space<vmem>>
    %dma_wait3A_77 = tpu.memref_squeeze %dma_wait3A_76 : memref<1x128x128xf32, #tpu.memory_space<vmem>> -> memref<128x128xf32, #tpu.memory_space<vmem>>
    %dma_wait3A_78 = arith.constant 0 : i32
    %dma_wait3A_79 = tpu.memref_slice %arg2[%add3A_63, %dma_wait3A_78] : memref<16384x128xf32, #tpu.memory_space<hbm>> -> memref<128x128xf32, #tpu.memory_space<hbm>>
    %dma_wait3A_80 = arith.constant 0 : i32
    %dma_wait3A_81 = arith.constant 0 : i32
    %dma_wait3A_82 = tpu.memref_slice %arg9[%dma_wait3A_73, %dma_wait3A_80, %dma_wait3A_81] : memref<3x128x128xf32, #tpu.memory_space<vmem>> -> memref<1x128x128xf32, #tpu.memory_space<vmem>>
    %dma_wait3A_83 = tpu.memref_squeeze %dma_wait3A_82 : memref<1x128x128xf32, #tpu.memory_space<vmem>> -> memref<128x128xf32, #tpu.memory_space<vmem>>
    %dma_wait3A_84 = arith.constant 0 : i32
    %dma_wait3A_85 = tpu.memref_slice %arg2[%add3A_63, %dma_wait3A_84] : memref<16384x128xf32, #tpu.memory_space<hbm>> -> memref<128x128xf32, #tpu.memory_space<hbm>>
    tpu.wait_dma2 semaphore(%arg16 : memref<!tpu.dma_semaphore, #tpu.memory_space<semaphore_mem>>) src(%dma_wait3A_85 : memref<128x128xf32, #tpu.memory_space<hbm>>) dst(%dma_wait3A_83 : memref<128x128xf32, #tpu.memory_space<vmem>>)
    %dma_start3A_86 = arith.constant 0 : i32
    %dma_start3A_87 = arith.constant 0 : i32
    %dma_start3A_88 = arith.constant 0 : i32
    %dma_start3A_89 = arith.constant 0 : i32
    %dma_start3A_90 = tpu.memref_slice %arg9[%dma_start3A_87, %dma_start3A_88, %dma_start3A_89] : memref<3x128x128xf32, #tpu.memory_space<vmem>> -> memref<1x128x128xf32, #tpu.memory_space<vmem>>
    %dma_start3A_91 = tpu.memref_squeeze %dma_start3A_90 : memref<1x128x128xf32, #tpu.memory_space<vmem>> -> memref<128x128xf32, #tpu.memory_space<vmem>>
    %dma_start3A_92 = arith.constant 0 : i32
    %dma_start3A_93 = tpu.memref_slice %arg8[%dma_start3A_86, %dma_start3A_92] : memref<3x128xi32, #tpu.memory_space<vmem>> -> memref<1x128xi32, #tpu.memory_space<vmem>>
    %dma_start3A_94 = tpu.memref_squeeze %dma_start3A_93 : memref<1x128xi32, #tpu.memory_space<vmem>> -> memref<128xi32, #tpu.memory_space<vmem>>
    %dma_start3A_95 = arith.constant 0 : i32
    %dma_start3A_96 = arith.constant 0 : i32
    %dma_start3A_97 = tpu.memref_slice %arg7[%dma_start3A_95, %dma_start3A_96] : memref<1024x128xf32, #tpu.memory_space<vmem_shared>> -> memref<1024x128xf32, #tpu.memory_space<vmem_shared>>
    tpu.enqueue_indirect_dma source(%dma_start3A_97 : memref<1024x128xf32, #tpu.memory_space<vmem_shared>>) target(%dma_start3A_91 : memref<128x128xf32, #tpu.memory_space<vmem>>) offsets(%dma_start3A_94 : memref<128xi32, #tpu.memory_space<vmem>>) semaphore(%arg19 : memref<!tpu.dma_semaphore, #tpu.memory_space<semaphore_mem>>) {add = true}
    %add3A_98 = arith.constant 256 : i32
    %add3A_99 = arith.addi %mul3A_2, %add3A_98 : i32
    %dma_start3A_100 = arith.constant 2 : i32
    %dma_start3A_101 = arith.constant 0 : i32
    %dma_start3A_102 = tpu.memref_slice %arg8[%dma_start3A_100, %dma_start3A_101] : memref<3x128xi32, #tpu.memory_space<vmem>> -> memref<1x128xi32, #tpu.memory_space<vmem>>
    %dma_start3A_103 = tpu.memref_squeeze %dma_start3A_102 : memref<1x128xi32, #tpu.memory_space<vmem>> -> memref<128xi32, #tpu.memory_space<vmem>>
    %dma_start3A_104 = tpu.memref_slice %arg3[%add3A_99] : memref<16384xi32, #tpu.memory_space<hbm>> -> memref<128xi32, #tpu.memory_space<hbm>>
    %dma_start3A_105 = arith.constant 0 : i32
    %dma_start3A_106 = tpu.memref_slice %arg8[%dma_start3A_100, %dma_start3A_105] : memref<3x128xi32, #tpu.memory_space<vmem>> -> memref<1x128xi32, #tpu.memory_space<vmem>>
    %dma_start3A_107 = tpu.memref_squeeze %dma_start3A_106 : memref<1x128xi32, #tpu.memory_space<vmem>> -> memref<128xi32, #tpu.memory_space<vmem>>
    %dma_start3A_108 = tpu.memref_slice %arg3[%add3A_99] : memref<16384xi32, #tpu.memory_space<hbm>> -> memref<128xi32, #tpu.memory_space<hbm>>
    tpu.enqueue_dma source(%dma_start3A_108 : memref<128xi32, #tpu.memory_space<hbm>>) target(%dma_start3A_107 : memref<128xi32, #tpu.memory_space<vmem>>) target_semaphore(%arg15 : memref<!tpu.dma_semaphore, #tpu.memory_space<semaphore_mem>>)
    %dma_start3A_109 = arith.constant 2 : i32
    %dma_start3A_110 = arith.constant 0 : i32
    %dma_start3A_111 = arith.constant 0 : i32
    %dma_start3A_112 = tpu.memref_slice %arg9[%dma_start3A_109, %dma_start3A_110, %dma_start3A_111] : memref<3x128x128xf32, #tpu.memory_space<vmem>> -> memref<1x128x128xf32, #tpu.memory_space<vmem>>
    %dma_start3A_113 = tpu.memref_squeeze %dma_start3A_112 : memref<1x128x128xf32, #tpu.memory_space<vmem>> -> memref<128x128xf32, #tpu.memory_space<vmem>>
    %dma_start3A_114 = arith.constant 0 : i32
    %dma_start3A_115 = tpu.memref_slice %arg2[%add3A_99, %dma_start3A_114] : memref<16384x128xf32, #tpu.memory_space<hbm>> -> memref<128x128xf32, #tpu.memory_space<hbm>>
    %dma_start3A_116 = arith.constant 0 : i32
    %dma_start3A_117 = arith.constant 0 : i32
    %dma_start3A_118 = tpu.memref_slice %arg9[%dma_start3A_109, %dma_start3A_116, %dma_start3A_117] : memref<3x128x128xf32, #tpu.memory_space<vmem>> -> memref<1x128x128xf32, #tpu.memory_space<vmem>>
    %dma_start3A_119 = tpu.memref_squeeze %dma_start3A_118 : memref<1x128x128xf32, #tpu.memory_space<vmem>> -> memref<128x128xf32, #tpu.memory_space<vmem>>
    %dma_start3A_120 = arith.constant 0 : i32
    %dma_start3A_121 = tpu.memref_slice %arg2[%add3A_99, %dma_start3A_120] : memref<16384x128xf32, #tpu.memory_space<hbm>> -> memref<128x128xf32, #tpu.memory_space<hbm>>
    tpu.enqueue_dma source(%dma_start3A_121 : memref<128x128xf32, #tpu.memory_space<hbm>>) target(%dma_start3A_119 : memref<128x128xf32, #tpu.memory_space<vmem>>) target_semaphore(%arg18 : memref<!tpu.dma_semaphore, #tpu.memory_space<semaphore_mem>>)
    %add3A_122 = arith.constant 128 : i32
    %add3A_123 = arith.addi %mul3A_2, %add3A_122 : i32
    %dma_wait3A_124 = arith.constant 1 : i32
    %dma_wait3A_125 = arith.constant 0 : i32
    %dma_wait3A_126 = tpu.memref_slice %arg8[%dma_wait3A_124, %dma_wait3A_125] : memref<3x128xi32, #tpu.memory_space<vmem>> -> memref<1x128xi32, #tpu.memory_space<vmem>>
    %dma_wait3A_127 = tpu.memref_squeeze %dma_wait3A_126 : memref<1x128xi32, #tpu.memory_space<vmem>> -> memref<128xi32, #tpu.memory_space<vmem>>
    %dma_wait3A_128 = tpu.memref_slice %arg3[%add3A_123] : memref<16384xi32, #tpu.memory_space<hbm>> -> memref<128xi32, #tpu.memory_space<hbm>>
    %dma_wait3A_129 = arith.constant 0 : i32
    %dma_wait3A_130 = tpu.memref_slice %arg8[%dma_wait3A_124, %dma_wait3A_129] : memref<3x128xi32, #tpu.memory_space<vmem>> -> memref<1x128xi32, #tpu.memory_space<vmem>>
    %dma_wait3A_131 = tpu.memref_squeeze %dma_wait3A_130 : memref<1x128xi32, #tpu.memory_space<vmem>> -> memref<128xi32, #tpu.memory_space<vmem>>
    %dma_wait3A_132 = tpu.memref_slice %arg3[%add3A_123] : memref<16384xi32, #tpu.memory_space<hbm>> -> memref<128xi32, #tpu.memory_space<hbm>>
    tpu.wait_dma2 semaphore(%arg14 : memref<!tpu.dma_semaphore, #tpu.memory_space<semaphore_mem>>) src(%dma_wait3A_132 : memref<128xi32, #tpu.memory_space<hbm>>) dst(%dma_wait3A_131 : memref<128xi32, #tpu.memory_space<vmem>>)
    %dma_wait3A_133 = arith.constant 1 : i32
    %dma_wait3A_134 = arith.constant 0 : i32
    %dma_wait3A_135 = arith.constant 0 : i32
    %dma_wait3A_136 = tpu.memref_slice %arg9[%dma_wait3A_133, %dma_wait3A_134, %dma_wait3A_135] : memref<3x128x128xf32, #tpu.memory_space<vmem>> -> memref<1x128x128xf32, #tpu.memory_space<vmem>>
    %dma_wait3A_137 = tpu.memref_squeeze %dma_wait3A_136 : memref<1x128x128xf32, #tpu.memory_space<vmem>> -> memref<128x128xf32, #tpu.memory_space<vmem>>
    %dma_wait3A_138 = arith.constant 0 : i32
    %dma_wait3A_139 = tpu.memref_slice %arg2[%add3A_123, %dma_wait3A_138] : memref<16384x128xf32, #tpu.memory_space<hbm>> -> memref<128x128xf32, #tpu.memory_space<hbm>>
    %dma_wait3A_140 = arith.constant 0 : i32
    %dma_wait3A_141 = arith.constant 0 : i32
    %dma_wait3A_142 = tpu.memref_slice %arg9[%dma_wait3A_133, %dma_wait3A_140, %dma_wait3A_141] : memref<3x128x128xf32, #tpu.memory_space<vmem>> -> memref<1x128x128xf32, #tpu.memory_space<vmem>>
    %dma_wait3A_143 = tpu.memref_squeeze %dma_wait3A_142 : memref<1x128x128xf32, #tpu.memory_space<vmem>> -> memref<128x128xf32, #tpu.memory_space<vmem>>
    %dma_wait3A_144 = arith.constant 0 : i32
    %dma_wait3A_145 = tpu.memref_slice %arg2[%add3A_123, %dma_wait3A_144] : memref<16384x128xf32, #tpu.memory_space<hbm>> -> memref<128x128xf32, #tpu.memory_space<hbm>>
    tpu.wait_dma2 semaphore(%arg17 : memref<!tpu.dma_semaphore, #tpu.memory_space<semaphore_mem>>) src(%dma_wait3A_145 : memref<128x128xf32, #tpu.memory_space<hbm>>) dst(%dma_wait3A_143 : memref<128x128xf32, #tpu.memory_space<vmem>>)
    %dma_start3A_146 = arith.constant 1 : i32
    %dma_start3A_147 = arith.constant 1 : i32
    %dma_start3A_148 = arith.constant 0 : i32
    %dma_start3A_149 = arith.constant 0 : i32
    %dma_start3A_150 = tpu.memref_slice %arg9[%dma_start3A_147, %dma_start3A_148, %dma_start3A_149] : memref<3x128x128xf32, #tpu.memory_space<vmem>> -> memref<1x128x128xf32, #tpu.memory_space<vmem>>
    %dma_start3A_151 = tpu.memref_squeeze %dma_start3A_150 : memref<1x128x128xf32, #tpu.memory_space<vmem>> -> memref<128x128xf32, #tpu.memory_space<vmem>>
    %dma_start3A_152 = arith.constant 0 : i32
    %dma_start3A_153 = tpu.memref_slice %arg8[%dma_start3A_146, %dma_start3A_152] : memref<3x128xi32, #tpu.memory_space<vmem>> -> memref<1x128xi32, #tpu.memory_space<vmem>>
    %dma_start3A_154 = tpu.memref_squeeze %dma_start3A_153 : memref<1x128xi32, #tpu.memory_space<vmem>> -> memref<128xi32, #tpu.memory_space<vmem>>
    %dma_start3A_155 = arith.constant 0 : i32
    %dma_start3A_156 = arith.constant 0 : i32
    %dma_start3A_157 = tpu.memref_slice %arg7[%dma_start3A_155, %dma_start3A_156] : memref<1024x128xf32, #tpu.memory_space<vmem_shared>> -> memref<1024x128xf32, #tpu.memory_space<vmem_shared>>
    tpu.enqueue_indirect_dma source(%dma_start3A_157 : memref<1024x128xf32, #tpu.memory_space<vmem_shared>>) target(%dma_start3A_151 : memref<128x128xf32, #tpu.memory_space<vmem>>) offsets(%dma_start3A_154 : memref<128xi32, #tpu.memory_space<vmem>>) semaphore(%arg20 : memref<!tpu.dma_semaphore, #tpu.memory_space<semaphore_mem>>) {add = true}
    %dma_wait3A_158 = arith.constant 0 : i32
    %dma_wait3A_159 = arith.constant 0 : i32
    %dma_wait3A_160 = arith.constant 0 : i32
    %dma_wait3A_161 = arith.constant 0 : i32
    %dma_wait3A_162 = tpu.memref_slice %arg9[%dma_wait3A_159, %dma_wait3A_160, %dma_wait3A_161] : memref<3x128x128xf32, #tpu.memory_space<vmem>> -> memref<1x128x128xf32, #tpu.memory_space<vmem>>
    %dma_wait3A_163 = tpu.memref_squeeze %dma_wait3A_162 : memref<1x128x128xf32, #tpu.memory_space<vmem>> -> memref<128x128xf32, #tpu.memory_space<vmem>>
    %dma_wait3A_164 = arith.constant 0 : i32
    %dma_wait3A_165 = tpu.memref_slice %arg8[%dma_wait3A_158, %dma_wait3A_164] : memref<3x128xi32, #tpu.memory_space<vmem>> -> memref<1x128xi32, #tpu.memory_space<vmem>>
    %dma_wait3A_166 = tpu.memref_squeeze %dma_wait3A_165 : memref<1x128xi32, #tpu.memory_space<vmem>> -> memref<128xi32, #tpu.memory_space<vmem>>
    %dma_wait3A_167 = arith.constant 0 : i32
    %dma_wait3A_168 = arith.constant 0 : i32
    %dma_wait3A_169 = tpu.memref_slice %arg7[%dma_wait3A_167, %dma_wait3A_168] : memref<1024x128xf32, #tpu.memory_space<vmem_shared>> -> memref<1024x128xf32, #tpu.memory_space<vmem_shared>>
    tpu.wait_indirect_dma semaphore(%arg19 : memref<!tpu.dma_semaphore, #tpu.memory_space<semaphore_mem>>) src(%dma_wait3A_169 : memref<1024x128xf32, #tpu.memory_space<vmem_shared>>) dst(%dma_wait3A_163 : memref<128x128xf32, #tpu.memory_space<vmem>>)
    %parallel_loop3A = arith.constant 0 : i32
    %parallel_loop3A_170 = arith.constant 128 : i32
    %parallel_loop3A_171 = arith.constant 1 : i32
    scf.for %parallel_loop3A_517 = %parallel_loop3A to %parallel_loop3A_170 step %parallel_loop3A_171  : i32 {
      %parallel_loop3A_518 = arith.constant 0.000000e+00 : f32
      %parallel_loop3A_519 = vector.broadcast %parallel_loop3A_518 : f32 to vector<16xf32>
      %parallel_loop3A_520 = arith.constant 0.000000e+00 : f32
      %parallel_loop3A_521 = vector.broadcast %parallel_loop3A_520 : f32 to vector<16xf32>
      %parallel_loop3A_522 = arith.constant 0 : i32
      %parallel_loop3A_523 = arith.index_cast %parallel_loop3A_522 : i32 to index
      %parallel_loop3A_524 = arith.index_cast %parallel_loop3A_517 : i32 to index
      %parallel_loop3A_525 = arith.constant 0 : index
      %parallel_loop3A_526 = tpu.vector_load %arg9[%parallel_loop3A_523, %parallel_loop3A_524, %parallel_loop3A_525] {strides = array<i32>} : memref<3x128x128xf32, #tpu.memory_space<vmem>>, vector<16xf32>,
      %parallel_loop3A_527 = arith.mulf %parallel_loop3A_526, %parallel_loop3A_526 : vector<16xf32>
      %parallel_loop3A_528 = arith.constant 5.000000e-01 : f32
      %parallel_loop3A_529 = vector.broadcast %parallel_loop3A_528 : f32 to vector<16xf32>
      %parallel_loop3A_530 = arith.mulf %parallel_loop3A_529, %parallel_loop3A_527 : vector<16xf32>
      %parallel_loop3A_531 = arith.constant 0.918938517 : f32
      %parallel_loop3A_532 = vector.broadcast %parallel_loop3A_531 : f32 to vector<16xf32>
      %parallel_loop3A_533 = arith.addf %parallel_loop3A_530, %parallel_loop3A_532 : vector<16xf32>
      %parallel_loop3A_534 = arith.addf %parallel_loop3A_519, %parallel_loop3A_533 : vector<16xf32>
      %parallel_loop3A_535 = arith.constant 0 : i32
      %parallel_loop3A_536 = arith.index_cast %parallel_loop3A_535 : i32 to index
      %parallel_loop3A_537 = arith.index_cast %parallel_loop3A_517 : i32 to index
      %parallel_loop3A_538 = arith.constant 0 : index
      %parallel_loop3A_539 = tpu.vector_load %arg10[%parallel_loop3A_536, %parallel_loop3A_537, %parallel_loop3A_538] {strides = array<i32>} : memref<3x128x128xf32, #tpu.memory_space<vmem>>, vector<16xf32>,
      tpu.vector_store %arg10[%parallel_loop3A_536, %parallel_loop3A_537, %parallel_loop3A_538], %parallel_loop3A_533 {strides = array<i32>} : memref<3x128x128xf32, #tpu.memory_space<vmem>>, vector<16xf32>,
      %parallel_loop3A_540 = arith.constant 0 : i32
      %parallel_loop3A_541 = arith.index_cast %parallel_loop3A_540 : i32 to index
      %parallel_loop3A_542 = arith.index_cast %parallel_loop3A_517 : i32 to index
      %parallel_loop3A_543 = arith.constant 16 : index
      %parallel_loop3A_544 = tpu.vector_load %arg9[%parallel_loop3A_541, %parallel_loop3A_542, %parallel_loop3A_543] {strides = array<i32>} : memref<3x128x128xf32, #tpu.memory_space<vmem>>, vector<16xf32>,
      %parallel_loop3A_545 = arith.mulf %parallel_loop3A_544, %parallel_loop3A_544 : vector<16xf32>
      %parallel_loop3A_546 = arith.constant 5.000000e-01 : f32
      %parallel_loop3A_547 = vector.broadcast %parallel_loop3A_546 : f32 to vector<16xf32>
      %parallel_loop3A_548 = arith.mulf %parallel_loop3A_547, %parallel_loop3A_545 : vector<16xf32>
      %parallel_loop3A_549 = arith.constant 0.918938517 : f32
      %parallel_loop3A_550 = vector.broadcast %parallel_loop3A_549 : f32 to vector<16xf32>
      %parallel_loop3A_551 = arith.addf %parallel_loop3A_548, %parallel_loop3A_550 : vector<16xf32>
      %parallel_loop3A_552 = arith.addf %parallel_loop3A_521, %parallel_loop3A_551 : vector<16xf32>
      %parallel_loop3A_553 = arith.constant 0 : i32
      %parallel_loop3A_554 = arith.index_cast %parallel_loop3A_553 : i32 to index
      %parallel_loop3A_555 = arith.index_cast %parallel_loop3A_517 : i32 to index
      %parallel_loop3A_556 = arith.constant 16 : index
      %parallel_loop3A_557 = tpu.vector_load %arg10[%parallel_loop3A_554, %parallel_loop3A_555, %parallel_loop3A_556] {strides = array<i32>} : memref<3x128x128xf32, #tpu.memory_space<vmem>>, vector<16xf32>,
      tpu.vector_store %arg10[%parallel_loop3A_554, %parallel_loop3A_555, %parallel_loop3A_556], %parallel_loop3A_551 {strides = array<i32>} : memref<3x128x128xf32, #tpu.memory_space<vmem>>, vector<16xf32>,
      %parallel_loop3A_558 = arith.constant 0 : i32
      %parallel_loop3A_559 = arith.index_cast %parallel_loop3A_558 : i32 to index
      %parallel_loop3A_560 = arith.index_cast %parallel_loop3A_517 : i32 to index
      %parallel_loop3A_561 = arith.constant 32 : index
      %parallel_loop3A_562 = tpu.vector_load %arg9[%parallel_loop3A_559, %parallel_loop3A_560, %parallel_loop3A_561] {strides = array<i32>} : memref<3x128x128xf32, #tpu.memory_space<vmem>>, vector<16xf32>,
      %parallel_loop3A_563 = arith.mulf %parallel_loop3A_562, %parallel_loop3A_562 : vector<16xf32>
      %parallel_loop3A_564 = arith.constant 5.000000e-01 : f32
      %parallel_loop3A_565 = vector.broadcast %parallel_loop3A_564 : f32 to vector<16xf32>
      %parallel_loop3A_566 = arith.mulf %parallel_loop3A_565, %parallel_loop3A_563 : vector<16xf32>
      %parallel_loop3A_567 = arith.constant 0.918938517 : f32
      %parallel_loop3A_568 = vector.broadcast %parallel_loop3A_567 : f32 to vector<16xf32>
      %parallel_loop3A_569 = arith.addf %parallel_loop3A_566, %parallel_loop3A_568 : vector<16xf32>
      %parallel_loop3A_570 = arith.addf %parallel_loop3A_534, %parallel_loop3A_569 : vector<16xf32>
      %parallel_loop3A_571 = arith.constant 0 : i32
      %parallel_loop3A_572 = arith.index_cast %parallel_loop3A_571 : i32 to index
      %parallel_loop3A_573 = arith.index_cast %parallel_loop3A_517 : i32 to index
      %parallel_loop3A_574 = arith.constant 32 : index
      %parallel_loop3A_575 = tpu.vector_load %arg10[%parallel_loop3A_572, %parallel_loop3A_573, %parallel_loop3A_574] {strides = array<i32>} : memref<3x128x128xf32, #tpu.memory_space<vmem>>, vector<16xf32>,
      tpu.vector_store %arg10[%parallel_loop3A_572, %parallel_loop3A_573, %parallel_loop3A_574], %parallel_loop3A_569 {strides = array<i32>} : memref<3x128x128xf32, #tpu.memory_space<vmem>>, vector<16xf32>,
      %parallel_loop3A_576 = arith.constant 0 : i32
      %parallel_loop3A_577 = arith.index_cast %parallel_loop3A_576 : i32 to index
      %parallel_loop3A_578 = arith.index_cast %parallel_loop3A_517 : i32 to index
      %parallel_loop3A_579 = arith.constant 48 : index
      %parallel_loop3A_580 = tpu.vector_load %arg9[%parallel_loop3A_577, %parallel_loop3A_578, %parallel_loop3A_579] {strides = array<i32>} : memref<3x128x128xf32, #tpu.memory_space<vmem>>, vector<16xf32>,
      %parallel_loop3A_581 = arith.mulf %parallel_loop3A_580, %parallel_loop3A_580 : vector<16xf32>
      %parallel_loop3A_582 = arith.constant 5.000000e-01 : f32
      %parallel_loop3A_583 = vector.broadcast %parallel_loop3A_582 : f32 to vector<16xf32>
      %parallel_loop3A_584 = arith.mulf %parallel_loop3A_583, %parallel_loop3A_581 : vector<16xf32>
      %parallel_loop3A_585 = arith.constant 0.918938517 : f32
      %parallel_loop3A_586 = vector.broadcast %parallel_loop3A_585 : f32 to vector<16xf32>
      %parallel_loop3A_587 = arith.addf %parallel_loop3A_584, %parallel_loop3A_586 : vector<16xf32>
      %parallel_loop3A_588 = arith.addf %parallel_loop3A_552, %parallel_loop3A_587 : vector<16xf32>
      %parallel_loop3A_589 = arith.constant 0 : i32
      %parallel_loop3A_590 = arith.index_cast %parallel_loop3A_589 : i32 to index
      %parallel_loop3A_591 = arith.index_cast %parallel_loop3A_517 : i32 to index
      %parallel_loop3A_592 = arith.constant 48 : index
      %parallel_loop3A_593 = tpu.vector_load %arg10[%parallel_loop3A_590, %parallel_loop3A_591, %parallel_loop3A_592] {strides = array<i32>} : memref<3x128x128xf32, #tpu.memory_space<vmem>>, vector<16xf32>,
      tpu.vector_store %arg10[%parallel_loop3A_590, %parallel_loop3A_591, %parallel_loop3A_592], %parallel_loop3A_587 {strides = array<i32>} : memref<3x128x128xf32, #tpu.memory_space<vmem>>, vector<16xf32>,
      %parallel_loop3A_594 = arith.constant 0 : i32
      %parallel_loop3A_595 = arith.index_cast %parallel_loop3A_594 : i32 to index
      %parallel_loop3A_596 = arith.index_cast %parallel_loop3A_517 : i32 to index
      %parallel_loop3A_597 = arith.constant 64 : index
      %parallel_loop3A_598 = tpu.vector_load %arg9[%parallel_loop3A_595, %parallel_loop3A_596, %parallel_loop3A_597] {strides = array<i32>} : memref<3x128x128xf32, #tpu.memory_space<vmem>>, vector<16xf32>,
      %parallel_loop3A_599 = arith.mulf %parallel_loop3A_598, %parallel_loop3A_598 : vector<16xf32>
      %parallel_loop3A_600 = arith.constant 5.000000e-01 : f32
      %parallel_loop3A_601 = vector.broadcast %parallel_loop3A_600 : f32 to vector<16xf32>
      %parallel_loop3A_602 = arith.mulf %parallel_loop3A_601, %parallel_loop3A_599 : vector<16xf32>
      %parallel_loop3A_603 = arith.constant 0.918938517 : f32
      %parallel_loop3A_604 = vector.broadcast %parallel_loop3A_603 : f32 to vector<16xf32>
      %parallel_loop3A_605 = arith.addf %parallel_loop3A_602, %parallel_loop3A_604 : vector<16xf32>
      %parallel_loop3A_606 = arith.addf %parallel_loop3A_570, %parallel_loop3A_605 : vector<16xf32>
      %parallel_loop3A_607 = arith.constant 0 : i32
      %parallel_loop3A_608 = arith.index_cast %parallel_loop3A_607 : i32 to index
      %parallel_loop3A_609 = arith.index_cast %parallel_loop3A_517 : i32 to index
      %parallel_loop3A_610 = arith.constant 64 : index
      %parallel_loop3A_611 = tpu.vector_load %arg10[%parallel_loop3A_608, %parallel_loop3A_609, %parallel_loop3A_610] {strides = array<i32>} : memref<3x128x128xf32, #tpu.memory_space<vmem>>, vector<16xf32>,
      tpu.vector_store %arg10[%parallel_loop3A_608, %parallel_loop3A_609, %parallel_loop3A_610], %parallel_loop3A_605 {strides = array<i32>} : memref<3x128x128xf32, #tpu.memory_space<vmem>>, vector<16xf32>,
      %parallel_loop3A_612 = arith.constant 0 : i32
      %parallel_loop3A_613 = arith.index_cast %parallel_loop3A_612 : i32 to index
      %parallel_loop3A_614 = arith.index_cast %parallel_loop3A_517 : i32 to index
      %parallel_loop3A_615 = arith.constant 80 : index
      %parallel_loop3A_616 = tpu.vector_load %arg9[%parallel_loop3A_613, %parallel_loop3A_614, %parallel_loop3A_615] {strides = array<i32>} : memref<3x128x128xf32, #tpu.memory_space<vmem>>, vector<16xf32>,
      %parallel_loop3A_617 = arith.mulf %parallel_loop3A_616, %parallel_loop3A_616 : vector<16xf32>
      %parallel_loop3A_618 = arith.constant 5.000000e-01 : f32
      %parallel_loop3A_619 = vector.broadcast %parallel_loop3A_618 : f32 to vector<16xf32>
      %parallel_loop3A_620 = arith.mulf %parallel_loop3A_619, %parallel_loop3A_617 : vector<16xf32>
      %parallel_loop3A_621 = arith.constant 0.918938517 : f32
      %parallel_loop3A_622 = vector.broadcast %parallel_loop3A_621 : f32 to vector<16xf32>
      %parallel_loop3A_623 = arith.addf %parallel_loop3A_620, %parallel_loop3A_622 : vector<16xf32>
      %parallel_loop3A_624 = arith.addf %parallel_loop3A_588, %parallel_loop3A_623 : vector<16xf32>
      %parallel_loop3A_625 = arith.constant 0 : i32
      %parallel_loop3A_626 = arith.index_cast %parallel_loop3A_625 : i32 to index
      %parallel_loop3A_627 = arith.index_cast %parallel_loop3A_517 : i32 to index
      %parallel_loop3A_628 = arith.constant 80 : index
      %parallel_loop3A_629 = tpu.vector_load %arg10[%parallel_loop3A_626, %parallel_loop3A_627, %parallel_loop3A_628] {strides = array<i32>} : memref<3x128x128xf32, #tpu.memory_space<vmem>>, vector<16xf32>,
      tpu.vector_store %arg10[%parallel_loop3A_626, %parallel_loop3A_627, %parallel_loop3A_628], %parallel_loop3A_623 {strides = array<i32>} : memref<3x128x128xf32, #tpu.memory_space<vmem>>, vector<16xf32>,
      %parallel_loop3A_630 = arith.constant 0 : i32
      %parallel_loop3A_631 = arith.index_cast %parallel_loop3A_630 : i32 to index
      %parallel_loop3A_632 = arith.index_cast %parallel_loop3A_517 : i32 to index
      %parallel_loop3A_633 = arith.constant 96 : index
      %parallel_loop3A_634 = tpu.vector_load %arg9[%parallel_loop3A_631, %parallel_loop3A_632, %parallel_loop3A_633] {strides = array<i32>} : memref<3x128x128xf32, #tpu.memory_space<vmem>>, vector<16xf32>,
      %parallel_loop3A_635 = arith.mulf %parallel_loop3A_634, %parallel_loop3A_634 : vector<16xf32>
      %parallel_loop3A_636 = arith.constant 5.000000e-01 : f32
      %parallel_loop3A_637 = vector.broadcast %parallel_loop3A_636 : f32 to vector<16xf32>
      %parallel_loop3A_638 = arith.mulf %parallel_loop3A_637, %parallel_loop3A_635 : vector<16xf32>
      %parallel_loop3A_639 = arith.constant 0.918938517 : f32
      %parallel_loop3A_640 = vector.broadcast %parallel_loop3A_639 : f32 to vector<16xf32>
      %parallel_loop3A_641 = arith.addf %parallel_loop3A_638, %parallel_loop3A_640 : vector<16xf32>
      %parallel_loop3A_642 = arith.addf %parallel_loop3A_606, %parallel_loop3A_641 : vector<16xf32>
      %parallel_loop3A_643 = arith.constant 0 : i32
      %parallel_loop3A_644 = arith.index_cast %parallel_loop3A_643 : i32 to index
      %parallel_loop3A_645 = arith.index_cast %parallel_loop3A_517 : i32 to index
      %parallel_loop3A_646 = arith.constant 96 : index
      %parallel_loop3A_647 = tpu.vector_load %arg10[%parallel_loop3A_644, %parallel_loop3A_645, %parallel_loop3A_646] {strides = array<i32>} : memref<3x128x128xf32, #tpu.memory_space<vmem>>, vector<16xf32>,
      tpu.vector_store %arg10[%parallel_loop3A_644, %parallel_loop3A_645, %parallel_loop3A_646], %parallel_loop3A_641 {strides = array<i32>} : memref<3x128x128xf32, #tpu.memory_space<vmem>>, vector<16xf32>,
      %parallel_loop3A_648 = arith.constant 0 : i32
      %parallel_loop3A_649 = arith.index_cast %parallel_loop3A_648 : i32 to index
      %parallel_loop3A_650 = arith.index_cast %parallel_loop3A_517 : i32 to index
      %parallel_loop3A_651 = arith.constant 112 : index
      %parallel_loop3A_652 = tpu.vector_load %arg9[%parallel_loop3A_649, %parallel_loop3A_650, %parallel_loop3A_651] {strides = array<i32>} : memref<3x128x128xf32, #tpu.memory_space<vmem>>, vector<16xf32>,
      %parallel_loop3A_653 = arith.mulf %parallel_loop3A_652, %parallel_loop3A_652 : vector<16xf32>
      %parallel_loop3A_654 = arith.constant 5.000000e-01 : f32
      %parallel_loop3A_655 = vector.broadcast %parallel_loop3A_654 : f32 to vector<16xf32>
      %parallel_loop3A_656 = arith.mulf %parallel_loop3A_655, %parallel_loop3A_653 : vector<16xf32>
      %parallel_loop3A_657 = arith.constant 0.918938517 : f32
      %parallel_loop3A_658 = vector.broadcast %parallel_loop3A_657 : f32 to vector<16xf32>
      %parallel_loop3A_659 = arith.addf %parallel_loop3A_656, %parallel_loop3A_658 : vector<16xf32>
      %parallel_loop3A_660 = arith.addf %parallel_loop3A_624, %parallel_loop3A_659 : vector<16xf32>
      %parallel_loop3A_661 = arith.constant 0 : i32
      %parallel_loop3A_662 = arith.index_cast %parallel_loop3A_661 : i32 to index
      %parallel_loop3A_663 = arith.index_cast %parallel_loop3A_517 : i32 to index
      %parallel_loop3A_664 = arith.constant 112 : index
      %parallel_loop3A_665 = tpu.vector_load %arg10[%parallel_loop3A_662, %parallel_loop3A_663, %parallel_loop3A_664] {strides = array<i32>} : memref<3x128x128xf32, #tpu.memory_space<vmem>>, vector<16xf32>,
      tpu.vector_store %arg10[%parallel_loop3A_662, %parallel_loop3A_663, %parallel_loop3A_664], %parallel_loop3A_659 {strides = array<i32>} : memref<3x128x128xf32, #tpu.memory_space<vmem>>, vector<16xf32>,
      %parallel_loop3A_666 = arith.addf %parallel_loop3A_642, %parallel_loop3A_660 : vector<16xf32>
      %parallel_loop3A_667 = arith.constant 16 : i32
      %parallel_loop3A_668 = arith.muli %parallel_loop3A_517, %parallel_loop3A_667 : i32
      %parallel_loop3A_669 = arith.index_cast %parallel_loop3A_668 : i32 to index
      %parallel_loop3A_670 = tpu.vector_load %arg12[%parallel_loop3A_669] {strides = array<i32>} : memref<2048xf32, #tpu.memory_space<vmem>>, vector<16xf32>,
      tpu.vector_store %arg12[%parallel_loop3A_669], %parallel_loop3A_666 {strides = array<i32>} : memref<2048xf32, #tpu.memory_space<vmem>>, vector<16xf32>,
    } {sc.loop_unroll_factor = 4 : i64, sc.parallel_access}
    %parallel_loop3A_172 = arith.constant 0 : i32
    %parallel_loop3A_173 = arith.constant 8 : i32
    %parallel_loop3A_174 = arith.constant 1 : i32
    scf.for %parallel_loop3A_517 = %parallel_loop3A_172 to %parallel_loop3A_173 step %parallel_loop3A_174  : i32 {
      %parallel_loop3A_518 = arith.constant 256 : i32
      %parallel_loop3A_519 = arith.muli %parallel_loop3A_517, %parallel_loop3A_518 : i32
      %parallel_loop3A_520 = arith.constant 0.000000e+00 : f32
      %parallel_loop3A_521 = vector.broadcast %parallel_loop3A_520 : f32 to vector<16xf32>
      %parallel_loop3A_522 = vector.broadcast %parallel_loop3A_519 : i32 to vector<16xi32>
      %parallel_loop3A_523 = arith.addi %parallel_loop3A_522, %mul3A_5 : vector<16xi32>
      %parallel_loop3A_524 = arith.constant 0 : i32
      %parallel_loop3A_525 = vector.broadcast %parallel_loop3A_524 : i32 to vector<16xi32>
      %parallel_loop3A_526 = arith.addi %parallel_loop3A_523, %parallel_loop3A_525 : vector<16xi32>
      %parallel_loop3A_527 = tpu.vector_load_idx %arg12[%parallel_loop3A_526] : memref<2048xf32, #tpu.memory_space<vmem>>[vector<16xi32>], vector<16xf32>,
      %parallel_loop3A_528 = arith.addf %parallel_loop3A_521, %parallel_loop3A_527 : vector<16xf32>
      %parallel_loop3A_529 = vector.broadcast %parallel_loop3A_519 : i32 to vector<16xi32>
      %parallel_loop3A_530 = arith.addi %parallel_loop3A_529, %mul3A_5 : vector<16xi32>
      %parallel_loop3A_531 = arith.constant 1 : i32
      %parallel_loop3A_532 = vector.broadcast %parallel_loop3A_531 : i32 to vector<16xi32>
      %parallel_loop3A_533 = arith.addi %parallel_loop3A_530, %parallel_loop3A_532 : vector<16xi32>
      %parallel_loop3A_534 = tpu.vector_load_idx %arg12[%parallel_loop3A_533] : memref<2048xf32, #tpu.memory_space<vmem>>[vector<16xi32>], vector<16xf32>,
      %parallel_loop3A_535 = arith.addf %parallel_loop3A_528, %parallel_loop3A_534 : vector<16xf32>
      %parallel_loop3A_536 = vector.broadcast %parallel_loop3A_519 : i32 to vector<16xi32>
      %parallel_loop3A_537 = arith.addi %parallel_loop3A_536, %mul3A_5 : vector<16xi32>
      %parallel_loop3A_538 = arith.constant 2 : i32
      %parallel_loop3A_539 = vector.broadcast %parallel_loop3A_538 : i32 to vector<16xi32>
      %parallel_loop3A_540 = arith.addi %parallel_loop3A_537, %parallel_loop3A_539 : vector<16xi32>
      %parallel_loop3A_541 = tpu.vector_load_idx %arg12[%parallel_loop3A_540] : memref<2048xf32, #tpu.memory_space<vmem>>[vector<16xi32>], vector<16xf32>,
      %parallel_loop3A_542 = arith.addf %parallel_loop3A_535, %parallel_loop3A_541 : vector<16xf32>
      %parallel_loop3A_543 = vector.broadcast %parallel_loop3A_519 : i32 to vector<16xi32>
      %parallel_loop3A_544 = arith.addi %parallel_loop3A_543, %mul3A_5 : vector<16xi32>
      %parallel_loop3A_545 = arith.constant 3 : i32
      %parallel_loop3A_546 = vector.broadcast %parallel_loop3A_545 : i32 to vector<16xi32>
      %parallel_loop3A_547 = arith.addi %parallel_loop3A_544, %parallel_loop3A_546 : vector<16xi32>
      %parallel_loop3A_548 = tpu.vector_load_idx %arg12[%parallel_loop3A_547] : memref<2048xf32, #tpu.memory_space<vmem>>[vector<16xi32>], vector<16xf32>,
      %parallel_loop3A_549 = arith.addf %parallel_loop3A_542, %parallel_loop3A_548 : vector<16xf32>
      %parallel_loop3A_550 = vector.broadcast %parallel_loop3A_519 : i32 to vector<16xi32>
      %parallel_loop3A_551 = arith.addi %parallel_loop3A_550, %mul3A_5 : vector<16xi32>
      %parallel_loop3A_552 = arith.constant 4 : i32
      %parallel_loop3A_553 = vector.broadcast %parallel_loop3A_552 : i32 to vector<16xi32>
      %parallel_loop3A_554 = arith.addi %parallel_loop3A_551, %parallel_loop3A_553 : vector<16xi32>
      %parallel_loop3A_555 = tpu.vector_load_idx %arg12[%parallel_loop3A_554] : memref<2048xf32, #tpu.memory_space<vmem>>[vector<16xi32>], vector<16xf32>,
      %parallel_loop3A_556 = arith.addf %parallel_loop3A_549, %parallel_loop3A_555 : vector<16xf32>
      %parallel_loop3A_557 = vector.broadcast %parallel_loop3A_519 : i32 to vector<16xi32>
      %parallel_loop3A_558 = arith.addi %parallel_loop3A_557, %mul3A_5 : vector<16xi32>
      %parallel_loop3A_559 = arith.constant 5 : i32
      %parallel_loop3A_560 = vector.broadcast %parallel_loop3A_559 : i32 to vector<16xi32>
      %parallel_loop3A_561 = arith.addi %parallel_loop3A_558, %parallel_loop3A_560 : vector<16xi32>
      %parallel_loop3A_562 = tpu.vector_load_idx %arg12[%parallel_loop3A_561] : memref<2048xf32, #tpu.memory_space<vmem>>[vector<16xi32>], vector<16xf32>,
      %parallel_loop3A_563 = arith.addf %parallel_loop3A_556, %parallel_loop3A_562 : vector<16xf32>
      %parallel_loop3A_564 = vector.broadcast %parallel_loop3A_519 : i32 to vector<16xi32>
      %parallel_loop3A_565 = arith.addi %parallel_loop3A_564, %mul3A_5 : vector<16xi32>
      %parallel_loop3A_566 = arith.constant 6 : i32
      %parallel_loop3A_567 = vector.broadcast %parallel_loop3A_566 : i32 to vector<16xi32>
      %parallel_loop3A_568 = arith.addi %parallel_loop3A_565, %parallel_loop3A_567 : vector<16xi32>
      %parallel_loop3A_569 = tpu.vector_load_idx %arg12[%parallel_loop3A_568] : memref<2048xf32, #tpu.memory_space<vmem>>[vector<16xi32>], vector<16xf32>,
      %parallel_loop3A_570 = arith.addf %parallel_loop3A_563, %parallel_loop3A_569 : vector<16xf32>
      %parallel_loop3A_571 = vector.broadcast %parallel_loop3A_519 : i32 to vector<16xi32>
      %parallel_loop3A_572 = arith.addi %parallel_loop3A_571, %mul3A_5 : vector<16xi32>
      %parallel_loop3A_573 = arith.constant 7 : i32
      %parallel_loop3A_574 = vector.broadcast %parallel_loop3A_573 : i32 to vector<16xi32>
      %parallel_loop3A_575 = arith.addi %parallel_loop3A_572, %parallel_loop3A_574 : vector<16xi32>
      %parallel_loop3A_576 = tpu.vector_load_idx %arg12[%parallel_loop3A_575] : memref<2048xf32, #tpu.memory_space<vmem>>[vector<16xi32>], vector<16xf32>,
      %parallel_loop3A_577 = arith.addf %parallel_loop3A_570, %parallel_loop3A_576 : vector<16xf32>
      %parallel_loop3A_578 = vector.broadcast %parallel_loop3A_519 : i32 to vector<16xi32>
      %parallel_loop3A_579 = arith.addi %parallel_loop3A_578, %mul3A_5 : vector<16xi32>
      %parallel_loop3A_580 = arith.constant 8 : i32
      %parallel_loop3A_581 = vector.broadcast %parallel_loop3A_580 : i32 to vector<16xi32>
      %parallel_loop3A_582 = arith.addi %parallel_loop3A_579, %parallel_loop3A_581 : vector<16xi32>
      %parallel_loop3A_583 = tpu.vector_load_idx %arg12[%parallel_loop3A_582] : memref<2048xf32, #tpu.memory_space<vmem>>[vector<16xi32>], vector<16xf32>,
      %parallel_loop3A_584 = arith.addf %parallel_loop3A_577, %parallel_loop3A_583 : vector<16xf32>
      %parallel_loop3A_585 = vector.broadcast %parallel_loop3A_519 : i32 to vector<16xi32>
      %parallel_loop3A_586 = arith.addi %parallel_loop3A_585, %mul3A_5 : vector<16xi32>
      %parallel_loop3A_587 = arith.constant 9 : i32
      %parallel_loop3A_588 = vector.broadcast %parallel_loop3A_587 : i32 to vector<16xi32>
      %parallel_loop3A_589 = arith.addi %parallel_loop3A_586, %parallel_loop3A_588 : vector<16xi32>
      %parallel_loop3A_590 = tpu.vector_load_idx %arg12[%parallel_loop3A_589] : memref<2048xf32, #tpu.memory_space<vmem>>[vector<16xi32>], vector<16xf32>,
      %parallel_loop3A_591 = arith.addf %parallel_loop3A_584, %parallel_loop3A_590 : vector<16xf32>
      %parallel_loop3A_592 = vector.broadcast %parallel_loop3A_519 : i32 to vector<16xi32>
      %parallel_loop3A_593 = arith.addi %parallel_loop3A_592, %mul3A_5 : vector<16xi32>
      %parallel_loop3A_594 = arith.constant 10 : i32
      %parallel_loop3A_595 = vector.broadcast %parallel_loop3A_594 : i32 to vector<16xi32>
      %parallel_loop3A_596 = arith.addi %parallel_loop3A_593, %parallel_loop3A_595 : vector<16xi32>
      %parallel_loop3A_597 = tpu.vector_load_idx %arg12[%parallel_loop3A_596] : memref<2048xf32, #tpu.memory_space<vmem>>[vector<16xi32>], vector<16xf32>,
      %parallel_loop3A_598 = arith.addf %parallel_loop3A_591, %parallel_loop3A_597 : vector<16xf32>
      %parallel_loop3A_599 = vector.broadcast %parallel_loop3A_519 : i32 to vector<16xi32>
      %parallel_loop3A_600 = arith.addi %parallel_loop3A_599, %mul3A_5 : vector<16xi32>
      %parallel_loop3A_601 = arith.constant 11 : i32
      %parallel_loop3A_602 = vector.broadcast %parallel_loop3A_601 : i32 to vector<16xi32>
      %parallel_loop3A_603 = arith.addi %parallel_loop3A_600, %parallel_loop3A_602 : vector<16xi32>
      %parallel_loop3A_604 = tpu.vector_load_idx %arg12[%parallel_loop3A_603] : memref<2048xf32, #tpu.memory_space<vmem>>[vector<16xi32>], vector<16xf32>,
      %parallel_loop3A_605 = arith.addf %parallel_loop3A_598, %parallel_loop3A_604 : vector<16xf32>
      %parallel_loop3A_606 = vector.broadcast %parallel_loop3A_519 : i32 to vector<16xi32>
      %parallel_loop3A_607 = arith.addi %parallel_loop3A_606, %mul3A_5 : vector<16xi32>
      %parallel_loop3A_608 = arith.constant 12 : i32
      %parallel_loop3A_609 = vector.broadcast %parallel_loop3A_608 : i32 to vector<16xi32>
      %parallel_loop3A_610 = arith.addi %parallel_loop3A_607, %parallel_loop3A_609 : vector<16xi32>
      %parallel_loop3A_611 = tpu.vector_load_idx %arg12[%parallel_loop3A_610] : memref<2048xf32, #tpu.memory_space<vmem>>[vector<16xi32>], vector<16xf32>,
      %parallel_loop3A_612 = arith.addf %parallel_loop3A_605, %parallel_loop3A_611 : vector<16xf32>
      %parallel_loop3A_613 = vector.broadcast %parallel_loop3A_519 : i32 to vector<16xi32>
      %parallel_loop3A_614 = arith.addi %parallel_loop3A_613, %mul3A_5 : vector<16xi32>
      %parallel_loop3A_615 = arith.constant 13 : i32
      %parallel_loop3A_616 = vector.broadcast %parallel_loop3A_615 : i32 to vector<16xi32>
      %parallel_loop3A_617 = arith.addi %parallel_loop3A_614, %parallel_loop3A_616 : vector<16xi32>
      %parallel_loop3A_618 = tpu.vector_load_idx %arg12[%parallel_loop3A_617] : memref<2048xf32, #tpu.memory_space<vmem>>[vector<16xi32>], vector<16xf32>,
      %parallel_loop3A_619 = arith.addf %parallel_loop3A_612, %parallel_loop3A_618 : vector<16xf32>
      %parallel_loop3A_620 = vector.broadcast %parallel_loop3A_519 : i32 to vector<16xi32>
      %parallel_loop3A_621 = arith.addi %parallel_loop3A_620, %mul3A_5 : vector<16xi32>
      %parallel_loop3A_622 = arith.constant 14 : i32
      %parallel_loop3A_623 = vector.broadcast %parallel_loop3A_622 : i32 to vector<16xi32>
      %parallel_loop3A_624 = arith.addi %parallel_loop3A_621, %parallel_loop3A_623 : vector<16xi32>
      %parallel_loop3A_625 = tpu.vector_load_idx %arg12[%parallel_loop3A_624] : memref<2048xf32, #tpu.memory_space<vmem>>[vector<16xi32>], vector<16xf32>,
      %parallel_loop3A_626 = arith.addf %parallel_loop3A_619, %parallel_loop3A_625 : vector<16xf32>
      %parallel_loop3A_627 = vector.broadcast %parallel_loop3A_519 : i32 to vector<16xi32>
      %parallel_loop3A_628 = arith.addi %parallel_loop3A_627, %mul3A_5 : vector<16xi32>
      %parallel_loop3A_629 = arith.constant 15 : i32
      %parallel_loop3A_630 = vector.broadcast %parallel_loop3A_629 : i32 to vector<16xi32>
      %parallel_loop3A_631 = arith.addi %parallel_loop3A_628, %parallel_loop3A_630 : vector<16xi32>
      %parallel_loop3A_632 = tpu.vector_load_idx %arg12[%parallel_loop3A_631] : memref<2048xf32, #tpu.memory_space<vmem>>[vector<16xi32>], vector<16xf32>,
      %parallel_loop3A_633 = arith.addf %parallel_loop3A_626, %parallel_loop3A_632 : vector<16xf32>
      %parallel_loop3A_634 = arith.constant 16 : i32
      %parallel_loop3A_635 = arith.muli %parallel_loop3A_517, %parallel_loop3A_634 : i32
      %parallel_loop3A_636 = arith.constant 0 : i32
      %parallel_loop3A_637 = arith.index_cast %parallel_loop3A_636 : i32 to index
      %parallel_loop3A_638 = arith.index_cast %parallel_loop3A_635 : i32 to index
      %parallel_loop3A_639 = tpu.vector_load %arg11[%parallel_loop3A_637, %parallel_loop3A_638] {strides = array<i32>} : memref<3x128xf32, #tpu.memory_space<vmem>>, vector<16xf32>,
      tpu.vector_store %arg11[%parallel_loop3A_637, %parallel_loop3A_638], %parallel_loop3A_633 {strides = array<i32>} : memref<3x128xf32, #tpu.memory_space<vmem>>, vector<16xf32>,
    } {sc.loop_unroll_factor = 2 : i64, sc.parallel_access}
    %add3A_175 = arith.constant 0 : i32
    %add3A_176 = arith.addi %mul3A_2, %add3A_175 : i32
    %dma_start3A_177 = arith.constant 0 : i32
    %dma_start3A_178 = arith.constant 0 : i32
    %dma_start3A_179 = arith.constant 0 : i32
    %dma_start3A_180 = tpu.memref_slice %arg10[%dma_start3A_177, %dma_start3A_178, %dma_start3A_179] : memref<3x128x128xf32, #tpu.memory_space<vmem>> -> memref<1x128x128xf32, #tpu.memory_space<vmem>>
    %dma_start3A_181 = tpu.memref_squeeze %dma_start3A_180 : memref<1x128x128xf32, #tpu.memory_space<vmem>> -> memref<128x128xf32, #tpu.memory_space<vmem>>
    %dma_start3A_182 = arith.constant 0 : i32
    %dma_start3A_183 = tpu.memref_slice %arg6[%add3A_176, %dma_start3A_182] : memref<16384x128xf32, #tpu.memory_space<hbm>> -> memref<128x128xf32, #tpu.memory_space<hbm>>
    %dma_start3A_184 = arith.constant 0 : i32
    %dma_start3A_185 = tpu.memref_slice %arg6[%add3A_176, %dma_start3A_184] : memref<16384x128xf32, #tpu.memory_space<hbm>> -> memref<128x128xf32, #tpu.memory_space<hbm>>
    %dma_start3A_186 = arith.constant 0 : i32
    %dma_start3A_187 = arith.constant 0 : i32
    %dma_start3A_188 = tpu.memref_slice %arg10[%dma_start3A_177, %dma_start3A_186, %dma_start3A_187] : memref<3x128x128xf32, #tpu.memory_space<vmem>> -> memref<1x128x128xf32, #tpu.memory_space<vmem>>
    %dma_start3A_189 = tpu.memref_squeeze %dma_start3A_188 : memref<1x128x128xf32, #tpu.memory_space<vmem>> -> memref<128x128xf32, #tpu.memory_space<vmem>>
    tpu.enqueue_dma source(%dma_start3A_189 : memref<128x128xf32, #tpu.memory_space<vmem>>) target(%dma_start3A_185 : memref<128x128xf32, #tpu.memory_space<hbm>>) target_semaphore(%arg22 : memref<!tpu.dma_semaphore, #tpu.memory_space<semaphore_mem>>)
    %dma_start3A_190 = arith.constant 0 : i32
    %dma_start3A_191 = arith.constant 0 : i32
    %dma_start3A_192 = tpu.memref_slice %arg11[%dma_start3A_190, %dma_start3A_191] : memref<3x128xf32, #tpu.memory_space<vmem>> -> memref<1x128xf32, #tpu.memory_space<vmem>>
    %dma_start3A_193 = tpu.memref_squeeze %dma_start3A_192 : memref<1x128xf32, #tpu.memory_space<vmem>> -> memref<128xf32, #tpu.memory_space<vmem>>
    %dma_start3A_194 = tpu.memref_slice %arg5[%add3A_176] : memref<16384xf32, #tpu.memory_space<hbm>> -> memref<128xf32, #tpu.memory_space<hbm>>
    %dma_start3A_195 = tpu.memref_slice %arg5[%add3A_176] : memref<16384xf32, #tpu.memory_space<hbm>> -> memref<128xf32, #tpu.memory_space<hbm>>
    %dma_start3A_196 = arith.constant 0 : i32
    %dma_start3A_197 = tpu.memref_slice %arg11[%dma_start3A_190, %dma_start3A_196] : memref<3x128xf32, #tpu.memory_space<vmem>> -> memref<1x128xf32, #tpu.memory_space<vmem>>
    %dma_start3A_198 = tpu.memref_squeeze %dma_start3A_197 : memref<1x128xf32, #tpu.memory_space<vmem>> -> memref<128xf32, #tpu.memory_space<vmem>>
    tpu.enqueue_dma source(%dma_start3A_198 : memref<128xf32, #tpu.memory_space<vmem>>) target(%dma_start3A_195 : memref<128xf32, #tpu.memory_space<hbm>>) target_semaphore(%arg22 : memref<!tpu.dma_semaphore, #tpu.memory_space<semaphore_mem>>)
    %add3A_199 = arith.constant 384 : i32
    %add3A_200 = arith.addi %mul3A_2, %add3A_199 : i32
    %dma_start3A_201 = arith.constant 0 : i32
    %dma_start3A_202 = arith.constant 0 : i32
    %dma_start3A_203 = tpu.memref_slice %arg8[%dma_start3A_201, %dma_start3A_202] : memref<3x128xi32, #tpu.memory_space<vmem>> -> memref<1x128xi32, #tpu.memory_space<vmem>>
    %dma_start3A_204 = tpu.memref_squeeze %dma_start3A_203 : memref<1x128xi32, #tpu.memory_space<vmem>> -> memref<128xi32, #tpu.memory_space<vmem>>
    %dma_start3A_205 = tpu.memref_slice %arg3[%add3A_200] : memref<16384xi32, #tpu.memory_space<hbm>> -> memref<128xi32, #tpu.memory_space<hbm>>
    %dma_start3A_206 = arith.constant 0 : i32
    %dma_start3A_207 = tpu.memref_slice %arg8[%dma_start3A_201, %dma_start3A_206] : memref<3x128xi32, #tpu.memory_space<vmem>> -> memref<1x128xi32, #tpu.memory_space<vmem>>
    %dma_start3A_208 = tpu.memref_squeeze %dma_start3A_207 : memref<1x128xi32, #tpu.memory_space<vmem>> -> memref<128xi32, #tpu.memory_space<vmem>>
    %dma_start3A_209 = tpu.memref_slice %arg3[%add3A_200] : memref<16384xi32, #tpu.memory_space<hbm>> -> memref<128xi32, #tpu.memory_space<hbm>>
    tpu.enqueue_dma source(%dma_start3A_209 : memref<128xi32, #tpu.memory_space<hbm>>) target(%dma_start3A_208 : memref<128xi32, #tpu.memory_space<vmem>>) target_semaphore(%arg13 : memref<!tpu.dma_semaphore, #tpu.memory_space<semaphore_mem>>)
    %dma_start3A_210 = arith.constant 0 : i32
    %dma_start3A_211 = arith.constant 0 : i32
    %dma_start3A_212 = arith.constant 0 : i32
    %dma_start3A_213 = tpu.memref_slice %arg9[%dma_start3A_210, %dma_start3A_211, %dma_start3A_212] : memref<3x128x128xf32, #tpu.memory_space<vmem>> -> memref<1x128x128xf32, #tpu.memory_space<vmem>>
    %dma_start3A_214 = tpu.memref_squeeze %dma_start3A_213 : memref<1x128x128xf32, #tpu.memory_space<vmem>> -> memref<128x128xf32, #tpu.memory_space<vmem>>
    %dma_start3A_215 = arith.constant 0 : i32
    %dma_start3A_216 = tpu.memref_slice %arg2[%add3A_200, %dma_start3A_215] : memref<16384x128xf32, #tpu.memory_space<hbm>> -> memref<128x128xf32, #tpu.memory_space<hbm>>
    %dma_start3A_217 = arith.constant 0 : i32
    %dma_start3A_218 = arith.constant 0 : i32
    %dma_start3A_219 = tpu.memref_slice %arg9[%dma_start3A_210, %dma_start3A_217, %dma_start3A_218] : memref<3x128x128xf32, #tpu.memory_space<vmem>> -> memref<1x128x128xf32, #tpu.memory_space<vmem>>
    %dma_start3A_220 = tpu.memref_squeeze %dma_start3A_219 : memref<1x128x128xf32, #tpu.memory_space<vmem>> -> memref<128x128xf32, #tpu.memory_space<vmem>>
    %dma_start3A_221 = arith.constant 0 : i32
    %dma_start3A_222 = tpu.memref_slice %arg2[%add3A_200, %dma_start3A_221] : memref<16384x128xf32, #tpu.memory_space<hbm>> -> memref<128x128xf32, #tpu.memory_space<hbm>>
    tpu.enqueue_dma source(%dma_start3A_222 : memref<128x128xf32, #tpu.memory_space<hbm>>) target(%dma_start3A_220 : memref<128x128xf32, #tpu.memory_space<vmem>>) target_semaphore(%arg16 : memref<!tpu.dma_semaphore, #tpu.memory_space<semaphore_mem>>)
    %add3A_223 = arith.constant 256 : i32
    %add3A_224 = arith.addi %mul3A_2, %add3A_223 : i32
    %dma_wait3A_225 = arith.constant 2 : i32
    %dma_wait3A_226 = arith.constant 0 : i32
    %dma_wait3A_227 = tpu.memref_slice %arg8[%dma_wait3A_225, %dma_wait3A_226] : memref<3x128xi32, #tpu.memory_space<vmem>> -> memref<1x128xi32, #tpu.memory_space<vmem>>
    %dma_wait3A_228 = tpu.memref_squeeze %dma_wait3A_227 : memref<1x128xi32, #tpu.memory_space<vmem>> -> memref<128xi32, #tpu.memory_space<vmem>>
    %dma_wait3A_229 = tpu.memref_slice %arg3[%add3A_224] : memref<16384xi32, #tpu.memory_space<hbm>> -> memref<128xi32, #tpu.memory_space<hbm>>
    %dma_wait3A_230 = arith.constant 0 : i32
    %dma_wait3A_231 = tpu.memref_slice %arg8[%dma_wait3A_225, %dma_wait3A_230] : memref<3x128xi32, #tpu.memory_space<vmem>> -> memref<1x128xi32, #tpu.memory_space<vmem>>
    %dma_wait3A_232 = tpu.memref_squeeze %dma_wait3A_231 : memref<1x128xi32, #tpu.memory_space<vmem>> -> memref<128xi32, #tpu.memory_space<vmem>>
    %dma_wait3A_233 = tpu.memref_slice %arg3[%add3A_224] : memref<16384xi32, #tpu.memory_space<hbm>> -> memref<128xi32, #tpu.memory_space<hbm>>
    tpu.wait_dma2 semaphore(%arg15 : memref<!tpu.dma_semaphore, #tpu.memory_space<semaphore_mem>>) src(%dma_wait3A_233 : memref<128xi32, #tpu.memory_space<hbm>>) dst(%dma_wait3A_232 : memref<128xi32, #tpu.memory_space<vmem>>)
    %dma_wait3A_234 = arith.constant 2 : i32
    %dma_wait3A_235 = arith.constant 0 : i32
    %dma_wait3A_236 = arith.constant 0 : i32
    %dma_wait3A_237 = tpu.memref_slice %arg9[%dma_wait3A_234, %dma_wait3A_235, %dma_wait3A_236] : memref<3x128x128xf32, #tpu.memory_space<vmem>> -> memref<1x128x128xf32, #tpu.memory_space<vmem>>
    %dma_wait3A_238 = tpu.memref_squeeze %dma_wait3A_237 : memref<1x128x128xf32, #tpu.memory_space<vmem>> -> memref<128x128xf32, #tpu.memory_space<vmem>>
    %dma_wait3A_239 = arith.constant 0 : i32
    %dma_wait3A_240 = tpu.memref_slice %arg2[%add3A_224, %dma_wait3A_239] : memref<16384x128xf32, #tpu.memory_space<hbm>> -> memref<128x128xf32, #tpu.memory_space<hbm>>
    %dma_wait3A_241 = arith.constant 0 : i32
    %dma_wait3A_242 = arith.constant 0 : i32
    %dma_wait3A_243 = tpu.memref_slice %arg9[%dma_wait3A_234, %dma_wait3A_241, %dma_wait3A_242] : memref<3x128x128xf32, #tpu.memory_space<vmem>> -> memref<1x128x128xf32, #tpu.memory_space<vmem>>
    %dma_wait3A_244 = tpu.memref_squeeze %dma_wait3A_243 : memref<1x128x128xf32, #tpu.memory_space<vmem>> -> memref<128x128xf32, #tpu.memory_space<vmem>>
    %dma_wait3A_245 = arith.constant 0 : i32
    %dma_wait3A_246 = tpu.memref_slice %arg2[%add3A_224, %dma_wait3A_245] : memref<16384x128xf32, #tpu.memory_space<hbm>> -> memref<128x128xf32, #tpu.memory_space<hbm>>
    tpu.wait_dma2 semaphore(%arg18 : memref<!tpu.dma_semaphore, #tpu.memory_space<semaphore_mem>>) src(%dma_wait3A_246 : memref<128x128xf32, #tpu.memory_space<hbm>>) dst(%dma_wait3A_244 : memref<128x128xf32, #tpu.memory_space<vmem>>)
    %dma_start3A_247 = arith.constant 2 : i32
    %dma_start3A_248 = arith.constant 2 : i32
    %dma_start3A_249 = arith.constant 0 : i32
    %dma_start3A_250 = arith.constant 0 : i32
    %dma_start3A_251 = tpu.memref_slice %arg9[%dma_start3A_248, %dma_start3A_249, %dma_start3A_250] : memref<3x128x128xf32, #tpu.memory_space<vmem>> -> memref<1x128x128xf32, #tpu.memory_space<vmem>>
    %dma_start3A_252 = tpu.memref_squeeze %dma_start3A_251 : memref<1x128x128xf32, #tpu.memory_space<vmem>> -> memref<128x128xf32, #tpu.memory_space<vmem>>
    %dma_start3A_253 = arith.constant 0 : i32
    %dma_start3A_254 = tpu.memref_slice %arg8[%dma_start3A_247, %dma_start3A_253] : memref<3x128xi32, #tpu.memory_space<vmem>> -> memref<1x128xi32, #tpu.memory_space<vmem>>
    %dma_start3A_255 = tpu.memref_squeeze %dma_start3A_254 : memref<1x128xi32, #tpu.memory_space<vmem>> -> memref<128xi32, #tpu.memory_space<vmem>>
    %dma_start3A_256 = arith.constant 0 : i32
    %dma_start3A_257 = arith.constant 0 : i32
    %dma_start3A_258 = tpu.memref_slice %arg7[%dma_start3A_256, %dma_start3A_257] : memref<1024x128xf32, #tpu.memory_space<vmem_shared>> -> memref<1024x128xf32, #tpu.memory_space<vmem_shared>>
    tpu.enqueue_indirect_dma source(%dma_start3A_258 : memref<1024x128xf32, #tpu.memory_space<vmem_shared>>) target(%dma_start3A_252 : memref<128x128xf32, #tpu.memory_space<vmem>>) offsets(%dma_start3A_255 : memref<128xi32, #tpu.memory_space<vmem>>) semaphore(%arg21 : memref<!tpu.dma_semaphore, #tpu.memory_space<semaphore_mem>>) {add = true}
    %dma_wait3A_259 = arith.constant 1 : i32
    %dma_wait3A_260 = arith.constant 1 : i32
    %dma_wait3A_261 = arith.constant 0 : i32
    %dma_wait3A_262 = arith.constant 0 : i32
    %dma_wait3A_263 = tpu.memref_slice %arg9[%dma_wait3A_260, %dma_wait3A_261, %dma_wait3A_262] : memref<3x128x128xf32, #tpu.memory_space<vmem>> -> memref<1x128x128xf32, #tpu.memory_space<vmem>>
    %dma_wait3A_264 = tpu.memref_squeeze %dma_wait3A_263 : memref<1x128x128xf32, #tpu.memory_space<vmem>> -> memref<128x128xf32, #tpu.memory_space<vmem>>
    %dma_wait3A_265 = arith.constant 0 : i32
    %dma_wait3A_266 = tpu.memref_slice %arg8[%dma_wait3A_259, %dma_wait3A_265] : memref<3x128xi32, #tpu.memory_space<vmem>> -> memref<1x128xi32, #tpu.memory_space<vmem>>
    %dma_wait3A_267 = tpu.memref_squeeze %dma_wait3A_266 : memref<1x128xi32, #tpu.memory_space<vmem>> -> memref<128xi32, #tpu.memory_space<vmem>>
    %dma_wait3A_268 = arith.constant 0 : i32
    %dma_wait3A_269 = arith.constant 0 : i32
    %dma_wait3A_270 = tpu.memref_slice %arg7[%dma_wait3A_268, %dma_wait3A_269] : memref<1024x128xf32, #tpu.memory_space<vmem_shared>> -> memref<1024x128xf32, #tpu.memory_space<vmem_shared>>
    tpu.wait_indirect_dma semaphore(%arg20 : memref<!tpu.dma_semaphore, #tpu.memory_space<semaphore_mem>>) src(%dma_wait3A_270 : memref<1024x128xf32, #tpu.memory_space<vmem_shared>>) dst(%dma_wait3A_264 : memref<128x128xf32, #tpu.memory_space<vmem>>)
    %parallel_loop3A_271 = arith.constant 0 : i32
    %parallel_loop3A_272 = arith.constant 128 : i32
    %parallel_loop3A_273 = arith.constant 1 : i32
    scf.for %parallel_loop3A_517 = %parallel_loop3A_271 to %parallel_loop3A_272 step %parallel_loop3A_273  : i32 {
      %parallel_loop3A_518 = arith.constant 0.000000e+00 : f32
      %parallel_loop3A_519 = vector.broadcast %parallel_loop3A_518 : f32 to vector<16xf32>
      %parallel_loop3A_520 = arith.constant 0.000000e+00 : f32
      %parallel_loop3A_521 = vector.broadcast %parallel_loop3A_520 : f32 to vector<16xf32>
      %parallel_loop3A_522 = arith.constant 1 : i32
      %parallel_loop3A_523 = arith.index_cast %parallel_loop3A_522 : i32 to index
      %parallel_loop3A_524 = arith.index_cast %parallel_loop3A_517 : i32 to index
      %parallel_loop3A_525 = arith.constant 0 : index
      %parallel_loop3A_526 = tpu.vector_load %arg9[%parallel_loop3A_523, %parallel_loop3A_524, %parallel_loop3A_525] {strides = array<i32>} : memref<3x128x128xf32, #tpu.memory_space<vmem>>, vector<16xf32>,
      %parallel_loop3A_527 = arith.mulf %parallel_loop3A_526, %parallel_loop3A_526 : vector<16xf32>
      %parallel_loop3A_528 = arith.constant 5.000000e-01 : f32
      %parallel_loop3A_529 = vector.broadcast %parallel_loop3A_528 : f32 to vector<16xf32>
      %parallel_loop3A_530 = arith.mulf %parallel_loop3A_529, %parallel_loop3A_527 : vector<16xf32>
      %parallel_loop3A_531 = arith.constant 0.918938517 : f32
      %parallel_loop3A_532 = vector.broadcast %parallel_loop3A_531 : f32 to vector<16xf32>
      %parallel_loop3A_533 = arith.addf %parallel_loop3A_530, %parallel_loop3A_532 : vector<16xf32>
      %parallel_loop3A_534 = arith.addf %parallel_loop3A_519, %parallel_loop3A_533 : vector<16xf32>
      %parallel_loop3A_535 = arith.constant 1 : i32
      %parallel_loop3A_536 = arith.index_cast %parallel_loop3A_535 : i32 to index
      %parallel_loop3A_537 = arith.index_cast %parallel_loop3A_517 : i32 to index
      %parallel_loop3A_538 = arith.constant 0 : index
      %parallel_loop3A_539 = tpu.vector_load %arg10[%parallel_loop3A_536, %parallel_loop3A_537, %parallel_loop3A_538] {strides = array<i32>} : memref<3x128x128xf32, #tpu.memory_space<vmem>>, vector<16xf32>,
      tpu.vector_store %arg10[%parallel_loop3A_536, %parallel_loop3A_537, %parallel_loop3A_538], %parallel_loop3A_533 {strides = array<i32>} : memref<3x128x128xf32, #tpu.memory_space<vmem>>, vector<16xf32>,
      %parallel_loop3A_540 = arith.constant 1 : i32
      %parallel_loop3A_541 = arith.index_cast %parallel_loop3A_540 : i32 to index
      %parallel_loop3A_542 = arith.index_cast %parallel_loop3A_517 : i32 to index
      %parallel_loop3A_543 = arith.constant 16 : index
      %parallel_loop3A_544 = tpu.vector_load %arg9[%parallel_loop3A_541, %parallel_loop3A_542, %parallel_loop3A_543] {strides = array<i32>} : memref<3x128x128xf32, #tpu.memory_space<vmem>>, vector<16xf32>,
      %parallel_loop3A_545 = arith.mulf %parallel_loop3A_544, %parallel_loop3A_544 : vector<16xf32>
      %parallel_loop3A_546 = arith.constant 5.000000e-01 : f32
      %parallel_loop3A_547 = vector.broadcast %parallel_loop3A_546 : f32 to vector<16xf32>
      %parallel_loop3A_548 = arith.mulf %parallel_loop3A_547, %parallel_loop3A_545 : vector<16xf32>
      %parallel_loop3A_549 = arith.constant 0.918938517 : f32
      %parallel_loop3A_550 = vector.broadcast %parallel_loop3A_549 : f32 to vector<16xf32>
      %parallel_loop3A_551 = arith.addf %parallel_loop3A_548, %parallel_loop3A_550 : vector<16xf32>
      %parallel_loop3A_552 = arith.addf %parallel_loop3A_521, %parallel_loop3A_551 : vector<16xf32>
      %parallel_loop3A_553 = arith.constant 1 : i32
      %parallel_loop3A_554 = arith.index_cast %parallel_loop3A_553 : i32 to index
      %parallel_loop3A_555 = arith.index_cast %parallel_loop3A_517 : i32 to index
      %parallel_loop3A_556 = arith.constant 16 : index
      %parallel_loop3A_557 = tpu.vector_load %arg10[%parallel_loop3A_554, %parallel_loop3A_555, %parallel_loop3A_556] {strides = array<i32>} : memref<3x128x128xf32, #tpu.memory_space<vmem>>, vector<16xf32>,
      tpu.vector_store %arg10[%parallel_loop3A_554, %parallel_loop3A_555, %parallel_loop3A_556], %parallel_loop3A_551 {strides = array<i32>} : memref<3x128x128xf32, #tpu.memory_space<vmem>>, vector<16xf32>,
      %parallel_loop3A_558 = arith.constant 1 : i32
      %parallel_loop3A_559 = arith.index_cast %parallel_loop3A_558 : i32 to index
      %parallel_loop3A_560 = arith.index_cast %parallel_loop3A_517 : i32 to index
      %parallel_loop3A_561 = arith.constant 32 : index
      %parallel_loop3A_562 = tpu.vector_load %arg9[%parallel_loop3A_559, %parallel_loop3A_560, %parallel_loop3A_561] {strides = array<i32>} : memref<3x128x128xf32, #tpu.memory_space<vmem>>, vector<16xf32>,
      %parallel_loop3A_563 = arith.mulf %parallel_loop3A_562, %parallel_loop3A_562 : vector<16xf32>
      %parallel_loop3A_564 = arith.constant 5.000000e-01 : f32
      %parallel_loop3A_565 = vector.broadcast %parallel_loop3A_564 : f32 to vector<16xf32>
      %parallel_loop3A_566 = arith.mulf %parallel_loop3A_565, %parallel_loop3A_563 : vector<16xf32>
      %parallel_loop3A_567 = arith.constant 0.918938517 : f32
      %parallel_loop3A_568 = vector.broadcast %parallel_loop3A_567 : f32 to vector<16xf32>
      %parallel_loop3A_569 = arith.addf %parallel_loop3A_566, %parallel_loop3A_568 : vector<16xf32>
      %parallel_loop3A_570 = arith.addf %parallel_loop3A_534, %parallel_loop3A_569 : vector<16xf32>
      %parallel_loop3A_571 = arith.constant 1 : i32
      %parallel_loop3A_572 = arith.index_cast %parallel_loop3A_571 : i32 to index
      %parallel_loop3A_573 = arith.index_cast %parallel_loop3A_517 : i32 to index
      %parallel_loop3A_574 = arith.constant 32 : index
      %parallel_loop3A_575 = tpu.vector_load %arg10[%parallel_loop3A_572, %parallel_loop3A_573, %parallel_loop3A_574] {strides = array<i32>} : memref<3x128x128xf32, #tpu.memory_space<vmem>>, vector<16xf32>,
      tpu.vector_store %arg10[%parallel_loop3A_572, %parallel_loop3A_573, %parallel_loop3A_574], %parallel_loop3A_569 {strides = array<i32>} : memref<3x128x128xf32, #tpu.memory_space<vmem>>, vector<16xf32>,
      %parallel_loop3A_576 = arith.constant 1 : i32
      %parallel_loop3A_577 = arith.index_cast %parallel_loop3A_576 : i32 to index
      %parallel_loop3A_578 = arith.index_cast %parallel_loop3A_517 : i32 to index
      %parallel_loop3A_579 = arith.constant 48 : index
      %parallel_loop3A_580 = tpu.vector_load %arg9[%parallel_loop3A_577, %parallel_loop3A_578, %parallel_loop3A_579] {strides = array<i32>} : memref<3x128x128xf32, #tpu.memory_space<vmem>>, vector<16xf32>,
      %parallel_loop3A_581 = arith.mulf %parallel_loop3A_580, %parallel_loop3A_580 : vector<16xf32>
      %parallel_loop3A_582 = arith.constant 5.000000e-01 : f32
      %parallel_loop3A_583 = vector.broadcast %parallel_loop3A_582 : f32 to vector<16xf32>
      %parallel_loop3A_584 = arith.mulf %parallel_loop3A_583, %parallel_loop3A_581 : vector<16xf32>
      %parallel_loop3A_585 = arith.constant 0.918938517 : f32
      %parallel_loop3A_586 = vector.broadcast %parallel_loop3A_585 : f32 to vector<16xf32>
      %parallel_loop3A_587 = arith.addf %parallel_loop3A_584, %parallel_loop3A_586 : vector<16xf32>
      %parallel_loop3A_588 = arith.addf %parallel_loop3A_552, %parallel_loop3A_587 : vector<16xf32>
      %parallel_loop3A_589 = arith.constant 1 : i32
      %parallel_loop3A_590 = arith.index_cast %parallel_loop3A_589 : i32 to index
      %parallel_loop3A_591 = arith.index_cast %parallel_loop3A_517 : i32 to index
      %parallel_loop3A_592 = arith.constant 48 : index
      %parallel_loop3A_593 = tpu.vector_load %arg10[%parallel_loop3A_590, %parallel_loop3A_591, %parallel_loop3A_592] {strides = array<i32>} : memref<3x128x128xf32, #tpu.memory_space<vmem>>, vector<16xf32>,
      tpu.vector_store %arg10[%parallel_loop3A_590, %parallel_loop3A_591, %parallel_loop3A_592], %parallel_loop3A_587 {strides = array<i32>} : memref<3x128x128xf32, #tpu.memory_space<vmem>>, vector<16xf32>,
      %parallel_loop3A_594 = arith.constant 1 : i32
      %parallel_loop3A_595 = arith.index_cast %parallel_loop3A_594 : i32 to index
      %parallel_loop3A_596 = arith.index_cast %parallel_loop3A_517 : i32 to index
      %parallel_loop3A_597 = arith.constant 64 : index
      %parallel_loop3A_598 = tpu.vector_load %arg9[%parallel_loop3A_595, %parallel_loop3A_596, %parallel_loop3A_597] {strides = array<i32>} : memref<3x128x128xf32, #tpu.memory_space<vmem>>, vector<16xf32>,
      %parallel_loop3A_599 = arith.mulf %parallel_loop3A_598, %parallel_loop3A_598 : vector<16xf32>
      %parallel_loop3A_600 = arith.constant 5.000000e-01 : f32
      %parallel_loop3A_601 = vector.broadcast %parallel_loop3A_600 : f32 to vector<16xf32>
      %parallel_loop3A_602 = arith.mulf %parallel_loop3A_601, %parallel_loop3A_599 : vector<16xf32>
      %parallel_loop3A_603 = arith.constant 0.918938517 : f32
      %parallel_loop3A_604 = vector.broadcast %parallel_loop3A_603 : f32 to vector<16xf32>
      %parallel_loop3A_605 = arith.addf %parallel_loop3A_602, %parallel_loop3A_604 : vector<16xf32>
      %parallel_loop3A_606 = arith.addf %parallel_loop3A_570, %parallel_loop3A_605 : vector<16xf32>
      %parallel_loop3A_607 = arith.constant 1 : i32
      %parallel_loop3A_608 = arith.index_cast %parallel_loop3A_607 : i32 to index
      %parallel_loop3A_609 = arith.index_cast %parallel_loop3A_517 : i32 to index
      %parallel_loop3A_610 = arith.constant 64 : index
      %parallel_loop3A_611 = tpu.vector_load %arg10[%parallel_loop3A_608, %parallel_loop3A_609, %parallel_loop3A_610] {strides = array<i32>} : memref<3x128x128xf32, #tpu.memory_space<vmem>>, vector<16xf32>,
      tpu.vector_store %arg10[%parallel_loop3A_608, %parallel_loop3A_609, %parallel_loop3A_610], %parallel_loop3A_605 {strides = array<i32>} : memref<3x128x128xf32, #tpu.memory_space<vmem>>, vector<16xf32>,
      %parallel_loop3A_612 = arith.constant 1 : i32
      %parallel_loop3A_613 = arith.index_cast %parallel_loop3A_612 : i32 to index
      %parallel_loop3A_614 = arith.index_cast %parallel_loop3A_517 : i32 to index
      %parallel_loop3A_615 = arith.constant 80 : index
      %parallel_loop3A_616 = tpu.vector_load %arg9[%parallel_loop3A_613, %parallel_loop3A_614, %parallel_loop3A_615] {strides = array<i32>} : memref<3x128x128xf32, #tpu.memory_space<vmem>>, vector<16xf32>,
      %parallel_loop3A_617 = arith.mulf %parallel_loop3A_616, %parallel_loop3A_616 : vector<16xf32>
      %parallel_loop3A_618 = arith.constant 5.000000e-01 : f32
      %parallel_loop3A_619 = vector.broadcast %parallel_loop3A_618 : f32 to vector<16xf32>
      %parallel_loop3A_620 = arith.mulf %parallel_loop3A_619, %parallel_loop3A_617 : vector<16xf32>
      %parallel_loop3A_621 = arith.constant 0.918938517 : f32
      %parallel_loop3A_622 = vector.broadcast %parallel_loop3A_621 : f32 to vector<16xf32>
      %parallel_loop3A_623 = arith.addf %parallel_loop3A_620, %parallel_loop3A_622 : vector<16xf32>
      %parallel_loop3A_624 = arith.addf %parallel_loop3A_588, %parallel_loop3A_623 : vector<16xf32>
      %parallel_loop3A_625 = arith.constant 1 : i32
      %parallel_loop3A_626 = arith.index_cast %parallel_loop3A_625 : i32 to index
      %parallel_loop3A_627 = arith.index_cast %parallel_loop3A_517 : i32 to index
      %parallel_loop3A_628 = arith.constant 80 : index
      %parallel_loop3A_629 = tpu.vector_load %arg10[%parallel_loop3A_626, %parallel_loop3A_627, %parallel_loop3A_628] {strides = array<i32>} : memref<3x128x128xf32, #tpu.memory_space<vmem>>, vector<16xf32>,
      tpu.vector_store %arg10[%parallel_loop3A_626, %parallel_loop3A_627, %parallel_loop3A_628], %parallel_loop3A_623 {strides = array<i32>} : memref<3x128x128xf32, #tpu.memory_space<vmem>>, vector<16xf32>,
      %parallel_loop3A_630 = arith.constant 1 : i32
      %parallel_loop3A_631 = arith.index_cast %parallel_loop3A_630 : i32 to index
      %parallel_loop3A_632 = arith.index_cast %parallel_loop3A_517 : i32 to index
      %parallel_loop3A_633 = arith.constant 96 : index
      %parallel_loop3A_634 = tpu.vector_load %arg9[%parallel_loop3A_631, %parallel_loop3A_632, %parallel_loop3A_633] {strides = array<i32>} : memref<3x128x128xf32, #tpu.memory_space<vmem>>, vector<16xf32>,
      %parallel_loop3A_635 = arith.mulf %parallel_loop3A_634, %parallel_loop3A_634 : vector<16xf32>
      %parallel_loop3A_636 = arith.constant 5.000000e-01 : f32
      %parallel_loop3A_637 = vector.broadcast %parallel_loop3A_636 : f32 to vector<16xf32>
      %parallel_loop3A_638 = arith.mulf %parallel_loop3A_637, %parallel_loop3A_635 : vector<16xf32>
      %parallel_loop3A_639 = arith.constant 0.918938517 : f32
      %parallel_loop3A_640 = vector.broadcast %parallel_loop3A_639 : f32 to vector<16xf32>
      %parallel_loop3A_641 = arith.addf %parallel_loop3A_638, %parallel_loop3A_640 : vector<16xf32>
      %parallel_loop3A_642 = arith.addf %parallel_loop3A_606, %parallel_loop3A_641 : vector<16xf32>
      %parallel_loop3A_643 = arith.constant 1 : i32
      %parallel_loop3A_644 = arith.index_cast %parallel_loop3A_643 : i32 to index
      %parallel_loop3A_645 = arith.index_cast %parallel_loop3A_517 : i32 to index
      %parallel_loop3A_646 = arith.constant 96 : index
      %parallel_loop3A_647 = tpu.vector_load %arg10[%parallel_loop3A_644, %parallel_loop3A_645, %parallel_loop3A_646] {strides = array<i32>} : memref<3x128x128xf32, #tpu.memory_space<vmem>>, vector<16xf32>,
      tpu.vector_store %arg10[%parallel_loop3A_644, %parallel_loop3A_645, %parallel_loop3A_646], %parallel_loop3A_641 {strides = array<i32>} : memref<3x128x128xf32, #tpu.memory_space<vmem>>, vector<16xf32>,
      %parallel_loop3A_648 = arith.constant 1 : i32
      %parallel_loop3A_649 = arith.index_cast %parallel_loop3A_648 : i32 to index
      %parallel_loop3A_650 = arith.index_cast %parallel_loop3A_517 : i32 to index
      %parallel_loop3A_651 = arith.constant 112 : index
      %parallel_loop3A_652 = tpu.vector_load %arg9[%parallel_loop3A_649, %parallel_loop3A_650, %parallel_loop3A_651] {strides = array<i32>} : memref<3x128x128xf32, #tpu.memory_space<vmem>>, vector<16xf32>,
      %parallel_loop3A_653 = arith.mulf %parallel_loop3A_652, %parallel_loop3A_652 : vector<16xf32>
      %parallel_loop3A_654 = arith.constant 5.000000e-01 : f32
      %parallel_loop3A_655 = vector.broadcast %parallel_loop3A_654 : f32 to vector<16xf32>
      %parallel_loop3A_656 = arith.mulf %parallel_loop3A_655, %parallel_loop3A_653 : vector<16xf32>
      %parallel_loop3A_657 = arith.constant 0.918938517 : f32
      %parallel_loop3A_658 = vector.broadcast %parallel_loop3A_657 : f32 to vector<16xf32>
      %parallel_loop3A_659 = arith.addf %parallel_loop3A_656, %parallel_loop3A_658 : vector<16xf32>
      %parallel_loop3A_660 = arith.addf %parallel_loop3A_624, %parallel_loop3A_659 : vector<16xf32>
      %parallel_loop3A_661 = arith.constant 1 : i32
      %parallel_loop3A_662 = arith.index_cast %parallel_loop3A_661 : i32 to index
      %parallel_loop3A_663 = arith.index_cast %parallel_loop3A_517 : i32 to index
      %parallel_loop3A_664 = arith.constant 112 : index
      %parallel_loop3A_665 = tpu.vector_load %arg10[%parallel_loop3A_662, %parallel_loop3A_663, %parallel_loop3A_664] {strides = array<i32>} : memref<3x128x128xf32, #tpu.memory_space<vmem>>, vector<16xf32>,
      tpu.vector_store %arg10[%parallel_loop3A_662, %parallel_loop3A_663, %parallel_loop3A_664], %parallel_loop3A_659 {strides = array<i32>} : memref<3x128x128xf32, #tpu.memory_space<vmem>>, vector<16xf32>,
      %parallel_loop3A_666 = arith.addf %parallel_loop3A_642, %parallel_loop3A_660 : vector<16xf32>
      %parallel_loop3A_667 = arith.constant 16 : i32
      %parallel_loop3A_668 = arith.muli %parallel_loop3A_517, %parallel_loop3A_667 : i32
      %parallel_loop3A_669 = arith.index_cast %parallel_loop3A_668 : i32 to index
      %parallel_loop3A_670 = tpu.vector_load %arg12[%parallel_loop3A_669] {strides = array<i32>} : memref<2048xf32, #tpu.memory_space<vmem>>, vector<16xf32>,
      tpu.vector_store %arg12[%parallel_loop3A_669], %parallel_loop3A_666 {strides = array<i32>} : memref<2048xf32, #tpu.memory_space<vmem>>, vector<16xf32>,
    } {sc.loop_unroll_factor = 4 : i64, sc.parallel_access}
    %parallel_loop3A_274 = arith.constant 0 : i32
    %parallel_loop3A_275 = arith.constant 8 : i32
    %parallel_loop3A_276 = arith.constant 1 : i32
    scf.for %parallel_loop3A_517 = %parallel_loop3A_274 to %parallel_loop3A_275 step %parallel_loop3A_276  : i32 {
      %parallel_loop3A_518 = arith.constant 256 : i32
      %parallel_loop3A_519 = arith.muli %parallel_loop3A_517, %parallel_loop3A_518 : i32
      %parallel_loop3A_520 = arith.constant 0.000000e+00 : f32
      %parallel_loop3A_521 = vector.broadcast %parallel_loop3A_520 : f32 to vector<16xf32>
      %parallel_loop3A_522 = vector.broadcast %parallel_loop3A_519 : i32 to vector<16xi32>
      %parallel_loop3A_523 = arith.addi %parallel_loop3A_522, %mul3A_5 : vector<16xi32>
      %parallel_loop3A_524 = arith.constant 0 : i32
      %parallel_loop3A_525 = vector.broadcast %parallel_loop3A_524 : i32 to vector<16xi32>
      %parallel_loop3A_526 = arith.addi %parallel_loop3A_523, %parallel_loop3A_525 : vector<16xi32>
      %parallel_loop3A_527 = tpu.vector_load_idx %arg12[%parallel_loop3A_526] : memref<2048xf32, #tpu.memory_space<vmem>>[vector<16xi32>], vector<16xf32>,
      %parallel_loop3A_528 = arith.addf %parallel_loop3A_521, %parallel_loop3A_527 : vector<16xf32>
      %parallel_loop3A_529 = vector.broadcast %parallel_loop3A_519 : i32 to vector<16xi32>
      %parallel_loop3A_530 = arith.addi %parallel_loop3A_529, %mul3A_5 : vector<16xi32>
      %parallel_loop3A_531 = arith.constant 1 : i32
      %parallel_loop3A_532 = vector.broadcast %parallel_loop3A_531 : i32 to vector<16xi32>
      %parallel_loop3A_533 = arith.addi %parallel_loop3A_530, %parallel_loop3A_532 : vector<16xi32>
      %parallel_loop3A_534 = tpu.vector_load_idx %arg12[%parallel_loop3A_533] : memref<2048xf32, #tpu.memory_space<vmem>>[vector<16xi32>], vector<16xf32>,
      %parallel_loop3A_535 = arith.addf %parallel_loop3A_528, %parallel_loop3A_534 : vector<16xf32>
      %parallel_loop3A_536 = vector.broadcast %parallel_loop3A_519 : i32 to vector<16xi32>
      %parallel_loop3A_537 = arith.addi %parallel_loop3A_536, %mul3A_5 : vector<16xi32>
      %parallel_loop3A_538 = arith.constant 2 : i32
      %parallel_loop3A_539 = vector.broadcast %parallel_loop3A_538 : i32 to vector<16xi32>
      %parallel_loop3A_540 = arith.addi %parallel_loop3A_537, %parallel_loop3A_539 : vector<16xi32>
      %parallel_loop3A_541 = tpu.vector_load_idx %arg12[%parallel_loop3A_540] : memref<2048xf32, #tpu.memory_space<vmem>>[vector<16xi32>], vector<16xf32>,
      %parallel_loop3A_542 = arith.addf %parallel_loop3A_535, %parallel_loop3A_541 : vector<16xf32>
      %parallel_loop3A_543 = vector.broadcast %parallel_loop3A_519 : i32 to vector<16xi32>
      %parallel_loop3A_544 = arith.addi %parallel_loop3A_543, %mul3A_5 : vector<16xi32>
      %parallel_loop3A_545 = arith.constant 3 : i32
      %parallel_loop3A_546 = vector.broadcast %parallel_loop3A_545 : i32 to vector<16xi32>
      %parallel_loop3A_547 = arith.addi %parallel_loop3A_544, %parallel_loop3A_546 : vector<16xi32>
      %parallel_loop3A_548 = tpu.vector_load_idx %arg12[%parallel_loop3A_547] : memref<2048xf32, #tpu.memory_space<vmem>>[vector<16xi32>], vector<16xf32>,
      %parallel_loop3A_549 = arith.addf %parallel_loop3A_542, %parallel_loop3A_548 : vector<16xf32>
      %parallel_loop3A_550 = vector.broadcast %parallel_loop3A_519 : i32 to vector<16xi32>
      %parallel_loop3A_551 = arith.addi %parallel_loop3A_550, %mul3A_5 : vector<16xi32>
      %parallel_loop3A_552 = arith.constant 4 : i32
      %parallel_loop3A_553 = vector.broadcast %parallel_loop3A_552 : i32 to vector<16xi32>
      %parallel_loop3A_554 = arith.addi %parallel_loop3A_551, %parallel_loop3A_553 : vector<16xi32>
      %parallel_loop3A_555 = tpu.vector_load_idx %arg12[%parallel_loop3A_554] : memref<2048xf32, #tpu.memory_space<vmem>>[vector<16xi32>], vector<16xf32>,
      %parallel_loop3A_556 = arith.addf %parallel_loop3A_549, %parallel_loop3A_555 : vector<16xf32>
      %parallel_loop3A_557 = vector.broadcast %parallel_loop3A_519 : i32 to vector<16xi32>
      %parallel_loop3A_558 = arith.addi %parallel_loop3A_557, %mul3A_5 : vector<16xi32>
      %parallel_loop3A_559 = arith.constant 5 : i32
      %parallel_loop3A_560 = vector.broadcast %parallel_loop3A_559 : i32 to vector<16xi32>
      %parallel_loop3A_561 = arith.addi %parallel_loop3A_558, %parallel_loop3A_560 : vector<16xi32>
      %parallel_loop3A_562 = tpu.vector_load_idx %arg12[%parallel_loop3A_561] : memref<2048xf32, #tpu.memory_space<vmem>>[vector<16xi32>], vector<16xf32>,
      %parallel_loop3A_563 = arith.addf %parallel_loop3A_556, %parallel_loop3A_562 : vector<16xf32>
      %parallel_loop3A_564 = vector.broadcast %parallel_loop3A_519 : i32 to vector<16xi32>
      %parallel_loop3A_565 = arith.addi %parallel_loop3A_564, %mul3A_5 : vector<16xi32>
      %parallel_loop3A_566 = arith.constant 6 : i32
      %parallel_loop3A_567 = vector.broadcast %parallel_loop3A_566 : i32 to vector<16xi32>
      %parallel_loop3A_568 = arith.addi %parallel_loop3A_565, %parallel_loop3A_567 : vector<16xi32>
      %parallel_loop3A_569 = tpu.vector_load_idx %arg12[%parallel_loop3A_568] : memref<2048xf32, #tpu.memory_space<vmem>>[vector<16xi32>], vector<16xf32>,
      %parallel_loop3A_570 = arith.addf %parallel_loop3A_563, %parallel_loop3A_569 : vector<16xf32>
      %parallel_loop3A_571 = vector.broadcast %parallel_loop3A_519 : i32 to vector<16xi32>
      %parallel_loop3A_572 = arith.addi %parallel_loop3A_571, %mul3A_5 : vector<16xi32>
      %parallel_loop3A_573 = arith.constant 7 : i32
      %parallel_loop3A_574 = vector.broadcast %parallel_loop3A_573 : i32 to vector<16xi32>
      %parallel_loop3A_575 = arith.addi %parallel_loop3A_572, %parallel_loop3A_574 : vector<16xi32>
      %parallel_loop3A_576 = tpu.vector_load_idx %arg12[%parallel_loop3A_575] : memref<2048xf32, #tpu.memory_space<vmem>>[vector<16xi32>], vector<16xf32>,
      %parallel_loop3A_577 = arith.addf %parallel_loop3A_570, %parallel_loop3A_576 : vector<16xf32>
      %parallel_loop3A_578 = vector.broadcast %parallel_loop3A_519 : i32 to vector<16xi32>
      %parallel_loop3A_579 = arith.addi %parallel_loop3A_578, %mul3A_5 : vector<16xi32>
      %parallel_loop3A_580 = arith.constant 8 : i32
      %parallel_loop3A_581 = vector.broadcast %parallel_loop3A_580 : i32 to vector<16xi32>
      %parallel_loop3A_582 = arith.addi %parallel_loop3A_579, %parallel_loop3A_581 : vector<16xi32>
      %parallel_loop3A_583 = tpu.vector_load_idx %arg12[%parallel_loop3A_582] : memref<2048xf32, #tpu.memory_space<vmem>>[vector<16xi32>], vector<16xf32>,
      %parallel_loop3A_584 = arith.addf %parallel_loop3A_577, %parallel_loop3A_583 : vector<16xf32>
      %parallel_loop3A_585 = vector.broadcast %parallel_loop3A_519 : i32 to vector<16xi32>
      %parallel_loop3A_586 = arith.addi %parallel_loop3A_585, %mul3A_5 : vector<16xi32>
      %parallel_loop3A_587 = arith.constant 9 : i32
      %parallel_loop3A_588 = vector.broadcast %parallel_loop3A_587 : i32 to vector<16xi32>
      %parallel_loop3A_589 = arith.addi %parallel_loop3A_586, %parallel_loop3A_588 : vector<16xi32>
      %parallel_loop3A_590 = tpu.vector_load_idx %arg12[%parallel_loop3A_589] : memref<2048xf32, #tpu.memory_space<vmem>>[vector<16xi32>], vector<16xf32>,
      %parallel_loop3A_591 = arith.addf %parallel_loop3A_584, %parallel_loop3A_590 : vector<16xf32>
      %parallel_loop3A_592 = vector.broadcast %parallel_loop3A_519 : i32 to vector<16xi32>
      %parallel_loop3A_593 = arith.addi %parallel_loop3A_592, %mul3A_5 : vector<16xi32>
      %parallel_loop3A_594 = arith.constant 10 : i32
      %parallel_loop3A_595 = vector.broadcast %parallel_loop3A_594 : i32 to vector<16xi32>
      %parallel_loop3A_596 = arith.addi %parallel_loop3A_593, %parallel_loop3A_595 : vector<16xi32>
      %parallel_loop3A_597 = tpu.vector_load_idx %arg12[%parallel_loop3A_596] : memref<2048xf32, #tpu.memory_space<vmem>>[vector<16xi32>], vector<16xf32>,
      %parallel_loop3A_598 = arith.addf %parallel_loop3A_591, %parallel_loop3A_597 : vector<16xf32>
      %parallel_loop3A_599 = vector.broadcast %parallel_loop3A_519 : i32 to vector<16xi32>
      %parallel_loop3A_600 = arith.addi %parallel_loop3A_599, %mul3A_5 : vector<16xi32>
      %parallel_loop3A_601 = arith.constant 11 : i32
      %parallel_loop3A_602 = vector.broadcast %parallel_loop3A_601 : i32 to vector<16xi32>
      %parallel_loop3A_603 = arith.addi %parallel_loop3A_600, %parallel_loop3A_602 : vector<16xi32>
      %parallel_loop3A_604 = tpu.vector_load_idx %arg12[%parallel_loop3A_603] : memref<2048xf32, #tpu.memory_space<vmem>>[vector<16xi32>], vector<16xf32>,
      %parallel_loop3A_605 = arith.addf %parallel_loop3A_598, %parallel_loop3A_604 : vector<16xf32>
      %parallel_loop3A_606 = vector.broadcast %parallel_loop3A_519 : i32 to vector<16xi32>
      %parallel_loop3A_607 = arith.addi %parallel_loop3A_606, %mul3A_5 : vector<16xi32>
      %parallel_loop3A_608 = arith.constant 12 : i32
      %parallel_loop3A_609 = vector.broadcast %parallel_loop3A_608 : i32 to vector<16xi32>
      %parallel_loop3A_610 = arith.addi %parallel_loop3A_607, %parallel_loop3A_609 : vector<16xi32>
      %parallel_loop3A_611 = tpu.vector_load_idx %arg12[%parallel_loop3A_610] : memref<2048xf32, #tpu.memory_space<vmem>>[vector<16xi32>], vector<16xf32>,
      %parallel_loop3A_612 = arith.addf %parallel_loop3A_605, %parallel_loop3A_611 : vector<16xf32>
      %parallel_loop3A_613 = vector.broadcast %parallel_loop3A_519 : i32 to vector<16xi32>
      %parallel_loop3A_614 = arith.addi %parallel_loop3A_613, %mul3A_5 : vector<16xi32>
      %parallel_loop3A_615 = arith.constant 13 : i32
      %parallel_loop3A_616 = vector.broadcast %parallel_loop3A_615 : i32 to vector<16xi32>
      %parallel_loop3A_617 = arith.addi %parallel_loop3A_614, %parallel_loop3A_616 : vector<16xi32>
      %parallel_loop3A_618 = tpu.vector_load_idx %arg12[%parallel_loop3A_617] : memref<2048xf32, #tpu.memory_space<vmem>>[vector<16xi32>], vector<16xf32>,
      %parallel_loop3A_619 = arith.addf %parallel_loop3A_612, %parallel_loop3A_618 : vector<16xf32>
      %parallel_loop3A_620 = vector.broadcast %parallel_loop3A_519 : i32 to vector<16xi32>
      %parallel_loop3A_621 = arith.addi %parallel_loop3A_620, %mul3A_5 : vector<16xi32>
      %parallel_loop3A_622 = arith.constant 14 : i32
      %parallel_loop3A_623 = vector.broadcast %parallel_loop3A_622 : i32 to vector<16xi32>
      %parallel_loop3A_624 = arith.addi %parallel_loop3A_621, %parallel_loop3A_623 : vector<16xi32>
      %parallel_loop3A_625 = tpu.vector_load_idx %arg12[%parallel_loop3A_624] : memref<2048xf32, #tpu.memory_space<vmem>>[vector<16xi32>], vector<16xf32>,
      %parallel_loop3A_626 = arith.addf %parallel_loop3A_619, %parallel_loop3A_625 : vector<16xf32>
      %parallel_loop3A_627 = vector.broadcast %parallel_loop3A_519 : i32 to vector<16xi32>
      %parallel_loop3A_628 = arith.addi %parallel_loop3A_627, %mul3A_5 : vector<16xi32>
      %parallel_loop3A_629 = arith.constant 15 : i32
      %parallel_loop3A_630 = vector.broadcast %parallel_loop3A_629 : i32 to vector<16xi32>
      %parallel_loop3A_631 = arith.addi %parallel_loop3A_628, %parallel_loop3A_630 : vector<16xi32>
      %parallel_loop3A_632 = tpu.vector_load_idx %arg12[%parallel_loop3A_631] : memref<2048xf32, #tpu.memory_space<vmem>>[vector<16xi32>], vector<16xf32>,
      %parallel_loop3A_633 = arith.addf %parallel_loop3A_626, %parallel_loop3A_632 : vector<16xf32>
      %parallel_loop3A_634 = arith.constant 16 : i32
      %parallel_loop3A_635 = arith.muli %parallel_loop3A_517, %parallel_loop3A_634 : i32
      %parallel_loop3A_636 = arith.constant 1 : i32
      %parallel_loop3A_637 = arith.index_cast %parallel_loop3A_636 : i32 to index
      %parallel_loop3A_638 = arith.index_cast %parallel_loop3A_635 : i32 to index
      %parallel_loop3A_639 = tpu.vector_load %arg11[%parallel_loop3A_637, %parallel_loop3A_638] {strides = array<i32>} : memref<3x128xf32, #tpu.memory_space<vmem>>, vector<16xf32>,
      tpu.vector_store %arg11[%parallel_loop3A_637, %parallel_loop3A_638], %parallel_loop3A_633 {strides = array<i32>} : memref<3x128xf32, #tpu.memory_space<vmem>>, vector<16xf32>,
    } {sc.loop_unroll_factor = 2 : i64, sc.parallel_access}
    %add3A_277 = arith.constant 128 : i32
    %add3A_278 = arith.addi %mul3A_2, %add3A_277 : i32
    %dma_start3A_279 = arith.constant 1 : i32
    %dma_start3A_280 = arith.constant 0 : i32
    %dma_start3A_281 = arith.constant 0 : i32
    %dma_start3A_282 = tpu.memref_slice %arg10[%dma_start3A_279, %dma_start3A_280, %dma_start3A_281] : memref<3x128x128xf32, #tpu.memory_space<vmem>> -> memref<1x128x128xf32, #tpu.memory_space<vmem>>
    %dma_start3A_283 = tpu.memref_squeeze %dma_start3A_282 : memref<1x128x128xf32, #tpu.memory_space<vmem>> -> memref<128x128xf32, #tpu.memory_space<vmem>>
    %dma_start3A_284 = arith.constant 0 : i32
    %dma_start3A_285 = tpu.memref_slice %arg6[%add3A_278, %dma_start3A_284] : memref<16384x128xf32, #tpu.memory_space<hbm>> -> memref<128x128xf32, #tpu.memory_space<hbm>>
    %dma_start3A_286 = arith.constant 0 : i32
    %dma_start3A_287 = tpu.memref_slice %arg6[%add3A_278, %dma_start3A_286] : memref<16384x128xf32, #tpu.memory_space<hbm>> -> memref<128x128xf32, #tpu.memory_space<hbm>>
    %dma_start3A_288 = arith.constant 0 : i32
    %dma_start3A_289 = arith.constant 0 : i32
    %dma_start3A_290 = tpu.memref_slice %arg10[%dma_start3A_279, %dma_start3A_288, %dma_start3A_289] : memref<3x128x128xf32, #tpu.memory_space<vmem>> -> memref<1x128x128xf32, #tpu.memory_space<vmem>>
    %dma_start3A_291 = tpu.memref_squeeze %dma_start3A_290 : memref<1x128x128xf32, #tpu.memory_space<vmem>> -> memref<128x128xf32, #tpu.memory_space<vmem>>
    tpu.enqueue_dma source(%dma_start3A_291 : memref<128x128xf32, #tpu.memory_space<vmem>>) target(%dma_start3A_287 : memref<128x128xf32, #tpu.memory_space<hbm>>) target_semaphore(%arg23 : memref<!tpu.dma_semaphore, #tpu.memory_space<semaphore_mem>>)
    %dma_start3A_292 = arith.constant 1 : i32
    %dma_start3A_293 = arith.constant 0 : i32
    %dma_start3A_294 = tpu.memref_slice %arg11[%dma_start3A_292, %dma_start3A_293] : memref<3x128xf32, #tpu.memory_space<vmem>> -> memref<1x128xf32, #tpu.memory_space<vmem>>
    %dma_start3A_295 = tpu.memref_squeeze %dma_start3A_294 : memref<1x128xf32, #tpu.memory_space<vmem>> -> memref<128xf32, #tpu.memory_space<vmem>>
    %dma_start3A_296 = tpu.memref_slice %arg5[%add3A_278] : memref<16384xf32, #tpu.memory_space<hbm>> -> memref<128xf32, #tpu.memory_space<hbm>>
    %dma_start3A_297 = tpu.memref_slice %arg5[%add3A_278] : memref<16384xf32, #tpu.memory_space<hbm>> -> memref<128xf32, #tpu.memory_space<hbm>>
    %dma_start3A_298 = arith.constant 0 : i32
    %dma_start3A_299 = tpu.memref_slice %arg11[%dma_start3A_292, %dma_start3A_298] : memref<3x128xf32, #tpu.memory_space<vmem>> -> memref<1x128xf32, #tpu.memory_space<vmem>>
    %dma_start3A_300 = tpu.memref_squeeze %dma_start3A_299 : memref<1x128xf32, #tpu.memory_space<vmem>> -> memref<128xf32, #tpu.memory_space<vmem>>
    tpu.enqueue_dma source(%dma_start3A_300 : memref<128xf32, #tpu.memory_space<vmem>>) target(%dma_start3A_297 : memref<128xf32, #tpu.memory_space<hbm>>) target_semaphore(%arg23 : memref<!tpu.dma_semaphore, #tpu.memory_space<semaphore_mem>>)
    %add3A_301 = arith.constant 384 : i32
    %add3A_302 = arith.addi %mul3A_2, %add3A_301 : i32
    %dma_wait3A_303 = arith.constant 0 : i32
    %dma_wait3A_304 = arith.constant 0 : i32
    %dma_wait3A_305 = tpu.memref_slice %arg8[%dma_wait3A_303, %dma_wait3A_304] : memref<3x128xi32, #tpu.memory_space<vmem>> -> memref<1x128xi32, #tpu.memory_space<vmem>>
    %dma_wait3A_306 = tpu.memref_squeeze %dma_wait3A_305 : memref<1x128xi32, #tpu.memory_space<vmem>> -> memref<128xi32, #tpu.memory_space<vmem>>
    %dma_wait3A_307 = tpu.memref_slice %arg3[%add3A_302] : memref<16384xi32, #tpu.memory_space<hbm>> -> memref<128xi32, #tpu.memory_space<hbm>>
    %dma_wait3A_308 = arith.constant 0 : i32
    %dma_wait3A_309 = tpu.memref_slice %arg8[%dma_wait3A_303, %dma_wait3A_308] : memref<3x128xi32, #tpu.memory_space<vmem>> -> memref<1x128xi32, #tpu.memory_space<vmem>>
    %dma_wait3A_310 = tpu.memref_squeeze %dma_wait3A_309 : memref<1x128xi32, #tpu.memory_space<vmem>> -> memref<128xi32, #tpu.memory_space<vmem>>
    %dma_wait3A_311 = tpu.memref_slice %arg3[%add3A_302] : memref<16384xi32, #tpu.memory_space<hbm>> -> memref<128xi32, #tpu.memory_space<hbm>>
    tpu.wait_dma2 semaphore(%arg13 : memref<!tpu.dma_semaphore, #tpu.memory_space<semaphore_mem>>) src(%dma_wait3A_311 : memref<128xi32, #tpu.memory_space<hbm>>) dst(%dma_wait3A_310 : memref<128xi32, #tpu.memory_space<vmem>>)
    %dma_wait3A_312 = arith.constant 0 : i32
    %dma_wait3A_313 = arith.constant 0 : i32
    %dma_wait3A_314 = arith.constant 0 : i32
    %dma_wait3A_315 = tpu.memref_slice %arg9[%dma_wait3A_312, %dma_wait3A_313, %dma_wait3A_314] : memref<3x128x128xf32, #tpu.memory_space<vmem>> -> memref<1x128x128xf32, #tpu.memory_space<vmem>>
    %dma_wait3A_316 = tpu.memref_squeeze %dma_wait3A_315 : memref<1x128x128xf32, #tpu.memory_space<vmem>> -> memref<128x128xf32, #tpu.memory_space<vmem>>
    %dma_wait3A_317 = arith.constant 0 : i32
    %dma_wait3A_318 = tpu.memref_slice %arg2[%add3A_302, %dma_wait3A_317] : memref<16384x128xf32, #tpu.memory_space<hbm>> -> memref<128x128xf32, #tpu.memory_space<hbm>>
    %dma_wait3A_319 = arith.constant 0 : i32
    %dma_wait3A_320 = arith.constant 0 : i32
    %dma_wait3A_321 = tpu.memref_slice %arg9[%dma_wait3A_312, %dma_wait3A_319, %dma_wait3A_320] : memref<3x128x128xf32, #tpu.memory_space<vmem>> -> memref<1x128x128xf32, #tpu.memory_space<vmem>>
    %dma_wait3A_322 = tpu.memref_squeeze %dma_wait3A_321 : memref<1x128x128xf32, #tpu.memory_space<vmem>> -> memref<128x128xf32, #tpu.memory_space<vmem>>
    %dma_wait3A_323 = arith.constant 0 : i32
    %dma_wait3A_324 = tpu.memref_slice %arg2[%add3A_302, %dma_wait3A_323] : memref<16384x128xf32, #tpu.memory_space<hbm>> -> memref<128x128xf32, #tpu.memory_space<hbm>>
    tpu.wait_dma2 semaphore(%arg16 : memref<!tpu.dma_semaphore, #tpu.memory_space<semaphore_mem>>) src(%dma_wait3A_324 : memref<128x128xf32, #tpu.memory_space<hbm>>) dst(%dma_wait3A_322 : memref<128x128xf32, #tpu.memory_space<vmem>>)
    %dma_start3A_325 = arith.constant 0 : i32
    %dma_start3A_326 = arith.constant 0 : i32
    %dma_start3A_327 = arith.constant 0 : i32
    %dma_start3A_328 = arith.constant 0 : i32
    %dma_start3A_329 = tpu.memref_slice %arg9[%dma_start3A_326, %dma_start3A_327, %dma_start3A_328] : memref<3x128x128xf32, #tpu.memory_space<vmem>> -> memref<1x128x128xf32, #tpu.memory_space<vmem>>
    %dma_start3A_330 = tpu.memref_squeeze %dma_start3A_329 : memref<1x128x128xf32, #tpu.memory_space<vmem>> -> memref<128x128xf32, #tpu.memory_space<vmem>>
    %dma_start3A_331 = arith.constant 0 : i32
    %dma_start3A_332 = tpu.memref_slice %arg8[%dma_start3A_325, %dma_start3A_331] : memref<3x128xi32, #tpu.memory_space<vmem>> -> memref<1x128xi32, #tpu.memory_space<vmem>>
    %dma_start3A_333 = tpu.memref_squeeze %dma_start3A_332 : memref<1x128xi32, #tpu.memory_space<vmem>> -> memref<128xi32, #tpu.memory_space<vmem>>
    %dma_start3A_334 = arith.constant 0 : i32
    %dma_start3A_335 = arith.constant 0 : i32
    %dma_start3A_336 = tpu.memref_slice %arg7[%dma_start3A_334, %dma_start3A_335] : memref<1024x128xf32, #tpu.memory_space<vmem_shared>> -> memref<1024x128xf32, #tpu.memory_space<vmem_shared>>
    tpu.enqueue_indirect_dma source(%dma_start3A_336 : memref<1024x128xf32, #tpu.memory_space<vmem_shared>>) target(%dma_start3A_330 : memref<128x128xf32, #tpu.memory_space<vmem>>) offsets(%dma_start3A_333 : memref<128xi32, #tpu.memory_space<vmem>>) semaphore(%arg19 : memref<!tpu.dma_semaphore, #tpu.memory_space<semaphore_mem>>) {add = true}
    %dma_wait3A_337 = arith.constant 2 : i32
    %dma_wait3A_338 = arith.constant 2 : i32
    %dma_wait3A_339 = arith.constant 0 : i32
    %dma_wait3A_340 = arith.constant 0 : i32
    %dma_wait3A_341 = tpu.memref_slice %arg9[%dma_wait3A_338, %dma_wait3A_339, %dma_wait3A_340] : memref<3x128x128xf32, #tpu.memory_space<vmem>> -> memref<1x128x128xf32, #tpu.memory_space<vmem>>
    %dma_wait3A_342 = tpu.memref_squeeze %dma_wait3A_341 : memref<1x128x128xf32, #tpu.memory_space<vmem>> -> memref<128x128xf32, #tpu.memory_space<vmem>>
    %dma_wait3A_343 = arith.constant 0 : i32
    %dma_wait3A_344 = tpu.memref_slice %arg8[%dma_wait3A_337, %dma_wait3A_343] : memref<3x128xi32, #tpu.memory_space<vmem>> -> memref<1x128xi32, #tpu.memory_space<vmem>>
    %dma_wait3A_345 = tpu.memref_squeeze %dma_wait3A_344 : memref<1x128xi32, #tpu.memory_space<vmem>> -> memref<128xi32, #tpu.memory_space<vmem>>
    %dma_wait3A_346 = arith.constant 0 : i32
    %dma_wait3A_347 = arith.constant 0 : i32
    %dma_wait3A_348 = tpu.memref_slice %arg7[%dma_wait3A_346, %dma_wait3A_347] : memref<1024x128xf32, #tpu.memory_space<vmem_shared>> -> memref<1024x128xf32, #tpu.memory_space<vmem_shared>>
    tpu.wait_indirect_dma semaphore(%arg21 : memref<!tpu.dma_semaphore, #tpu.memory_space<semaphore_mem>>) src(%dma_wait3A_348 : memref<1024x128xf32, #tpu.memory_space<vmem_shared>>) dst(%dma_wait3A_342 : memref<128x128xf32, #tpu.memory_space<vmem>>)
    %parallel_loop3A_349 = arith.constant 0 : i32
    %parallel_loop3A_350 = arith.constant 128 : i32
    %parallel_loop3A_351 = arith.constant 1 : i32
    scf.for %parallel_loop3A_517 = %parallel_loop3A_349 to %parallel_loop3A_350 step %parallel_loop3A_351  : i32 {
      %parallel_loop3A_518 = arith.constant 0.000000e+00 : f32
      %parallel_loop3A_519 = vector.broadcast %parallel_loop3A_518 : f32 to vector<16xf32>
      %parallel_loop3A_520 = arith.constant 0.000000e+00 : f32
      %parallel_loop3A_521 = vector.broadcast %parallel_loop3A_520 : f32 to vector<16xf32>
      %parallel_loop3A_522 = arith.constant 2 : i32
      %parallel_loop3A_523 = arith.index_cast %parallel_loop3A_522 : i32 to index
      %parallel_loop3A_524 = arith.index_cast %parallel_loop3A_517 : i32 to index
      %parallel_loop3A_525 = arith.constant 0 : index
      %parallel_loop3A_526 = tpu.vector_load %arg9[%parallel_loop3A_523, %parallel_loop3A_524, %parallel_loop3A_525] {strides = array<i32>} : memref<3x128x128xf32, #tpu.memory_space<vmem>>, vector<16xf32>,
      %parallel_loop3A_527 = arith.mulf %parallel_loop3A_526, %parallel_loop3A_526 : vector<16xf32>
      %parallel_loop3A_528 = arith.constant 5.000000e-01 : f32
      %parallel_loop3A_529 = vector.broadcast %parallel_loop3A_528 : f32 to vector<16xf32>
      %parallel_loop3A_530 = arith.mulf %parallel_loop3A_529, %parallel_loop3A_527 : vector<16xf32>
      %parallel_loop3A_531 = arith.constant 0.918938517 : f32
      %parallel_loop3A_532 = vector.broadcast %parallel_loop3A_531 : f32 to vector<16xf32>
      %parallel_loop3A_533 = arith.addf %parallel_loop3A_530, %parallel_loop3A_532 : vector<16xf32>
      %parallel_loop3A_534 = arith.addf %parallel_loop3A_519, %parallel_loop3A_533 : vector<16xf32>
      %parallel_loop3A_535 = arith.constant 2 : i32
      %parallel_loop3A_536 = arith.index_cast %parallel_loop3A_535 : i32 to index
      %parallel_loop3A_537 = arith.index_cast %parallel_loop3A_517 : i32 to index
      %parallel_loop3A_538 = arith.constant 0 : index
      %parallel_loop3A_539 = tpu.vector_load %arg10[%parallel_loop3A_536, %parallel_loop3A_537, %parallel_loop3A_538] {strides = array<i32>} : memref<3x128x128xf32, #tpu.memory_space<vmem>>, vector<16xf32>,
      tpu.vector_store %arg10[%parallel_loop3A_536, %parallel_loop3A_537, %parallel_loop3A_538], %parallel_loop3A_533 {strides = array<i32>} : memref<3x128x128xf32, #tpu.memory_space<vmem>>, vector<16xf32>,
      %parallel_loop3A_540 = arith.constant 2 : i32
      %parallel_loop3A_541 = arith.index_cast %parallel_loop3A_540 : i32 to index
      %parallel_loop3A_542 = arith.index_cast %parallel_loop3A_517 : i32 to index
      %parallel_loop3A_543 = arith.constant 16 : index
      %parallel_loop3A_544 = tpu.vector_load %arg9[%parallel_loop3A_541, %parallel_loop3A_542, %parallel_loop3A_543] {strides = array<i32>} : memref<3x128x128xf32, #tpu.memory_space<vmem>>, vector<16xf32>,
      %parallel_loop3A_545 = arith.mulf %parallel_loop3A_544, %parallel_loop3A_544 : vector<16xf32>
      %parallel_loop3A_546 = arith.constant 5.000000e-01 : f32
      %parallel_loop3A_547 = vector.broadcast %parallel_loop3A_546 : f32 to vector<16xf32>
      %parallel_loop3A_548 = arith.mulf %parallel_loop3A_547, %parallel_loop3A_545 : vector<16xf32>
      %parallel_loop3A_549 = arith.constant 0.918938517 : f32
      %parallel_loop3A_550 = vector.broadcast %parallel_loop3A_549 : f32 to vector<16xf32>
      %parallel_loop3A_551 = arith.addf %parallel_loop3A_548, %parallel_loop3A_550 : vector<16xf32>
      %parallel_loop3A_552 = arith.addf %parallel_loop3A_521, %parallel_loop3A_551 : vector<16xf32>
      %parallel_loop3A_553 = arith.constant 2 : i32
      %parallel_loop3A_554 = arith.index_cast %parallel_loop3A_553 : i32 to index
      %parallel_loop3A_555 = arith.index_cast %parallel_loop3A_517 : i32 to index
      %parallel_loop3A_556 = arith.constant 16 : index
      %parallel_loop3A_557 = tpu.vector_load %arg10[%parallel_loop3A_554, %parallel_loop3A_555, %parallel_loop3A_556] {strides = array<i32>} : memref<3x128x128xf32, #tpu.memory_space<vmem>>, vector<16xf32>,
      tpu.vector_store %arg10[%parallel_loop3A_554, %parallel_loop3A_555, %parallel_loop3A_556], %parallel_loop3A_551 {strides = array<i32>} : memref<3x128x128xf32, #tpu.memory_space<vmem>>, vector<16xf32>,
      %parallel_loop3A_558 = arith.constant 2 : i32
      %parallel_loop3A_559 = arith.index_cast %parallel_loop3A_558 : i32 to index
      %parallel_loop3A_560 = arith.index_cast %parallel_loop3A_517 : i32 to index
      %parallel_loop3A_561 = arith.constant 32 : index
      %parallel_loop3A_562 = tpu.vector_load %arg9[%parallel_loop3A_559, %parallel_loop3A_560, %parallel_loop3A_561] {strides = array<i32>} : memref<3x128x128xf32, #tpu.memory_space<vmem>>, vector<16xf32>,
      %parallel_loop3A_563 = arith.mulf %parallel_loop3A_562, %parallel_loop3A_562 : vector<16xf32>
      %parallel_loop3A_564 = arith.constant 5.000000e-01 : f32
      %parallel_loop3A_565 = vector.broadcast %parallel_loop3A_564 : f32 to vector<16xf32>
      %parallel_loop3A_566 = arith.mulf %parallel_loop3A_565, %parallel_loop3A_563 : vector<16xf32>
      %parallel_loop3A_567 = arith.constant 0.918938517 : f32
      %parallel_loop3A_568 = vector.broadcast %parallel_loop3A_567 : f32 to vector<16xf32>
      %parallel_loop3A_569 = arith.addf %parallel_loop3A_566, %parallel_loop3A_568 : vector<16xf32>
      %parallel_loop3A_570 = arith.addf %parallel_loop3A_534, %parallel_loop3A_569 : vector<16xf32>
      %parallel_loop3A_571 = arith.constant 2 : i32
      %parallel_loop3A_572 = arith.index_cast %parallel_loop3A_571 : i32 to index
      %parallel_loop3A_573 = arith.index_cast %parallel_loop3A_517 : i32 to index
      %parallel_loop3A_574 = arith.constant 32 : index
      %parallel_loop3A_575 = tpu.vector_load %arg10[%parallel_loop3A_572, %parallel_loop3A_573, %parallel_loop3A_574] {strides = array<i32>} : memref<3x128x128xf32, #tpu.memory_space<vmem>>, vector<16xf32>,
      tpu.vector_store %arg10[%parallel_loop3A_572, %parallel_loop3A_573, %parallel_loop3A_574], %parallel_loop3A_569 {strides = array<i32>} : memref<3x128x128xf32, #tpu.memory_space<vmem>>, vector<16xf32>,
      %parallel_loop3A_576 = arith.constant 2 : i32
      %parallel_loop3A_577 = arith.index_cast %parallel_loop3A_576 : i32 to index
      %parallel_loop3A_578 = arith.index_cast %parallel_loop3A_517 : i32 to index
      %parallel_loop3A_579 = arith.constant 48 : index
      %parallel_loop3A_580 = tpu.vector_load %arg9[%parallel_loop3A_577, %parallel_loop3A_578, %parallel_loop3A_579] {strides = array<i32>} : memref<3x128x128xf32, #tpu.memory_space<vmem>>, vector<16xf32>,
      %parallel_loop3A_581 = arith.mulf %parallel_loop3A_580, %parallel_loop3A_580 : vector<16xf32>
      %parallel_loop3A_582 = arith.constant 5.000000e-01 : f32
      %parallel_loop3A_583 = vector.broadcast %parallel_loop3A_582 : f32 to vector<16xf32>
      %parallel_loop3A_584 = arith.mulf %parallel_loop3A_583, %parallel_loop3A_581 : vector<16xf32>
      %parallel_loop3A_585 = arith.constant 0.918938517 : f32
      %parallel_loop3A_586 = vector.broadcast %parallel_loop3A_585 : f32 to vector<16xf32>
      %parallel_loop3A_587 = arith.addf %parallel_loop3A_584, %parallel_loop3A_586 : vector<16xf32>
      %parallel_loop3A_588 = arith.addf %parallel_loop3A_552, %parallel_loop3A_587 : vector<16xf32>
      %parallel_loop3A_589 = arith.constant 2 : i32
      %parallel_loop3A_590 = arith.index_cast %parallel_loop3A_589 : i32 to index
      %parallel_loop3A_591 = arith.index_cast %parallel_loop3A_517 : i32 to index
      %parallel_loop3A_592 = arith.constant 48 : index
      %parallel_loop3A_593 = tpu.vector_load %arg10[%parallel_loop3A_590, %parallel_loop3A_591, %parallel_loop3A_592] {strides = array<i32>} : memref<3x128x128xf32, #tpu.memory_space<vmem>>, vector<16xf32>,
      tpu.vector_store %arg10[%parallel_loop3A_590, %parallel_loop3A_591, %parallel_loop3A_592], %parallel_loop3A_587 {strides = array<i32>} : memref<3x128x128xf32, #tpu.memory_space<vmem>>, vector<16xf32>,
      %parallel_loop3A_594 = arith.constant 2 : i32
      %parallel_loop3A_595 = arith.index_cast %parallel_loop3A_594 : i32 to index
      %parallel_loop3A_596 = arith.index_cast %parallel_loop3A_517 : i32 to index
      %parallel_loop3A_597 = arith.constant 64 : index
      %parallel_loop3A_598 = tpu.vector_load %arg9[%parallel_loop3A_595, %parallel_loop3A_596, %parallel_loop3A_597] {strides = array<i32>} : memref<3x128x128xf32, #tpu.memory_space<vmem>>, vector<16xf32>,
      %parallel_loop3A_599 = arith.mulf %parallel_loop3A_598, %parallel_loop3A_598 : vector<16xf32>
      %parallel_loop3A_600 = arith.constant 5.000000e-01 : f32
      %parallel_loop3A_601 = vector.broadcast %parallel_loop3A_600 : f32 to vector<16xf32>
      %parallel_loop3A_602 = arith.mulf %parallel_loop3A_601, %parallel_loop3A_599 : vector<16xf32>
      %parallel_loop3A_603 = arith.constant 0.918938517 : f32
      %parallel_loop3A_604 = vector.broadcast %parallel_loop3A_603 : f32 to vector<16xf32>
      %parallel_loop3A_605 = arith.addf %parallel_loop3A_602, %parallel_loop3A_604 : vector<16xf32>
      %parallel_loop3A_606 = arith.addf %parallel_loop3A_570, %parallel_loop3A_605 : vector<16xf32>
      %parallel_loop3A_607 = arith.constant 2 : i32
      %parallel_loop3A_608 = arith.index_cast %parallel_loop3A_607 : i32 to index
      %parallel_loop3A_609 = arith.index_cast %parallel_loop3A_517 : i32 to index
      %parallel_loop3A_610 = arith.constant 64 : index
      %parallel_loop3A_611 = tpu.vector_load %arg10[%parallel_loop3A_608, %parallel_loop3A_609, %parallel_loop3A_610] {strides = array<i32>} : memref<3x128x128xf32, #tpu.memory_space<vmem>>, vector<16xf32>,
      tpu.vector_store %arg10[%parallel_loop3A_608, %parallel_loop3A_609, %parallel_loop3A_610], %parallel_loop3A_605 {strides = array<i32>} : memref<3x128x128xf32, #tpu.memory_space<vmem>>, vector<16xf32>,
      %parallel_loop3A_612 = arith.constant 2 : i32
      %parallel_loop3A_613 = arith.index_cast %parallel_loop3A_612 : i32 to index
      %parallel_loop3A_614 = arith.index_cast %parallel_loop3A_517 : i32 to index
      %parallel_loop3A_615 = arith.constant 80 : index
      %parallel_loop3A_616 = tpu.vector_load %arg9[%parallel_loop3A_613, %parallel_loop3A_614, %parallel_loop3A_615] {strides = array<i32>} : memref<3x128x128xf32, #tpu.memory_space<vmem>>, vector<16xf32>,
      %parallel_loop3A_617 = arith.mulf %parallel_loop3A_616, %parallel_loop3A_616 : vector<16xf32>
      %parallel_loop3A_618 = arith.constant 5.000000e-01 : f32
      %parallel_loop3A_619 = vector.broadcast %parallel_loop3A_618 : f32 to vector<16xf32>
      %parallel_loop3A_620 = arith.mulf %parallel_loop3A_619, %parallel_loop3A_617 : vector<16xf32>
      %parallel_loop3A_621 = arith.constant 0.918938517 : f32
      %parallel_loop3A_622 = vector.broadcast %parallel_loop3A_621 : f32 to vector<16xf32>
      %parallel_loop3A_623 = arith.addf %parallel_loop3A_620, %parallel_loop3A_622 : vector<16xf32>
      %parallel_loop3A_624 = arith.addf %parallel_loop3A_588, %parallel_loop3A_623 : vector<16xf32>
      %parallel_loop3A_625 = arith.constant 2 : i32
      %parallel_loop3A_626 = arith.index_cast %parallel_loop3A_625 : i32 to index
      %parallel_loop3A_627 = arith.index_cast %parallel_loop3A_517 : i32 to index
      %parallel_loop3A_628 = arith.constant 80 : index
      %parallel_loop3A_629 = tpu.vector_load %arg10[%parallel_loop3A_626, %parallel_loop3A_627, %parallel_loop3A_628] {strides = array<i32>} : memref<3x128x128xf32, #tpu.memory_space<vmem>>, vector<16xf32>,
      tpu.vector_store %arg10[%parallel_loop3A_626, %parallel_loop3A_627, %parallel_loop3A_628], %parallel_loop3A_623 {strides = array<i32>} : memref<3x128x128xf32, #tpu.memory_space<vmem>>, vector<16xf32>,
      %parallel_loop3A_630 = arith.constant 2 : i32
      %parallel_loop3A_631 = arith.index_cast %parallel_loop3A_630 : i32 to index
      %parallel_loop3A_632 = arith.index_cast %parallel_loop3A_517 : i32 to index
      %parallel_loop3A_633 = arith.constant 96 : index
      %parallel_loop3A_634 = tpu.vector_load %arg9[%parallel_loop3A_631, %parallel_loop3A_632, %parallel_loop3A_633] {strides = array<i32>} : memref<3x128x128xf32, #tpu.memory_space<vmem>>, vector<16xf32>,
      %parallel_loop3A_635 = arith.mulf %parallel_loop3A_634, %parallel_loop3A_634 : vector<16xf32>
      %parallel_loop3A_636 = arith.constant 5.000000e-01 : f32
      %parallel_loop3A_637 = vector.broadcast %parallel_loop3A_636 : f32 to vector<16xf32>
      %parallel_loop3A_638 = arith.mulf %parallel_loop3A_637, %parallel_loop3A_635 : vector<16xf32>
      %parallel_loop3A_639 = arith.constant 0.918938517 : f32
      %parallel_loop3A_640 = vector.broadcast %parallel_loop3A_639 : f32 to vector<16xf32>
      %parallel_loop3A_641 = arith.addf %parallel_loop3A_638, %parallel_loop3A_640 : vector<16xf32>
      %parallel_loop3A_642 = arith.addf %parallel_loop3A_606, %parallel_loop3A_641 : vector<16xf32>
      %parallel_loop3A_643 = arith.constant 2 : i32
      %parallel_loop3A_644 = arith.index_cast %parallel_loop3A_643 : i32 to index
      %parallel_loop3A_645 = arith.index_cast %parallel_loop3A_517 : i32 to index
      %parallel_loop3A_646 = arith.constant 96 : index
      %parallel_loop3A_647 = tpu.vector_load %arg10[%parallel_loop3A_644, %parallel_loop3A_645, %parallel_loop3A_646] {strides = array<i32>} : memref<3x128x128xf32, #tpu.memory_space<vmem>>, vector<16xf32>,
      tpu.vector_store %arg10[%parallel_loop3A_644, %parallel_loop3A_645, %parallel_loop3A_646], %parallel_loop3A_641 {strides = array<i32>} : memref<3x128x128xf32, #tpu.memory_space<vmem>>, vector<16xf32>,
      %parallel_loop3A_648 = arith.constant 2 : i32
      %parallel_loop3A_649 = arith.index_cast %parallel_loop3A_648 : i32 to index
      %parallel_loop3A_650 = arith.index_cast %parallel_loop3A_517 : i32 to index
      %parallel_loop3A_651 = arith.constant 112 : index
      %parallel_loop3A_652 = tpu.vector_load %arg9[%parallel_loop3A_649, %parallel_loop3A_650, %parallel_loop3A_651] {strides = array<i32>} : memref<3x128x128xf32, #tpu.memory_space<vmem>>, vector<16xf32>,
      %parallel_loop3A_653 = arith.mulf %parallel_loop3A_652, %parallel_loop3A_652 : vector<16xf32>
      %parallel_loop3A_654 = arith.constant 5.000000e-01 : f32
      %parallel_loop3A_655 = vector.broadcast %parallel_loop3A_654 : f32 to vector<16xf32>
      %parallel_loop3A_656 = arith.mulf %parallel_loop3A_655, %parallel_loop3A_653 : vector<16xf32>
      %parallel_loop3A_657 = arith.constant 0.918938517 : f32
      %parallel_loop3A_658 = vector.broadcast %parallel_loop3A_657 : f32 to vector<16xf32>
      %parallel_loop3A_659 = arith.addf %parallel_loop3A_656, %parallel_loop3A_658 : vector<16xf32>
      %parallel_loop3A_660 = arith.addf %parallel_loop3A_624, %parallel_loop3A_659 : vector<16xf32>
      %parallel_loop3A_661 = arith.constant 2 : i32
      %parallel_loop3A_662 = arith.index_cast %parallel_loop3A_661 : i32 to index
      %parallel_loop3A_663 = arith.index_cast %parallel_loop3A_517 : i32 to index
      %parallel_loop3A_664 = arith.constant 112 : index
      %parallel_loop3A_665 = tpu.vector_load %arg10[%parallel_loop3A_662, %parallel_loop3A_663, %parallel_loop3A_664] {strides = array<i32>} : memref<3x128x128xf32, #tpu.memory_space<vmem>>, vector<16xf32>,
      tpu.vector_store %arg10[%parallel_loop3A_662, %parallel_loop3A_663, %parallel_loop3A_664], %parallel_loop3A_659 {strides = array<i32>} : memref<3x128x128xf32, #tpu.memory_space<vmem>>, vector<16xf32>,
      %parallel_loop3A_666 = arith.addf %parallel_loop3A_642, %parallel_loop3A_660 : vector<16xf32>
      %parallel_loop3A_667 = arith.constant 16 : i32
      %parallel_loop3A_668 = arith.muli %parallel_loop3A_517, %parallel_loop3A_667 : i32
      %parallel_loop3A_669 = arith.index_cast %parallel_loop3A_668 : i32 to index
      %parallel_loop3A_670 = tpu.vector_load %arg12[%parallel_loop3A_669] {strides = array<i32>} : memref<2048xf32, #tpu.memory_space<vmem>>, vector<16xf32>,
      tpu.vector_store %arg12[%parallel_loop3A_669], %parallel_loop3A_666 {strides = array<i32>} : memref<2048xf32, #tpu.memory_space<vmem>>, vector<16xf32>,
    } {sc.loop_unroll_factor = 4 : i64, sc.parallel_access}
    %parallel_loop3A_352 = arith.constant 0 : i32
    %parallel_loop3A_353 = arith.constant 8 : i32
    %parallel_loop3A_354 = arith.constant 1 : i32
    scf.for %parallel_loop3A_517 = %parallel_loop3A_352 to %parallel_loop3A_353 step %parallel_loop3A_354  : i32 {
      %parallel_loop3A_518 = arith.constant 256 : i32
      %parallel_loop3A_519 = arith.muli %parallel_loop3A_517, %parallel_loop3A_518 : i32
      %parallel_loop3A_520 = arith.constant 0.000000e+00 : f32
      %parallel_loop3A_521 = vector.broadcast %parallel_loop3A_520 : f32 to vector<16xf32>
      %parallel_loop3A_522 = vector.broadcast %parallel_loop3A_519 : i32 to vector<16xi32>
      %parallel_loop3A_523 = arith.addi %parallel_loop3A_522, %mul3A_5 : vector<16xi32>
      %parallel_loop3A_524 = arith.constant 0 : i32
      %parallel_loop3A_525 = vector.broadcast %parallel_loop3A_524 : i32 to vector<16xi32>
      %parallel_loop3A_526 = arith.addi %parallel_loop3A_523, %parallel_loop3A_525 : vector<16xi32>
      %parallel_loop3A_527 = tpu.vector_load_idx %arg12[%parallel_loop3A_526] : memref<2048xf32, #tpu.memory_space<vmem>>[vector<16xi32>], vector<16xf32>,
      %parallel_loop3A_528 = arith.addf %parallel_loop3A_521, %parallel_loop3A_527 : vector<16xf32>
      %parallel_loop3A_529 = vector.broadcast %parallel_loop3A_519 : i32 to vector<16xi32>
      %parallel_loop3A_530 = arith.addi %parallel_loop3A_529, %mul3A_5 : vector<16xi32>
      %parallel_loop3A_531 = arith.constant 1 : i32
      %parallel_loop3A_532 = vector.broadcast %parallel_loop3A_531 : i32 to vector<16xi32>
      %parallel_loop3A_533 = arith.addi %parallel_loop3A_530, %parallel_loop3A_532 : vector<16xi32>
      %parallel_loop3A_534 = tpu.vector_load_idx %arg12[%parallel_loop3A_533] : memref<2048xf32, #tpu.memory_space<vmem>>[vector<16xi32>], vector<16xf32>,
      %parallel_loop3A_535 = arith.addf %parallel_loop3A_528, %parallel_loop3A_534 : vector<16xf32>
      %parallel_loop3A_536 = vector.broadcast %parallel_loop3A_519 : i32 to vector<16xi32>
      %parallel_loop3A_537 = arith.addi %parallel_loop3A_536, %mul3A_5 : vector<16xi32>
      %parallel_loop3A_538 = arith.constant 2 : i32
      %parallel_loop3A_539 = vector.broadcast %parallel_loop3A_538 : i32 to vector<16xi32>
      %parallel_loop3A_540 = arith.addi %parallel_loop3A_537, %parallel_loop3A_539 : vector<16xi32>
      %parallel_loop3A_541 = tpu.vector_load_idx %arg12[%parallel_loop3A_540] : memref<2048xf32, #tpu.memory_space<vmem>>[vector<16xi32>], vector<16xf32>,
      %parallel_loop3A_542 = arith.addf %parallel_loop3A_535, %parallel_loop3A_541 : vector<16xf32>
      %parallel_loop3A_543 = vector.broadcast %parallel_loop3A_519 : i32 to vector<16xi32>
      %parallel_loop3A_544 = arith.addi %parallel_loop3A_543, %mul3A_5 : vector<16xi32>
      %parallel_loop3A_545 = arith.constant 3 : i32
      %parallel_loop3A_546 = vector.broadcast %parallel_loop3A_545 : i32 to vector<16xi32>
      %parallel_loop3A_547 = arith.addi %parallel_loop3A_544, %parallel_loop3A_546 : vector<16xi32>
      %parallel_loop3A_548 = tpu.vector_load_idx %arg12[%parallel_loop3A_547] : memref<2048xf32, #tpu.memory_space<vmem>>[vector<16xi32>], vector<16xf32>,
      %parallel_loop3A_549 = arith.addf %parallel_loop3A_542, %parallel_loop3A_548 : vector<16xf32>
      %parallel_loop3A_550 = vector.broadcast %parallel_loop3A_519 : i32 to vector<16xi32>
      %parallel_loop3A_551 = arith.addi %parallel_loop3A_550, %mul3A_5 : vector<16xi32>
      %parallel_loop3A_552 = arith.constant 4 : i32
      %parallel_loop3A_553 = vector.broadcast %parallel_loop3A_552 : i32 to vector<16xi32>
      %parallel_loop3A_554 = arith.addi %parallel_loop3A_551, %parallel_loop3A_553 : vector<16xi32>
      %parallel_loop3A_555 = tpu.vector_load_idx %arg12[%parallel_loop3A_554] : memref<2048xf32, #tpu.memory_space<vmem>>[vector<16xi32>], vector<16xf32>,
      %parallel_loop3A_556 = arith.addf %parallel_loop3A_549, %parallel_loop3A_555 : vector<16xf32>
      %parallel_loop3A_557 = vector.broadcast %parallel_loop3A_519 : i32 to vector<16xi32>
      %parallel_loop3A_558 = arith.addi %parallel_loop3A_557, %mul3A_5 : vector<16xi32>
      %parallel_loop3A_559 = arith.constant 5 : i32
      %parallel_loop3A_560 = vector.broadcast %parallel_loop3A_559 : i32 to vector<16xi32>
      %parallel_loop3A_561 = arith.addi %parallel_loop3A_558, %parallel_loop3A_560 : vector<16xi32>
      %parallel_loop3A_562 = tpu.vector_load_idx %arg12[%parallel_loop3A_561] : memref<2048xf32, #tpu.memory_space<vmem>>[vector<16xi32>], vector<16xf32>,
      %parallel_loop3A_563 = arith.addf %parallel_loop3A_556, %parallel_loop3A_562 : vector<16xf32>
      %parallel_loop3A_564 = vector.broadcast %parallel_loop3A_519 : i32 to vector<16xi32>
      %parallel_loop3A_565 = arith.addi %parallel_loop3A_564, %mul3A_5 : vector<16xi32>
      %parallel_loop3A_566 = arith.constant 6 : i32
      %parallel_loop3A_567 = vector.broadcast %parallel_loop3A_566 : i32 to vector<16xi32>
      %parallel_loop3A_568 = arith.addi %parallel_loop3A_565, %parallel_loop3A_567 : vector<16xi32>
      %parallel_loop3A_569 = tpu.vector_load_idx %arg12[%parallel_loop3A_568] : memref<2048xf32, #tpu.memory_space<vmem>>[vector<16xi32>], vector<16xf32>,
      %parallel_loop3A_570 = arith.addf %parallel_loop3A_563, %parallel_loop3A_569 : vector<16xf32>
      %parallel_loop3A_571 = vector.broadcast %parallel_loop3A_519 : i32 to vector<16xi32>
      %parallel_loop3A_572 = arith.addi %parallel_loop3A_571, %mul3A_5 : vector<16xi32>
      %parallel_loop3A_573 = arith.constant 7 : i32
      %parallel_loop3A_574 = vector.broadcast %parallel_loop3A_573 : i32 to vector<16xi32>
      %parallel_loop3A_575 = arith.addi %parallel_loop3A_572, %parallel_loop3A_574 : vector<16xi32>
      %parallel_loop3A_576 = tpu.vector_load_idx %arg12[%parallel_loop3A_575] : memref<2048xf32, #tpu.memory_space<vmem>>[vector<16xi32>], vector<16xf32>,
      %parallel_loop3A_577 = arith.addf %parallel_loop3A_570, %parallel_loop3A_576 : vector<16xf32>
      %parallel_loop3A_578 = vector.broadcast %parallel_loop3A_519 : i32 to vector<16xi32>
      %parallel_loop3A_579 = arith.addi %parallel_loop3A_578, %mul3A_5 : vector<16xi32>
      %parallel_loop3A_580 = arith.constant 8 : i32
      %parallel_loop3A_581 = vector.broadcast %parallel_loop3A_580 : i32 to vector<16xi32>
      %parallel_loop3A_582 = arith.addi %parallel_loop3A_579, %parallel_loop3A_581 : vector<16xi32>
      %parallel_loop3A_583 = tpu.vector_load_idx %arg12[%parallel_loop3A_582] : memref<2048xf32, #tpu.memory_space<vmem>>[vector<16xi32>], vector<16xf32>,
      %parallel_loop3A_584 = arith.addf %parallel_loop3A_577, %parallel_loop3A_583 : vector<16xf32>
      %parallel_loop3A_585 = vector.broadcast %parallel_loop3A_519 : i32 to vector<16xi32>
      %parallel_loop3A_586 = arith.addi %parallel_loop3A_585, %mul3A_5 : vector<16xi32>
      %parallel_loop3A_587 = arith.constant 9 : i32
      %parallel_loop3A_588 = vector.broadcast %parallel_loop3A_587 : i32 to vector<16xi32>
      %parallel_loop3A_589 = arith.addi %parallel_loop3A_586, %parallel_loop3A_588 : vector<16xi32>
      %parallel_loop3A_590 = tpu.vector_load_idx %arg12[%parallel_loop3A_589] : memref<2048xf32, #tpu.memory_space<vmem>>[vector<16xi32>], vector<16xf32>,
      %parallel_loop3A_591 = arith.addf %parallel_loop3A_584, %parallel_loop3A_590 : vector<16xf32>
      %parallel_loop3A_592 = vector.broadcast %parallel_loop3A_519 : i32 to vector<16xi32>
      %parallel_loop3A_593 = arith.addi %parallel_loop3A_592, %mul3A_5 : vector<16xi32>
      %parallel_loop3A_594 = arith.constant 10 : i32
      %parallel_loop3A_595 = vector.broadcast %parallel_loop3A_594 : i32 to vector<16xi32>
      %parallel_loop3A_596 = arith.addi %parallel_loop3A_593, %parallel_loop3A_595 : vector<16xi32>
      %parallel_loop3A_597 = tpu.vector_load_idx %arg12[%parallel_loop3A_596] : memref<2048xf32, #tpu.memory_space<vmem>>[vector<16xi32>], vector<16xf32>,
      %parallel_loop3A_598 = arith.addf %parallel_loop3A_591, %parallel_loop3A_597 : vector<16xf32>
      %parallel_loop3A_599 = vector.broadcast %parallel_loop3A_519 : i32 to vector<16xi32>
      %parallel_loop3A_600 = arith.addi %parallel_loop3A_599, %mul3A_5 : vector<16xi32>
      %parallel_loop3A_601 = arith.constant 11 : i32
      %parallel_loop3A_602 = vector.broadcast %parallel_loop3A_601 : i32 to vector<16xi32>
      %parallel_loop3A_603 = arith.addi %parallel_loop3A_600, %parallel_loop3A_602 : vector<16xi32>
      %parallel_loop3A_604 = tpu.vector_load_idx %arg12[%parallel_loop3A_603] : memref<2048xf32, #tpu.memory_space<vmem>>[vector<16xi32>], vector<16xf32>,
      %parallel_loop3A_605 = arith.addf %parallel_loop3A_598, %parallel_loop3A_604 : vector<16xf32>
      %parallel_loop3A_606 = vector.broadcast %parallel_loop3A_519 : i32 to vector<16xi32>
      %parallel_loop3A_607 = arith.addi %parallel_loop3A_606, %mul3A_5 : vector<16xi32>
      %parallel_loop3A_608 = arith.constant 12 : i32
      %parallel_loop3A_609 = vector.broadcast %parallel_loop3A_608 : i32 to vector<16xi32>
      %parallel_loop3A_610 = arith.addi %parallel_loop3A_607, %parallel_loop3A_609 : vector<16xi32>
      %parallel_loop3A_611 = tpu.vector_load_idx %arg12[%parallel_loop3A_610] : memref<2048xf32, #tpu.memory_space<vmem>>[vector<16xi32>], vector<16xf32>,
      %parallel_loop3A_612 = arith.addf %parallel_loop3A_605, %parallel_loop3A_611 : vector<16xf32>
      %parallel_loop3A_613 = vector.broadcast %parallel_loop3A_519 : i32 to vector<16xi32>
      %parallel_loop3A_614 = arith.addi %parallel_loop3A_613, %mul3A_5 : vector<16xi32>
      %parallel_loop3A_615 = arith.constant 13 : i32
      %parallel_loop3A_616 = vector.broadcast %parallel_loop3A_615 : i32 to vector<16xi32>
      %parallel_loop3A_617 = arith.addi %parallel_loop3A_614, %parallel_loop3A_616 : vector<16xi32>
      %parallel_loop3A_618 = tpu.vector_load_idx %arg12[%parallel_loop3A_617] : memref<2048xf32, #tpu.memory_space<vmem>>[vector<16xi32>], vector<16xf32>,
      %parallel_loop3A_619 = arith.addf %parallel_loop3A_612, %parallel_loop3A_618 : vector<16xf32>
      %parallel_loop3A_620 = vector.broadcast %parallel_loop3A_519 : i32 to vector<16xi32>
      %parallel_loop3A_621 = arith.addi %parallel_loop3A_620, %mul3A_5 : vector<16xi32>
      %parallel_loop3A_622 = arith.constant 14 : i32
      %parallel_loop3A_623 = vector.broadcast %parallel_loop3A_622 : i32 to vector<16xi32>
      %parallel_loop3A_624 = arith.addi %parallel_loop3A_621, %parallel_loop3A_623 : vector<16xi32>
      %parallel_loop3A_625 = tpu.vector_load_idx %arg12[%parallel_loop3A_624] : memref<2048xf32, #tpu.memory_space<vmem>>[vector<16xi32>], vector<16xf32>,
      %parallel_loop3A_626 = arith.addf %parallel_loop3A_619, %parallel_loop3A_625 : vector<16xf32>
      %parallel_loop3A_627 = vector.broadcast %parallel_loop3A_519 : i32 to vector<16xi32>
      %parallel_loop3A_628 = arith.addi %parallel_loop3A_627, %mul3A_5 : vector<16xi32>
      %parallel_loop3A_629 = arith.constant 15 : i32
      %parallel_loop3A_630 = vector.broadcast %parallel_loop3A_629 : i32 to vector<16xi32>
      %parallel_loop3A_631 = arith.addi %parallel_loop3A_628, %parallel_loop3A_630 : vector<16xi32>
      %parallel_loop3A_632 = tpu.vector_load_idx %arg12[%parallel_loop3A_631] : memref<2048xf32, #tpu.memory_space<vmem>>[vector<16xi32>], vector<16xf32>,
      %parallel_loop3A_633 = arith.addf %parallel_loop3A_626, %parallel_loop3A_632 : vector<16xf32>
      %parallel_loop3A_634 = arith.constant 16 : i32
      %parallel_loop3A_635 = arith.muli %parallel_loop3A_517, %parallel_loop3A_634 : i32
      %parallel_loop3A_636 = arith.constant 2 : i32
      %parallel_loop3A_637 = arith.index_cast %parallel_loop3A_636 : i32 to index
      %parallel_loop3A_638 = arith.index_cast %parallel_loop3A_635 : i32 to index
      %parallel_loop3A_639 = tpu.vector_load %arg11[%parallel_loop3A_637, %parallel_loop3A_638] {strides = array<i32>} : memref<3x128xf32, #tpu.memory_space<vmem>>, vector<16xf32>,
      tpu.vector_store %arg11[%parallel_loop3A_637, %parallel_loop3A_638], %parallel_loop3A_633 {strides = array<i32>} : memref<3x128xf32, #tpu.memory_space<vmem>>, vector<16xf32>,
    } {sc.loop_unroll_factor = 2 : i64, sc.parallel_access}
    %add3A_355 = arith.constant 256 : i32
    %add3A_356 = arith.addi %mul3A_2, %add3A_355 : i32
    %dma_start3A_357 = arith.constant 2 : i32
    %dma_start3A_358 = arith.constant 0 : i32
    %dma_start3A_359 = arith.constant 0 : i32
    %dma_start3A_360 = tpu.memref_slice %arg10[%dma_start3A_357, %dma_start3A_358, %dma_start3A_359] : memref<3x128x128xf32, #tpu.memory_space<vmem>> -> memref<1x128x128xf32, #tpu.memory_space<vmem>>
    %dma_start3A_361 = tpu.memref_squeeze %dma_start3A_360 : memref<1x128x128xf32, #tpu.memory_space<vmem>> -> memref<128x128xf32, #tpu.memory_space<vmem>>
    %dma_start3A_362 = arith.constant 0 : i32
    %dma_start3A_363 = tpu.memref_slice %arg6[%add3A_356, %dma_start3A_362] : memref<16384x128xf32, #tpu.memory_space<hbm>> -> memref<128x128xf32, #tpu.memory_space<hbm>>
    %dma_start3A_364 = arith.constant 0 : i32
    %dma_start3A_365 = tpu.memref_slice %arg6[%add3A_356, %dma_start3A_364] : memref<16384x128xf32, #tpu.memory_space<hbm>> -> memref<128x128xf32, #tpu.memory_space<hbm>>
    %dma_start3A_366 = arith.constant 0 : i32
    %dma_start3A_367 = arith.constant 0 : i32
    %dma_start3A_368 = tpu.memref_slice %arg10[%dma_start3A_357, %dma_start3A_366, %dma_start3A_367] : memref<3x128x128xf32, #tpu.memory_space<vmem>> -> memref<1x128x128xf32, #tpu.memory_space<vmem>>
    %dma_start3A_369 = tpu.memref_squeeze %dma_start3A_368 : memref<1x128x128xf32, #tpu.memory_space<vmem>> -> memref<128x128xf32, #tpu.memory_space<vmem>>
    tpu.enqueue_dma source(%dma_start3A_369 : memref<128x128xf32, #tpu.memory_space<vmem>>) target(%dma_start3A_365 : memref<128x128xf32, #tpu.memory_space<hbm>>) target_semaphore(%arg24 : memref<!tpu.dma_semaphore, #tpu.memory_space<semaphore_mem>>)
    %dma_start3A_370 = arith.constant 2 : i32
    %dma_start3A_371 = arith.constant 0 : i32
    %dma_start3A_372 = tpu.memref_slice %arg11[%dma_start3A_370, %dma_start3A_371] : memref<3x128xf32, #tpu.memory_space<vmem>> -> memref<1x128xf32, #tpu.memory_space<vmem>>
    %dma_start3A_373 = tpu.memref_squeeze %dma_start3A_372 : memref<1x128xf32, #tpu.memory_space<vmem>> -> memref<128xf32, #tpu.memory_space<vmem>>
    %dma_start3A_374 = tpu.memref_slice %arg5[%add3A_356] : memref<16384xf32, #tpu.memory_space<hbm>> -> memref<128xf32, #tpu.memory_space<hbm>>
    %dma_start3A_375 = tpu.memref_slice %arg5[%add3A_356] : memref<16384xf32, #tpu.memory_space<hbm>> -> memref<128xf32, #tpu.memory_space<hbm>>
    %dma_start3A_376 = arith.constant 0 : i32
    %dma_start3A_377 = tpu.memref_slice %arg11[%dma_start3A_370, %dma_start3A_376] : memref<3x128xf32, #tpu.memory_space<vmem>> -> memref<1x128xf32, #tpu.memory_space<vmem>>
    %dma_start3A_378 = tpu.memref_squeeze %dma_start3A_377 : memref<1x128xf32, #tpu.memory_space<vmem>> -> memref<128xf32, #tpu.memory_space<vmem>>
    tpu.enqueue_dma source(%dma_start3A_378 : memref<128xf32, #tpu.memory_space<vmem>>) target(%dma_start3A_375 : memref<128xf32, #tpu.memory_space<hbm>>) target_semaphore(%arg24 : memref<!tpu.dma_semaphore, #tpu.memory_space<semaphore_mem>>)
    %add3A_379 = arith.constant 0 : i32
    %add3A_380 = arith.addi %mul3A_2, %add3A_379 : i32
    %dma_wait3A_381 = arith.constant 0 : i32
    %dma_wait3A_382 = arith.constant 0 : i32
    %dma_wait3A_383 = arith.constant 0 : i32
    %dma_wait3A_384 = tpu.memref_slice %arg10[%dma_wait3A_381, %dma_wait3A_382, %dma_wait3A_383] : memref<3x128x128xf32, #tpu.memory_space<vmem>> -> memref<1x128x128xf32, #tpu.memory_space<vmem>>
    %dma_wait3A_385 = tpu.memref_squeeze %dma_wait3A_384 : memref<1x128x128xf32, #tpu.memory_space<vmem>> -> memref<128x128xf32, #tpu.memory_space<vmem>>
    %dma_wait3A_386 = arith.constant 0 : i32
    %dma_wait3A_387 = tpu.memref_slice %arg6[%add3A_380, %dma_wait3A_386] : memref<16384x128xf32, #tpu.memory_space<hbm>> -> memref<128x128xf32, #tpu.memory_space<hbm>>
    %dma_wait3A_388 = arith.constant 0 : i32
    %dma_wait3A_389 = tpu.memref_slice %arg6[%add3A_380, %dma_wait3A_388] : memref<16384x128xf32, #tpu.memory_space<hbm>> -> memref<128x128xf32, #tpu.memory_space<hbm>>
    %dma_wait3A_390 = arith.constant 0 : i32
    %dma_wait3A_391 = arith.constant 0 : i32
    %dma_wait3A_392 = tpu.memref_slice %arg10[%dma_wait3A_381, %dma_wait3A_390, %dma_wait3A_391] : memref<3x128x128xf32, #tpu.memory_space<vmem>> -> memref<1x128x128xf32, #tpu.memory_space<vmem>>
    %dma_wait3A_393 = tpu.memref_squeeze %dma_wait3A_392 : memref<1x128x128xf32, #tpu.memory_space<vmem>> -> memref<128x128xf32, #tpu.memory_space<vmem>>
    tpu.wait_dma2 semaphore(%arg22 : memref<!tpu.dma_semaphore, #tpu.memory_space<semaphore_mem>>) src(%dma_wait3A_393 : memref<128x128xf32, #tpu.memory_space<vmem>>) dst(%dma_wait3A_389 : memref<128x128xf32, #tpu.memory_space<hbm>>)
    %dma_wait3A_394 = arith.constant 0 : i32
    %dma_wait3A_395 = arith.constant 0 : i32
    %dma_wait3A_396 = tpu.memref_slice %arg11[%dma_wait3A_394, %dma_wait3A_395] : memref<3x128xf32, #tpu.memory_space<vmem>> -> memref<1x128xf32, #tpu.memory_space<vmem>>
    %dma_wait3A_397 = tpu.memref_squeeze %dma_wait3A_396 : memref<1x128xf32, #tpu.memory_space<vmem>> -> memref<128xf32, #tpu.memory_space<vmem>>
    %dma_wait3A_398 = tpu.memref_slice %arg5[%add3A_380] : memref<16384xf32, #tpu.memory_space<hbm>> -> memref<128xf32, #tpu.memory_space<hbm>>
    %dma_wait3A_399 = tpu.memref_slice %arg5[%add3A_380] : memref<16384xf32, #tpu.memory_space<hbm>> -> memref<128xf32, #tpu.memory_space<hbm>>
    %dma_wait3A_400 = arith.constant 0 : i32
    %dma_wait3A_401 = tpu.memref_slice %arg11[%dma_wait3A_394, %dma_wait3A_400] : memref<3x128xf32, #tpu.memory_space<vmem>> -> memref<1x128xf32, #tpu.memory_space<vmem>>
    %dma_wait3A_402 = tpu.memref_squeeze %dma_wait3A_401 : memref<1x128xf32, #tpu.memory_space<vmem>> -> memref<128xf32, #tpu.memory_space<vmem>>
    tpu.wait_dma2 semaphore(%arg22 : memref<!tpu.dma_semaphore, #tpu.memory_space<semaphore_mem>>) src(%dma_wait3A_402 : memref<128xf32, #tpu.memory_space<vmem>>) dst(%dma_wait3A_399 : memref<128xf32, #tpu.memory_space<hbm>>)
    %dma_wait3A_403 = arith.constant 0 : i32
    %dma_wait3A_404 = arith.constant 0 : i32
    %dma_wait3A_405 = arith.constant 0 : i32
    %dma_wait3A_406 = arith.constant 0 : i32
    %dma_wait3A_407 = tpu.memref_slice %arg9[%dma_wait3A_404, %dma_wait3A_405, %dma_wait3A_406] : memref<3x128x128xf32, #tpu.memory_space<vmem>> -> memref<1x128x128xf32, #tpu.memory_space<vmem>>
    %dma_wait3A_408 = tpu.memref_squeeze %dma_wait3A_407 : memref<1x128x128xf32, #tpu.memory_space<vmem>> -> memref<128x128xf32, #tpu.memory_space<vmem>>
    %dma_wait3A_409 = arith.constant 0 : i32
    %dma_wait3A_410 = tpu.memref_slice %arg8[%dma_wait3A_403, %dma_wait3A_409] : memref<3x128xi32, #tpu.memory_space<vmem>> -> memref<1x128xi32, #tpu.memory_space<vmem>>
    %dma_wait3A_411 = tpu.memref_squeeze %dma_wait3A_410 : memref<1x128xi32, #tpu.memory_space<vmem>> -> memref<128xi32, #tpu.memory_space<vmem>>
    %dma_wait3A_412 = arith.constant 0 : i32
    %dma_wait3A_413 = arith.constant 0 : i32
    %dma_wait3A_414 = tpu.memref_slice %arg7[%dma_wait3A_412, %dma_wait3A_413] : memref<1024x128xf32, #tpu.memory_space<vmem_shared>> -> memref<1024x128xf32, #tpu.memory_space<vmem_shared>>
    tpu.wait_indirect_dma semaphore(%arg19 : memref<!tpu.dma_semaphore, #tpu.memory_space<semaphore_mem>>) src(%dma_wait3A_414 : memref<1024x128xf32, #tpu.memory_space<vmem_shared>>) dst(%dma_wait3A_408 : memref<128x128xf32, #tpu.memory_space<vmem>>)
    %parallel_loop3A_415 = arith.constant 0 : i32
    %parallel_loop3A_416 = arith.constant 128 : i32
    %parallel_loop3A_417 = arith.constant 1 : i32
    scf.for %parallel_loop3A_517 = %parallel_loop3A_415 to %parallel_loop3A_416 step %parallel_loop3A_417  : i32 {
      %parallel_loop3A_518 = arith.constant 0.000000e+00 : f32
      %parallel_loop3A_519 = vector.broadcast %parallel_loop3A_518 : f32 to vector<16xf32>
      %parallel_loop3A_520 = arith.constant 0.000000e+00 : f32
      %parallel_loop3A_521 = vector.broadcast %parallel_loop3A_520 : f32 to vector<16xf32>
      %parallel_loop3A_522 = arith.constant 0 : i32
      %parallel_loop3A_523 = arith.index_cast %parallel_loop3A_522 : i32 to index
      %parallel_loop3A_524 = arith.index_cast %parallel_loop3A_517 : i32 to index
      %parallel_loop3A_525 = arith.constant 0 : index
      %parallel_loop3A_526 = tpu.vector_load %arg9[%parallel_loop3A_523, %parallel_loop3A_524, %parallel_loop3A_525] {strides = array<i32>} : memref<3x128x128xf32, #tpu.memory_space<vmem>>, vector<16xf32>,
      %parallel_loop3A_527 = arith.mulf %parallel_loop3A_526, %parallel_loop3A_526 : vector<16xf32>
      %parallel_loop3A_528 = arith.constant 5.000000e-01 : f32
      %parallel_loop3A_529 = vector.broadcast %parallel_loop3A_528 : f32 to vector<16xf32>
      %parallel_loop3A_530 = arith.mulf %parallel_loop3A_529, %parallel_loop3A_527 : vector<16xf32>
      %parallel_loop3A_531 = arith.constant 0.918938517 : f32
      %parallel_loop3A_532 = vector.broadcast %parallel_loop3A_531 : f32 to vector<16xf32>
      %parallel_loop3A_533 = arith.addf %parallel_loop3A_530, %parallel_loop3A_532 : vector<16xf32>
      %parallel_loop3A_534 = arith.addf %parallel_loop3A_519, %parallel_loop3A_533 : vector<16xf32>
      %parallel_loop3A_535 = arith.constant 0 : i32
      %parallel_loop3A_536 = arith.index_cast %parallel_loop3A_535 : i32 to index
      %parallel_loop3A_537 = arith.index_cast %parallel_loop3A_517 : i32 to index
      %parallel_loop3A_538 = arith.constant 0 : index
      %parallel_loop3A_539 = tpu.vector_load %arg10[%parallel_loop3A_536, %parallel_loop3A_537, %parallel_loop3A_538] {strides = array<i32>} : memref<3x128x128xf32, #tpu.memory_space<vmem>>, vector<16xf32>,
      tpu.vector_store %arg10[%parallel_loop3A_536, %parallel_loop3A_537, %parallel_loop3A_538], %parallel_loop3A_533 {strides = array<i32>} : memref<3x128x128xf32, #tpu.memory_space<vmem>>, vector<16xf32>,
      %parallel_loop3A_540 = arith.constant 0 : i32
      %parallel_loop3A_541 = arith.index_cast %parallel_loop3A_540 : i32 to index
      %parallel_loop3A_542 = arith.index_cast %parallel_loop3A_517 : i32 to index
      %parallel_loop3A_543 = arith.constant 16 : index
      %parallel_loop3A_544 = tpu.vector_load %arg9[%parallel_loop3A_541, %parallel_loop3A_542, %parallel_loop3A_543] {strides = array<i32>} : memref<3x128x128xf32, #tpu.memory_space<vmem>>, vector<16xf32>,
      %parallel_loop3A_545 = arith.mulf %parallel_loop3A_544, %parallel_loop3A_544 : vector<16xf32>
      %parallel_loop3A_546 = arith.constant 5.000000e-01 : f32
      %parallel_loop3A_547 = vector.broadcast %parallel_loop3A_546 : f32 to vector<16xf32>
      %parallel_loop3A_548 = arith.mulf %parallel_loop3A_547, %parallel_loop3A_545 : vector<16xf32>
      %parallel_loop3A_549 = arith.constant 0.918938517 : f32
      %parallel_loop3A_550 = vector.broadcast %parallel_loop3A_549 : f32 to vector<16xf32>
      %parallel_loop3A_551 = arith.addf %parallel_loop3A_548, %parallel_loop3A_550 : vector<16xf32>
      %parallel_loop3A_552 = arith.addf %parallel_loop3A_521, %parallel_loop3A_551 : vector<16xf32>
      %parallel_loop3A_553 = arith.constant 0 : i32
      %parallel_loop3A_554 = arith.index_cast %parallel_loop3A_553 : i32 to index
      %parallel_loop3A_555 = arith.index_cast %parallel_loop3A_517 : i32 to index
      %parallel_loop3A_556 = arith.constant 16 : index
      %parallel_loop3A_557 = tpu.vector_load %arg10[%parallel_loop3A_554, %parallel_loop3A_555, %parallel_loop3A_556] {strides = array<i32>} : memref<3x128x128xf32, #tpu.memory_space<vmem>>, vector<16xf32>,
      tpu.vector_store %arg10[%parallel_loop3A_554, %parallel_loop3A_555, %parallel_loop3A_556], %parallel_loop3A_551 {strides = array<i32>} : memref<3x128x128xf32, #tpu.memory_space<vmem>>, vector<16xf32>,
      %parallel_loop3A_558 = arith.constant 0 : i32
      %parallel_loop3A_559 = arith.index_cast %parallel_loop3A_558 : i32 to index
      %parallel_loop3A_560 = arith.index_cast %parallel_loop3A_517 : i32 to index
      %parallel_loop3A_561 = arith.constant 32 : index
      %parallel_loop3A_562 = tpu.vector_load %arg9[%parallel_loop3A_559, %parallel_loop3A_560, %parallel_loop3A_561] {strides = array<i32>} : memref<3x128x128xf32, #tpu.memory_space<vmem>>, vector<16xf32>,
      %parallel_loop3A_563 = arith.mulf %parallel_loop3A_562, %parallel_loop3A_562 : vector<16xf32>
      %parallel_loop3A_564 = arith.constant 5.000000e-01 : f32
      %parallel_loop3A_565 = vector.broadcast %parallel_loop3A_564 : f32 to vector<16xf32>
      %parallel_loop3A_566 = arith.mulf %parallel_loop3A_565, %parallel_loop3A_563 : vector<16xf32>
      %parallel_loop3A_567 = arith.constant 0.918938517 : f32
      %parallel_loop3A_568 = vector.broadcast %parallel_loop3A_567 : f32 to vector<16xf32>
      %parallel_loop3A_569 = arith.addf %parallel_loop3A_566, %parallel_loop3A_568 : vector<16xf32>
      %parallel_loop3A_570 = arith.addf %parallel_loop3A_534, %parallel_loop3A_569 : vector<16xf32>
      %parallel_loop3A_571 = arith.constant 0 : i32
      %parallel_loop3A_572 = arith.index_cast %parallel_loop3A_571 : i32 to index
      %parallel_loop3A_573 = arith.index_cast %parallel_loop3A_517 : i32 to index
      %parallel_loop3A_574 = arith.constant 32 : index
      %parallel_loop3A_575 = tpu.vector_load %arg10[%parallel_loop3A_572, %parallel_loop3A_573, %parallel_loop3A_574] {strides = array<i32>} : memref<3x128x128xf32, #tpu.memory_space<vmem>>, vector<16xf32>,
      tpu.vector_store %arg10[%parallel_loop3A_572, %parallel_loop3A_573, %parallel_loop3A_574], %parallel_loop3A_569 {strides = array<i32>} : memref<3x128x128xf32, #tpu.memory_space<vmem>>, vector<16xf32>,
      %parallel_loop3A_576 = arith.constant 0 : i32
      %parallel_loop3A_577 = arith.index_cast %parallel_loop3A_576 : i32 to index
      %parallel_loop3A_578 = arith.index_cast %parallel_loop3A_517 : i32 to index
      %parallel_loop3A_579 = arith.constant 48 : index
      %parallel_loop3A_580 = tpu.vector_load %arg9[%parallel_loop3A_577, %parallel_loop3A_578, %parallel_loop3A_579] {strides = array<i32>} : memref<3x128x128xf32, #tpu.memory_space<vmem>>, vector<16xf32>,
      %parallel_loop3A_581 = arith.mulf %parallel_loop3A_580, %parallel_loop3A_580 : vector<16xf32>
      %parallel_loop3A_582 = arith.constant 5.000000e-01 : f32
      %parallel_loop3A_583 = vector.broadcast %parallel_loop3A_582 : f32 to vector<16xf32>
      %parallel_loop3A_584 = arith.mulf %parallel_loop3A_583, %parallel_loop3A_581 : vector<16xf32>
      %parallel_loop3A_585 = arith.constant 0.918938517 : f32
      %parallel_loop3A_586 = vector.broadcast %parallel_loop3A_585 : f32 to vector<16xf32>
      %parallel_loop3A_587 = arith.addf %parallel_loop3A_584, %parallel_loop3A_586 : vector<16xf32>
      %parallel_loop3A_588 = arith.addf %parallel_loop3A_552, %parallel_loop3A_587 : vector<16xf32>
      %parallel_loop3A_589 = arith.constant 0 : i32
      %parallel_loop3A_590 = arith.index_cast %parallel_loop3A_589 : i32 to index
      %parallel_loop3A_591 = arith.index_cast %parallel_loop3A_517 : i32 to index
      %parallel_loop3A_592 = arith.constant 48 : index
      %parallel_loop3A_593 = tpu.vector_load %arg10[%parallel_loop3A_590, %parallel_loop3A_591, %parallel_loop3A_592] {strides = array<i32>} : memref<3x128x128xf32, #tpu.memory_space<vmem>>, vector<16xf32>,
      tpu.vector_store %arg10[%parallel_loop3A_590, %parallel_loop3A_591, %parallel_loop3A_592], %parallel_loop3A_587 {strides = array<i32>} : memref<3x128x128xf32, #tpu.memory_space<vmem>>, vector<16xf32>,
      %parallel_loop3A_594 = arith.constant 0 : i32
      %parallel_loop3A_595 = arith.index_cast %parallel_loop3A_594 : i32 to index
      %parallel_loop3A_596 = arith.index_cast %parallel_loop3A_517 : i32 to index
      %parallel_loop3A_597 = arith.constant 64 : index
      %parallel_loop3A_598 = tpu.vector_load %arg9[%parallel_loop3A_595, %parallel_loop3A_596, %parallel_loop3A_597] {strides = array<i32>} : memref<3x128x128xf32, #tpu.memory_space<vmem>>, vector<16xf32>,
      %parallel_loop3A_599 = arith.mulf %parallel_loop3A_598, %parallel_loop3A_598 : vector<16xf32>
      %parallel_loop3A_600 = arith.constant 5.000000e-01 : f32
      %parallel_loop3A_601 = vector.broadcast %parallel_loop3A_600 : f32 to vector<16xf32>
      %parallel_loop3A_602 = arith.mulf %parallel_loop3A_601, %parallel_loop3A_599 : vector<16xf32>
      %parallel_loop3A_603 = arith.constant 0.918938517 : f32
      %parallel_loop3A_604 = vector.broadcast %parallel_loop3A_603 : f32 to vector<16xf32>
      %parallel_loop3A_605 = arith.addf %parallel_loop3A_602, %parallel_loop3A_604 : vector<16xf32>
      %parallel_loop3A_606 = arith.addf %parallel_loop3A_570, %parallel_loop3A_605 : vector<16xf32>
      %parallel_loop3A_607 = arith.constant 0 : i32
      %parallel_loop3A_608 = arith.index_cast %parallel_loop3A_607 : i32 to index
      %parallel_loop3A_609 = arith.index_cast %parallel_loop3A_517 : i32 to index
      %parallel_loop3A_610 = arith.constant 64 : index
      %parallel_loop3A_611 = tpu.vector_load %arg10[%parallel_loop3A_608, %parallel_loop3A_609, %parallel_loop3A_610] {strides = array<i32>} : memref<3x128x128xf32, #tpu.memory_space<vmem>>, vector<16xf32>,
      tpu.vector_store %arg10[%parallel_loop3A_608, %parallel_loop3A_609, %parallel_loop3A_610], %parallel_loop3A_605 {strides = array<i32>} : memref<3x128x128xf32, #tpu.memory_space<vmem>>, vector<16xf32>,
      %parallel_loop3A_612 = arith.constant 0 : i32
      %parallel_loop3A_613 = arith.index_cast %parallel_loop3A_612 : i32 to index
      %parallel_loop3A_614 = arith.index_cast %parallel_loop3A_517 : i32 to index
      %parallel_loop3A_615 = arith.constant 80 : index
      %parallel_loop3A_616 = tpu.vector_load %arg9[%parallel_loop3A_613, %parallel_loop3A_614, %parallel_loop3A_615] {strides = array<i32>} : memref<3x128x128xf32, #tpu.memory_space<vmem>>, vector<16xf32>,
      %parallel_loop3A_617 = arith.mulf %parallel_loop3A_616, %parallel_loop3A_616 : vector<16xf32>
      %parallel_loop3A_618 = arith.constant 5.000000e-01 : f32
      %parallel_loop3A_619 = vector.broadcast %parallel_loop3A_618 : f32 to vector<16xf32>
      %parallel_loop3A_620 = arith.mulf %parallel_loop3A_619, %parallel_loop3A_617 : vector<16xf32>
      %parallel_loop3A_621 = arith.constant 0.918938517 : f32
      %parallel_loop3A_622 = vector.broadcast %parallel_loop3A_621 : f32 to vector<16xf32>
      %parallel_loop3A_623 = arith.addf %parallel_loop3A_620, %parallel_loop3A_622 : vector<16xf32>
      %parallel_loop3A_624 = arith.addf %parallel_loop3A_588, %parallel_loop3A_623 : vector<16xf32>
      %parallel_loop3A_625 = arith.constant 0 : i32
      %parallel_loop3A_626 = arith.index_cast %parallel_loop3A_625 : i32 to index
      %parallel_loop3A_627 = arith.index_cast %parallel_loop3A_517 : i32 to index
      %parallel_loop3A_628 = arith.constant 80 : index
      %parallel_loop3A_629 = tpu.vector_load %arg10[%parallel_loop3A_626, %parallel_loop3A_627, %parallel_loop3A_628] {strides = array<i32>} : memref<3x128x128xf32, #tpu.memory_space<vmem>>, vector<16xf32>,
      tpu.vector_store %arg10[%parallel_loop3A_626, %parallel_loop3A_627, %parallel_loop3A_628], %parallel_loop3A_623 {strides = array<i32>} : memref<3x128x128xf32, #tpu.memory_space<vmem>>, vector<16xf32>,
      %parallel_loop3A_630 = arith.constant 0 : i32
      %parallel_loop3A_631 = arith.index_cast %parallel_loop3A_630 : i32 to index
      %parallel_loop3A_632 = arith.index_cast %parallel_loop3A_517 : i32 to index
      %parallel_loop3A_633 = arith.constant 96 : index
      %parallel_loop3A_634 = tpu.vector_load %arg9[%parallel_loop3A_631, %parallel_loop3A_632, %parallel_loop3A_633] {strides = array<i32>} : memref<3x128x128xf32, #tpu.memory_space<vmem>>, vector<16xf32>,
      %parallel_loop3A_635 = arith.mulf %parallel_loop3A_634, %parallel_loop3A_634 : vector<16xf32>
      %parallel_loop3A_636 = arith.constant 5.000000e-01 : f32
      %parallel_loop3A_637 = vector.broadcast %parallel_loop3A_636 : f32 to vector<16xf32>
      %parallel_loop3A_638 = arith.mulf %parallel_loop3A_637, %parallel_loop3A_635 : vector<16xf32>
      %parallel_loop3A_639 = arith.constant 0.918938517 : f32
      %parallel_loop3A_640 = vector.broadcast %parallel_loop3A_639 : f32 to vector<16xf32>
      %parallel_loop3A_641 = arith.addf %parallel_loop3A_638, %parallel_loop3A_640 : vector<16xf32>
      %parallel_loop3A_642 = arith.addf %parallel_loop3A_606, %parallel_loop3A_641 : vector<16xf32>
      %parallel_loop3A_643 = arith.constant 0 : i32
      %parallel_loop3A_644 = arith.index_cast %parallel_loop3A_643 : i32 to index
      %parallel_loop3A_645 = arith.index_cast %parallel_loop3A_517 : i32 to index
      %parallel_loop3A_646 = arith.constant 96 : index
      %parallel_loop3A_647 = tpu.vector_load %arg10[%parallel_loop3A_644, %parallel_loop3A_645, %parallel_loop3A_646] {strides = array<i32>} : memref<3x128x128xf32, #tpu.memory_space<vmem>>, vector<16xf32>,
      tpu.vector_store %arg10[%parallel_loop3A_644, %parallel_loop3A_645, %parallel_loop3A_646], %parallel_loop3A_641 {strides = array<i32>} : memref<3x128x128xf32, #tpu.memory_space<vmem>>, vector<16xf32>,
      %parallel_loop3A_648 = arith.constant 0 : i32
      %parallel_loop3A_649 = arith.index_cast %parallel_loop3A_648 : i32 to index
      %parallel_loop3A_650 = arith.index_cast %parallel_loop3A_517 : i32 to index
      %parallel_loop3A_651 = arith.constant 112 : index
      %parallel_loop3A_652 = tpu.vector_load %arg9[%parallel_loop3A_649, %parallel_loop3A_650, %parallel_loop3A_651] {strides = array<i32>} : memref<3x128x128xf32, #tpu.memory_space<vmem>>, vector<16xf32>,
      %parallel_loop3A_653 = arith.mulf %parallel_loop3A_652, %parallel_loop3A_652 : vector<16xf32>
      %parallel_loop3A_654 = arith.constant 5.000000e-01 : f32
      %parallel_loop3A_655 = vector.broadcast %parallel_loop3A_654 : f32 to vector<16xf32>
      %parallel_loop3A_656 = arith.mulf %parallel_loop3A_655, %parallel_loop3A_653 : vector<16xf32>
      %parallel_loop3A_657 = arith.constant 0.918938517 : f32
      %parallel_loop3A_658 = vector.broadcast %parallel_loop3A_657 : f32 to vector<16xf32>
      %parallel_loop3A_659 = arith.addf %parallel_loop3A_656, %parallel_loop3A_658 : vector<16xf32>
      %parallel_loop3A_660 = arith.addf %parallel_loop3A_624, %parallel_loop3A_659 : vector<16xf32>
      %parallel_loop3A_661 = arith.constant 0 : i32
      %parallel_loop3A_662 = arith.index_cast %parallel_loop3A_661 : i32 to index
      %parallel_loop3A_663 = arith.index_cast %parallel_loop3A_517 : i32 to index
      %parallel_loop3A_664 = arith.constant 112 : index
      %parallel_loop3A_665 = tpu.vector_load %arg10[%parallel_loop3A_662, %parallel_loop3A_663, %parallel_loop3A_664] {strides = array<i32>} : memref<3x128x128xf32, #tpu.memory_space<vmem>>, vector<16xf32>,
      tpu.vector_store %arg10[%parallel_loop3A_662, %parallel_loop3A_663, %parallel_loop3A_664], %parallel_loop3A_659 {strides = array<i32>} : memref<3x128x128xf32, #tpu.memory_space<vmem>>, vector<16xf32>,
      %parallel_loop3A_666 = arith.addf %parallel_loop3A_642, %parallel_loop3A_660 : vector<16xf32>
      %parallel_loop3A_667 = arith.constant 16 : i32
      %parallel_loop3A_668 = arith.muli %parallel_loop3A_517, %parallel_loop3A_667 : i32
      %parallel_loop3A_669 = arith.index_cast %parallel_loop3A_668 : i32 to index
      %parallel_loop3A_670 = tpu.vector_load %arg12[%parallel_loop3A_669] {strides = array<i32>} : memref<2048xf32, #tpu.memory_space<vmem>>, vector<16xf32>,
      tpu.vector_store %arg12[%parallel_loop3A_669], %parallel_loop3A_666 {strides = array<i32>} : memref<2048xf32, #tpu.memory_space<vmem>>, vector<16xf32>,
    } {sc.loop_unroll_factor = 4 : i64, sc.parallel_access}
    %parallel_loop3A_418 = arith.constant 0 : i32
    %parallel_loop3A_419 = arith.constant 8 : i32
    %parallel_loop3A_420 = arith.constant 1 : i32
    scf.for %parallel_loop3A_517 = %parallel_loop3A_418 to %parallel_loop3A_419 step %parallel_loop3A_420  : i32 {
      %parallel_loop3A_518 = arith.constant 256 : i32
      %parallel_loop3A_519 = arith.muli %parallel_loop3A_517, %parallel_loop3A_518 : i32
      %parallel_loop3A_520 = arith.constant 0.000000e+00 : f32
      %parallel_loop3A_521 = vector.broadcast %parallel_loop3A_520 : f32 to vector<16xf32>
      %parallel_loop3A_522 = vector.broadcast %parallel_loop3A_519 : i32 to vector<16xi32>
      %parallel_loop3A_523 = arith.addi %parallel_loop3A_522, %mul3A_5 : vector<16xi32>
      %parallel_loop3A_524 = arith.constant 0 : i32
      %parallel_loop3A_525 = vector.broadcast %parallel_loop3A_524 : i32 to vector<16xi32>
      %parallel_loop3A_526 = arith.addi %parallel_loop3A_523, %parallel_loop3A_525 : vector<16xi32>
      %parallel_loop3A_527 = tpu.vector_load_idx %arg12[%parallel_loop3A_526] : memref<2048xf32, #tpu.memory_space<vmem>>[vector<16xi32>], vector<16xf32>,
      %parallel_loop3A_528 = arith.addf %parallel_loop3A_521, %parallel_loop3A_527 : vector<16xf32>
      %parallel_loop3A_529 = vector.broadcast %parallel_loop3A_519 : i32 to vector<16xi32>
      %parallel_loop3A_530 = arith.addi %parallel_loop3A_529, %mul3A_5 : vector<16xi32>
      %parallel_loop3A_531 = arith.constant 1 : i32
      %parallel_loop3A_532 = vector.broadcast %parallel_loop3A_531 : i32 to vector<16xi32>
      %parallel_loop3A_533 = arith.addi %parallel_loop3A_530, %parallel_loop3A_532 : vector<16xi32>
      %parallel_loop3A_534 = tpu.vector_load_idx %arg12[%parallel_loop3A_533] : memref<2048xf32, #tpu.memory_space<vmem>>[vector<16xi32>], vector<16xf32>,
      %parallel_loop3A_535 = arith.addf %parallel_loop3A_528, %parallel_loop3A_534 : vector<16xf32>
      %parallel_loop3A_536 = vector.broadcast %parallel_loop3A_519 : i32 to vector<16xi32>
      %parallel_loop3A_537 = arith.addi %parallel_loop3A_536, %mul3A_5 : vector<16xi32>
      %parallel_loop3A_538 = arith.constant 2 : i32
      %parallel_loop3A_539 = vector.broadcast %parallel_loop3A_538 : i32 to vector<16xi32>
      %parallel_loop3A_540 = arith.addi %parallel_loop3A_537, %parallel_loop3A_539 : vector<16xi32>
      %parallel_loop3A_541 = tpu.vector_load_idx %arg12[%parallel_loop3A_540] : memref<2048xf32, #tpu.memory_space<vmem>>[vector<16xi32>], vector<16xf32>,
      %parallel_loop3A_542 = arith.addf %parallel_loop3A_535, %parallel_loop3A_541 : vector<16xf32>
      %parallel_loop3A_543 = vector.broadcast %parallel_loop3A_519 : i32 to vector<16xi32>
      %parallel_loop3A_544 = arith.addi %parallel_loop3A_543, %mul3A_5 : vector<16xi32>
      %parallel_loop3A_545 = arith.constant 3 : i32
      %parallel_loop3A_546 = vector.broadcast %parallel_loop3A_545 : i32 to vector<16xi32>
      %parallel_loop3A_547 = arith.addi %parallel_loop3A_544, %parallel_loop3A_546 : vector<16xi32>
      %parallel_loop3A_548 = tpu.vector_load_idx %arg12[%parallel_loop3A_547] : memref<2048xf32, #tpu.memory_space<vmem>>[vector<16xi32>], vector<16xf32>,
      %parallel_loop3A_549 = arith.addf %parallel_loop3A_542, %parallel_loop3A_548 : vector<16xf32>
      %parallel_loop3A_550 = vector.broadcast %parallel_loop3A_519 : i32 to vector<16xi32>
      %parallel_loop3A_551 = arith.addi %parallel_loop3A_550, %mul3A_5 : vector<16xi32>
      %parallel_loop3A_552 = arith.constant 4 : i32
      %parallel_loop3A_553 = vector.broadcast %parallel_loop3A_552 : i32 to vector<16xi32>
      %parallel_loop3A_554 = arith.addi %parallel_loop3A_551, %parallel_loop3A_553 : vector<16xi32>
      %parallel_loop3A_555 = tpu.vector_load_idx %arg12[%parallel_loop3A_554] : memref<2048xf32, #tpu.memory_space<vmem>>[vector<16xi32>], vector<16xf32>,
      %parallel_loop3A_556 = arith.addf %parallel_loop3A_549, %parallel_loop3A_555 : vector<16xf32>
      %parallel_loop3A_557 = vector.broadcast %parallel_loop3A_519 : i32 to vector<16xi32>
      %parallel_loop3A_558 = arith.addi %parallel_loop3A_557, %mul3A_5 : vector<16xi32>
      %parallel_loop3A_559 = arith.constant 5 : i32
      %parallel_loop3A_560 = vector.broadcast %parallel_loop3A_559 : i32 to vector<16xi32>
      %parallel_loop3A_561 = arith.addi %parallel_loop3A_558, %parallel_loop3A_560 : vector<16xi32>
      %parallel_loop3A_562 = tpu.vector_load_idx %arg12[%parallel_loop3A_561] : memref<2048xf32, #tpu.memory_space<vmem>>[vector<16xi32>], vector<16xf32>,
      %parallel_loop3A_563 = arith.addf %parallel_loop3A_556, %parallel_loop3A_562 : vector<16xf32>
      %parallel_loop3A_564 = vector.broadcast %parallel_loop3A_519 : i32 to vector<16xi32>
      %parallel_loop3A_565 = arith.addi %parallel_loop3A_564, %mul3A_5 : vector<16xi32>
      %parallel_loop3A_566 = arith.constant 6 : i32
      %parallel_loop3A_567 = vector.broadcast %parallel_loop3A_566 : i32 to vector<16xi32>
      %parallel_loop3A_568 = arith.addi %parallel_loop3A_565, %parallel_loop3A_567 : vector<16xi32>
      %parallel_loop3A_569 = tpu.vector_load_idx %arg12[%parallel_loop3A_568] : memref<2048xf32, #tpu.memory_space<vmem>>[vector<16xi32>], vector<16xf32>,
      %parallel_loop3A_570 = arith.addf %parallel_loop3A_563, %parallel_loop3A_569 : vector<16xf32>
      %parallel_loop3A_571 = vector.broadcast %parallel_loop3A_519 : i32 to vector<16xi32>
      %parallel_loop3A_572 = arith.addi %parallel_loop3A_571, %mul3A_5 : vector<16xi32>
      %parallel_loop3A_573 = arith.constant 7 : i32
      %parallel_loop3A_574 = vector.broadcast %parallel_loop3A_573 : i32 to vector<16xi32>
      %parallel_loop3A_575 = arith.addi %parallel_loop3A_572, %parallel_loop3A_574 : vector<16xi32>
      %parallel_loop3A_576 = tpu.vector_load_idx %arg12[%parallel_loop3A_575] : memref<2048xf32, #tpu.memory_space<vmem>>[vector<16xi32>], vector<16xf32>,
      %parallel_loop3A_577 = arith.addf %parallel_loop3A_570, %parallel_loop3A_576 : vector<16xf32>
      %parallel_loop3A_578 = vector.broadcast %parallel_loop3A_519 : i32 to vector<16xi32>
      %parallel_loop3A_579 = arith.addi %parallel_loop3A_578, %mul3A_5 : vector<16xi32>
      %parallel_loop3A_580 = arith.constant 8 : i32
      %parallel_loop3A_581 = vector.broadcast %parallel_loop3A_580 : i32 to vector<16xi32>
      %parallel_loop3A_582 = arith.addi %parallel_loop3A_579, %parallel_loop3A_581 : vector<16xi32>
      %parallel_loop3A_583 = tpu.vector_load_idx %arg12[%parallel_loop3A_582] : memref<2048xf32, #tpu.memory_space<vmem>>[vector<16xi32>], vector<16xf32>,
      %parallel_loop3A_584 = arith.addf %parallel_loop3A_577, %parallel_loop3A_583 : vector<16xf32>
      %parallel_loop3A_585 = vector.broadcast %parallel_loop3A_519 : i32 to vector<16xi32>
      %parallel_loop3A_586 = arith.addi %parallel_loop3A_585, %mul3A_5 : vector<16xi32>
      %parallel_loop3A_587 = arith.constant 9 : i32
      %parallel_loop3A_588 = vector.broadcast %parallel_loop3A_587 : i32 to vector<16xi32>
      %parallel_loop3A_589 = arith.addi %parallel_loop3A_586, %parallel_loop3A_588 : vector<16xi32>
      %parallel_loop3A_590 = tpu.vector_load_idx %arg12[%parallel_loop3A_589] : memref<2048xf32, #tpu.memory_space<vmem>>[vector<16xi32>], vector<16xf32>,
      %parallel_loop3A_591 = arith.addf %parallel_loop3A_584, %parallel_loop3A_590 : vector<16xf32>
      %parallel_loop3A_592 = vector.broadcast %parallel_loop3A_519 : i32 to vector<16xi32>
      %parallel_loop3A_593 = arith.addi %parallel_loop3A_592, %mul3A_5 : vector<16xi32>
      %parallel_loop3A_594 = arith.constant 10 : i32
      %parallel_loop3A_595 = vector.broadcast %parallel_loop3A_594 : i32 to vector<16xi32>
      %parallel_loop3A_596 = arith.addi %parallel_loop3A_593, %parallel_loop3A_595 : vector<16xi32>
      %parallel_loop3A_597 = tpu.vector_load_idx %arg12[%parallel_loop3A_596] : memref<2048xf32, #tpu.memory_space<vmem>>[vector<16xi32>], vector<16xf32>,
      %parallel_loop3A_598 = arith.addf %parallel_loop3A_591, %parallel_loop3A_597 : vector<16xf32>
      %parallel_loop3A_599 = vector.broadcast %parallel_loop3A_519 : i32 to vector<16xi32>
      %parallel_loop3A_600 = arith.addi %parallel_loop3A_599, %mul3A_5 : vector<16xi32>
      %parallel_loop3A_601 = arith.constant 11 : i32
      %parallel_loop3A_602 = vector.broadcast %parallel_loop3A_601 : i32 to vector<16xi32>
      %parallel_loop3A_603 = arith.addi %parallel_loop3A_600, %parallel_loop3A_602 : vector<16xi32>
      %parallel_loop3A_604 = tpu.vector_load_idx %arg12[%parallel_loop3A_603] : memref<2048xf32, #tpu.memory_space<vmem>>[vector<16xi32>], vector<16xf32>,
      %parallel_loop3A_605 = arith.addf %parallel_loop3A_598, %parallel_loop3A_604 : vector<16xf32>
      %parallel_loop3A_606 = vector.broadcast %parallel_loop3A_519 : i32 to vector<16xi32>
      %parallel_loop3A_607 = arith.addi %parallel_loop3A_606, %mul3A_5 : vector<16xi32>
      %parallel_loop3A_608 = arith.constant 12 : i32
      %parallel_loop3A_609 = vector.broadcast %parallel_loop3A_608 : i32 to vector<16xi32>
      %parallel_loop3A_610 = arith.addi %parallel_loop3A_607, %parallel_loop3A_609 : vector<16xi32>
      %parallel_loop3A_611 = tpu.vector_load_idx %arg12[%parallel_loop3A_610] : memref<2048xf32, #tpu.memory_space<vmem>>[vector<16xi32>], vector<16xf32>,
      %parallel_loop3A_612 = arith.addf %parallel_loop3A_605, %parallel_loop3A_611 : vector<16xf32>
      %parallel_loop3A_613 = vector.broadcast %parallel_loop3A_519 : i32 to vector<16xi32>
      %parallel_loop3A_614 = arith.addi %parallel_loop3A_613, %mul3A_5 : vector<16xi32>
      %parallel_loop3A_615 = arith.constant 13 : i32
      %parallel_loop3A_616 = vector.broadcast %parallel_loop3A_615 : i32 to vector<16xi32>
      %parallel_loop3A_617 = arith.addi %parallel_loop3A_614, %parallel_loop3A_616 : vector<16xi32>
      %parallel_loop3A_618 = tpu.vector_load_idx %arg12[%parallel_loop3A_617] : memref<2048xf32, #tpu.memory_space<vmem>>[vector<16xi32>], vector<16xf32>,
      %parallel_loop3A_619 = arith.addf %parallel_loop3A_612, %parallel_loop3A_618 : vector<16xf32>
      %parallel_loop3A_620 = vector.broadcast %parallel_loop3A_519 : i32 to vector<16xi32>
      %parallel_loop3A_621 = arith.addi %parallel_loop3A_620, %mul3A_5 : vector<16xi32>
      %parallel_loop3A_622 = arith.constant 14 : i32
      %parallel_loop3A_623 = vector.broadcast %parallel_loop3A_622 : i32 to vector<16xi32>
      %parallel_loop3A_624 = arith.addi %parallel_loop3A_621, %parallel_loop3A_623 : vector<16xi32>
      %parallel_loop3A_625 = tpu.vector_load_idx %arg12[%parallel_loop3A_624] : memref<2048xf32, #tpu.memory_space<vmem>>[vector<16xi32>], vector<16xf32>,
      %parallel_loop3A_626 = arith.addf %parallel_loop3A_619, %parallel_loop3A_625 : vector<16xf32>
      %parallel_loop3A_627 = vector.broadcast %parallel_loop3A_519 : i32 to vector<16xi32>
      %parallel_loop3A_628 = arith.addi %parallel_loop3A_627, %mul3A_5 : vector<16xi32>
      %parallel_loop3A_629 = arith.constant 15 : i32
      %parallel_loop3A_630 = vector.broadcast %parallel_loop3A_629 : i32 to vector<16xi32>
      %parallel_loop3A_631 = arith.addi %parallel_loop3A_628, %parallel_loop3A_630 : vector<16xi32>
      %parallel_loop3A_632 = tpu.vector_load_idx %arg12[%parallel_loop3A_631] : memref<2048xf32, #tpu.memory_space<vmem>>[vector<16xi32>], vector<16xf32>,
      %parallel_loop3A_633 = arith.addf %parallel_loop3A_626, %parallel_loop3A_632 : vector<16xf32>
      %parallel_loop3A_634 = arith.constant 16 : i32
      %parallel_loop3A_635 = arith.muli %parallel_loop3A_517, %parallel_loop3A_634 : i32
      %parallel_loop3A_636 = arith.constant 0 : i32
      %parallel_loop3A_637 = arith.index_cast %parallel_loop3A_636 : i32 to index
      %parallel_loop3A_638 = arith.index_cast %parallel_loop3A_635 : i32 to index
      %parallel_loop3A_639 = tpu.vector_load %arg11[%parallel_loop3A_637, %parallel_loop3A_638] {strides = array<i32>} : memref<3x128xf32, #tpu.memory_space<vmem>>, vector<16xf32>,
      tpu.vector_store %arg11[%parallel_loop3A_637, %parallel_loop3A_638], %parallel_loop3A_633 {strides = array<i32>} : memref<3x128xf32, #tpu.memory_space<vmem>>, vector<16xf32>,
    } {sc.loop_unroll_factor = 2 : i64, sc.parallel_access}
    %add3A_421 = arith.constant 384 : i32
    %add3A_422 = arith.addi %mul3A_2, %add3A_421 : i32
    %dma_start3A_423 = arith.constant 0 : i32
    %dma_start3A_424 = arith.constant 0 : i32
    %dma_start3A_425 = arith.constant 0 : i32
    %dma_start3A_426 = tpu.memref_slice %arg10[%dma_start3A_423, %dma_start3A_424, %dma_start3A_425] : memref<3x128x128xf32, #tpu.memory_space<vmem>> -> memref<1x128x128xf32, #tpu.memory_space<vmem>>
    %dma_start3A_427 = tpu.memref_squeeze %dma_start3A_426 : memref<1x128x128xf32, #tpu.memory_space<vmem>> -> memref<128x128xf32, #tpu.memory_space<vmem>>
    %dma_start3A_428 = arith.constant 0 : i32
    %dma_start3A_429 = tpu.memref_slice %arg6[%add3A_422, %dma_start3A_428] : memref<16384x128xf32, #tpu.memory_space<hbm>> -> memref<128x128xf32, #tpu.memory_space<hbm>>
    %dma_start3A_430 = arith.constant 0 : i32
    %dma_start3A_431 = tpu.memref_slice %arg6[%add3A_422, %dma_start3A_430] : memref<16384x128xf32, #tpu.memory_space<hbm>> -> memref<128x128xf32, #tpu.memory_space<hbm>>
    %dma_start3A_432 = arith.constant 0 : i32
    %dma_start3A_433 = arith.constant 0 : i32
    %dma_start3A_434 = tpu.memref_slice %arg10[%dma_start3A_423, %dma_start3A_432, %dma_start3A_433] : memref<3x128x128xf32, #tpu.memory_space<vmem>> -> memref<1x128x128xf32, #tpu.memory_space<vmem>>
    %dma_start3A_435 = tpu.memref_squeeze %dma_start3A_434 : memref<1x128x128xf32, #tpu.memory_space<vmem>> -> memref<128x128xf32, #tpu.memory_space<vmem>>
    tpu.enqueue_dma source(%dma_start3A_435 : memref<128x128xf32, #tpu.memory_space<vmem>>) target(%dma_start3A_431 : memref<128x128xf32, #tpu.memory_space<hbm>>) target_semaphore(%arg22 : memref<!tpu.dma_semaphore, #tpu.memory_space<semaphore_mem>>)
    %dma_start3A_436 = arith.constant 0 : i32
    %dma_start3A_437 = arith.constant 0 : i32
    %dma_start3A_438 = tpu.memref_slice %arg11[%dma_start3A_436, %dma_start3A_437] : memref<3x128xf32, #tpu.memory_space<vmem>> -> memref<1x128xf32, #tpu.memory_space<vmem>>
    %dma_start3A_439 = tpu.memref_squeeze %dma_start3A_438 : memref<1x128xf32, #tpu.memory_space<vmem>> -> memref<128xf32, #tpu.memory_space<vmem>>
    %dma_start3A_440 = tpu.memref_slice %arg5[%add3A_422] : memref<16384xf32, #tpu.memory_space<hbm>> -> memref<128xf32, #tpu.memory_space<hbm>>
    %dma_start3A_441 = tpu.memref_slice %arg5[%add3A_422] : memref<16384xf32, #tpu.memory_space<hbm>> -> memref<128xf32, #tpu.memory_space<hbm>>
    %dma_start3A_442 = arith.constant 0 : i32
    %dma_start3A_443 = tpu.memref_slice %arg11[%dma_start3A_436, %dma_start3A_442] : memref<3x128xf32, #tpu.memory_space<vmem>> -> memref<1x128xf32, #tpu.memory_space<vmem>>
    %dma_start3A_444 = tpu.memref_squeeze %dma_start3A_443 : memref<1x128xf32, #tpu.memory_space<vmem>> -> memref<128xf32, #tpu.memory_space<vmem>>
    tpu.enqueue_dma source(%dma_start3A_444 : memref<128xf32, #tpu.memory_space<vmem>>) target(%dma_start3A_441 : memref<128xf32, #tpu.memory_space<hbm>>) target_semaphore(%arg22 : memref<!tpu.dma_semaphore, #tpu.memory_space<semaphore_mem>>)
    %add3A_445 = arith.constant 128 : i32
    %add3A_446 = arith.addi %mul3A_2, %add3A_445 : i32
    %dma_wait3A_447 = arith.constant 1 : i32
    %dma_wait3A_448 = arith.constant 0 : i32
    %dma_wait3A_449 = arith.constant 0 : i32
    %dma_wait3A_450 = tpu.memref_slice %arg10[%dma_wait3A_447, %dma_wait3A_448, %dma_wait3A_449] : memref<3x128x128xf32, #tpu.memory_space<vmem>> -> memref<1x128x128xf32, #tpu.memory_space<vmem>>
    %dma_wait3A_451 = tpu.memref_squeeze %dma_wait3A_450 : memref<1x128x128xf32, #tpu.memory_space<vmem>> -> memref<128x128xf32, #tpu.memory_space<vmem>>
    %dma_wait3A_452 = arith.constant 0 : i32
    %dma_wait3A_453 = tpu.memref_slice %arg6[%add3A_446, %dma_wait3A_452] : memref<16384x128xf32, #tpu.memory_space<hbm>> -> memref<128x128xf32, #tpu.memory_space<hbm>>
    %dma_wait3A_454 = arith.constant 0 : i32
    %dma_wait3A_455 = tpu.memref_slice %arg6[%add3A_446, %dma_wait3A_454] : memref<16384x128xf32, #tpu.memory_space<hbm>> -> memref<128x128xf32, #tpu.memory_space<hbm>>
    %dma_wait3A_456 = arith.constant 0 : i32
    %dma_wait3A_457 = arith.constant 0 : i32
    %dma_wait3A_458 = tpu.memref_slice %arg10[%dma_wait3A_447, %dma_wait3A_456, %dma_wait3A_457] : memref<3x128x128xf32, #tpu.memory_space<vmem>> -> memref<1x128x128xf32, #tpu.memory_space<vmem>>
    %dma_wait3A_459 = tpu.memref_squeeze %dma_wait3A_458 : memref<1x128x128xf32, #tpu.memory_space<vmem>> -> memref<128x128xf32, #tpu.memory_space<vmem>>
    tpu.wait_dma2 semaphore(%arg23 : memref<!tpu.dma_semaphore, #tpu.memory_space<semaphore_mem>>) src(%dma_wait3A_459 : memref<128x128xf32, #tpu.memory_space<vmem>>) dst(%dma_wait3A_455 : memref<128x128xf32, #tpu.memory_space<hbm>>)
    %dma_wait3A_460 = arith.constant 1 : i32
    %dma_wait3A_461 = arith.constant 0 : i32
    %dma_wait3A_462 = tpu.memref_slice %arg11[%dma_wait3A_460, %dma_wait3A_461] : memref<3x128xf32, #tpu.memory_space<vmem>> -> memref<1x128xf32, #tpu.memory_space<vmem>>
    %dma_wait3A_463 = tpu.memref_squeeze %dma_wait3A_462 : memref<1x128xf32, #tpu.memory_space<vmem>> -> memref<128xf32, #tpu.memory_space<vmem>>
    %dma_wait3A_464 = tpu.memref_slice %arg5[%add3A_446] : memref<16384xf32, #tpu.memory_space<hbm>> -> memref<128xf32, #tpu.memory_space<hbm>>
    %dma_wait3A_465 = tpu.memref_slice %arg5[%add3A_446] : memref<16384xf32, #tpu.memory_space<hbm>> -> memref<128xf32, #tpu.memory_space<hbm>>
    %dma_wait3A_466 = arith.constant 0 : i32
    %dma_wait3A_467 = tpu.memref_slice %arg11[%dma_wait3A_460, %dma_wait3A_466] : memref<3x128xf32, #tpu.memory_space<vmem>> -> memref<1x128xf32, #tpu.memory_space<vmem>>
    %dma_wait3A_468 = tpu.memref_squeeze %dma_wait3A_467 : memref<1x128xf32, #tpu.memory_space<vmem>> -> memref<128xf32, #tpu.memory_space<vmem>>
    tpu.wait_dma2 semaphore(%arg23 : memref<!tpu.dma_semaphore, #tpu.memory_space<semaphore_mem>>) src(%dma_wait3A_468 : memref<128xf32, #tpu.memory_space<vmem>>) dst(%dma_wait3A_465 : memref<128xf32, #tpu.memory_space<hbm>>)
    %add3A_469 = arith.constant 256 : i32
    %add3A_470 = arith.addi %mul3A_2, %add3A_469 : i32
    %dma_wait3A_471 = arith.constant 2 : i32
    %dma_wait3A_472 = arith.constant 0 : i32
    %dma_wait3A_473 = arith.constant 0 : i32
    %dma_wait3A_474 = tpu.memref_slice %arg10[%dma_wait3A_471, %dma_wait3A_472, %dma_wait3A_473] : memref<3x128x128xf32, #tpu.memory_space<vmem>> -> memref<1x128x128xf32, #tpu.memory_space<vmem>>
    %dma_wait3A_475 = tpu.memref_squeeze %dma_wait3A_474 : memref<1x128x128xf32, #tpu.memory_space<vmem>> -> memref<128x128xf32, #tpu.memory_space<vmem>>
    %dma_wait3A_476 = arith.constant 0 : i32
    %dma_wait3A_477 = tpu.memref_slice %arg6[%add3A_470, %dma_wait3A_476] : memref<16384x128xf32, #tpu.memory_space<hbm>> -> memref<128x128xf32, #tpu.memory_space<hbm>>
    %dma_wait3A_478 = arith.constant 0 : i32
    %dma_wait3A_479 = tpu.memref_slice %arg6[%add3A_470, %dma_wait3A_478] : memref<16384x128xf32, #tpu.memory_space<hbm>> -> memref<128x128xf32, #tpu.memory_space<hbm>>
    %dma_wait3A_480 = arith.constant 0 : i32
    %dma_wait3A_481 = arith.constant 0 : i32
    %dma_wait3A_482 = tpu.memref_slice %arg10[%dma_wait3A_471, %dma_wait3A_480, %dma_wait3A_481] : memref<3x128x128xf32, #tpu.memory_space<vmem>> -> memref<1x128x128xf32, #tpu.memory_space<vmem>>
    %dma_wait3A_483 = tpu.memref_squeeze %dma_wait3A_482 : memref<1x128x128xf32, #tpu.memory_space<vmem>> -> memref<128x128xf32, #tpu.memory_space<vmem>>
    tpu.wait_dma2 semaphore(%arg24 : memref<!tpu.dma_semaphore, #tpu.memory_space<semaphore_mem>>) src(%dma_wait3A_483 : memref<128x128xf32, #tpu.memory_space<vmem>>) dst(%dma_wait3A_479 : memref<128x128xf32, #tpu.memory_space<hbm>>)
    %dma_wait3A_484 = arith.constant 2 : i32
    %dma_wait3A_485 = arith.constant 0 : i32
    %dma_wait3A_486 = tpu.memref_slice %arg11[%dma_wait3A_484, %dma_wait3A_485] : memref<3x128xf32, #tpu.memory_space<vmem>> -> memref<1x128xf32, #tpu.memory_space<vmem>>
    %dma_wait3A_487 = tpu.memref_squeeze %dma_wait3A_486 : memref<1x128xf32, #tpu.memory_space<vmem>> -> memref<128xf32, #tpu.memory_space<vmem>>
    %dma_wait3A_488 = tpu.memref_slice %arg5[%add3A_470] : memref<16384xf32, #tpu.memory_space<hbm>> -> memref<128xf32, #tpu.memory_space<hbm>>
    %dma_wait3A_489 = tpu.memref_slice %arg5[%add3A_470] : memref<16384xf32, #tpu.memory_space<hbm>> -> memref<128xf32, #tpu.memory_space<hbm>>
    %dma_wait3A_490 = arith.constant 0 : i32
    %dma_wait3A_491 = tpu.memref_slice %arg11[%dma_wait3A_484, %dma_wait3A_490] : memref<3x128xf32, #tpu.memory_space<vmem>> -> memref<1x128xf32, #tpu.memory_space<vmem>>
    %dma_wait3A_492 = tpu.memref_squeeze %dma_wait3A_491 : memref<1x128xf32, #tpu.memory_space<vmem>> -> memref<128xf32, #tpu.memory_space<vmem>>
    tpu.wait_dma2 semaphore(%arg24 : memref<!tpu.dma_semaphore, #tpu.memory_space<semaphore_mem>>) src(%dma_wait3A_492 : memref<128xf32, #tpu.memory_space<vmem>>) dst(%dma_wait3A_489 : memref<128xf32, #tpu.memory_space<hbm>>)
    %add3A_493 = arith.constant 384 : i32
    %add3A_494 = arith.addi %mul3A_2, %add3A_493 : i32
    %dma_wait3A_495 = arith.constant 0 : i32
    %dma_wait3A_496 = arith.constant 0 : i32
    %dma_wait3A_497 = arith.constant 0 : i32
    %dma_wait3A_498 = tpu.memref_slice %arg10[%dma_wait3A_495, %dma_wait3A_496, %dma_wait3A_497] : memref<3x128x128xf32, #tpu.memory_space<vmem>> -> memref<1x128x128xf32, #tpu.memory_space<vmem>>
    %dma_wait3A_499 = tpu.memref_squeeze %dma_wait3A_498 : memref<1x128x128xf32, #tpu.memory_space<vmem>> -> memref<128x128xf32, #tpu.memory_space<vmem>>
    %dma_wait3A_500 = arith.constant 0 : i32
    %dma_wait3A_501 = tpu.memref_slice %arg6[%add3A_494, %dma_wait3A_500] : memref<16384x128xf32, #tpu.memory_space<hbm>> -> memref<128x128xf32, #tpu.memory_space<hbm>>
    %dma_wait3A_502 = arith.constant 0 : i32
    %dma_wait3A_503 = tpu.memref_slice %arg6[%add3A_494, %dma_wait3A_502] : memref<16384x128xf32, #tpu.memory_space<hbm>> -> memref<128x128xf32, #tpu.memory_space<hbm>>
    %dma_wait3A_504 = arith.constant 0 : i32
    %dma_wait3A_505 = arith.constant 0 : i32
    %dma_wait3A_506 = tpu.memref_slice %arg10[%dma_wait3A_495, %dma_wait3A_504, %dma_wait3A_505] : memref<3x128x128xf32, #tpu.memory_space<vmem>> -> memref<1x128x128xf32, #tpu.memory_space<vmem>>
    %dma_wait3A_507 = tpu.memref_squeeze %dma_wait3A_506 : memref<1x128x128xf32, #tpu.memory_space<vmem>> -> memref<128x128xf32, #tpu.memory_space<vmem>>
    tpu.wait_dma2 semaphore(%arg22 : memref<!tpu.dma_semaphore, #tpu.memory_space<semaphore_mem>>) src(%dma_wait3A_507 : memref<128x128xf32, #tpu.memory_space<vmem>>) dst(%dma_wait3A_503 : memref<128x128xf32, #tpu.memory_space<hbm>>)
    %dma_wait3A_508 = arith.constant 0 : i32
    %dma_wait3A_509 = arith.constant 0 : i32
    %dma_wait3A_510 = tpu.memref_slice %arg11[%dma_wait3A_508, %dma_wait3A_509] : memref<3x128xf32, #tpu.memory_space<vmem>> -> memref<1x128xf32, #tpu.memory_space<vmem>>
    %dma_wait3A_511 = tpu.memref_squeeze %dma_wait3A_510 : memref<1x128xf32, #tpu.memory_space<vmem>> -> memref<128xf32, #tpu.memory_space<vmem>>
    %dma_wait3A_512 = tpu.memref_slice %arg5[%add3A_494] : memref<16384xf32, #tpu.memory_space<hbm>> -> memref<128xf32, #tpu.memory_space<hbm>>
    %dma_wait3A_513 = tpu.memref_slice %arg5[%add3A_494] : memref<16384xf32, #tpu.memory_space<hbm>> -> memref<128xf32, #tpu.memory_space<hbm>>
    %dma_wait3A_514 = arith.constant 0 : i32
    %dma_wait3A_515 = tpu.memref_slice %arg11[%dma_wait3A_508, %dma_wait3A_514] : memref<3x128xf32, #tpu.memory_space<vmem>> -> memref<1x128xf32, #tpu.memory_space<vmem>>
    %dma_wait3A_516 = tpu.memref_squeeze %dma_wait3A_515 : memref<1x128xf32, #tpu.memory_space<vmem>> -> memref<128xf32, #tpu.memory_space<vmem>>
    tpu.wait_dma2 semaphore(%arg22 : memref<!tpu.dma_semaphore, #tpu.memory_space<semaphore_mem>>) src(%dma_wait3A_516 : memref<128xf32, #tpu.memory_space<vmem>>) dst(%dma_wait3A_513 : memref<128xf32, #tpu.memory_space<hbm>>)
    return
  }
}

</mosaic_0001>

<sc_bundles>
// kernel: kernel.3.cloned.1.call-start
scs
__scs_entry_jumppad:
0x0: {  	(pc) =	sbr.rel $0x88, $3  }
0x1: {  	(tag) =	ssettag $0x0;
	lr =	simm.s32 $0x1  }
0x2: {  	[smem:$0x3F9D] =	sst lr;
	_ =	strace $0xD0000000  }
0x3: {  	_ = 	snop  }
0x4: {  	_ = 	snop  }
0x5: {  	_ = 	snop  }
0x6: {  	_ = 	snop  }
0x7: {  	_ = 	snop  }
__scs_overlays_trampoline_lowered:
0x8: {  	[smem:$0x3FAC] =	sst s0  }
0x9: {  	[smem:$0x3FAD] =	sst s1  }
0xa: {  	[smem:$0x3FAE] =	sst s2  }
0xb: {  	[smem:$0x3FAF] =	sst s3  }
0xc: {  	[smem:$0x3FB0] =	sst s4  }
0xd: {  	[smem:$0x3FB1] =	sst s5  }
0xe: {  	[smem:$0x3FB2] =	sst s6  }
0xf: {  	[smem:$0x3FB3] =	sst s7  }
0x10: {  	[smem:$0x3FB4] =	sst s8  }
0x11: {  	[smem:$0x3FB5] =	sst s9;
	s0 =	simm.s32 @!p0 $0x0  }
0x12: {  	s1 =	sld [smem:$0x3F9B];
	s0 =	simm.s32 @p0 $0x1  }
0x13: {  	[smem:$0x3FB6] =	sst s0;
	s0 =	simm.s32 @!p1 $0x0  }
0x14: {  	s2 =	sld [smem:$0x3F9A];
	s0 =	simm.s32 @p1 $0x1  }
0x15: {  	[smem:$0x3FB7] =	sst s0;
	s0 =	simm.s32 @!p2 $0x0  }
0x16: {  	s3 =	sld [smem:$0x3FDB];
	s0 =	simm.s32 @p2 $0x1  }
0x17: {  	s4 =	simm.s32 $0x1BF5;
	[smem:$0x3FB9] =	sst s0  }
0x18: {  	s0 =	sld [smem:$0x3F9C];
	_ =	swait.ge [sflag:s4], $0x0  }
0x19: {  	s7 =	sld [smem:$0x3F9D]  }
0x1a: {  	s8 =	sadd.s32 $0xFFFFE003, lr  }
0x1b: {  	s9 =	sadd.s32 $0xFFFFFEF7, lr;
	s5 =	simm.s32 $0xFFFFFFFF;
	p2 =	slt.u32 s8, $0xFFFFF086  }
0x1c: {  	p1 =	slt.u32 s9, $0xF7A;
	s5 =	simm.s32 @!p2 $0x0  }
0x1d: {  	s5 =	simm.s32 @p1 $0x1;
	p0 =	seq.s32 s7, s2  }
0x1e: {  	s7 =	smul.u32 @!p0 $0xF7A, s2;
	p2 =	seq.s32 @!p0 s5, $0x0  }
0x1f: {  	s9 =	smul.u32 $0xF7A, s1;
	s8 =	simm.s32 @!p0 $0x1BF5;
	p2 =	por !p2, p0  }
0x20: {  	[sflag:s8] =	ssyncset.s32 @!p0 $0xFFFFF086;
	s6 =	sadd.s32 @!p0 s3, s7;
	s7 =	simm.s32 @!p0 $0x108  }
0x21: {  	s3 =	sadd.s32 s3, s9;
	s6 =	sadd.s32 @!p0 $0x88, s6;
	s7 =	simm.s32 @p2 $0x1082  }
0x22: {  	[simem:s7], [sflag:s8] =	dma.local @!p0 [hbm:s6], $0xF7A  }
0x23: {  	s9 =	sor.u32 $0xD0000000, s2;
	s6 =	simm.s32 $0x108;
	_ =	swait.ge @!p0 [sflag:s8], $0x0  }
0x24: {  	s3 =	sadd.s32 $0x88, s3;
	s6 =	simm.s32 @!p1 $0x1082;
	[sflag:s4] =	ssyncset.s32 $0xFFFFF086  }
0x25: {  	[simem:s6], [sflag:s4] =	dma.local [hbm:s3], $0xF7A  }
0x26: {  	[smem:$0x3F9D] =	sst s1;
	(tag) =	ssettag s2;
	_ =	strace s9  }
0x27: {  	s1 =	sld [smem:$0x3FAD]  }
0x28: {  	s2 =	sld [smem:$0x3FAE]  }
0x29: {  	s4 =	sld [smem:$0x3FB0]  }
0x2a: {  	p0 =	seq.s32 s5, $0x0;
	s5 =	sld [smem:$0x3FB1]  }
0x2b: {  	s6 =	sld [smem:$0x3FB2]  }
0x2c: {  	s7 =	sld [smem:$0x3FB3]  }
0x2d: {  	s3 =	simm.s32 $0x108;
	s8 =	sld [smem:$0x3FB4]  }
0x2e: {  	s3 =	simm.s32 @!p0 $0x1082;
	s9 =	sld [smem:$0x3FB5]  }
0x2f: {  	lr =	sadd.s32 s0, s3;
	s0 =	sld [smem:$0x3FAC]  }
0x30: {  	s3 =	sld [smem:$0x3FAF]  }
0x31: {  	[smem:$0x3FB8] =	sst s10  }
0x32: {  	s10 =	sld [smem:$0x3FB6];
	_ =	sdelay $0x3  }
0x33: {  	p0 =	seq.s32 s10, $0x1;
	s10 =	sld [smem:$0x3FB8];
	_ =	sdelay $0x3  }
0x34: {  	[smem:$0x3FB8] =	sst s10  }
0x35: {  	s10 =	sld [smem:$0x3FB7];
	_ =	sdelay $0x3  }
0x36: {  	p1 =	seq.s32 s10, $0x1;
	s10 =	sld [smem:$0x3FB8];
	_ =	sdelay $0x3  }
0x37: {  	[smem:$0x3FB8] =	sst s10  }
0x38: {  	s10 =	sld [smem:$0x3FB9]  }
0x39: {  	_ = 	snop;
	(pc) =	sbr.ind lr, $3  }
0x3a: {  	_ = 	snop  }
0x3b: {  	_ = 	snop  }
0x3c: {  	p2 =	seq.s32 s10, $0x1;
	s10 =	sld [smem:$0x3FB8]  }
0x3d: {  	_ =	shalt  }
0x3e: {  	_ =	shalt  }
0x3f: {  	_ =	shalt  }
0x40: {  	_ =	shalt  }
0x41: {  	_ =	shalt  }
0x42: {  	_ =	shalt  }
0x43: {  	_ =	shalt  }
0x44: {  	_ =	shalt  }
0x45: {  	_ =	shalt  }
0x46: {  	_ =	shalt  }
0x47: {  	_ =	shalt  }
0x48: {  	_ =	shalt  }
0x49: {  	_ =	shalt  }
0x4a: {  	_ =	shalt  }
0x4b: {  	_ =	shalt  }
0x4c: {  	_ =	shalt  }
0x4d: {  	_ =	shalt  }
0x4e: {  	_ =	shalt  }
0x4f: {  	_ =	shalt  }
0x50: {  	_ =	shalt  }
0x51: {  	_ =	shalt  }
0x52: {  	_ =	shalt  }
0x53: {  	_ =	shalt  }
0x54: {  	_ =	shalt  }
0x55: {  	_ =	shalt  }
0x56: {  	_ =	shalt  }
0x57: {  	_ =	shalt  }
0x58: {  	_ =	shalt  }
0x59: {  	_ =	shalt  }
0x5a: {  	_ =	shalt  }
0x5b: {  	_ =	shalt  }
0x5c: {  	_ =	shalt  }
0x5d: {  	_ =	shalt  }
0x5e: {  	_ =	shalt  }
0x5f: {  	_ =	shalt  }
0x60: {  	_ =	shalt  }
0x61: {  	_ =	shalt  }
0x62: {  	_ =	shalt  }
0x63: {  	_ =	shalt  }
0x64: {  	_ =	shalt  }
0x65: {  	_ =	shalt  }
0x66: {  	_ =	shalt  }
0x67: {  	_ =	shalt  }
0x68: {  	_ =	shalt  }
0x69: {  	_ =	shalt  }
0x6a: {  	_ =	shalt  }
0x6b: {  	_ =	shalt  }
0x6c: {  	_ =	shalt  }
0x6d: {  	_ =	shalt  }
0x6e: {  	_ =	shalt  }
0x6f: {  	_ =	shalt  }
0x70: {  	_ =	shalt  }
0x71: {  	_ =	shalt  }
0x72: {  	_ =	shalt  }
0x73: {  	_ =	shalt  }
0x74: {  	_ =	shalt  }
0x75: {  	_ =	shalt  }
0x76: {  	_ =	shalt  }
0x77: {  	_ =	shalt  }
0x78: {  	_ =	shalt  }
0x79: {  	_ =	shalt  }
0x7a: {  	_ =	shalt  }
0x7b: {  	_ =	shalt  }
0x7c: {  	_ =	shalt  }
0x7d: {  	_ =	shalt  }
0x7e: {  	_ =	shalt  }
0x7f: {  	_ =	shalt  }
0x80: {  	_ =	shalt  }
0x81: {  	_ =	shalt  }
0x82: {  	_ =	shalt  }
0x83: {  	_ =	shalt  }
0x84: {  	_ =	shalt  }
0x85: {  	_ =	shalt  }
0x86: {  	_ =	shalt  }
0x87: {  	_ =	shalt  }
.Lfunc_end0:
.L_simem_size_0:
called_computation_lowered:
.L_overlay_start_0:
0x88: {  	s2 =	sld [smem:$0x3FD9]  }
0x89: {  	s3 =	sld [smem:$0x3FFE];
	_ =	sdelay $0x1  }
0x8a: {  	s1 =	srdreg.scid  }
0x8b: {  	s0 =	sand.u32 $0x1, s1  }
0x8c: {  	s14 =	sshll.u32 s0, $0xA;
	s2 =	sadd.s32 s3, s2  }
0x8d: {  	s2 =	sadd.s32 s2, s14  }
0x8e: {  	[smem:$0x3FC4] =	sst s2  }
0x8f: {  	_ = 	snop  }
0x90: {  	s2 =	sld [smem:$0x3FD0];
	_ =	sdelay $0x1  }
0x91: {  	s15 =	sld [smem:$0x3FC9]  }
0x92: {  	s5 =	simm.s32 $0xA;
	s6 =	simm.s32 $0x10;
	s4 =	sld [smem:$0x3FC8]  }
0x93: {  	[smem:s6], [sflag:s5] =	dma.local [hbm:s2], $0x1  }
0x94: {  	_ =	swait.eq [sflag:s5], $0x1  }
0x95: {  	[sflag:s5] =	ssyncset.done $0x0  }
0x96: {  	s16 =	sld [smem:$0x10];
	[sflag:s5] =	ssyncadd.s32 $0xFFFFFFFF  }
0x97: {  	s17 =	sld [smem:$0x11];
	(tm) =	ssettm $0x1  }
0x98: {  	s18 =	sld [smem:$0x3FFB];
	_ =	sdelay $0x3  }
0x99: {  	_ =	strace s18  }
0x9a: {  	s6 =	sld [smem:$0x3FFC];
	_ =	sdelay $0x3  }
0x9b: {  	_ =	strace s6  }
0x9c: {  	s6 =	sld [smem:$0x3FFD];
	_ =	sdelay $0x3  }
0x9d: {  	_ =	strace s6  }
0x9e: {  	_ =	strace $0x8FFFFFFF  }
0x9f: {  	s19 =	sld [smem:$0x3FDB];
	_ =	sdelay $0x1  }
0xa0: {  	s7 =	simm.s32 $_scs_section_size  }
0xa1: {  	s8 =	simm.s32 $_size__tile_overlayer_lowered;
	s9 =	simm.s32 $_tile_overlayer_lowered  }
0xa2: {  	s22 =	simm.s32 $0x1BFF;
	s21 =	sshll.u32 s9, $0x1;
	s6 =	sadd.s32 s7, s19  }
0xa3: {  	s10 =	simm.s32 $0x0;
	s20 =	sshll.u32 s8, $0x1;
	s8 =	sadd.s32 s21, s6  }
0xa4: {  	[timem:s10], [sflag:s22] =	dma.local [hbm:s8], s20  }
0xa5: {  	_ =	swait.ge [sflag:s22], s20  }
0xa6: {  	s7 =	ssub.s32 $0x0, s20;
	[sflag:s22] =	ssyncset.done $0x0  }
0xa7: {  	[sflag:s22] =	ssyncadd.s32 s7;
	_ =	sdelay $0x1  }
0xa8: {  	s23 =	simm.s32 $0x1B8B  }
0xa9: {  	_ =	swait.ge [sflag:s23], $0x1  }
0xaa: {  	[sflag:s23] =	ssyncset.done $0x0  }
0xab: {  	s25 =	simm.s32 $0x1B8E;
	s24 =	sld [smem:$0x3FFE];
	[sflag:s23] =	ssyncadd.s32 $0xFFFFFFFF  }
0xac: {  	s26 =	simm.s32 $execute0_lowered;
	[smem:$0x3FD2] =	sst s25  }
0xad: {  	s8 =	sshll.u32 s26, $0x1;
	_ =	strace $0x80000046;
	[dreg:$0x1] =	wrdreg $0xFFFFFFFF  }
0xae: {  	s28 =	simm.s32 $_size_execute0_lowered;
	s6 =	sadd.s32 s6, s8;
	[dreg:$0x0] =	wrdreg $0x0  }
0xaf: {  	s8 =	sshll.u32 s28, $0x1;
	[dreg:$0x2] =	wrdreg s6  }
0xb0: {  	[dreg:$0x3] =	wrdreg s8  }
0xb1: {  	[dreg:$0x4] =	wrdreg $0xC0  }
0xb2: {  	_ =	task [dreg:s10], $0x5FFFF  }
0xb3: {  	[dreg:$0x1] =	wrdreg $0xFFFFFFFF  }
0xb4: {  	[dreg:$0x0] =	wrdreg $0x60  }
0xb5: {  	[dreg:$0x2] =	wrdreg s15  }
0xb6: {  	[dreg:$0x3] =	wrdreg s4  }
0xb7: {  	[dreg:$0x4] =	wrdreg s24  }
0xb8: {  	[dreg:$0x5] =	wrdreg s16  }
0xb9: {  	[dreg:$0x6] =	wrdreg s17  }
0xba: {  	[dreg:$0x7] =	wrdreg $0x0  }
0xbb: {  	[dreg:$0x8] =	wrdreg $0x9  }
0xbc: {  	_ =	task.clear_ibuf [dreg:s10], $0x9FFFF;
	_ =	strace $0x90000046  }
0xbd: {  	s29 =	simm.s32 $0x9;
	_ =	strace $0x80000048  }
0xbe: {  	_ =	swait.ge [sflag:s29], $0x1  }
0xbf: {  	[sflag:s29] =	ssyncadd.s32 $0xFFFFFFFF  }
0xc0: {  	_ =	strace $0x90000048  }
0xc1: {  	_ =	sfence  }
0xc2: {  	s30 =	sld [smem:$0x0];
	_ =	sdelay $0x2  }
0xc3: {  	s31 =	sshll.u32 s1, $0xD;
	s1 =	sshrl.u32 s1, $0x2  }
0xc4: {  	s3 =	sand.u32 $0x4000, s31;
	s1 =	sadd.s32 s1, s30  }
0xc5: {  	s0 =	sor.u32 s3, s0;
	s1 =	sshll.u32 s1, $0x11  }
0xc6: {  	s0 =	sor.u32 s1, s0  }
0xc7: {  	s0 =	sadd.s32 $0x8F2B, s0  }
0xc8: {  	[sflag:s0] =	ssyncadd.remote.s32 $0x1  }
0xc9: {  	_ =	sfence.sel $0xFFFF  }
0xca: {  	[dreg:$0x0] =	wrdreg $0xFFFFFFFF;
	(pc) =	sbr.abs _section_cstart, $3  }
0xcb: {  	[dreg:$0x1] =	wrdreg $0xFFFFFFFF  }
0xcc: {  	_ =	task.clear_ibuf [dreg:s10], $0x2FFFF;
	_ =	strace $0x9FFFFFFF  }
0xcd: {  	(tm) =	ssettm $0x7FFFFFFF  }
tec
execute0_lowered:
.L_overlay_start_1:
0x0: {  	(tag) =	ssettag $0x1  }
0x1: {  	s0 =	rddreg [dreg:$0x0]  }
0x2: {  	s2 =	rddreg [dreg:$0x1]  }
0x3: {  	s4 =	rddreg [dreg:$0x2]  }
0x4: {  	s5 =	rddreg [dreg:$0x3]  }
0x5: {  	s6 =	rddreg [dreg:$0x4]  }
0x6: {  	s1 =	rddreg [dreg:$0x5];
	s7 =	srdreg.scid;
	s3 =	simm.s32 $0x0  }
0x7: {  	s11 =	stileid.u32;
	s29 =	simm.s32 $0xD;
	s30 =	simm.s32 $0x1  }
0x8: {  	s31 =	simm.s32 $0x4;
	s28 =	simm.s32 $0x2;
	s7 =	sand.u32 $0x1, s7  }
0x9: {  	[smem:$0x7FF] =	sst s3;
	s9 =	sshll.u32 s11, $0xA;
	s22 =	sshll.u32 s11, $0xD  }
0xa: {  	s23 =	sshll.u32 s11, $0x6;
	s8 =	ssub.s32 $0x2, s7;
	_ =	strace $0x80000047  }
0xb: {  	s4 =	sadd.s32 s9, s4;
	s7 =	sshll.u32 s7, $0x9;
	s24 =	sor.u32 $0x1C0D, s23  }
0xc: {  	s10 =	sshrl.u32 s8, $0x1;
	s7 =	sor.u32 s7, s9;
	s9 =	sadd.s32 s22, s1  }
0xd: {  	s4 =	sadd.s32 $0x600, s4;
	[dreg:$0x8] =	wrdreg s24;
	s8 =	ssub.s32 s8, s10  }
0xe: {  	[dreg:$0x7] =	wrdreg s4;
	s25 =	sshrl.u32 s7, $0x3;
	s26 =	sshll.u32 s7, $0x4  }
0xf: {  	s14 =	sor.u32 $0x80, s7;
	s17 =	sor.u32 $0x100, s7;
	s12 =	sadd.s32 s2, s25  }
0x10: {  	s7 =	sor.u32 $0x180, s7;
	s15 =	sadd.s32 s0, s26;
	[dreg:$0x9] =	wrdreg s12  }
0x11: {  	s16 =	sshrl.u32 s14, $0x3;
	s10 =	sadd.s32 s6, s26;
	[dreg:$0xa] =	wrdreg s15  }
0x12: {  	s11 =	sshll.u32 s14, $0x4;
	s4 =	sadd.s32 s5, s25;
	[dreg:$0xf] =	wrdreg s10  }
0x13: {  	s18 =	sshrl.u32 s17, $0x3;
	s13 =	sadd.s32 s2, s16;
	[dreg:$0x10] =	wrdreg s4  }
0x14: {  	s20 =	sshrl.u32 s7, $0x3;
	s14 =	sadd.s32 s0, s11;
	[dreg:$0xb] =	wrdreg s13  }
0x15: {  	s7 =	sshll.u32 s7, $0x4;
	s15 =	sadd.s32 s2, s18;
	[dreg:$0xc] =	wrdreg s14  }
0x16: {  	s2 =	sadd.s32 s2, s20;
	s21 =	sadd.s32 s6, s11;
	[dreg:$0xd] =	wrdreg s15  }
0x17: {  	s22 =	sadd.s32 s5, s16;
	s24 =	sadd.s32 s5, s18;
	[dreg:$0x11] =	wrdreg s2  }
0x18: {  	s25 =	sadd.s32 s6, s7;
	s26 =	sadd.s32 s5, s20;
	[dreg:$0x13] =	wrdreg s21  }
0x19: {  	s4 =	simm.s32 $0x1A400;
	s5 =	simm.s32 $0x3;
	[dreg:$0x14] =	wrdreg s22  }
0x1a: {  	s10 =	simm.s32 $0xB;
	s11 =	simm.s32 $0xC;
	[dreg:$0x16] =	wrdreg s24  }
0x1b: {  	s12 =	simm.s32 $0x0;
	s13 =	sshll.u32 s17, $0x4;
	[dreg:$0x17] =	wrdreg s25  }
0x1c: {  	[dreg:$0x18] =	wrdreg s26;
	s22 =	smax.u32 s8, $0x1;
	s24 =	simm.s32 $0x2000  }
0x1d: {  	s25 =	simm.s32 $0x2200;
	s2 =	simm.s32 $0x5;
	s19 =	sadd.s32 s0, s13  }
0x1e: {  	s26 =	simm.s32 $0x7;
	s0 =	sadd.s32 s0, s7;
	[dreg:$0xe] =	wrdreg s19  }
0x1f: {  	s8 =	simm.s32 $0x9;
	s23 =	sadd.s32 s6, s13;
	[dreg:$0x12] =	wrdreg s0  }
0x20: {  	s6 =	simm.s32 $0x6;
	s7 =	simm.s32 $0x8;
	[dreg:$0x15] =	wrdreg s23  }
0x21: {  	s23 =	sshrl.u32 s9, $0x3;
	s0 =	simm.s32 $0x80;
	s9 =	simm.s32 $0xA  }
.LBB2_1:
0x22: {  	s13 =	rddreg [dreg:$0x7]  }
0x23: {  	s14 =	rddreg [dreg:$0x8]  }
0x24: {  	[spmem:s23], [sflag:s14] =	dma.local [hbm:s13], $0x400  }
0x25: {  	s13 =	rddreg [dreg:$0x9]  }
0x26: {  	[tilespmem:s24], [sflag:$0x1] =	stream.linear.gather [hbm4b:s13+s3], $0x80, $0x38;
	[tilespmem:$0x1AC00] =	vst v63  }
0x27: {  	s15 =	rddreg [dreg:$0xa]  }
0x28: {  	[tilespmem:s25], [sflag:$0x4] =	stream.linear.gather [hbm4b:s15+s3], $0x4000, $0x38;
	[tilespmem:$0x1AC00] =	vst v63  }
0x29: {  	s17 =	simm.s32 $0x2080;
	s16 =	rddreg [dreg:$0xb]  }
0x2a: {  	[tilespmem:s17], [sflag:$0x2] =	stream.linear.gather [hbm4b:s16+s3], $0x80, $0x38;
	[tilespmem:$0x1AC00] =	vst v63  }
0x2b: {  	s18 =	rddreg [dreg:$0xc];
	s15 =	simm.s32 $0x6200  }
0x2c: {  	[tilespmem:s15], [sflag:$0x5] =	stream.linear.gather [hbm4b:s18+s3], $0x4000, $0x38;
	[tilespmem:$0x1AC00] =	vst v63  }
0x2d: {  	_ =	swait.ge [sflag:s29], $0x400  }
0x2e: {  	[sflag:s29] =	ssyncset.done $0x0  }
0x2f: {  	[sflag:s29] =	ssyncadd.s32 $0xFFFFFC00  }
0x30: {  	[bflag:$0x0] =	sbarrier.arrive $0xFFFF  }
0x31: {  	_ =	swait.ge [sflag:s30], $0x80  }
0x32: {  	[sflag:s30] =	ssyncset.done $0x0  }
0x33: {  	[sflag:s30] =	ssyncadd.s32 $0xFFFFFF80  }
0x34: {  	_ =	swait.ge [sflag:s31], $0x4000  }
0x35: {  	[sflag:s31] =	ssyncset.done $0x0  }
0x36: {  	[sflag:s31] =	ssyncadd.s32 $0xFFFFC000  }
0x37: {  	[tilespmem:s25], [sflag:$0x7] =	stream.indirect.gather.add.f32 [spmem:s1], $0x80, s24, s0, $0xb8;
	[tilespmem:$0x1AC00] =	vst v63  }
0x38: {  	s16 =	simm.s32 $0x2100;
	s19 =	rddreg [dreg:$0xd]  }
0x39: {  	[tilespmem:s16], [sflag:$0x3] =	stream.linear.gather [hbm4b:s19+s3], $0x80, $0x38;
	[tilespmem:$0x1AC00] =	vst v63  }
0x3a: {  	s21 =	simm.s32 $0xA200;
	s20 =	rddreg [dreg:$0xe]  }
0x3b: {  	[tilespmem:s21], [sflag:$0x6] =	stream.linear.gather [hbm4b:s20+s3], $0x4000, $0x38;
	[tilespmem:$0x1AC00] =	vst v63  }
0x3c: {  	_ =	swait.ge [sflag:s28], $0x80  }
0x3d: {  	[sflag:s28] =	ssyncset.done $0x0  }
0x3e: {  	[sflag:s28] =	ssyncadd.s32 $0xFFFFFF80  }
0x3f: {  	_ =	swait.ge [sflag:s2], $0x4000  }
0x40: {  	[sflag:s2] =	ssyncset.done $0x0  }
0x41: {  	[sflag:s2] =	ssyncadd.s32 $0xFFFFC000  }
0x42: {  	[tilespmem:s15], [sflag:$0x8] =	stream.indirect.gather.add.f32 [spmem:s1], $0x80, s17, s0, $0xb8;
	[tilespmem:$0x1AC00] =	vst v63  }
0x43: {  	_ =	swait.ge [sflag:s26], $0x4000  }
0x44: {  	[sflag:s26] =	ssyncset.done $0x0  }
0x45: {  	s19 =	simm.s32 $0x2300;
	[sflag:s26] =	ssyncadd.s32 $0xFFFFC000  }
0x46: {  	v1 =	vld [tilespmem:s19+$0x0];
	_ =	sdelay $0x2  }
0x47: {  	v2 =	vld [tilespmem:s19+$0xFFFFFF00];
	_ =	sdelay $0x1  }
0x48: {  	v1 =	vmul.f32 v1, v1;
	_ =	sdelay $0x1  }
0x49: {  	v1 =	vmul.f32 $5.000000000e-01, v1  }
0x4a: {  	v3 =	vmul.f32 v2, v2  }
0x4b: {  	v4 =	vld [tilespmem:s19+$0x80];
	v2 =	vadd.f32 $9.189385170e-01, v1  }
0x4c: {  	s13 =	simm.s32 $0xE300;
	v1 =	vmul.f32 $5.000000000e-01, v3  }
0x4d: {  	[tilespmem:s13+$0x0] =	vst v2  }
0x4e: {  	v3 =	vadd.f32 $9.189385170e-01, v1;
	v1 =	vld [tilespmem:s19+$0x10];
	_ =	sdelay $0x1  }
0x4f: {  	v4 =	vmul.f32 v4, v4;
	[tilespmem:s13+$0xFFFFFF00] =	vst v3  }
0x50: {  	v5 =	vld [tilespmem:s19+$0xFFFFFF10]  }
0x51: {  	v4 =	vmul.f32 $5.000000000e-01, v4  }
0x52: {  	v1 =	vmul.f32 v1, v1  }
0x53: {  	v4 =	vadd.f32 $9.189385170e-01, v4  }
0x54: {  	v1 =	vmul.f32 $5.000000000e-01, v1  }
0x55: {  	[tilespmem:s13+$0x80] =	vst v4;
	v6 =	vmul.f32 v5, v5  }
0x56: {  	v8 =	vld [tilespmem:s19+$0x90];
	v5 =	vadd.f32 $9.189385170e-01, v1  }
0x57: {  	v1 =	vmul.f32 $5.000000000e-01, v6  }
0x58: {  	[tilespmem:s13+$0x10] =	vst v5  }
0x59: {  	v7 =	vadd.f32 $9.189385170e-01, v1;
	v1 =	vld [tilespmem:s19+$0x20]  }
0x5a: {  	v6 =	vld [tilespmem:s19+$0xFFFFFF80]  }
0x5b: {  	v8 =	vmul.f32 v8, v8;
	[tilespmem:s13+$0xFFFFFF10] =	vst v7  }
0x5c: {  	v9 =	vld [tilespmem:s19+$0xFFFFFF20]  }
0x5d: {  	v8 =	vmul.f32 $5.000000000e-01, v8  }
0x5e: {  	v1 =	vmul.f32 v1, v1  }
0x5f: {  	v8 =	vadd.f32 $9.189385170e-01, v8;
	v6 =	vmul.f32 v6, v6  }
0x60: {  	v1 =	vmul.f32 $5.000000000e-01, v1  }
0x61: {  	[tilespmem:s13+$0x90] =	vst v8;
	v6 =	vmul.f32 $5.000000000e-01, v6;
	v9 =	vmul.f32 v9, v9  }
0x62: {  	v10 =	vld [tilespmem:s19+$0xA0];
	v11 =	vadd.f32 $9.189385170e-01, v1  }
0x63: {  	v6 =	vadd.f32 $9.189385170e-01, v6;
	v1 =	vmul.f32 $5.000000000e-01, v9  }
0x64: {  	[tilespmem:s13+$0x20] =	vst v11  }
0x65: {  	[tilespmem:s13+$0xFFFFFF80] =	vst v6;
	v9 =	vadd.f32 $9.189385170e-01, v1;
	v1 =	vld [tilespmem:s19+$0x30]  }
0x66: {  	s15 =	simm.s32 $0x2500;
	v12 =	vld [tilespmem:s19+$0xFFFFFF90]  }
0x67: {  	v13 =	vld [tilespmem:s15+$0x0];
	v10 =	vmul.f32 v10, v10;
	[tilespmem:s13+$0xFFFFFF20] =	vst v9  }
0x68: {  	v14 =	vld [tilespmem:s19+$0xFFFFFF30]  }
0x69: {  	v15 =	vld [tilespmem:s15+$0xFFFFFF00];
	v10 =	vmul.f32 $5.000000000e-01, v10  }
0x6a: {  	v16 =	vld [tilespmem:s15+$0x80];
	v1 =	vmul.f32 v1, v1  }
0x6b: {  	v17 =	vadd.f32 $9.189385170e-01, v10;
	v12 =	vmul.f32 v12, v12  }
0x6c: {  	v10 =	vmul.f32 v13, v13;
	v1 =	vmul.f32 $5.000000000e-01, v1  }
0x6d: {  	[tilespmem:s13+$0xA0] =	vst v17;
	v12 =	vmul.f32 $5.000000000e-01, v12;
	v13 =	vmul.f32 v14, v14  }
0x6e: {  	v10 =	vmul.f32 $5.000000000e-01, v10;
	v14 =	vld [tilespmem:s19+$0xB0];
	v18 =	vadd.f32 $9.189385170e-01, v1;
	v1 =	vmul.f32 v15, v15  }
0x6f: {  	v15 =	vadd.f32 $9.189385170e-01, v12;
	v12 =	vmul.f32 v16, v16;
	v13 =	vmul.f32 $5.000000000e-01, v13  }
0x70: {  	v19 =	vadd.f32 $9.189385170e-01, v10;
	v16 =	vld [tilespmem:s15+$0xFFFFFF80];
	[tilespmem:s13+$0x30] =	vst v18;
	v1 =	vmul.f32 $5.000000000e-01, v1  }
0x71: {  	s14 =	simm.s32 $0xE500;
	[tilespmem:s13+$0xFFFFFF90] =	vst v15;
	v10 =	vmul.f32 $5.000000000e-01, v12;
	v13 =	vadd.f32 $9.189385170e-01, v13;
	v12 =	vld [tilespmem:s19+$0x40]  }
0x72: {  	[tilespmem:s14+$0x0] =	vst v19;
	v20 =	vld [tilespmem:s19+$0xFFFFFFA0];
	v22 =	vadd.f32 $9.189385170e-01, v1  }
0x73: {  	v1 =	vmul.f32 v14, v14;
	v10 =	vadd.f32 $9.189385170e-01, v10;
	[tilespmem:s13+$0xFFFFFF30] =	vst v13;
	v14 =	vld [tilespmem:s15+$0x10]  }
0x74: {  	v23 =	vld [tilespmem:s19+$0xFFFFFF40];
	[tilespmem:s14+$0xFFFFFF00] =	vst v22  }
0x75: {  	v16 =	vmul.f32 v16, v16;
	v1 =	vmul.f32 $5.000000000e-01, v1;
	[tilespmem:s14+$0x80] =	vst v10;
	v24 =	vld [tilespmem:s15+$0xFFFFFF10]  }
0x76: {  	v25 =	vld [tilespmem:s15+$0x90];
	v12 =	vmul.f32 v12, v12  }
0x77: {  	v20 =	vmul.f32 v20, v20;
	v26 =	vadd.f32 $9.189385170e-01, v1;
	v1 =	vmul.f32 $5.000000000e-01, v16  }
0x78: {  	v14 =	vmul.f32 v14, v14;
	v12 =	vmul.f32 $5.000000000e-01, v12  }
0x79: {  	v16 =	vmul.f32 $5.000000000e-01, v20;
	[tilespmem:s13+$0xB0] =	vst v26;
	v21 =	vadd.f32 $9.189385170e-01, v1;
	v1 =	vmul.f32 v23, v23  }
0x7a: {  	v20 =	vld [tilespmem:s19+$0xC0];
	v14 =	vmul.f32 $5.000000000e-01, v14;
	v23 =	vadd.f32 $9.189385170e-01, v12;
	v12 =	vmul.f32 v24, v24  }
0x7b: {  	[tilespmem:s14+$0xFFFFFF80] =	vst v21;
	v24 =	vmul.f32 v25, v25;
	v1 =	vmul.f32 $5.000000000e-01, v1;
	v27 =	vadd.f32 $9.189385170e-01, v16  }
0x7c: {  	v16 =	vld [tilespmem:s15+$0xFFFFFF90];
	v14 =	vadd.f32 $9.189385170e-01, v14;
	[tilespmem:s13+$0x40] =	vst v23;
	v25 =	vmul.f32 $5.000000000e-01, v12  }
0x7d: {  	v24 =	vmul.f32 $5.000000000e-01, v24;
	v12 =	vadd.f32 $9.189385170e-01, v1;
	[tilespmem:s13+$0xFFFFFFA0] =	vst v27;
	v28 =	vld [tilespmem:s19+$0x50]  }
0x7e: {  	v1 =	vld [tilespmem:s19+$0xFFFFFFB0];
	[tilespmem:s14+$0x10] =	vst v14;
	v29 =	vadd.f32 $9.189385170e-01, v25  }
0x7f: {  	v20 =	vmul.f32 v20, v20;
	v30 =	vadd.f32 $9.189385170e-01, v24;
	[tilespmem:s13+$0xFFFFFF40] =	vst v12;
	v24 =	vld [tilespmem:s15+$0x20]  }
0x80: {  	v25 =	vld [tilespmem:s19+$0xFFFFFF50];
	[tilespmem:s14+$0xFFFFFF10] =	vst v29  }
0x81: {  	v20 =	vmul.f32 $5.000000000e-01, v20;
	v16 =	vmul.f32 v16, v16;
	[tilespmem:s14+$0x90] =	vst v30;
	v31 =	vld [tilespmem:s15+$0xFFFFFF20]  }
0x82: {  	v32 =	vld [tilespmem:s15+$0xA0];
	v28 =	vmul.f32 v28, v28  }
0x83: {  	v20 =	vadd.f32 $9.189385170e-01, v20;
	v16 =	vmul.f32 $5.000000000e-01, v16;
	v1 =	vmul.f32 v1, v1  }
0x84: {  	v13 =	vadd.f32 v13, v7;
	v33 =	vmul.f32 v24, v24;
	v28 =	vmul.f32 $5.000000000e-01, v28  }
0x85: {  	[tilespmem:s13+$0xC0] =	vst v20;
	v24 =	vadd.f32 $9.189385170e-01, v16;
	v16 =	vmul.f32 v25, v25;
	v25 =	vmul.f32 $5.000000000e-01, v1  }
0x86: {  	v34 =	vld [tilespmem:s19+$0xD0];
	v1 =	vadd.f32 $9.189385170e-01, v28;
	v28 =	vmul.f32 v31, v31;
	v31 =	vmul.f32 $5.000000000e-01, v33  }
0x87: {  	s17 =	simm.s32 $0x2700;
	v16 =	vmul.f32 $5.000000000e-01, v16;
	v32 =	vmul.f32 v32, v32;
	v57 =	vadd.f32 $9.189385170e-01, v25  }
0x88: {  	v7 =	vadd.f32 v18, v5;
	v18 =	vld [tilespmem:s17+$0x80];
	[tilespmem:s14+$0xFFFFFF90] =	vst v24;
	v25 =	vmul.f32 $5.000000000e-01, v28;
	v28 =	vadd.f32 $9.189385170e-01, v31  }
0x89: {  	v35 =	vld [tilespmem:s15+$0xFFFFFFA0];
	v36 =	vadd.f32 $9.189385170e-01, v16;
	v16 =	vmul.f32 $5.000000000e-01, v32;
	[tilespmem:s13+$0xFFFFFFB0] =	vst v57  }
0x8a: {  	v37 =	vld [tilespmem:s19+$0xFFFFFFC0];
	[tilespmem:s14+$0x20] =	vst v28  }
0x8b: {  	v58 =	vadd.f32 $9.189385170e-01, v25;
	v25 =	vmul.f32 v34, v34;
	v59 =	vadd.f32 $9.189385170e-01, v16;
	v38 =	vld [tilespmem:s15+$0x30]  }
0x8c: {  	[tilespmem:s13+$0x50] =	vst v1  }
0x8d: {  	v2 =	vadd.f32 v11, v2;
	v17 =	vadd.f32 v17, v4;
	v31 =	vld [tilespmem:s19+$0x60];
	v4 =	vmul.f32 $5.000000000e-01, v25;
	[tilespmem:s14+$0xA0] =	vst v59  }
0x8e: {  	v39 =	vadd.f32 v9, v3;
	v18 =	vmul.f32 v18, v18;
	v16 =	vadd.f32 v26, v8;
	[tilespmem:s14+$0xFFFFFF20] =	vst v58;
	v8 =	vld [tilespmem:s15+$0xB0]  }
0x8f: {  	v9 =	vld [tilespmem:s15+$0xFFFFFF30];
	v25 =	vadd.f32 $9.189385170e-01, v4;
	v4 =	vmul.f32 v35, v35;
	v11 =	vmul.f32 v37, v37  }
0x90: {  	v60 =	vld [tilespmem:s17+$0xFFFFFF00];
	v18 =	vmul.f32 $5.000000000e-01, v18;
	v61 =	vmul.f32 v38, v38  }
0x91: {  	v2 =	vadd.f32 v23, v2;
	[tilespmem:s13+$0xFFFFFF50] =	vst v36;
	v62 =	vmul.f32 $5.000000000e-01, v4;
	v4 =	vmul.f32 $5.000000000e-01, v11;
	v11 =	vld [tilespmem:s17+$0x0]  }
0x92: {  	v5 =	vadd.f32 v28, v19;
	v3 =	vld [tilespmem:s19+$0xFFFFFF60];
	v31 =	vmul.f32 v31, v31;
	v19 =	vmul.f32 $5.000000000e-01, v61  }
0x93: {  	v26 =	vadd.f32 v27, v6;
	v63 =	vadd.f32 $9.189385170e-01, v4;
	v4 =	vmul.f32 v8, v8  }
0x94: {  	v6 =	vmul.f32 $5.000000000e-01, v31;
	v8 =	vld [tilespmem:s17+$0xFFFFFF80];
	v9 =	vmul.f32 v9, v9;
	v28 =	vadd.f32 $9.189385170e-01, v19  }
0x95: {  	v12 =	vadd.f32 v12, v39;
	[tilespmem:s13+$0xFFFFFFC0] =	vst v63;
	v19 =	vmul.f32 v60, v60;
	v4 =	vmul.f32 $5.000000000e-01, v4  }
0x96: {  	v31 =	vadd.f32 $9.189385170e-01, v6;
	v9 =	vmul.f32 $5.000000000e-01, v9;
	v6 =	vld [tilespmem:s19+$0xFFFFFFD0];
	v11 =	vmul.f32 v11, v11;
	[tilespmem:s14+$0x30] =	vst v28  }
0x97: {  	v27 =	vmul.f32 v3, v3;
	v3 =	vadd.f32 v58, v22;
	v4 =	vadd.f32 $9.189385170e-01, v4;
	v22 =	vld [tilespmem:s15+$0x40]  }
0x98: {  	v19 =	vmul.f32 $5.000000000e-01, v19;
	v42 =	vadd.f32 $9.189385170e-01, v9;
	v23 =	vmul.f32 $5.000000000e-01, v11  }
0x99: {  	v9 =	vadd.f32 $9.189385170e-01, v18;
	v8 =	vmul.f32 v8, v8;
	v11 =	vadd.f32 v31, v2;
	[tilespmem:s14+$0xB0] =	vst v4  }
0x9a: {  	s16 =	simm.s32 $0xE700;
	v2 =	vmul.f32 $5.000000000e-01, v27;
	v19 =	vadd.f32 $9.189385170e-01, v19;
	[tilespmem:s14+$0xFFFFFF30] =	vst v42;
	v27 =	vadd.f32 $9.189385170e-01, v23;
	v18 =	vld [tilespmem:s15+$0xC0]  }
0x9b: {  	[tilespmem:s16+$0x80] =	vst v9;
	v23 =	vmul.f32 $5.000000000e-01, v8;
	v8 =	vadd.f32 v42, v29;
	v29 =	vld [tilespmem:s15+$0xFFFFFF40];
	v43 =	vmul.f32 v6, v6  }
0x9c: {  	v15 =	vadd.f32 v57, v15;
	v44 =	vadd.f32 $9.189385170e-01, v2;
	v45 =	vld [tilespmem:s17+$0x90];
	[tilespmem:s16+$0x0] =	vst v27;
	v22 =	vmul.f32 v22, v22  }
0x9d: {  	v6 =	vadd.f32 v59, v10;
	v10 =	vadd.f32 v28, v14;
	[tilespmem:s16+$0xFFFFFF00] =	vst v19;
	v14 =	vld [tilespmem:s17+$0x10];
	v28 =	vmul.f32 $5.000000000e-01, v43  }
0x9e: {  	v4 =	vadd.f32 v4, v30;
	v2 =	vadd.f32 $9.189385170e-01, v23;
	v23 =	vld [tilespmem:s17+$0xFFFFFF10];
	[tilespmem:s13+$0xFFFFFF60] =	vst v44;
	v22 =	vmul.f32 $5.000000000e-01, v22  }
0x9f: {  	[tilespmem:s13+$0xD0] =	vst v25;
	v30 =	vadd.f32 v20, v17;
	v20 =	vld [tilespmem:s19+$0xFFFFFF70];
	v18 =	vmul.f32 v18, v18;
	v28 =	vadd.f32 $9.189385170e-01, v28  }
0xa0: {  	v36 =	vadd.f32 v36, v13;
	v46 =	vld [tilespmem:s19+$0xE0];
	[tilespmem:s16+$0xFFFFFF80] =	vst v2;
	v29 =	vmul.f32 v29, v29;
	v17 =	vadd.f32 $9.189385170e-01, v22  }
0xa1: {  	v39 =	vadd.f32 $9.189385170e-01, v62;
	v47 =	vld [tilespmem:s17+$0xFFFFFF90];
	v13 =	vmul.f32 v45, v45;
	v18 =	vmul.f32 $5.000000000e-01, v18;
	[tilespmem:s13+$0xFFFFFFD0] =	vst v28  }
0xa2: {  	v22 =	vadd.f32 v28, v15;
	v15 =	vmul.f32 $5.000000000e-01, v29;
	v14 =	vmul.f32 v14, v14;
	v28 =	vld [tilespmem:s19+$0xFFFFFFE0];
	[tilespmem:s14+$0x40] =	vst v17  }
0xa3: {  	v23 =	vmul.f32 v23, v23;
	v29 =	vmul.f32 $5.000000000e-01, v13;
	v13 =	vadd.f32 $9.189385170e-01, v18;
	v48 =	vld [tilespmem:s15+$0x50]  }
0xa4: {  	[tilespmem:s14+$0xFFFFFFA0] =	vst v39;
	v20 =	vmul.f32 v20, v20;
	v18 =	vmul.f32 $5.000000000e-01, v14;
	v14 =	vadd.f32 $9.189385170e-01, v15  }
0xa5: {  	v32 =	vmul.f32 v46, v46;
	v23 =	vmul.f32 $5.000000000e-01, v23;
	v15 =	vadd.f32 $9.189385170e-01, v29;
	v29 =	vld [tilespmem:s15+$0xFFFFFFB0];
	[tilespmem:s14+$0xC0] =	vst v13  }
0xa6: {  	v49 =	vmul.f32 v47, v47;
	v40 =	vmul.f32 $5.000000000e-01, v20;
	v18 =	vadd.f32 $9.189385170e-01, v18;
	[tilespmem:s14+$0xFFFFFF40] =	vst v14;
	v50 =	vld [tilespmem:s15+$0xD0]  }
0xa7: {  	[tilespmem:s13+$0x60] =	vst v31;
	v31 =	vmul.f32 $5.000000000e-01, v32;
	v20 =	vadd.f32 $9.189385170e-01, v23;
	v23 =	vld [tilespmem:s15+$0xFFFFFF50];
	v28 =	vmul.f32 v28, v28  }
0xa8: {  	v51 =	vmul.f32 $5.000000000e-01, v49;
	v52 =	vadd.f32 $9.189385170e-01, v40;
	[tilespmem:s16+$0x10] =	vst v18;
	v34 =	vmul.f32 v48, v48  }
0xa9: {  	v41 =	vadd.f32 $9.189385170e-01, v31;
	v33 =	vadd.f32 v44, v12;
	[tilespmem:s16+$0xFFFFFF10] =	vst v20;
	v53 =	vld [tilespmem:s17+$0x20];
	v28 =	vmul.f32 $5.000000000e-01, v28  }
0xaa: {  	[tilespmem:s16+$0x90] =	vst v15;
	v42 =	vld [tilespmem:s17+$0xFFFFFF20];
	v12 =	vadd.f32 $9.189385170e-01, v51;
	v55 =	vadd.f32 v52, v36;
	v54 =	vmul.f32 $5.000000000e-01, v34  }
0xab: {  	[tilespmem:s13+$0xE0] =	vst v41;
	v56 =	vld [tilespmem:s17+$0xA0];
	v29 =	vmul.f32 v29, v29;
	v38 =	vmul.f32 v50, v50;
	v31 =	vadd.f32 $9.189385170e-01, v28  }
0xac: {  	v57 =	vld [tilespmem:s19+$0xF0];
	[tilespmem:s13+$0xFFFFFF70] =	vst v52;
	v28 =	vadd.f32 v41, v30;
	v30 =	vmul.f32 v23, v23;
	v23 =	vadd.f32 $9.189385170e-01, v54  }
0xad: {  	v35 =	vadd.f32 v63, v26;
	v59 =	vld [tilespmem:s19+$0x70];
	[tilespmem:s16+$0xFFFFFF90] =	vst v12;
	v33 =	vadd.f32 v55, v33;
	v29 =	vmul.f32 $5.000000000e-01, v29  }
0xae: {  	v58 =	vld [tilespmem:s17+$0xFFFFFFA0];
	v34 =	vadd.f32 v25, v16;
	v38 =	vmul.f32 $5.000000000e-01, v38;
	v25 =	vmul.f32 v53, v53;
	[tilespmem:s14+$0x50] =	vst v23  }
0xaf: {  	s18 =	simm.s32 $0x1A420;
	[tilespmem:s13+$0xFFFFFFE0] =	vst v31;
	v26 =	vmul.f32 v42, v42;
	v29 =	vadd.f32 $9.189385170e-01, v29;
	v30 =	vmul.f32 $5.000000000e-01, v30;
	v60 =	vld [tilespmem:s15+$0x60]  }
0xb0: {  	[tilespmem:s18+$0xFFFFFFE0] =	vst v33;
	v36 =	vmul.f32 v56, v56;
	v43 =	vld [tilespmem:s19+$0xFFFFFFF0];
	v16 =	vadd.f32 $9.189385170e-01, v38;
	v61 =	vmul.f32 $5.000000000e-01, v25  }
0xb1: {  	v62 =	vmul.f32 $5.000000000e-01, v26;
	[tilespmem:s14+$0xFFFFFFB0] =	vst v29;
	v25 =	vadd.f32 $9.189385170e-01, v30;
	v30 =	vmul.f32 v57, v57  }
0xb2: {  	v21 =	vadd.f32 v39, v21;
	v63 =	vmul.f32 $5.000000000e-01, v36;
	v40 =	vld [tilespmem:s15+$0xFFFFFFC0];
	[tilespmem:s14+$0xD0] =	vst v16;
	v33 =	vadd.f32 $9.189385170e-01, v61  }
0xb3: {  	v24 =	vadd.f32 v29, v24;
	v36 =	vadd.f32 $9.189385170e-01, v62;
	v26 =	vld [tilespmem:s15+$0xE0];
	[tilespmem:s14+$0xFFFFFF50] =	vst v25;
	v30 =	vmul.f32 $5.000000000e-01, v30  }
0xb4: {  	v44 =	vmul.f32 v58, v58;
	v29 =	vadd.f32 $9.189385170e-01, v63;
	v38 =	vld [tilespmem:s15+$0xFFFFFF60];
	[tilespmem:s16+$0x20] =	vst v33;
	v45 =	vmul.f32 v60, v60  }
0xb5: {  	v37 =	vmul.f32 v59, v59;
	[tilespmem:s16+$0xFFFFFF20] =	vst v36;
	v41 =	vmul.f32 v43, v43;
	v30 =	vadd.f32 $9.189385170e-01, v30;
	v42 =	vld [tilespmem:s17+$0x30]  }
0xb6: {  	s20 =	simm.s32 $0x8;
	s21 =	simm.s32 $0x2900;
	s19 =	simm.s32 $0x1A420;
	v32 =	vmul.f32 $5.000000000e-01, v44;
	[tilespmem:s16+$0xA0] =	vst v29;
	v43 =	vld [tilespmem:s17+$0xFFFFFF30];
	v27 =	vadd.f32 v33, v27;
	v39 =	vmul.f32 $5.000000000e-01, v45  }
.LBB2_2:
0xb7: {  	s20 =	sadd.s32 $0x4, s20;
	v33 =	vld [tilespmem:s17+$0xB0];
	v31 =	vadd.f32 v31, v35;
	v35 =	vmul.f32 $5.000000000e-01, v41;
	v34 =	vadd.f32 v30, v34;
	s18 =	sadd.s32 $0x40, s18  }
0xb8: {  	v36 =	vadd.f32 v36, v19;
	v41 =	vld [tilespmem:s21+$0xFFFFFF80];
	p0 =	slt.u32 s20, $0x7C;
	v19 =	vmul.f32 v40, v40;
	v39 =	vadd.f32 $9.189385170e-01, v39  }
0xb9: {  	v37 =	vmul.f32 $5.000000000e-01, v37;
	v40 =	vld [tilespmem:s21+$0x80];
	v35 =	vadd.f32 $9.189385170e-01, v35;
	v28 =	vadd.f32 v34, v28  }
0xba: {  	v44 =	vadd.f32 v1, v7;
	v7 =	vmovc v10;
	v34 =	vld [tilespmem:s21+$0xFFFFFF00];
	v42 =	vmul.f32 v42, v42;
	v19 =	vmul.f32 $5.000000000e-01, v19;
	[tilespmem:s13+$0xF0] =	vst v30  }
0xbb: {  	v1 =	vmovc v23;
	v38 =	vmul.f32 v38, v38;
	v10 =	vld [tilespmem:s21+$0x0];
	v22 =	vadd.f32 v35, v22;
	[tilespmem:s13+$0xFFFFFFF0] =	vst v35;
	v35 =	vadd.f32 $9.189385170e-01, v37  }
0xbc: {  	v23 =	vmul.f32 v43, v43;
	v37 =	vmul.f32 $5.000000000e-01, v42;
	v30 =	vadd.f32 $9.189385170e-01, v19;
	[tilespmem:s19+$0x10] =	vst v28  }
0xbd: {  	v19 =	vmul.f32 v33, v33;
	v28 =	vmul.f32 v41, v41;
	v33 =	vadd.f32 v35, v44;
	[tilespmem:s13+$0x70] =	vst v35;
	s13 =	smov.u32 s14;
	s14 =	smov.u32 s16  }
0xbe: {  	v22 =	vadd.f32 v22, v31;
	v35 =	vmul.f32 v40, v40;
	v37 =	vadd.f32 $9.189385170e-01, v37;
	[tilespmem:s13+$0xFFFFFFC0] =	vst v30  }
0xbf: {  	v19 =	vmul.f32 $5.000000000e-01, v19;
	v31 =	vmul.f32 v34, v34;
	v34 =	vld [tilespmem:s15+$0xFFFFFFD0];
	[tilespmem:s13+$0x60] =	vst v39;
	v11 =	vadd.f32 v33, v11  }
0xc0: {  	v17 =	vadd.f32 v17, v5;
	v5 =	vmovc v27;
	v23 =	vmul.f32 $5.000000000e-01, v23;
	v10 =	vmul.f32 v10, v10;
	[tilespmem:s16+$0x30] =	vst v37  }
0xc1: {  	s16 =	sadd.s32 $0x200, s16;
	v27 =	vmul.f32 $5.000000000e-01, v31;
	v31 =	vmul.f32 $5.000000000e-01, v35;
	v33 =	vld [tilespmem:s17+$0x40];
	v35 =	vadd.f32 $9.189385170e-01, v19;
	[tilespmem:s19+$0x0] =	vst v11  }
0xc2: {  	v23 =	vadd.f32 $9.189385170e-01, v23;
	v11 =	vadd.f32 v39, v17;
	v10 =	vmul.f32 $5.000000000e-01, v10;
	[tilespmem:s19+$0xFFFFFFF0] =	vst v22;
	s19 =	smov.u32 s18  }
0xc3: {  	v22 =	vmul.f32 $5.000000000e-01, v38;
	v19 =	vadd.f32 $9.189385170e-01, v27;
	v17 =	vadd.f32 $9.189385170e-01, v31;
	[tilespmem:s14+$0xB0] =	vst v35  }
0xc4: {  	v28 =	vmul.f32 $5.000000000e-01, v28;
	v20 =	vadd.f32 v23, v20;
	v27 =	vadd.f32 $9.189385170e-01, v10;
	[tilespmem:s14+$0xFFFFFF30] =	vst v23;
	v23 =	vld [tilespmem:s17+$0xC0]  }
0xc5: {  	v29 =	vadd.f32 v29, v9;
	v38 =	vadd.f32 $9.189385170e-01, v22;
	v22 =	vmul.f32 v34, v34;
	[tilespmem:s16+$0x80] =	vst v17;
	v31 =	vld [tilespmem:s17+$0xFFFFFF40];
	v9 =	vmovc v17  }
0xc6: {  	v35 =	vadd.f32 v35, v15;
	v10 =	vadd.f32 v37, v18;
	[tilespmem:s16+$0x0] =	vst v27;
	v34 =	vld [tilespmem:s21+$0x90];
	v17 =	vmul.f32 v33, v33  }
0xc7: {  	v33 =	vadd.f32 $9.189385170e-01, v28;
	v18 =	vmul.f32 $5.000000000e-01, v22;
	[tilespmem:s16+$0xFFFFFF00] =	vst v19;
	v15 =	vld [tilespmem:s21+$0x10]  }
0xc8: {  	v37 =	vadd.f32 v13, v6;
	v6 =	vmov v29;
	v28 =	vld [tilespmem:s21+$0xFFFFFF10];
	v17 =	vmul.f32 $5.000000000e-01, v17;
	[tilespmem:s13+$0xFFFFFF60] =	vst v38  }
0xc9: {  	v13 =	vmul.f32 v23, v23;
	v23 =	vadd.f32 v14, v3;
	v29 =	vld [tilespmem:s15+$0xFFFFFF70];
	v14 =	vadd.f32 $9.189385170e-01, v18;
	v3 =	vmovc v36  }
0xca: {  	v25 =	vadd.f32 v25, v8;
	v8 =	vmovc v20;
	[tilespmem:s16+$0xFFFFFF80] =	vst v33;
	v18 =	vmul.f32 v31, v31;
	v17 =	vadd.f32 $9.189385170e-01, v17  }
0xcb: {  	v20 =	vld [tilespmem:s21+$0xFFFFFF90];
	v31 =	vmul.f32 v34, v34;
	v13 =	vmul.f32 $5.000000000e-01, v13;
	v22 =	vadd.f32 v14, v24;
	[tilespmem:s13+$0xFFFFFFD0] =	vst v14  }
0xcc: {  	v39 =	vadd.f32 $9.189385170e-01, v32;
	v14 =	vmul.f32 v15, v15;
	v15 =	vmul.f32 $5.000000000e-01, v18;
	[tilespmem:s14+$0x40] =	vst v17;
	v24 =	vld [tilespmem:s15+$0xFFFFFFE0]  }
0xcd: {  	v18 =	vmul.f32 v28, v28;
	v28 =	vmul.f32 $5.000000000e-01, v31;
	v31 =	vld [tilespmem:s17+$0x50];
	v13 =	vadd.f32 $9.189385170e-01, v13  }
0xce: {  	v32 =	vmul.f32 $5.000000000e-01, v14;
	v14 =	vadd.f32 $9.189385170e-01, v15;
	[tilespmem:s14+$0xFFFFFFA0] =	vst v39;
	v29 =	vmul.f32 v29, v29  }
0xcf: {  	v26 =	vmul.f32 v26, v26;
	v34 =	vmul.f32 $5.000000000e-01, v18;
	v15 =	vadd.f32 $9.189385170e-01, v28;
	v36 =	vld [tilespmem:s17+$0xFFFFFFB0];
	[tilespmem:s14+$0xC0] =	vst v13  }
0xd0: {  	v28 =	vmul.f32 v20, v20;
	v18 =	vadd.f32 $9.189385170e-01, v32;
	[tilespmem:s14+$0xFFFFFF40] =	vst v14;
	v32 =	vld [tilespmem:s17+$0xD0];
	v29 =	vmul.f32 $5.000000000e-01, v29  }
0xd1: {  	v26 =	vmul.f32 $5.000000000e-01, v26;
	v20 =	vadd.f32 $9.189385170e-01, v34;
	[tilespmem:s16+$0x90] =	vst v15;
	v34 =	vld [tilespmem:s17+$0xFFFFFF50];
	v24 =	vmul.f32 v24, v24  }
0xd2: {  	v28 =	vmul.f32 $5.000000000e-01, v28;
	[tilespmem:s16+$0x10] =	vst v18;
	v31 =	vmul.f32 v31, v31;
	v29 =	vadd.f32 $9.189385170e-01, v29  }
0xd3: {  	v38 =	vadd.f32 v38, v23;
	[tilespmem:s16+$0xFFFFFF10] =	vst v20;
	v40 =	vld [tilespmem:s21+$0x20];
	v23 =	vmul.f32 $5.000000000e-01, v24;
	v24 =	vadd.f32 $9.189385170e-01, v26  }
0xd4: {  	v26 =	vld [tilespmem:s21+$0xFFFFFF20];
	v41 =	vadd.f32 $9.189385170e-01, v28;
	v42 =	vmul.f32 $5.000000000e-01, v31;
	v25 =	vadd.f32 v29, v25;
	[tilespmem:s13+$0xFFFFFF70] =	vst v29  }
0xd5: {  	v29 =	vld [tilespmem:s21+$0xA0];
	v32 =	vmul.f32 v32, v32;
	v31 =	vadd.f32 $9.189385170e-01, v23;
	v28 =	vadd.f32 v24, v37;
	[tilespmem:s13+$0xE0] =	vst v24  }
0xd6: {  	v36 =	vmul.f32 v36, v36;
	[tilespmem:s16+$0xFFFFFF90] =	vst v41;
	v24 =	vmul.f32 v34, v34;
	v23 =	vadd.f32 $9.189385170e-01, v42;
	v37 =	vld [tilespmem:s15+$0xF0]  }
0xd7: {  	v25 =	vadd.f32 v25, v38;
	v34 =	vadd.f32 v16, v4;
	v4 =	vmovc v35;
	v42 =	vld [tilespmem:s21+$0xFFFFFFA0];
	v32 =	vmul.f32 $5.000000000e-01, v32;
	[tilespmem:s13+$0xFFFFFFE0] =	vst v31  }
0xd8: {  	v36 =	vmul.f32 $5.000000000e-01, v36;
	v35 =	vadd.f32 v30, v21;
	v38 =	vmul.f32 v40, v40;
	[tilespmem:s14+$0x50] =	vst v23;
	v21 =	vld [tilespmem:s15+$0x70]  }
0xd9: {  	v24 =	vmul.f32 $5.000000000e-01, v24;
	v26 =	vmul.f32 v26, v26;
	v30 =	vld [tilespmem:s17+$0x60];
	v16 =	vadd.f32 $9.189385170e-01, v32;
	[tilespmem:s18+$0xFFFFFFE0] =	vst v25  }
0xda: {  	v36 =	vadd.f32 $9.189385170e-01, v36;
	v32 =	vmul.f32 $5.000000000e-01, v38;
	v29 =	vmul.f32 v29, v29;
	v43 =	vld [tilespmem:s15+$0xFFFFFFF0];
	s15 =	smov.u32 s17;
	s17 =	smov.u32 s21  }
0xdb: {  	v25 =	vadd.f32 $9.189385170e-01, v24;
	v38 =	vmul.f32 $5.000000000e-01, v26;
	[tilespmem:s14+$0xD0] =	vst v16;
	v37 =	vmul.f32 v37, v37  }
.Ltmp0:
0xdc: {  	v24 =	vadd.f32 v36, v12;
	v12 =	vmovc v41;
	v44 =	vadd.f32 $9.189385170e-01, v32;
	v29 =	vmul.f32 $5.000000000e-01, v29;
	[tilespmem:s14+$0xFFFFFFB0] =	vst v36;
	v26 =	vld [tilespmem:s15+$0xE0];
	(pc) =	sbr.rel @p0 .LBB2_2-.Ltmp0, $4  }
0xdd: {  	v32 =	vmul.f32 v42, v42;
	v36 =	vadd.f32 $9.189385170e-01, v38;
	[tilespmem:s14+$0xFFFFFF50] =	vst v25;
	v40 =	vld [tilespmem:s15+$0xFFFFFFC0];
	v45 =	vmul.f32 $5.000000000e-01, v37  }
0xde: {  	v37 =	vmul.f32 v21, v21;
	[tilespmem:s16+$0x20] =	vst v44;
	v29 =	vadd.f32 $9.189385170e-01, v29;
	v38 =	vld [tilespmem:s15+$0xFFFFFF60];
	v46 =	vmul.f32 v30, v30  }
0xdf: {  	v32 =	vmul.f32 $5.000000000e-01, v32;
	[tilespmem:s16+$0xFFFFFF20] =	vst v36;
	v42 =	vld [tilespmem:s21+$0x30];
	v41 =	vmul.f32 v43, v43;
	v30 =	vadd.f32 $9.189385170e-01, v45  }
0xe0: {  	v21 =	vadd.f32 v39, v2;
	v2 =	vmovc v33;
	v27 =	vadd.f32 v44, v27;
	s21 =	sadd.s32 $0x200, s21;
	v43 =	vld [tilespmem:s17+$0xFFFFFF30];
	[tilespmem:s16+$0xA0] =	vst v29;
	v39 =	vmul.f32 $5.000000000e-01, v46  }
0xe1: {  	_ = 	snop  }
0xe2: {  	v33 =	vld [tilespmem:s17+$0xB0];
	v32 =	vadd.f32 $9.189385170e-01, v32;
	_ =	sdelay $0x1  }
0xe3: {  	[tilespmem:s16+$0xFFFFFFA0] =	vst v32  }
0xe4: {  	v44 =	vld [tilespmem:s17+$0xFFFFFFB0];
	v43 =	vmul.f32 v43, v43  }
0xe5: {  	v42 =	vmul.f32 v42, v42  }
0xe6: {  	v33 =	vmul.f32 v33, v33;
	v43 =	vmul.f32 $5.000000000e-01, v43  }
0xe7: {  	v42 =	vmul.f32 $5.000000000e-01, v42  }
0xe8: {  	v40 =	vmul.f32 v40, v40;
	v33 =	vmul.f32 $5.000000000e-01, v33;
	v43 =	vadd.f32 $9.189385170e-01, v43  }
0xe9: {  	v42 =	vadd.f32 $9.189385170e-01, v42;
	v44 =	vmul.f32 v44, v44  }
0xea: {  	v40 =	vmul.f32 $5.000000000e-01, v40;
	v33 =	vadd.f32 $9.189385170e-01, v33;
	[tilespmem:s16+$0xFFFFFF30] =	vst v43  }
0xeb: {  	[tilespmem:s16+$0x30] =	vst v42;
	v44 =	vmul.f32 $5.000000000e-01, v44;
	v45 =	vld [tilespmem:s17+$0xFFFFFF40]  }
0xec: {  	v40 =	vadd.f32 $9.189385170e-01, v40;
	v47 =	vld [tilespmem:s17+$0x40];
	[tilespmem:s16+$0xB0] =	vst v33  }
0xed: {  	v46 =	vld [tilespmem:s17+$0xC0];
	v44 =	vadd.f32 $9.189385170e-01, v44  }
0xee: {  	[tilespmem:s14+$0xFFFFFFC0] =	vst v40  }
0xef: {  	v41 =	vmul.f32 $5.000000000e-01, v41;
	v35 =	vadd.f32 v31, v35;
	v48 =	vld [tilespmem:s15+$0xFFFFFFD0];
	[tilespmem:s16+$0xFFFFFFB0] =	vst v44  }
0xf0: {  	v34 =	vadd.f32 v30, v34;
	v19 =	vadd.f32 v36, v19;
	v49 =	vld [tilespmem:s17+$0xFFFFFFC0];
	v45 =	vmul.f32 v45, v45  }
0xf1: {  	v1 =	vadd.f32 v1, v7;
	v31 =	vmul.f32 v38, v38;
	v56 =	vmul.f32 v47, v47  }
0xf2: {  	v5 =	vadd.f32 v17, v5;
	v54 =	vmul.f32 v46, v46;
	v53 =	vmul.f32 $5.000000000e-01, v45  }
0xf3: {  	v9 =	vadd.f32 v29, v9;
	v55 =	vmul.f32 $5.000000000e-01, v31;
	v46 =	vmul.f32 $5.000000000e-01, v56  }
0xf4: {  	v57 =	vmul.f32 v48, v48;
	v36 =	vmul.f32 $5.000000000e-01, v54;
	v31 =	vadd.f32 $9.189385170e-01, v53  }
0xf5: {  	v3 =	vadd.f32 v14, v3;
	v7 =	vadd.f32 $9.189385170e-01, v46;
	v58 =	vmul.f32 v49, v49  }
0xf6: {  	v38 =	vadd.f32 $9.189385170e-01, v41;
	v41 =	vmul.f32 $5.000000000e-01, v57;
	v36 =	vadd.f32 $9.189385170e-01, v36;
	[tilespmem:s16+$0xFFFFFF40] =	vst v31  }
0xf7: {  	v8 =	vadd.f32 v25, v8;
	v6 =	vadd.f32 v13, v6;
	[tilespmem:s16+$0x40] =	vst v7;
	v60 =	vmul.f32 $5.000000000e-01, v58;
	v59 =	vld [tilespmem:s17+$0xFFFFFF50]  }
0xf8: {  	v37 =	vmul.f32 $5.000000000e-01, v37;
	v4 =	vadd.f32 v16, v4;
	v41 =	vadd.f32 $9.189385170e-01, v41;
	v63 =	vld [tilespmem:s17+$0x50];
	[tilespmem:s16+$0xC0] =	vst v36  }
0xf9: {  	v10 =	vadd.f32 v23, v10;
	v62 =	vld [tilespmem:s17+$0xD0];
	v46 =	vadd.f32 $9.189385170e-01, v60  }
0xfa: {  	v39 =	vadd.f32 $9.189385170e-01, v39;
	v37 =	vadd.f32 $9.189385170e-01, v37;
	[tilespmem:s14+$0xFFFFFFD0] =	vst v41  }
0xfb: {  	v50 =	vmul.f32 v26, v26;
	v28 =	vadd.f32 v34, v28;
	v45 =	vadd.f32 $9.189385170e-01, v55;
	v17 =	vld [tilespmem:s15+$0xFFFFFFE0];
	[tilespmem:s16+$0xFFFFFFC0] =	vst v46  }
0xfc: {  	v2 =	vadd.f32 v32, v2;
	[tilespmem:s14+$0x60] =	vst v39;
	v22 =	vadd.f32 v38, v22;
	v26 =	vld [tilespmem:s17+$0xFFFFFFD0];
	v48 =	vmul.f32 v59, v59  }
0xfd: {  	v5 =	vadd.f32 v39, v5;
	v1 =	vadd.f32 v37, v1;
	v25 =	vld [tilespmem:s15+$0x70];
	[tilespmem:s14+$0xFFFFFF60] =	vst v45;
	v53 =	vmul.f32 v63, v63  }
0xfe: {  	v22 =	vadd.f32 v22, v35;
	v61 =	vld [tilespmem:s15+$0xFFFFFF70];
	v29 =	vmul.f32 v62, v62;
	v51 =	vmul.f32 $5.000000000e-01, v48  }
0xff: {  	v1 =	vadd.f32 v1, v11;
	v11 =	vmul.f32 $5.000000000e-01, v50;
	v54 =	vmul.f32 $5.000000000e-01, v53  }
0x100: {  	v17 =	vmul.f32 v17, v17;
	v29 =	vmul.f32 $5.000000000e-01, v29;
	v35 =	vadd.f32 $9.189385170e-01, v51  }
0x101: {  	v16 =	vadd.f32 v40, v21;
	v56 =	vadd.f32 $9.189385170e-01, v54;
	v26 =	vmul.f32 v26, v26  }
0x102: {  	v25 =	vmul.f32 v25, v25;
	v55 =	vmul.f32 $5.000000000e-01, v17;
	v17 =	vadd.f32 $9.189385170e-01, v29;
	[tilespmem:s16+$0xFFFFFF50] =	vst v35  }
0x103: {  	v11 =	vadd.f32 $9.189385170e-01, v11;
	v52 =	vmul.f32 v61, v61;
	[tilespmem:s16+$0x50] =	vst v56;
	v26 =	vmul.f32 $5.000000000e-01, v26;
	v29 =	vld [tilespmem:s17+$0xFFFFFF60]  }
0x104: {  	v18 =	vadd.f32 v42, v18;
	v25 =	vmul.f32 $5.000000000e-01, v25;
	v14 =	vadd.f32 $9.189385170e-01, v55;
	v59 =	vld [tilespmem:s17+$0x60];
	[tilespmem:s16+$0xD0] =	vst v17  }
0x105: {  	v20 =	vadd.f32 v43, v20;
	[tilespmem:s14+$0xE0] =	vst v11;
	v34 =	vmul.f32 $5.000000000e-01, v52;
	v58 =	vld [tilespmem:s17+$0xE0];
	v26 =	vadd.f32 $9.189385170e-01, v26  }
0x106: {  	v6 =	vadd.f32 v11, v6;
	v23 =	vadd.f32 $9.189385170e-01, v25;
	v57 =	vld [tilespmem:s15+$0xF0];
	[tilespmem:s14+$0xFFFFFFE0] =	vst v14  }
0x107: {  	v15 =	vadd.f32 v33, v15;
	v34 =	vadd.f32 $9.189385170e-01, v34;
	v60 =	vld [tilespmem:s15+$0xFFFFFFF0];
	[tilespmem:s16+$0xFFFFFFD0] =	vst v26  }
0x108: {  	v12 =	vadd.f32 v44, v12;
	v10 =	vadd.f32 v23, v10;
	v62 =	vld [tilespmem:s17+$0xFFFFFFE0];
	v29 =	vmul.f32 v29, v29  }
0x109: {  	v3 =	vadd.f32 v45, v3;
	v8 =	vadd.f32 v34, v8;
	v13 =	vmul.f32 v59, v59  }
0x10a: {  	[tilespmem:s13+$0xF0] =	vst v30;
	v5 =	vadd.f32 v10, v5;
	v21 =	vmul.f32 v58, v58;
	v63 =	vmul.f32 $5.000000000e-01, v29  }
0x10b: {  	[tilespmem:s13+$0xFFFFFFF0] =	vst v38;
	v24 =	vadd.f32 v41, v24;
	v61 =	vmul.f32 v57, v57;
	v3 =	vadd.f32 v8, v3  }
0x10c: {  	[tilespmem:s19+$0x10] =	vst v28;
	v13 =	vmul.f32 $5.000000000e-01, v13;
	v21 =	vmul.f32 $5.000000000e-01, v21;
	v8 =	vadd.f32 $9.189385170e-01, v63  }
0x10d: {  	[tilespmem:s13+$0x70] =	vst v37;
	v7 =	vadd.f32 v7, v27;
	v29 =	vmul.f32 v60, v60;
	v30 =	vmul.f32 v62, v62  }
0x10e: {  	v11 =	vmul.f32 $5.000000000e-01, v61;
	v14 =	vadd.f32 v14, v16;
	v21 =	vadd.f32 $9.189385170e-01, v21;
	[tilespmem:s16+$0xFFFFFF60] =	vst v8  }
0x10f: {  	[tilespmem:s19+$0x0] =	vst v1;
	v1 =	vadd.f32 $9.189385170e-01, v13;
	v16 =	vmul.f32 $5.000000000e-01, v29;
	v28 =	vmul.f32 $5.000000000e-01, v30;
	v29 =	vld [tilespmem:s17+$0xFFFFFF70]  }
0x110: {  	v42 =	vadd.f32 v31, v19;
	v11 =	vadd.f32 $9.189385170e-01, v11;
	[tilespmem:s16+$0xE0] =	vst v21  }
0x111: {  	v9 =	vadd.f32 v36, v9;
	[tilespmem:s16+$0x60] =	vst v1;
	v25 =	vadd.f32 $9.189385170e-01, v28;
	v28 =	vld [tilespmem:s17+$0xF0]  }
0x112: {  	[tilespmem:s19+$0xFFFFFFF0] =	vst v22;
	v4 =	vadd.f32 v11, v4;
	v16 =	vadd.f32 $9.189385170e-01, v16;
	v41 =	vld [tilespmem:s17+$0x70]  }
0x113: {  	v0 =	vlaneseq.u32;
	v2 =	vadd.f32 v46, v2;
	v48 =	vadd.f32 v56, v18;
	[tilespmem:s16+$0xFFFFFFE0] =	vst v25  }
0x114: {  	s18 =	sadd.s32 $0x40, s18;
	[tilespmem:s14+$0xFFFFFF70] =	vst v34;
	v4 =	vadd.f32 v4, v6;
	v38 =	vadd.f32 v16, v24;
	v40 =	vld [tilespmem:s17+$0xFFFFFFF0];
	v24 =	vmul.f32 v29, v29  }
0x115: {  	v49 =	vand.u32 $0x7, v0;
	v45 =	vadd.f32 v17, v15;
	[tilespmem:s18+$0xFFFFFFE0] =	vst v3;
	v3 =	vadd.f32 v35, v20  }
0x116: {  	[tilespmem:s14+$0xF0] =	vst v11;
	v7 =	vadd.f32 v1, v7;
	v19 =	vmul.f32 v28, v28;
	v1 =	vmul.f32 $5.000000000e-01, v24  }
0x117: {  	[tilespmem:s18+$0x10] =	vst v4;
	v43 =	vadd.f32 v26, v12;
	v8 =	vadd.f32 v8, v42;
	v4 =	vmul.f32 v41, v41  }
0x118: {  	[tilespmem:s14+$0x70] =	vst v23;
	v9 =	vadd.f32 v21, v9;
	v44 =	vmul.f32 $5.000000000e-01, v19;
	v1 =	vadd.f32 $9.189385170e-01, v1  }
0x119: {  	[tilespmem:s18+$0x0] =	vst v5;
	v6 =	vadd.f32 v38, v14;
	v4 =	vmul.f32 $5.000000000e-01, v4;
	v13 =	vmul.f32 v40, v40  }
0x11a: {  	v12 =	vmul.u32 $0x10, v49;
	[tilespmem:s14+$0xFFFFFFF0] =	vst v16;
	v46 =	vadd.f32 $9.189385170e-01, v44;
	v3 =	vadd.f32 v1, v3  }
0x11b: {  	v5 =	vadd.f32 v25, v2;
	[tilespmem:s18+$0xFFFFFFF0] =	vst v6;
	v4 =	vadd.f32 $9.189385170e-01, v4;
	v47 =	vmul.f32 $5.000000000e-01, v13  }
0x11c: {  	[tilespmem:s16+$0xFFFFFF70] =	vst v1;
	v1 =	vmul.u32 $0x10, v0;
	v2 =	vadd.f32 v46, v45;
	v3 =	vadd.f32 v3, v8  }
0x11d: {  	s20 =	simm.s32 $0x100;
	[tilespmem:s16+$0x70] =	vst v4;
	v6 =	vadd.f32 $9.189385170e-01, v47;
	v8 =	vadd.f32 v4, v48  }
0x11e: {  	s19 =	sadd.s32 $0x40, s18;
	[tilespmem:s16+$0xF0] =	vst v46;
	v50 =	vor.u32 s20, v1;
	v9 =	vadd.f32 v2, v9;
	v2 =	vor.u32 $0xFFFFFF80, v12  }
0x11f: {  	v15 =	vor.u32 $0x4, v1;
	[tilespmem:s19+$0xFFFFFFE0] =	vst v3;
	v11 =	vadd.f32 v6, v43;
	v10 =	vand.u32 v2, v50  }
0x120: {  	s21 =	simm.s32 $0x0;
	v16 =	vor.u32 s20, v15;
	[tilespmem:s16+$0xFFFFFFF0] =	vst v6;
	v7 =	vadd.f32 v8, v7  }
0x121: {  	v18 =	vor.u32 $0x5, v1;
	v17 =	vor.u32 s21, v15;
	[tilespmem:s19+$0x10] =	vst v9;
	v4 =	vadd.f32 v11, v5  }
0x122: {  	v21 =	vor.u32 $0x6, v1;
	v20 =	vor.u32 s21, v18;
	[tilespmem:s19+$0x0] =	vst v7  }
0x123: {  	v22 =	vor.u32 s20, v21;
	[tilespmem:s19+$0xFFFFFFF0] =	vst v4  }
0x124: {  	v24 =	vor.u32 $0x7, v1;
	v23 =	vor.u32 s21, v21;
	v10 =	vld.idx.msk [tilespmem:v10+s4+$0x0], $0xffff  }
0x125: {  	v25 =	vor.u32 s20, v24;
	v16 =	vld.idx.msk [tilespmem:v16+s4+$0x0], $0xffff  }
0x126: {  	v27 =	vor.u32 $0x8, v1;
	v26 =	vor.u32 s21, v24;
	v17 =	vld.idx.msk [tilespmem:v17+s4+$0x0], $0xffff  }
0x127: {  	v30 =	vor.u32 $0x9, v1;
	v29 =	vor.u32 s21, v27;
	v20 =	vld.idx.msk [tilespmem:v20+s4+$0x0], $0xffff  }
0x128: {  	v31 =	vor.u32 s20, v30;
	v9 =	vor.u32 $0x2, v1;
	v22 =	vld.idx.msk [tilespmem:v22+s4+$0x0], $0xffff  }
0x129: {  	v4 =	vor.u32 s20, v9;
	v23 =	vld.idx.msk [tilespmem:v23+s4+$0x0], $0xffff  }
0x12a: {  	v33 =	vor.u32 $0xA, v1;
	v54 =	vor.u32 s21, v30;
	v25 =	vld.idx.msk [tilespmem:v25+s4+$0x0], $0xffff  }
0x12b: {  	v55 =	vor.u32 s20, v33;
	v26 =	vld.idx.msk [tilespmem:v26+s4+$0x0], $0xffff  }
0x12c: {  	v56 =	vor.u32 s21, v33;
	v6 =	vor.u32 s21, v1;
	v3 =	vor.u32 $0xFFFFFE80, v12;
	v29 =	vld.idx.msk [tilespmem:v29+s4+$0x0], $0xffff  }
0x12d: {  	v6 =	vand.u32 v3, v6;
	v31 =	vld.idx.msk [tilespmem:v31+s4+$0x0], $0xffff  }
0x12e: {  	v8 =	vor.u32 $0x1, v1;
	v19 =	vld.idx.msk [tilespmem:v4+s4+$0x0], $0xffff;
	v4 =	vor.u32 s20, v18  }
0x12f: {  	v5 =	vor.u32 s20, v8;
	v32 =	vld.idx.msk [tilespmem:v54+s4+$0x0], $0xffff  }
0x130: {  	v12 =	vor.u32 $0x3, v1;
	v7 =	vor.u32 s21, v8;
	v34 =	vld.idx.msk [tilespmem:v55+s4+$0x0], $0xffff  }
0x131: {  	v52 =	vor.u32 s20, v12;
	v35 =	vld.idx.msk [tilespmem:v56+s4+$0x0], $0xffff  }
0x132: {  	v51 =	vor.u32 s21, v9;
	v6 =	vld.idx.msk [tilespmem:v6+s4+$0x0], $0xffff  }
0x133: {  	v28 =	vld.idx.msk [tilespmem:v4+s4+$0x0], $0xffff;
	v4 =	vor.u32 s20, v27  }
0x134: {  	v36 =	vor.u32 $0xB, v1;
	v53 =	vor.u32 s21, v12;
	v5 =	vld.idx.msk [tilespmem:v5+s4+$0x0], $0xffff  }
0x135: {  	v57 =	vor.u32 s20, v36;
	v7 =	vld.idx.msk [tilespmem:v7+s4+$0x0], $0xffff  }
0x136: {  	v42 =	vor.u32 $0xD, v1;
	v58 =	vor.u32 s21, v36;
	v13 =	vld.idx.msk [tilespmem:v52+s4+$0x0], $0xffff  }
0x137: {  	v48 =	vor.u32 $0xF, v1;
	v62 =	vor.u32 s21, v42;
	v11 =	vld.idx.msk [tilespmem:v51+s4+$0x0], $0xffff  }
0x138: {  	s14 =	simm.s32 $0x300;
	v49 =	vor.u32 s20, v48;
	v6 =	vadd.f32 $0.0e+00, v6;
	v37 =	vld.idx.msk [tilespmem:v4+s4+$0x0], $0xffff;
	v4 =	vadd.f32 $0.0e+00, v10  }
0x139: {  	s13 =	simm.s32 $0x200;
	v40 =	vor.u32 $0xC, v1;
	v61 =	vor.u32 s20, v42;
	v55 =	vor.u32 s14, v8;
	v14 =	vld.idx.msk [tilespmem:v53+s4+$0x0], $0xffff  }
0x13a: {  	v38 =	vld.idx.msk [tilespmem:v57+s4+$0x0], $0xffff;
	v8 =	vor.u32 s13, v8;
	v6 =	vadd.f32 v7, v6;
	v5 =	vadd.f32 v5, v4  }
0x13b: {  	v60 =	vor.u32 s21, v40;
	v39 =	vld.idx.msk [tilespmem:v58+s4+$0x0], $0xffff;
	v57 =	vor.u32 s14, v12;
	v12 =	vor.u32 s13, v12  }
0x13c: {  	v54 =	vld.idx.msk [tilespmem:v62+s4+$0x0], $0xffff;
	v51 =	vor.u32 s14, v1;
	v6 =	vadd.f32 v11, v6;
	v5 =	vadd.f32 v19, v5  }
0x13d: {  	v56 =	vld.idx.msk [tilespmem:v49+s4+$0x0], $0xffff;
	v47 =	vand.u32 v2, v51  }
0x13e: {  	v52 =	vld.idx.msk [tilespmem:v61+s4+$0x0], $0xffff;
	v6 =	vadd.f32 v14, v6;
	v5 =	vadd.f32 v13, v5  }
0x13f: {  	v59 =	vor.u32 s20, v40;
	v53 =	vor.u32 s13, v1;
	v8 =	vld.idx.msk [tilespmem:v8+s4+$0x0], $0xffff  }
0x140: {  	v43 =	vand.u32 v3, v53;
	v12 =	vld.idx.msk [tilespmem:v12+s4+$0x0], $0xffff;
	v6 =	vadd.f32 v17, v6;
	v5 =	vadd.f32 v16, v5  }
0x141: {  	v7 =	vld.idx.msk [tilespmem:v60+s4+$0x0], $0xffff;
	v4 =	vor.u32 $0xE, v1  }
0x142: {  	v17 =	vld.idx.msk [tilespmem:v47+s4+$0x0], $0xffff;
	v6 =	vadd.f32 v20, v6;
	v63 =	vor.u32 s20, v4;
	v5 =	vadd.f32 v28, v5  }
0x143: {  	v20 =	vld.idx.msk [tilespmem:v55+s4+$0x0], $0xffff;
	v28 =	vor.u32 s14, v9  }
0x144: {  	v19 =	vld.idx.msk [tilespmem:v59+s4+$0x0], $0xffff;
	v6 =	vadd.f32 v23, v6;
	v9 =	vor.u32 s13, v9;
	v5 =	vadd.f32 v22, v5  }
0x145: {  	v50 =	vor.u32 s21, v4;
	v22 =	vld.idx.msk [tilespmem:v43+s4+$0x0], $0xffff  }
0x146: {  	v6 =	vadd.f32 v26, v6;
	v26 =	vld.idx.msk [tilespmem:v57+s4+$0x0], $0xffff;
	v5 =	vadd.f32 v25, v5;
	v25 =	vor.u32 s14, v15  }
0x147: {  	v16 =	vld.idx.msk [tilespmem:v63+s4+$0x0], $0xffff;
	v15 =	vor.u32 s13, v15  }
0x148: {  	v23 =	vld.idx.msk [tilespmem:v28+s4+$0x0], $0xffff;
	v28 =	vor.u32 s14, v18  }
0x149: {  	v17 =	vadd.f32 $0.0e+00, v17;
	v9 =	vld.idx.msk [tilespmem:v9+s4+$0x0], $0xffff;
	v18 =	vor.u32 s13, v18;
	v5 =	vadd.f32 v37, v5  }
0x14a: {  	v62 =	vor.u32 s14, v36;
	v10 =	vld.idx.msk [tilespmem:v50+s4+$0x0], $0xffff;
	v6 =	vadd.f32 v29, v6;
	v22 =	vadd.f32 $0.0e+00, v22  }
0x14b: {  	v17 =	vadd.f32 v20, v17;
	v5 =	vadd.f32 v31, v5;
	v31 =	vor.u32 s14, v21;
	v20 =	vld.idx.msk [tilespmem:v25+s4+$0x0], $0xffff  }
0x14c: {  	v6 =	vadd.f32 v32, v6;
	v21 =	vor.u32 s13, v21;
	v8 =	vadd.f32 v8, v22;
	v15 =	vld.idx.msk [tilespmem:v15+s4+$0x0], $0xffff  }
0x14d: {  	v22 =	vor.u32 s14, v24;
	v5 =	vadd.f32 v34, v5;
	v17 =	vadd.f32 v23, v17;
	v23 =	vld.idx.msk [tilespmem:v28+s4+$0x0], $0xffff  }
0x14e: {  	v6 =	vadd.f32 v35, v6;
	v24 =	vor.u32 s13, v24;
	v58 =	vld.idx.msk [tilespmem:v18+s4+$0x0], $0xffff;
	v8 =	vadd.f32 v9, v8  }
0x14f: {  	v18 =	vor.u32 s14, v27;
	v28 =	vld.idx.msk [tilespmem:v62+s4+$0x0], $0xffff;
	v5 =	vadd.f32 v38, v5;
	v17 =	vadd.f32 v26, v17  }
0x150: {  	v6 =	vadd.f32 v39, v6;
	v25 =	vor.u32 s13, v27;
	v26 =	vld.idx.msk [tilespmem:v31+s4+$0x0], $0xffff;
	v8 =	vadd.f32 v12, v8  }
0x151: {  	v59 =	vld.idx.msk [tilespmem:v21+s4+$0x0], $0xffff;
	v5 =	vadd.f32 v19, v5;
	v19 =	vor.u32 s14, v30;
	v17 =	vadd.f32 v20, v17  }
0x152: {  	v61 =	vor.u32 s14, v33;
	v6 =	vadd.f32 v7, v6;
	v22 =	vld.idx.msk [tilespmem:v22+s4+$0x0], $0xffff;
	v8 =	vadd.f32 v15, v8  }
0x153: {  	v21 =	vor.u32 s13, v30;
	v60 =	vld.idx.msk [tilespmem:v24+s4+$0x0], $0xffff;
	v5 =	vadd.f32 v52, v5;
	v17 =	vadd.f32 v23, v17  }
0x154: {  	v7 =	vor.u32 s13, v33;
	v6 =	vadd.f32 v54, v6;
	v18 =	vld.idx.msk [tilespmem:v18+s4+$0x0], $0xffff;
	v8 =	vadd.f32 v58, v8  }
0x155: {  	v29 =	vor.u32 s13, v36;
	v23 =	vld.idx.msk [tilespmem:v25+s4+$0x0], $0xffff;
	v5 =	vadd.f32 v16, v5;
	v63 =	vadd.f32 v26, v17  }
0x156: {  	v31 =	vor.u32 s14, v40;
	v20 =	vadd.f32 v10, v6;
	v25 =	vld.idx.msk [tilespmem:v19+s4+$0x0], $0xffff;
	v8 =	vadd.f32 v59, v8  }
0x157: {  	v27 =	vor.u32 s13, v40;
	v24 =	vld.idx.msk [tilespmem:v61+s4+$0x0], $0xffff;
	v5 =	vadd.f32 v56, v5;
	v6 =	vadd.f32 v22, v63  }
0x158: {  	s15 =	simm.s32 $0x1A210;
	v30 =	vor.u32 s14, v42;
	v21 =	vld.idx.msk [tilespmem:v21+s4+$0x0], $0xffff;
	v26 =	vor.u32 s13, v42;
	v19 =	vor.u32 s21, v48  }
0x159: {  	s17 =	simm.s32 $0x2;
	s16 =	simm.s32 $0x1A210;
	v22 =	vld.idx.msk [tilespmem:v7+s4+$0x0], $0xffff;
	v32 =	vadd.f32 v60, v8;
	[tilespmem:s15+$0x0] =	vst v5;
	v33 =	vadd.f32 v18, v6;
	v18 =	vmov v1  }
.LBB2_4:
0x15a: {  	s17 =	sadd.s32 $0x2, s17;
	v8 =	vld.idx.msk [tilespmem:v29+s4+$0x0], $0xffff;
	v6 =	vor.u32 s14, v4  }
0x15b: {  	v7 =	vor.u32 $0xF, v18;
	p0 =	slt.u32 s17, $0x6;
	v5 =	vadd.f32 v25, v33;
	v9 =	vld.idx.msk [tilespmem:v31+s4+$0x0], $0xffff  }
0x15c: {  	v10 =	vadd.f32 v23, v32;
	v4 =	vor.u32 s13, v4;
	v18 =	vmovc v1;
	v12 =	vor.u32 s14, v7;
	s14 =	sadd.s32 $0x200, s14;
	v11 =	vld.idx.msk [tilespmem:v27+s4+$0x0], $0xffff  }
0x15d: {  	s18 =	sadd.s32 $0xFFFFFF00, s14;
	v13 =	vor.u32 s14, v18;
	v14 =	vadd.f32 v24, v5;
	v15 =	vld.idx.msk [tilespmem:v30+s4+$0x0], $0xffff  }
0x15e: {  	v5 =	vor.u32 s18, v18;
	v13 =	vand.u32 v2, v13;
	v16 =	vld.idx.msk [tilespmem:v26+s4+$0x0], $0xffff  }
0x15f: {  	v17 =	vand.u32 v3, v5;
	v5 =	vor.u32 $0x1, v18;
	v14 =	vadd.f32 v28, v14;
	v23 =	vld.idx.msk [tilespmem:v6+s4+$0x0], $0xffff  }
0x160: {  	v10 =	vadd.f32 v21, v10;
	v24 =	vor.u32 s18, v5;
	v25 =	vor.u32 s14, v5;
	v21 =	vld.idx.msk [tilespmem:v19+s4+$0x0], $0xffff  }
0x161: {  	v6 =	vor.u32 $0x2, v18;
	v19 =	vor.u32 s13, v7;
	s13 =	smov.u32 s18;
	v9 =	vadd.f32 v9, v14;
	v12 =	vld.idx.msk [tilespmem:v12+s4+$0x0], $0xffff  }
0x162: {  	v10 =	vadd.f32 v22, v10;
	v26 =	vor.u32 s14, v6;
	v14 =	vor.u32 s13, v6;
	v4 =	vld.idx.msk [tilespmem:v4+s4+$0x0], $0xffff  }
0x163: {  	v7 =	vor.u32 $0x3, v18;
	v13 =	vld.idx.msk [tilespmem:v13+s4+$0x0], $0xffff;
	v9 =	vadd.f32 v15, v9  }
0x164: {  	v10 =	vadd.f32 v8, v10;
	v22 =	vor.u32 s14, v7;
	v15 =	vld.idx.msk [tilespmem:v17+s4+$0x0], $0xffff;
	v17 =	vor.u32 s13, v7  }
0x165: {  	v8 =	vor.u32 $0x4, v18;
	v25 =	vld.idx.msk [tilespmem:v25+s4+$0x0], $0xffff;
	v23 =	vadd.f32 v23, v9  }
0x166: {  	v27 =	vor.u32 s13, v8;
	v28 =	vor.u32 s14, v8;
	v10 =	vadd.f32 v11, v10;
	v24 =	vld.idx.msk [tilespmem:v24+s4+$0x0], $0xffff  }
0x167: {  	v9 =	vor.u32 $0x5, v18;
	v26 =	vld.idx.msk [tilespmem:v26+s4+$0x0], $0xffff;
	v11 =	vadd.f32 v12, v23;
	v12 =	vadd.f32 v21, v20  }
0x168: {  	s15 =	sadd.s32 $0x20, s15;
	v16 =	vadd.f32 v16, v10;
	v21 =	vor.u32 s13, v9;
	v23 =	vor.u32 s14, v9;
	v14 =	vld.idx.msk [tilespmem:v14+s4+$0x0], $0xffff  }
0x169: {  	v10 =	vor.u32 $0x6, v18;
	v13 =	vadd.f32 $0.0e+00, v13;
	v22 =	vld.idx.msk [tilespmem:v22+s4+$0x0], $0xffff;
	[tilespmem:s15+$0x0] =	vst v11  }
0x16a: {  	v29 =	vor.u32 s13, v10;
	v30 =	vor.u32 s14, v10;
	v15 =	vadd.f32 $0.0e+00, v15;
	v17 =	vld.idx.msk [tilespmem:v17+s4+$0x0], $0xffff;
	[tilespmem:s16+$0xFFFFFFF0] =	vst v12;
	s16 =	smov.u32 s15  }
0x16b: {  	v20 =	vadd.f32 v4, v16;
	v11 =	vor.u32 $0x7, v18;
	v13 =	vadd.f32 v25, v13;
	v25 =	vld.idx.msk [tilespmem:v28+s4+$0x0], $0xffff  }
0x16c: {  	v16 =	vor.u32 s13, v11;
	v4 =	vadd.f32 v24, v15;
	v24 =	vor.u32 s14, v11;
	v15 =	vld.idx.msk [tilespmem:v27+s4+$0x0], $0xffff  }
0x16d: {  	v12 =	vor.u32 $0x8, v18;
	v26 =	vadd.f32 v26, v13;
	v23 =	vld.idx.msk [tilespmem:v23+s4+$0x0], $0xffff  }
0x16e: {  	v28 =	vor.u32 s14, v12;
	v27 =	vor.u32 s13, v12;
	v4 =	vadd.f32 v14, v4;
	v21 =	vld.idx.msk [tilespmem:v21+s4+$0x0], $0xffff  }
0x16f: {  	v13 =	vor.u32 $0x9, v18;
	v22 =	vadd.f32 v22, v26;
	v26 =	vld.idx.msk [tilespmem:v30+s4+$0x0], $0xffff  }
0x170: {  	v31 =	vor.u32 s14, v13;
	v4 =	vadd.f32 v17, v4;
	v30 =	vor.u32 s13, v13;
	v17 =	vld.idx.msk [tilespmem:v29+s4+$0x0], $0xffff  }
0x171: {  	v14 =	vor.u32 $0xA, v18;
	v22 =	vadd.f32 v25, v22;
	v24 =	vld.idx.msk [tilespmem:v24+s4+$0x0], $0xffff  }
0x172: {  	v33 =	vor.u32 s13, v14;
	v34 =	vor.u32 s14, v14;
	v4 =	vadd.f32 v15, v4;
	v32 =	vld.idx.msk [tilespmem:v16+s4+$0x0], $0xffff  }
0x173: {  	v15 =	vor.u32 $0xB, v18;
	v22 =	vadd.f32 v23, v22;
	v28 =	vld.idx.msk [tilespmem:v28+s4+$0x0], $0xffff  }
0x174: {  	v29 =	vor.u32 s13, v15;
	v35 =	vor.u32 s14, v15;
	v4 =	vadd.f32 v21, v4;
	v23 =	vld.idx.msk [tilespmem:v27+s4+$0x0], $0xffff  }
.Ltmp1:
0x175: {  	v16 =	vor.u32 $0xC, v18;
	v22 =	vadd.f32 v26, v22;
	v25 =	vld.idx.msk [tilespmem:v31+s4+$0x0], $0xffff;
	(pc) =	sbr.rel @p0 .LBB2_4-.Ltmp1, $4  }
0x176: {  	v27 =	vor.u32 s13, v16;
	v4 =	vadd.f32 v17, v4;
	v31 =	vor.u32 s14, v16;
	v21 =	vld.idx.msk [tilespmem:v30+s4+$0x0], $0xffff  }
0x177: {  	v17 =	vor.u32 $0xD, v18;
	v36 =	vadd.f32 v24, v22;
	v24 =	vld.idx.msk [tilespmem:v34+s4+$0x0], $0xffff  }
0x178: {  	v26 =	vor.u32 s13, v17;
	v30 =	vor.u32 s14, v17;
	v32 =	vadd.f32 v32, v4;
	v22 =	vld.idx.msk [tilespmem:v33+s4+$0x0], $0xffff  }
0x179: {  	v4 =	vor.u32 $0xE, v18;
	v33 =	vadd.f32 v28, v36;
	v28 =	vld.idx.msk [tilespmem:v35+s4+$0x0], $0xffff  }
0x17a: {  	_ =	sdelay $0x3  }
0x17b: {  	v29 =	vld.idx.msk [tilespmem:v29+s4+$0x0], $0xffff;
	v23 =	vadd.f32 v23, v32  }
0x17c: {  	v34 =	vor.u32 s14, v4;
	v31 =	vld.idx.msk [tilespmem:v31+s4+$0x0], $0xffff;
	v25 =	vadd.f32 v25, v33  }
0x17d: {  	v18 =	vor.u32 $0xF, v18;
	v27 =	vld.idx.msk [tilespmem:v27+s4+$0x0], $0xffff;
	v49 =	vor.u32 s13, v4;
	v21 =	vadd.f32 v21, v23  }
0x17e: {  	v48 =	vor.u32 s14, v18;
	v23 =	vld.idx.msk [tilespmem:v30+s4+$0x0], $0xffff;
	v24 =	vadd.f32 v24, v25  }
0x17f: {  	v25 =	vld.idx.msk [tilespmem:v26+s4+$0x0], $0xffff;
	v26 =	vor.u32 s13, v18;
	v21 =	vadd.f32 v22, v21  }
0x180: {  	v19 =	vld.idx.msk [tilespmem:v19+s4+$0x0], $0xffff;
	v24 =	vadd.f32 v28, v24  }
0x181: {  	v22 =	vld.idx.msk [tilespmem:v34+s4+$0x0], $0xffff;
	v21 =	vadd.f32 v29, v21  }
0x182: {  	v29 =	vld.idx.msk [tilespmem:v49+s4+$0x0], $0xffff;
	v24 =	vadd.f32 v31, v24  }
0x183: {  	v28 =	vld.idx.msk [tilespmem:v48+s4+$0x0], $0xffff;
	v21 =	vadd.f32 v27, v21  }
0x184: {  	v23 =	vadd.f32 v23, v24;
	v24 =	vld.idx.msk [tilespmem:v26+s4+$0x0], $0xffff  }
0x185: {  	v21 =	vadd.f32 v25, v21  }
0x186: {  	v22 =	vadd.f32 v22, v23  }
0x187: {  	v19 =	vadd.f32 v19, v20;
	v21 =	vadd.f32 v29, v21  }
0x188: {  	v22 =	vadd.f32 v28, v22  }
0x189: {  	s19 =	sadd.s32 $0x20, s15;
	[tilespmem:s16+$0xFFFFFFF0] =	vst v19;
	v20 =	vadd.f32 v24, v21  }
0x18a: {  	[tilespmem:s19+$0x0] =	vst v22  }
0x18b: {  	[tilespmem:s19+$0xFFFFFFF0] =	vst v20  }
0x18c: {  	s21 =	simm.s32 $0xE200;
	s13 =	simm.s32 $0x0;
	s20 =	rddreg [dreg:$0xf]  }
0x18d: {  	[hbm4b:s20+s13] =	stream.linear.scatter [tilespmem:s21], [sflag:$0xA], $0x4000, $0x38;
	[tilespmem:$0x1AC00] =	vst v63  }
0x18e: {  	s17 =	simm.s32 $0x1A200;
	s16 =	rddreg [dreg:$0x10]  }
0x18f: {  	[hbm4b:s16+s13] =	stream.linear.scatter [tilespmem:s17], [sflag:$0xA], $0x80, $0x38;
	[tilespmem:$0x1AC00] =	vst v63  }
0x190: {  	s18 =	rddreg [dreg:$0x11]  }
0x191: {  	[tilespmem:s24], [sflag:$0x1] =	stream.linear.gather [hbm4b:s18+s13], $0x80, $0x38;
	[tilespmem:$0x1AC00] =	vst v63  }
0x192: {  	s19 =	rddreg [dreg:$0x12]  }
0x193: {  	[tilespmem:s25], [sflag:$0x4] =	stream.linear.gather [hbm4b:s19+s13], $0x4000, $0x38;
	[tilespmem:$0x1AC00] =	vst v63  }
0x194: {  	_ =	swait.ge [sflag:s5], $0x80  }
0x195: {  	[sflag:s5] =	ssyncset.done $0x0  }
0x196: {  	[sflag:s5] =	ssyncadd.s32 $0xFFFFFF80  }
0x197: {  	_ =	swait.ge [sflag:s6], $0x4000  }
0x198: {  	[sflag:s6] =	ssyncset.done $0x0  }
0x199: {  	s20 =	simm.s32 $0x2100;
	s21 =	simm.s32 $0xA200;
	[sflag:s6] =	ssyncadd.s32 $0xFFFFC000  }
0x19a: {  	[tilespmem:s21], [sflag:$0x9] =	stream.indirect.gather.add.f32 [spmem:s1], $0x80, s20, s0, $0xb8;
	[tilespmem:$0x1AC00] =	vst v63  }
0x19b: {  	_ =	swait.ge [sflag:s7], $0x4000  }
0x19c: {  	[sflag:s7] =	ssyncset.done $0x0  }
0x19d: {  	s14 =	simm.s32 $0x0;
	[sflag:s7] =	ssyncadd.s32 $0xFFFFC000  }
0x19e: {  	v19 =	vld [tilespmem:s14+$0x63E0]  }
0x19f: {  	v20 =	vld [tilespmem:s14+$0x63F0]  }
0x1a0: {  	v21 =	vld [tilespmem:s14+$0x63C0]  }
0x1a1: {  	v22 =	vld [tilespmem:s14+$0x63D0]  }
0x1a2: {  	v23 =	vld [tilespmem:s14+$0x6380]  }
0x1a3: {  	v24 =	vld [tilespmem:s14+$0x6390]  }
0x1a4: {  	v25 =	vld [tilespmem:s14+$0x63A0]  }
0x1a5: {  	v26 =	vld [tilespmem:s14+$0x63B0]  }
0x1a6: {  	v27 =	vld [tilespmem:s14+$0x6200]  }
0x1a7: {  	v28 =	vld [tilespmem:s14+$0x6210]  }
0x1a8: {  	v31 =	vld [tilespmem:s14+$0x6280]  }
0x1a9: {  	v50 =	vld [tilespmem:s14+$0x6290]  }
0x1aa: {  	v51 =	vld [tilespmem:s14+$0x62A0]  }
0x1ab: {  	v52 =	vld [tilespmem:s14+$0x62B0];
	v19 =	vmul.f32 v19, v19;
	v21 =	vmul.f32 v21, v21  }
0x1ac: {  	v35 =	vld [tilespmem:s14+$0x6300];
	v23 =	vmul.f32 v23, v23;
	v22 =	vmul.f32 v22, v22  }
0x1ad: {  	v36 =	vld [tilespmem:s14+$0x6310];
	v24 =	vmul.f32 v24, v24;
	v25 =	vmul.f32 v25, v25  }
0x1ae: {  	v37 =	vld [tilespmem:s14+$0x6320];
	v26 =	vmul.f32 v26, v26;
	v20 =	vmul.f32 v20, v20  }
0x1af: {  	v40 =	vld [tilespmem:s14+$0x6330];
	v27 =	vmul.f32 v27, v27;
	v28 =	vmul.f32 v28, v28  }
0x1b0: {  	v53 =	vld [tilespmem:s14+$0x6250];
	v31 =	vmul.f32 v31, v31;
	v32 =	vmul.f32 v50, v50  }
0x1b1: {  	v33 =	vmul.f32 v51, v51;
	v34 =	vmul.f32 v52, v52  }
0x1b2: {  	v35 =	vmul.f32 v35, v35;
	v36 =	vmul.f32 v36, v36  }
0x1b3: {  	v37 =	vmul.f32 v37, v37;
	v23 =	vmul.f32 $5.000000000e-01, v23  }
0x1b4: {  	v54 =	vmul.f32 v40, v40;
	v24 =	vmul.f32 $5.000000000e-01, v24  }
0x1b5: {  	v61 =	vmul.f32 v53, v53;
	v25 =	vmul.f32 $5.000000000e-01, v25;
	v23 =	vadd.f32 $9.189385170e-01, v23  }
0x1b6: {  	v21 =	vmul.f32 $5.000000000e-01, v21;
	v26 =	vmul.f32 $5.000000000e-01, v26;
	v24 =	vadd.f32 $9.189385170e-01, v24  }
0x1b7: {  	v29 =	vld [tilespmem:s14+$0x6220];
	v22 =	vmul.f32 $5.000000000e-01, v22;
	v19 =	vmul.f32 $5.000000000e-01, v19;
	v25 =	vadd.f32 $9.189385170e-01, v25;
	[tilespmem:s14+$0x12380] =	vst v23  }
0x1b8: {  	v30 =	vld [tilespmem:s14+$0x6230];
	v20 =	vmul.f32 $5.000000000e-01, v20;
	v27 =	vmul.f32 $5.000000000e-01, v27;
	v26 =	vadd.f32 $9.189385170e-01, v26;
	[tilespmem:s14+$0x12390] =	vst v24  }
0x1b9: {  	v28 =	vmul.f32 $5.000000000e-01, v28;
	v21 =	vadd.f32 $9.189385170e-01, v21;
	v22 =	vadd.f32 $9.189385170e-01, v22;
	[tilespmem:s14+$0x123A0] =	vst v25  }
0x1ba: {  	v56 =	vld [tilespmem:s14+$0x6270];
	v57 =	vmul.f32 $5.000000000e-01, v36;
	v19 =	vadd.f32 $9.189385170e-01, v19;
	v20 =	vadd.f32 $9.189385170e-01, v20;
	[tilespmem:s14+$0x123B0] =	vst v26  }
0x1bb: {  	v60 =	vld [tilespmem:s14+$0x62E0];
	v58 =	vmul.f32 $5.000000000e-01, v37;
	v41 =	vadd.f32 $9.189385170e-01, v28;
	v39 =	vadd.f32 v26, v24;
	[tilespmem:s14+$0x123C0] =	vst v21  }
0x1bc: {  	v42 =	vld [tilespmem:s14+$0x62F0];
	v28 =	vmul.f32 $5.000000000e-01, v34;
	v38 =	vadd.f32 v25, v23;
	v23 =	vmul.f32 v29, v29;
	[tilespmem:s14+$0x123D0] =	vst v22  }
0x1bd: {  	v55 =	vld [tilespmem:s14+$0x6260];
	v59 =	vmul.f32 $5.000000000e-01, v54;
	v29 =	vmul.f32 v30, v30;
	[tilespmem:s14+$0x123E0] =	vst v19;
	v25 =	vadd.f32 v22, v39  }
0x1be: {  	v24 =	vld [tilespmem:s14+$0x6240];
	[tilespmem:s14+$0x123F0] =	vst v20;
	v46 =	vadd.f32 $9.189385170e-01, v28;
	v30 =	vadd.f32 v21, v38;
	v23 =	vmul.f32 $5.000000000e-01, v23  }
0x1bf: {  	v26 =	vld [tilespmem:s14+$0x62C0];
	[tilespmem:s14+$0x12210] =	vst v41;
	v29 =	vmul.f32 $5.000000000e-01, v29;
	v21 =	vadd.f32 v20, v25;
	v20 =	vadd.f32 $9.189385170e-01, v27  }
0x1c0: {  	v47 =	vld [tilespmem:s14+$0x6370];
	v37 =	vmul.f32 v56, v56;
	v36 =	vmul.f32 v60, v60;
	[tilespmem:s14+$0x122B0] =	vst v46;
	v23 =	vadd.f32 $9.189385170e-01, v23  }
0x1c1: {  	v34 =	vmul.f32 v42, v42;
	v22 =	vld [tilespmem:s14+$0x6340];
	v30 =	vadd.f32 v19, v30;
	v29 =	vadd.f32 $9.189385170e-01, v29;
	[tilespmem:s14+$0x12200] =	vst v20  }
0x1c2: {  	v45 =	vld [tilespmem:s14+$0x6360];
	v27 =	vmul.f32 $5.000000000e-01, v31;
	v31 =	vmul.f32 $5.000000000e-01, v35;
	v35 =	vadd.f32 $9.189385170e-01, v59;
	[tilespmem:s14+$0x12220] =	vst v23  }
0x1c3: {  	v38 =	vmul.f32 v55, v55;
	v25 =	vld [tilespmem:s14+$0x62D0];
	v19 =	vadd.f32 v21, v30;
	v30 =	vmul.f32 $5.000000000e-01, v32;
	[tilespmem:s14+$0x12230] =	vst v29  }
0x1c4: {  	s15 =	simm.s32 $0x1A420;
	v24 =	vmul.f32 v24, v24;
	v26 =	vmul.f32 v26, v26;
	v21 =	vld [tilespmem:s14+$0x6350];
	v62 =	vadd.f32 $9.189385170e-01, v27;
	[tilespmem:s14+$0x12330] =	vst v35  }
0x1c5: {  	v20 =	vadd.f32 v23, v20;
	[tilespmem:s15+$0x10] =	vst v19;
	v19 =	vmul.f32 $5.000000000e-01, v33;
	v43 =	vadd.f32 $9.189385170e-01, v30  }
0x1c6: {  	v32 =	vmul.f32 v47, v47;
	v63 =	vmul.f32 v22, v22;
	[tilespmem:s14+$0x12280] =	vst v62;
	v30 =	vadd.f32 $9.189385170e-01, v57  }
0x1c7: {  	v22 =	vmul.f32 $5.000000000e-01, v61;
	v33 =	vmul.f32 v45, v45;
	v44 =	vadd.f32 $9.189385170e-01, v19;
	[tilespmem:s14+$0x12290] =	vst v43  }
0x1c8: {  	v27 =	vmul.f32 v25, v25;
	v19 =	vmul.f32 $5.000000000e-01, v24;
	v24 =	vadd.f32 $9.189385170e-01, v31;
	[tilespmem:s14+$0x12310] =	vst v30  }
0x1c9: {  	v25 =	vmul.f32 $5.000000000e-01, v26;
	v31 =	vadd.f32 $9.189385170e-01, v58;
	v21 =	vmul.f32 v21, v21;
	[tilespmem:s14+$0x122A0] =	vst v44  }
0x1ca: {  	s17 =	simm.s32 $0x0;
	v26 =	vmul.f32 $5.000000000e-01, v27;
	v27 =	vmul.f32 $5.000000000e-01, v63;
	[tilespmem:s14+$0x12300] =	vst v24;
	v23 =	vadd.f32 v44, v62  }
0x1cb: {  	s16 =	simm.s32 $0x1A420;
	s18 =	simm.s32 $0x800;
	s13 =	simm.s32 $0x1A290;
	[tilespmem:s14+$0x12320] =	vst v31;
	v28 =	vmul.f32 $5.000000000e-01, v21;
	v21 =	vadd.f32 v29, v41;
	v29 =	vadd.f32 v46, v43  }
.LBB2_6:
0x1cc: {  	s19 =	sshra.s32 s18, $0x2;
	v38 =	vmul.f32 $5.000000000e-01, v38;
	v24 =	vadd.f32 v31, v24;
	v30 =	vadd.f32 v35, v30  }
0x1cd: {  	v19 =	vadd.f32 $9.189385170e-01, v19;
	v22 =	vadd.f32 $9.189385170e-01, v22;
	v35 =	vmul.f32 $5.000000000e-01, v37;
	v31 =	vld [tilespmem:s19+$0x63E0]  }
0x1ce: {  	v25 =	vadd.f32 $9.189385170e-01, v25;
	v26 =	vadd.f32 $9.189385170e-01, v26;
	v36 =	vmul.f32 $5.000000000e-01, v36;
	v37 =	vld [tilespmem:s19+$0x63F0]  }
0x1cf: {  	v34 =	vmul.f32 $5.000000000e-01, v34;
	v27 =	vadd.f32 $9.189385170e-01, v27;
	v28 =	vadd.f32 $9.189385170e-01, v28;
	v39 =	vld [tilespmem:s19+$0x63C0];
	[tilespmem:s14+$0x12240] =	vst v19  }
0x1d0: {  	v32 =	vmul.f32 $5.000000000e-01, v32;
	v19 =	vadd.f32 v19, v20;
	v20 =	vmul.f32 $5.000000000e-01, v33;
	v40 =	vld [tilespmem:s19+$0x63D0];
	[tilespmem:s14+$0x12250] =	vst v22  }
0x1d1: {  	v21 =	vadd.f32 v22, v21;
	v22 =	vadd.f32 v25, v23;
	v33 =	vld [tilespmem:s19+$0x6380];
	[tilespmem:s14+$0x122C0] =	vst v25  }
0x1d2: {  	v24 =	vadd.f32 v27, v24;
	v25 =	vadd.f32 v26, v29;
	v23 =	vld [tilespmem:s19+$0x6390];
	[tilespmem:s14+$0x122D0] =	vst v26  }
0x1d3: {  	s17 =	sadd.s32 $0x4, s17;
	v29 =	vadd.f32 $9.189385170e-01, v38;
	v26 =	vld [tilespmem:s19+$0x63A0];
	[tilespmem:s14+$0x12340] =	vst v27;
	v27 =	vadd.f32 v28, v30  }
0x1d4: {  	p0 =	slt.u32 s17, $0x7C;
	v35 =	vadd.f32 $9.189385170e-01, v35;
	v36 =	vadd.f32 $9.189385170e-01, v36;
	v30 =	vld [tilespmem:s19+$0x63B0];
	[tilespmem:s14+$0x12350] =	vst v28  }
0x1d5: {  	v34 =	vadd.f32 $9.189385170e-01, v34;
	v20 =	vadd.f32 $9.189385170e-01, v20;
	v31 =	vmul.f32 v31, v31;
	v28 =	vld [tilespmem:s19+$0x6200];
	[tilespmem:s14+$0x12260] =	vst v29  }
0x1d6: {  	v32 =	vadd.f32 $9.189385170e-01, v32;
	v37 =	vmul.f32 v37, v37;
	v39 =	vmul.f32 v39, v39;
	v38 =	vld [tilespmem:s19+$0x6210];
	[tilespmem:s14+$0x12270] =	vst v35  }
0x1d7: {  	v19 =	vadd.f32 v29, v19;
	v40 =	vmul.f32 v40, v40;
	v33 =	vmul.f32 v33, v33;
	v41 =	vld [tilespmem:s19+$0x6220];
	[tilespmem:s14+$0x122E0] =	vst v36  }
0x1d8: {  	v21 =	vadd.f32 v35, v21;
	v23 =	vmul.f32 v23, v23;
	v29 =	vld [tilespmem:s19+$0x6230];
	v26 =	vmul.f32 v26, v26;
	[tilespmem:s14+$0x122F0] =	vst v34  }
0x1d9: {  	v22 =	vadd.f32 v36, v22;
	v39 =	vmul.f32 $5.000000000e-01, v39;
	v35 =	vld [tilespmem:s19+$0x6280];
	v30 =	vmul.f32 v30, v30;
	[tilespmem:s14+$0x12360] =	vst v20  }
0x1da: {  	v25 =	vadd.f32 v34, v25;
	v33 =	vmul.f32 $5.000000000e-01, v33;
	v23 =	vmul.f32 $5.000000000e-01, v23;
	v36 =	vld [tilespmem:s19+$0x6290];
	[tilespmem:s14+$0x12370] =	vst v32;
	s14 =	smov.u32 s19  }
0x1db: {  	v20 =	vadd.f32 v20, v24;
	v26 =	vmul.f32 $5.000000000e-01, v26;
	v34 =	vld [tilespmem:s14+$0x62A0];
	v30 =	vmul.f32 $5.000000000e-01, v30  }
0x1dc: {  	v40 =	vmul.f32 $5.000000000e-01, v40;
	v33 =	vadd.f32 $9.189385170e-01, v33;
	v23 =	vadd.f32 $9.189385170e-01, v23;
	v24 =	vld [tilespmem:s14+$0x62B0]  }
0x1dd: {  	v31 =	vmul.f32 $5.000000000e-01, v31;
	v26 =	vadd.f32 $9.189385170e-01, v26;
	v42 =	vld [tilespmem:s14+$0x6300];
	v30 =	vadd.f32 $9.189385170e-01, v30  }
0x1de: {  	v37 =	vmul.f32 $5.000000000e-01, v37;
	v39 =	vadd.f32 $9.189385170e-01, v39;
	v40 =	vadd.f32 $9.189385170e-01, v40;
	v43 =	vld [tilespmem:s14+$0x6310]  }
0x1df: {  	v28 =	vmul.f32 v28, v28;
	v44 =	vld [tilespmem:s14+$0x6320];
	[tilespmem:s14+$0x12380] =	vst v33;
	v33 =	vadd.f32 v26, v33;
	v45 =	vadd.f32 v30, v23  }
0x1e0: {  	v38 =	vmul.f32 v38, v38;
	v46 =	vld [tilespmem:s14+$0x6330];
	[tilespmem:s14+$0x12390] =	vst v23;
	v23 =	vadd.f32 $9.189385170e-01, v31;
	v31 =	vadd.f32 $9.189385170e-01, v37  }
0x1e1: {  	v37 =	vmul.f32 v41, v41;
	v41 =	vld [tilespmem:s14+$0x6240];
	[tilespmem:s14+$0x123A0] =	vst v26;
	v26 =	vadd.f32 v39, v33;
	v33 =	vadd.f32 v40, v45  }
0x1e2: {  	v27 =	vadd.f32 v32, v27;
	v29 =	vmul.f32 v29, v29;
	v35 =	vmul.f32 v35, v35;
	v45 =	vld [tilespmem:s14+$0x6250];
	[tilespmem:s14+$0x123B0] =	vst v30  }
0x1e3: {  	v30 =	vmul.f32 v36, v36;
	v32 =	vld [tilespmem:s14+$0x62C0];
	[tilespmem:s14+$0x123C0] =	vst v39;
	v26 =	vadd.f32 v23, v26;
	v33 =	vadd.f32 v31, v33  }
0x1e4: {  	v19 =	vadd.f32 v21, v19;
	v34 =	vmul.f32 v34, v34;
	v24 =	vmul.f32 v24, v24;
	v36 =	vld [tilespmem:s14+$0x62D0];
	[tilespmem:s14+$0x123D0] =	vst v40  }
0x1e5: {  	v21 =	vmul.f32 v42, v42;
	v39 =	vmul.f32 v43, v43;
	v40 =	vld [tilespmem:s14+$0x6340];
	[tilespmem:s14+$0x123E0] =	vst v23;
	v23 =	vadd.f32 v33, v26  }
0x1e6: {  	s15 =	sadd.s32 $0x40, s15;
	v22 =	vadd.f32 v25, v22;
	v26 =	vmul.f32 v44, v44;
	v33 =	vmul.f32 v46, v46;
	v42 =	vld [tilespmem:s14+$0x6350];
	[tilespmem:s14+$0x123F0] =	vst v31  }
0x1e7: {  	s19 =	simm.s32 $0x100;
	v20 =	vadd.f32 v27, v20;
	v25 =	vmul.f32 $5.000000000e-01, v28;
	v28 =	vmul.f32 $5.000000000e-01, v38;
	v38 =	vld [tilespmem:s14+$0x6260];
	[tilespmem:s15+$0x10] =	vst v23  }
0x1e8: {  	v27 =	vmul.f32 $5.000000000e-01, v29;
	v23 =	vmul.f32 $5.000000000e-01, v37;
	v29 =	vld [tilespmem:s14+$0x6270];
	[tilespmem:s16+$0xFFFFFFE0] =	vst v19  }
0x1e9: {  	v37 =	vadd.f32 $9.189385170e-01, v25;
	v25 =	vmul.f32 $5.000000000e-01, v30;
	v19 =	vmul.f32 $5.000000000e-01, v35;
	v43 =	vld [tilespmem:s14+$0x62E0];
	[tilespmem:s16+$0x0] =	vst v20  }
0x1ea: {  	v24 =	vmul.f32 $5.000000000e-01, v24;
	v44 =	vadd.f32 $9.189385170e-01, v28;
	v20 =	vmul.f32 $5.000000000e-01, v34;
	v34 =	vld [tilespmem:s14+$0x62F0];
	[tilespmem:s16+$0xFFFFFFF0] =	vst v22;
	s16 =	smov.u32 s15  }
0x1eb: {  	v21 =	vmul.f32 $5.000000000e-01, v21;
	v28 =	vmul.f32 $5.000000000e-01, v39;
	v23 =	vadd.f32 $9.189385170e-01, v23;
	[tilespmem:s14+$0x12200] =	vst v37;
	v39 =	vld [tilespmem:s14+$0x6360]  }
0x1ec: {  	v46 =	vadd.f32 $9.189385170e-01, v27;
	v26 =	vmul.f32 $5.000000000e-01, v26;
	v27 =	vmul.f32 $5.000000000e-01, v33;
	[tilespmem:s14+$0x12210] =	vst v44;
	v47 =	vld [tilespmem:s14+$0x6370]  }
0x1ed: {  	v30 =	vmul.f32 v45, v45;
	v22 =	vmul.f32 v41, v41;
	v33 =	vadd.f32 $9.189385170e-01, v19;
	[tilespmem:s14+$0x12220] =	vst v23  }
0x1ee: {  	v41 =	vadd.f32 $9.189385170e-01, v25;
	v25 =	vmul.f32 v32, v32;
	v32 =	vmul.f32 v36, v36;
	[tilespmem:s14+$0x12230] =	vst v46  }
0x1ef: {  	v40 =	vmul.f32 v40, v40;
	v36 =	vadd.f32 $9.189385170e-01, v20;
	v42 =	vmul.f32 v42, v42;
	[tilespmem:s14+$0x12280] =	vst v33  }
0x1f0: {  	v45 =	vadd.f32 $9.189385170e-01, v24;
	v24 =	vadd.f32 $9.189385170e-01, v21;
	v19 =	vmul.f32 $5.000000000e-01, v22;
	[tilespmem:s14+$0x12290] =	vst v41  }
0x1f1: {  	v31 =	vadd.f32 $9.189385170e-01, v26;
	v22 =	vmul.f32 $5.000000000e-01, v30;
	v30 =	vadd.f32 $9.189385170e-01, v28;
	[tilespmem:s14+$0x122A0] =	vst v36  }
.Ltmp2:
0x1f2: {  	v35 =	vadd.f32 $9.189385170e-01, v27;
	v25 =	vmul.f32 $5.000000000e-01, v25;
	v26 =	vmul.f32 $5.000000000e-01, v32;
	[tilespmem:s14+$0x122B0] =	vst v45;
	(pc) =	sbr.rel @p0 .LBB2_6-.Ltmp2, $4  }
0x1f3: {  	v20 =	vadd.f32 v23, v37;
	v27 =	vmul.f32 $5.000000000e-01, v40;
	v28 =	vmul.f32 $5.000000000e-01, v42;
	[tilespmem:s14+$0x12300] =	vst v24  }
0x1f4: {  	v21 =	vadd.f32 v46, v44;
	v38 =	vmul.f32 v38, v38;
	v37 =	vmul.f32 v29, v29;
	[tilespmem:s14+$0x12310] =	vst v30  }
0x1f5: {  	v23 =	vadd.f32 v36, v33;
	v34 =	vmul.f32 v34, v34;
	v36 =	vmul.f32 v43, v43;
	[tilespmem:s14+$0x12320] =	vst v31  }
0x1f6: {  	s18 =	sadd.s32 $0x800, s18;
	v29 =	vadd.f32 v45, v41;
	v33 =	vmul.f32 v39, v39;
	v32 =	vmul.f32 v47, v47;
	[tilespmem:s14+$0x12330] =	vst v35  }
0x1f7: {  	v24 =	vadd.f32 v31, v24  }
0x1f8: {  	v30 =	vadd.f32 v35, v30;
	v19 =	vadd.f32 $9.189385170e-01, v19  }
0x1f9: {  	v22 =	vadd.f32 $9.189385170e-01, v22;
	v25 =	vadd.f32 $9.189385170e-01, v25  }
0x1fa: {  	v31 =	vmul.f32 $5.000000000e-01, v38;
	v26 =	vadd.f32 $9.189385170e-01, v26;
	v27 =	vadd.f32 $9.189385170e-01, v27;
	[tilespmem:s14+$0x12240] =	vst v19  }
0x1fb: {  	v53 =	vmul.f32 $5.000000000e-01, v37;
	v28 =	vadd.f32 $9.189385170e-01, v28;
	v19 =	vadd.f32 v19, v20;
	[tilespmem:s14+$0x12250] =	vst v22  }
0x1fc: {  	v36 =	vmul.f32 $5.000000000e-01, v36;
	v20 =	vadd.f32 v22, v21;
	v22 =	vadd.f32 v25, v23;
	[tilespmem:s14+$0x122C0] =	vst v25  }
0x1fd: {  	v21 =	vmul.f32 $5.000000000e-01, v34;
	v23 =	vadd.f32 v26, v29;
	[tilespmem:s14+$0x122D0] =	vst v26;
	v24 =	vadd.f32 v27, v24  }
0x1fe: {  	v25 =	vmul.f32 $5.000000000e-01, v33;
	v26 =	vadd.f32 $9.189385170e-01, v31;
	[tilespmem:s14+$0x12340] =	vst v27;
	v27 =	vadd.f32 v28, v30  }
0x1ff: {  	v29 =	vmul.f32 $5.000000000e-01, v32;
	v30 =	vadd.f32 $9.189385170e-01, v53;
	v31 =	vadd.f32 $9.189385170e-01, v36;
	[tilespmem:s14+$0x12350] =	vst v28  }
0x200: {  	v21 =	vadd.f32 $9.189385170e-01, v21;
	[tilespmem:s14+$0x12260] =	vst v26;
	v25 =	vadd.f32 $9.189385170e-01, v25  }
0x201: {  	v28 =	vadd.f32 $9.189385170e-01, v29;
	[tilespmem:s14+$0x12270] =	vst v30;
	v19 =	vadd.f32 v26, v19  }
0x202: {  	v20 =	vadd.f32 v30, v20;
	[tilespmem:s14+$0x122E0] =	vst v31;
	v23 =	vadd.f32 v21, v23  }
0x203: {  	v26 =	vor.u32 s19, v1;
	[tilespmem:s14+$0x122F0] =	vst v21;
	v21 =	vadd.f32 v25, v24;
	v24 =	vadd.f32 v28, v27  }
0x204: {  	s17 =	simm.s32 $0x0;
	v22 =	vadd.f32 v31, v22;
	[tilespmem:s14+$0x12360] =	vst v25;
	v19 =	vadd.f32 v20, v19;
	v25 =	vand.u32 v2, v26  }
0x205: {  	[tilespmem:s14+$0x12370] =	vst v28;
	v26 =	vor.u32 s17, v7;
	v21 =	vadd.f32 v24, v21  }
0x206: {  	v27 =	vor.u32 s19, v8;
	v22 =	vadd.f32 v23, v22;
	[tilespmem:s16+$0xFFFFFFE0] =	vst v19  }
0x207: {  	v28 =	vor.u32 s17, v8;
	[tilespmem:s16+$0x0] =	vst v21  }
0x208: {  	v29 =	vor.u32 s19, v9;
	[tilespmem:s16+$0xFFFFFFF0] =	vst v22  }
0x209: {  	v30 =	vor.u32 s17, v9;
	v24 =	vld.idx.msk [tilespmem:v25+s4+$0x0], $0xffff  }
0x20a: {  	v31 =	vor.u32 s19, v10;
	v26 =	vld.idx.msk [tilespmem:v26+s4+$0x0], $0xffff  }
0x20b: {  	v54 =	vor.u32 s17, v10;
	v27 =	vld.idx.msk [tilespmem:v27+s4+$0x0], $0xffff  }
0x20c: {  	v55 =	vor.u32 s19, v11;
	v28 =	vld.idx.msk [tilespmem:v28+s4+$0x0], $0xffff  }
0x20d: {  	v56 =	vor.u32 s17, v11;
	v29 =	vld.idx.msk [tilespmem:v29+s4+$0x0], $0xffff  }
0x20e: {  	v57 =	vor.u32 s19, v12;
	v30 =	vld.idx.msk [tilespmem:v30+s4+$0x0], $0xffff  }
0x20f: {  	v58 =	vor.u32 s17, v12;
	v31 =	vld.idx.msk [tilespmem:v31+s4+$0x0], $0xffff  }
0x210: {  	v59 =	vor.u32 s19, v13;
	v32 =	vld.idx.msk [tilespmem:v54+s4+$0x0], $0xffff  }
0x211: {  	v60 =	vor.u32 s17, v13;
	v33 =	vld.idx.msk [tilespmem:v55+s4+$0x0], $0xffff  }
0x212: {  	v39 =	vor.u32 s19, v14;
	v34 =	vld.idx.msk [tilespmem:v56+s4+$0x0], $0xffff  }
0x213: {  	v40 =	vor.u32 s17, v14;
	v35 =	vld.idx.msk [tilespmem:v57+s4+$0x0], $0xffff  }
0x214: {  	v41 =	vor.u32 s19, v15;
	v36 =	vld.idx.msk [tilespmem:v58+s4+$0x0], $0xffff  }
0x215: {  	v42 =	vor.u32 s17, v15;
	v37 =	vld.idx.msk [tilespmem:v59+s4+$0x0], $0xffff  }
0x216: {  	v43 =	vor.u32 s19, v16;
	v20 =	vor.u32 s17, v1;
	v38 =	vld.idx.msk [tilespmem:v60+s4+$0x0], $0xffff  }
0x217: {  	v20 =	vand.u32 v3, v20;
	v39 =	vld.idx.msk [tilespmem:v39+s4+$0x0], $0xffff  }
0x218: {  	v19 =	vor.u32 s19, v5;
	v40 =	vld.idx.msk [tilespmem:v40+s4+$0x0], $0xffff  }
0x219: {  	v21 =	vor.u32 s17, v5;
	v41 =	vld.idx.msk [tilespmem:v41+s4+$0x0], $0xffff  }
0x21a: {  	v22 =	vor.u32 s19, v6;
	v42 =	vld.idx.msk [tilespmem:v42+s4+$0x0], $0xffff  }
0x21b: {  	v23 =	vor.u32 s17, v6;
	v43 =	vld.idx.msk [tilespmem:v43+s4+$0x0], $0xffff  }
0x21c: {  	v25 =	vor.u32 s19, v7;
	v20 =	vld.idx.msk [tilespmem:v20+s4+$0x0], $0xffff  }
0x21d: {  	v45 =	vor.u32 s19, v17;
	v19 =	vld.idx.msk [tilespmem:v19+s4+$0x0], $0xffff  }
0x21e: {  	v46 =	vor.u32 s17, v17;
	v21 =	vld.idx.msk [tilespmem:v21+s4+$0x0], $0xffff  }
0x21f: {  	v48 =	vor.u32 s17, v4;
	v22 =	vld.idx.msk [tilespmem:v22+s4+$0x0], $0xffff  }
0x220: {  	v49 =	vor.u32 s19, v18;
	s15 =	simm.s32 $0x300;
	v23 =	vld.idx.msk [tilespmem:v23+s4+$0x0], $0xffff;
	v24 =	vadd.f32 $0.0e+00, v24  }
0x221: {  	v63 =	vor.u32 s15, v8;
	v25 =	vld.idx.msk [tilespmem:v25+s4+$0x0], $0xffff;
	v20 =	vadd.f32 $0.0e+00, v20  }
0x222: {  	v52 =	vor.u32 s15, v10;
	s14 =	simm.s32 $0x200;
	v45 =	vld.idx.msk [tilespmem:v45+s4+$0x0], $0xffff;
	v19 =	vadd.f32 v19, v24  }
0x223: {  	v44 =	vor.u32 s17, v16;
	v50 =	vor.u32 s14, v1;
	v46 =	vld.idx.msk [tilespmem:v46+s4+$0x0], $0xffff;
	v20 =	vadd.f32 v21, v20  }
0x224: {  	v48 =	vld.idx.msk [tilespmem:v48+s4+$0x0], $0xffff;
	v21 =	vor.u32 s15, v1;
	v19 =	vadd.f32 v22, v19;
	v22 =	vand.u32 v3, v50  }
0x225: {  	v49 =	vld.idx.msk [tilespmem:v49+s4+$0x0], $0xffff;
	v21 =	vand.u32 v2, v21  }
0x226: {  	v54 =	vld.idx.msk [tilespmem:v63+s4+$0x0], $0xffff;
	v20 =	vadd.f32 v23, v20;
	v19 =	vadd.f32 v25, v19;
	v25 =	vor.u32 s14, v5  }
0x227: {  	v62 =	vor.u32 s15, v5;
	v56 =	vld.idx.msk [tilespmem:v52+s4+$0x0], $0xffff  }
0x228: {  	v24 =	vld.idx.msk [tilespmem:v44+s4+$0x0], $0xffff;
	v20 =	vadd.f32 v26, v20;
	v26 =	vor.u32 s15, v6;
	v19 =	vadd.f32 v27, v19  }
0x229: {  	v27 =	vor.u32 s14, v6;
	v22 =	vld.idx.msk [tilespmem:v22+s4+$0x0], $0xffff  }
0x22a: {  	v20 =	vadd.f32 v28, v20;
	v21 =	vld.idx.msk [tilespmem:v21+s4+$0x0], $0xffff;
	v28 =	vor.u32 s15, v7;
	v19 =	vadd.f32 v29, v19  }
0x22b: {  	v29 =	vor.u32 s14, v7;
	v25 =	vld.idx.msk [tilespmem:v25+s4+$0x0], $0xffff  }
0x22c: {  	v61 =	vor.u32 s17, v18;
	v20 =	vadd.f32 v30, v20;
	v30 =	vld.idx.msk [tilespmem:v62+s4+$0x0], $0xffff;
	v19 =	vadd.f32 v31, v19  }
0x22d: {  	v31 =	vor.u32 s14, v8;
	v26 =	vld.idx.msk [tilespmem:v26+s4+$0x0], $0xffff  }
0x22e: {  	v50 =	vor.u32 s15, v9;
	v27 =	vld.idx.msk [tilespmem:v27+s4+$0x0], $0xffff;
	v20 =	vadd.f32 v32, v20;
	v19 =	vadd.f32 v33, v19  }
0x22f: {  	v51 =	vor.u32 s14, v9;
	v22 =	vadd.f32 $0.0e+00, v22;
	v28 =	vld.idx.msk [tilespmem:v28+s4+$0x0], $0xffff;
	v21 =	vadd.f32 $0.0e+00, v21  }
0x230: {  	v47 =	vor.u32 s19, v4;
	v29 =	vld.idx.msk [tilespmem:v29+s4+$0x0], $0xffff;
	v20 =	vadd.f32 v34, v20;
	v19 =	vadd.f32 v35, v19  }
0x231: {  	v53 =	vor.u32 s14, v10;
	v44 =	vld.idx.msk [tilespmem:v61+s4+$0x0], $0xffff;
	v22 =	vadd.f32 v25, v22;
	v21 =	vadd.f32 v30, v21  }
0x232: {  	v25 =	vor.u32 s15, v11;
	v30 =	vld.idx.msk [tilespmem:v31+s4+$0x0], $0xffff;
	v20 =	vadd.f32 v36, v20;
	v19 =	vadd.f32 v37, v19  }
0x233: {  	v32 =	vld.idx.msk [tilespmem:v50+s4+$0x0], $0xffff;
	v31 =	vor.u32 s14, v11;
	v22 =	vadd.f32 v27, v22;
	v21 =	vadd.f32 v26, v21  }
0x234: {  	v55 =	vor.u32 s15, v12;
	v26 =	vld.idx.msk [tilespmem:v51+s4+$0x0], $0xffff;
	v20 =	vadd.f32 v38, v20;
	v19 =	vadd.f32 v39, v19  }
0x235: {  	v23 =	vld.idx.msk [tilespmem:v47+s4+$0x0], $0xffff;
	v27 =	vor.u32 s14, v12;
	v22 =	vadd.f32 v29, v22;
	v21 =	vadd.f32 v28, v21  }
0x236: {  	v57 =	vor.u32 s15, v13;
	v28 =	vld.idx.msk [tilespmem:v53+s4+$0x0], $0xffff;
	v20 =	vadd.f32 v40, v20;
	v19 =	vadd.f32 v41, v19  }
0x237: {  	v29 =	vor.u32 s14, v13;
	v25 =	vld.idx.msk [tilespmem:v25+s4+$0x0], $0xffff;
	v22 =	vadd.f32 v30, v22;
	v21 =	vadd.f32 v54, v21  }
0x238: {  	v58 =	vor.u32 s15, v14;
	v30 =	vld.idx.msk [tilespmem:v31+s4+$0x0], $0xffff;
	v20 =	vadd.f32 v42, v20;
	v19 =	vadd.f32 v43, v19  }
0x239: {  	v59 =	vor.u32 s15, v15;
	v31 =	vld.idx.msk [tilespmem:v55+s4+$0x0], $0xffff;
	v22 =	vadd.f32 v26, v22;
	v21 =	vadd.f32 v32, v21  }
0x23a: {  	v27 =	vld.idx.msk [tilespmem:v27+s4+$0x0], $0xffff;
	v20 =	vadd.f32 v24, v20;
	v24 =	vor.u32 s14, v14;
	v19 =	vadd.f32 v45, v19  }
0x23b: {  	v60 =	vor.u32 s14, v15;
	v34 =	vld.idx.msk [tilespmem:v57+s4+$0x0], $0xffff;
	v22 =	vadd.f32 v28, v22;
	v21 =	vadd.f32 v56, v21  }
0x23c: {  	v62 =	vor.u32 s14, v16;
	v28 =	vld.idx.msk [tilespmem:v29+s4+$0x0], $0xffff;
	v20 =	vadd.f32 v46, v20;
	v19 =	vadd.f32 v23, v19  }
0x23d: {  	v61 =	vor.u32 s15, v16;
	v23 =	vld.idx.msk [tilespmem:v58+s4+$0x0], $0xffff;
	v29 =	vadd.f32 v30, v22;
	v25 =	vadd.f32 v25, v21  }
0x23e: {  	v22 =	vld.idx.msk [tilespmem:v59+s4+$0x0], $0xffff;
	v21 =	vor.u32 s15, v17;
	v20 =	vadd.f32 v48, v20;
	v63 =	vadd.f32 v49, v19  }
0x23f: {  	v30 =	vor.u32 s14, v17;
	v26 =	vld.idx.msk [tilespmem:v24+s4+$0x0], $0xffff;
	v25 =	vadd.f32 v31, v25;
	v31 =	vadd.f32 v27, v29  }
0x240: {  	v27 =	vld.idx.msk [tilespmem:v60+s4+$0x0], $0xffff;
	v24 =	vadd.f32 v44, v20;
	v20 =	vor.u32 s15, v4  }
0x241: {  	v29 =	vor.u32 s14, v4;
	[tilespmem:s13+$0x0] =	vst v63;
	v31 =	vadd.f32 v28, v31;
	v28 =	vld.idx.msk [tilespmem:v62+s4+$0x0], $0xffff  }
0x242: {  	s16 =	simm.s32 $0x500;
	v19 =	vor.u32 s15, v18;
	s15 =	simm.s32 $0x2;
	v25 =	vadd.f32 v34, v25;
	[tilespmem:s13+$0xFFFFFFF0] =	vst v24;
	v24 =	vld.idx.msk [tilespmem:v61+s4+$0x0], $0xffff  }
.LBB2_8:
0x243: {  	v32 =	vor.u32 s16, v1;
	v33 =	vor.u32 s16, v5;
	s15 =	sadd.s32 $0x2, s15;
	v34 =	vor.u32 s14, v18;
	s14 =	sadd.s32 $0xFFFFFF00, s16;
	v35 =	vld.idx.msk [tilespmem:v21+s4+$0x0], $0xffff  }
0x244: {  	v21 =	vor.u32 s14, v1;
	v32 =	vand.u32 v2, v32;
	p0 =	slt.u32 s15, $0x6;
	v26 =	vadd.f32 v26, v31;
	v30 =	vld.idx.msk [tilespmem:v30+s4+$0x0], $0xffff  }
0x245: {  	v36 =	vor.u32 s16, v7;
	v31 =	vor.u32 s16, v6;
	v21 =	vand.u32 v3, v21;
	v37 =	vld.idx.msk [tilespmem:v20+s4+$0x0], $0xffff  }
0x246: {  	v38 =	vor.u32 s16, v8;
	v39 =	vor.u32 s16, v9;
	v20 =	vadd.f32 v27, v26;
	v26 =	vld.idx.msk [tilespmem:v29+s4+$0x0], $0xffff  }
0x247: {  	v40 =	vor.u32 s16, v11;
	v27 =	vor.u32 s14, v5;
	v29 =	vor.u32 s16, v10;
	v41 =	vld.idx.msk [tilespmem:v19+s4+$0x0], $0xffff  }
0x248: {  	v42 =	vor.u32 s16, v12;
	v43 =	vor.u32 s16, v13;
	v19 =	vadd.f32 v28, v20;
	v28 =	vld.idx.msk [tilespmem:v34+s4+$0x0], $0xffff  }
0x249: {  	v44 =	vor.u32 s16, v14;
	v45 =	vor.u32 s16, v15;
	v34 =	vor.u32 s14, v6;
	v32 =	vld.idx.msk [tilespmem:v32+s4+$0x0], $0xffff  }
0x24a: {  	v47 =	vor.u32 s16, v16;
	v23 =	vadd.f32 v23, v25;
	v46 =	vld.idx.msk [tilespmem:v21+s4+$0x0], $0xffff;
	v30 =	vadd.f32 v30, v19  }
0x24b: {  	v25 =	vor.u32 s14, v7;
	v20 =	vor.u32 s16, v4;
	v21 =	vor.u32 s16, v17;
	v33 =	vld.idx.msk [tilespmem:v33+s4+$0x0], $0xffff  }
0x24c: {  	v22 =	vadd.f32 v22, v23;
	v19 =	vor.u32 s16, v18;
	v27 =	vld.idx.msk [tilespmem:v27+s4+$0x0], $0xffff;
	v26 =	vadd.f32 v26, v30  }
0x24d: {  	v23 =	vor.u32 s14, v8;
	v30 =	vld.idx.msk [tilespmem:v31+s4+$0x0], $0xffff  }
0x24e: {  	v22 =	vadd.f32 v24, v22;
	v31 =	vld.idx.msk [tilespmem:v34+s4+$0x0], $0xffff;
	v26 =	vadd.f32 v28, v26  }
0x24f: {  	s13 =	sadd.s32 $0x20, s13;
	v24 =	vor.u32 s14, v9;
	v28 =	vadd.f32 $0.0e+00, v32;
	v32 =	vld.idx.msk [tilespmem:v36+s4+$0x0], $0xffff  }
0x250: {  	v22 =	vadd.f32 v35, v22;
	v34 =	vadd.f32 $0.0e+00, v46;
	v25 =	vld.idx.msk [tilespmem:v25+s4+$0x0], $0xffff;
	[tilespmem:s13+$0xFFFFFFF0] =	vst v26  }
0x251: {  	v26 =	vor.u32 s14, v10;
	v28 =	vadd.f32 v33, v28;
	v33 =	vld.idx.msk [tilespmem:v38+s4+$0x0], $0xffff  }
0x252: {  	v22 =	vadd.f32 v37, v22;
	v27 =	vadd.f32 v27, v34;
	v23 =	vld.idx.msk [tilespmem:v23+s4+$0x0], $0xffff  }
0x253: {  	v34 =	vor.u32 s14, v11;
	v28 =	vadd.f32 v30, v28;
	v30 =	vld.idx.msk [tilespmem:v39+s4+$0x0], $0xffff  }
0x254: {  	v22 =	vadd.f32 v41, v22;
	v27 =	vadd.f32 v31, v27;
	v24 =	vld.idx.msk [tilespmem:v24+s4+$0x0], $0xffff  }
0x255: {  	v31 =	vor.u32 s14, v12;
	v28 =	vadd.f32 v32, v28;
	v29 =	vld.idx.msk [tilespmem:v29+s4+$0x0], $0xffff  }
0x256: {  	v25 =	vadd.f32 v25, v27;
	v26 =	vld.idx.msk [tilespmem:v26+s4+$0x0], $0xffff;
	[tilespmem:s13+$0x0] =	vst v22  }
0x257: {  	v22 =	vor.u32 s14, v13;
	v27 =	vadd.f32 v33, v28;
	v28 =	vld.idx.msk [tilespmem:v40+s4+$0x0], $0xffff  }
0x258: {  	v23 =	vadd.f32 v23, v25;
	v25 =	vld.idx.msk [tilespmem:v34+s4+$0x0], $0xffff  }
0x259: {  	v32 =	vor.u32 s14, v14;
	v27 =	vadd.f32 v30, v27;
	v33 =	vld.idx.msk [tilespmem:v42+s4+$0x0], $0xffff  }
0x25a: {  	v23 =	vadd.f32 v24, v23;
	v24 =	vld.idx.msk [tilespmem:v31+s4+$0x0], $0xffff  }
0x25b: {  	v31 =	vor.u32 s14, v15;
	v27 =	vadd.f32 v29, v27;
	v34 =	vld.idx.msk [tilespmem:v43+s4+$0x0], $0xffff  }
0x25c: {  	v26 =	vadd.f32 v26, v23;
	v35 =	vld.idx.msk [tilespmem:v22+s4+$0x0], $0xffff  }
0x25d: {  	v36 =	vor.u32 s14, v16;
	v22 =	vadd.f32 v28, v27;
	v23 =	vld.idx.msk [tilespmem:v44+s4+$0x0], $0xffff  }
.Ltmp3:
0x25e: {  	v25 =	vadd.f32 v25, v26;
	v26 =	vld.idx.msk [tilespmem:v32+s4+$0x0], $0xffff;
	(pc) =	sbr.rel @p0 .LBB2_8-.Ltmp3, $4  }
0x25f: {  	v30 =	vor.u32 s14, v17;
	v28 =	vadd.f32 v33, v22;
	v22 =	vld.idx.msk [tilespmem:v45+s4+$0x0], $0xffff  }
0x260: {  	v32 =	vadd.f32 v24, v25;
	v27 =	vld.idx.msk [tilespmem:v31+s4+$0x0], $0xffff  }
0x261: {  	v29 =	vor.u32 s14, v4;
	v25 =	vadd.f32 v34, v28;
	v24 =	vld.idx.msk [tilespmem:v47+s4+$0x0], $0xffff  }
0x262: {  	s16 =	sadd.s32 $0x200, s16;
	v31 =	vadd.f32 v35, v32;
	v28 =	vld.idx.msk [tilespmem:v36+s4+$0x0], $0xffff  }
0x263: {  	_ =	sdelay $0x2  }
0x264: {  	v23 =	vadd.f32 v23, v25  }
0x265: {  	v32 =	vor.u32 s14, v18;
	v21 =	vld.idx.msk [tilespmem:v21+s4+$0x0], $0xffff;
	v26 =	vadd.f32 v26, v31  }
0x266: {  	v30 =	vld.idx.msk [tilespmem:v30+s4+$0x0], $0xffff;
	v22 =	vadd.f32 v22, v23  }
0x267: {  	v20 =	vld.idx.msk [tilespmem:v20+s4+$0x0], $0xffff;
	v25 =	vadd.f32 v27, v26  }
0x268: {  	v26 =	vld.idx.msk [tilespmem:v29+s4+$0x0], $0xffff;
	v22 =	vadd.f32 v24, v22  }
0x269: {  	v19 =	vld.idx.msk [tilespmem:v19+s4+$0x0], $0xffff;
	v23 =	vadd.f32 v28, v25  }
0x26a: {  	v25 =	vld.idx.msk [tilespmem:v32+s4+$0x0], $0xffff;
	v21 =	vadd.f32 v21, v22  }
0x26b: {  	v23 =	vadd.f32 v30, v23  }
0x26c: {  	v20 =	vadd.f32 v20, v21  }
0x26d: {  	v22 =	vadd.f32 v26, v23  }
0x26e: {  	v19 =	vadd.f32 v19, v20  }
0x26f: {  	s13 =	sadd.s32 $0x20, s13;
	v21 =	vadd.f32 v25, v22  }
0x270: {  	[tilespmem:s13+$0x0] =	vst v19  }
0x271: {  	[tilespmem:s13+$0xFFFFFFF0] =	vst v21  }
0x272: {  	s18 =	simm.s32 $0x0;
	s15 =	simm.s32 $0x12200;
	s19 =	rddreg [dreg:$0x13]  }
0x273: {  	[hbm4b:s19+s18] =	stream.linear.scatter [tilespmem:s15], [sflag:$0xB], $0x4000, $0x38;
	[tilespmem:$0x1AC00] =	vst v63  }
0x274: {  	s21 =	simm.s32 $0x1A280;
	s20 =	rddreg [dreg:$0x14]  }
0x275: {  	[hbm4b:s20+s18] =	stream.linear.scatter [tilespmem:s21], [sflag:$0xB], $0x80, $0x38;
	[tilespmem:$0x1AC00] =	vst v63  }
0x276: {  	_ =	swait.ge [sflag:s30], $0x80  }
0x277: {  	[sflag:s30] =	ssyncset.done $0x0  }
0x278: {  	[sflag:s30] =	ssyncadd.s32 $0xFFFFFF80  }
0x279: {  	_ =	swait.ge [sflag:s31], $0x4000  }
0x27a: {  	[sflag:s31] =	ssyncset.done $0x0  }
0x27b: {  	[sflag:s31] =	ssyncadd.s32 $0xFFFFC000  }
0x27c: {  	[tilespmem:s25], [sflag:$0x7] =	stream.indirect.gather.add.f32 [spmem:s1], $0x80, s24, s0, $0xb8;
	[tilespmem:$0x1AC00] =	vst v63  }
0x27d: {  	_ =	swait.ge [sflag:s8], $0x4000  }
0x27e: {  	[sflag:s8] =	ssyncset.done $0x0  }
0x27f: {  	s14 =	simm.s32 $0x0;
	[sflag:s8] =	ssyncadd.s32 $0xFFFFC000  }
0x280: {  	v19 =	vld [tilespmem:s14+$0xA3E0]  }
0x281: {  	v20 =	vld [tilespmem:s14+$0xA3F0]  }
0x282: {  	v21 =	vld [tilespmem:s14+$0xA3C0]  }
0x283: {  	v22 =	vld [tilespmem:s14+$0xA3D0]  }
0x284: {  	v23 =	vld [tilespmem:s14+$0xA380]  }
0x285: {  	v24 =	vld [tilespmem:s14+$0xA390]  }
0x286: {  	v25 =	vld [tilespmem:s14+$0xA3A0]  }
0x287: {  	v26 =	vld [tilespmem:s14+$0xA3B0]  }
0x288: {  	v27 =	vld [tilespmem:s14+$0xA200]  }
0x289: {  	v28 =	vld [tilespmem:s14+$0xA210]  }
0x28a: {  	v31 =	vld [tilespmem:s14+$0xA280]  }
0x28b: {  	v52 =	vld [tilespmem:s14+$0xA290]  }
0x28c: {  	v33 =	vld [tilespmem:s14+$0xA2A0]  }
0x28d: {  	v34 =	vld [tilespmem:s14+$0xA2B0];
	v19 =	vmul.f32 v19, v19;
	v21 =	vmul.f32 v21, v21  }
0x28e: {  	v35 =	vld [tilespmem:s14+$0xA300];
	v23 =	vmul.f32 v23, v23;
	v22 =	vmul.f32 v22, v22  }
0x28f: {  	v36 =	vld [tilespmem:s14+$0xA310];
	v24 =	vmul.f32 v24, v24;
	v25 =	vmul.f32 v25, v25  }
0x290: {  	v37 =	vld [tilespmem:s14+$0xA320];
	v26 =	vmul.f32 v26, v26;
	v20 =	vmul.f32 v20, v20  }
0x291: {  	v40 =	vld [tilespmem:s14+$0xA330];
	v27 =	vmul.f32 v27, v27;
	v28 =	vmul.f32 v28, v28  }
0x292: {  	v53 =	vld [tilespmem:s14+$0xA250];
	v31 =	vmul.f32 v31, v31;
	v32 =	vmul.f32 v52, v52  }
0x293: {  	v33 =	vmul.f32 v33, v33;
	v34 =	vmul.f32 v34, v34  }
0x294: {  	v35 =	vmul.f32 v35, v35;
	v36 =	vmul.f32 v36, v36  }
0x295: {  	v37 =	vmul.f32 v37, v37;
	v23 =	vmul.f32 $5.000000000e-01, v23  }
0x296: {  	v54 =	vmul.f32 v40, v40;
	v24 =	vmul.f32 $5.000000000e-01, v24  }
0x297: {  	v61 =	vmul.f32 v53, v53;
	v25 =	vmul.f32 $5.000000000e-01, v25;
	v23 =	vadd.f32 $9.189385170e-01, v23  }
0x298: {  	v21 =	vmul.f32 $5.000000000e-01, v21;
	v26 =	vmul.f32 $5.000000000e-01, v26;
	v24 =	vadd.f32 $9.189385170e-01, v24  }
0x299: {  	v29 =	vld [tilespmem:s14+$0xA220];
	v22 =	vmul.f32 $5.000000000e-01, v22;
	v19 =	vmul.f32 $5.000000000e-01, v19;
	v25 =	vadd.f32 $9.189385170e-01, v25;
	[tilespmem:s14+$0x16380] =	vst v23  }
0x29a: {  	v30 =	vld [tilespmem:s14+$0xA230];
	v20 =	vmul.f32 $5.000000000e-01, v20;
	v27 =	vmul.f32 $5.000000000e-01, v27;
	v26 =	vadd.f32 $9.189385170e-01, v26;
	[tilespmem:s14+$0x16390] =	vst v24  }
0x29b: {  	v28 =	vmul.f32 $5.000000000e-01, v28;
	v21 =	vadd.f32 $9.189385170e-01, v21;
	v22 =	vadd.f32 $9.189385170e-01, v22;
	[tilespmem:s14+$0x163A0] =	vst v25  }
0x29c: {  	v56 =	vld [tilespmem:s14+$0xA270];
	v57 =	vmul.f32 $5.000000000e-01, v36;
	v19 =	vadd.f32 $9.189385170e-01, v19;
	v20 =	vadd.f32 $9.189385170e-01, v20;
	[tilespmem:s14+$0x163B0] =	vst v26  }
0x29d: {  	v60 =	vld [tilespmem:s14+$0xA2E0];
	v58 =	vmul.f32 $5.000000000e-01, v37;
	v41 =	vadd.f32 $9.189385170e-01, v28;
	v39 =	vadd.f32 v26, v24;
	[tilespmem:s14+$0x163C0] =	vst v21  }
0x29e: {  	v42 =	vld [tilespmem:s14+$0xA2F0];
	v28 =	vmul.f32 $5.000000000e-01, v34;
	v38 =	vadd.f32 v25, v23;
	v23 =	vmul.f32 v29, v29;
	[tilespmem:s14+$0x163D0] =	vst v22  }
0x29f: {  	v55 =	vld [tilespmem:s14+$0xA260];
	v59 =	vmul.f32 $5.000000000e-01, v54;
	v29 =	vmul.f32 v30, v30;
	[tilespmem:s14+$0x163E0] =	vst v19;
	v25 =	vadd.f32 v22, v39  }
0x2a0: {  	v24 =	vld [tilespmem:s14+$0xA240];
	[tilespmem:s14+$0x163F0] =	vst v20;
	v46 =	vadd.f32 $9.189385170e-01, v28;
	v30 =	vadd.f32 v21, v38;
	v23 =	vmul.f32 $5.000000000e-01, v23  }
0x2a1: {  	v26 =	vld [tilespmem:s14+$0xA2C0];
	[tilespmem:s14+$0x16210] =	vst v41;
	v29 =	vmul.f32 $5.000000000e-01, v29;
	v21 =	vadd.f32 v20, v25;
	v20 =	vadd.f32 $9.189385170e-01, v27  }
0x2a2: {  	v47 =	vld [tilespmem:s14+$0xA370];
	v37 =	vmul.f32 v56, v56;
	v36 =	vmul.f32 v60, v60;
	[tilespmem:s14+$0x162B0] =	vst v46;
	v23 =	vadd.f32 $9.189385170e-01, v23  }
0x2a3: {  	v34 =	vmul.f32 v42, v42;
	v22 =	vld [tilespmem:s14+$0xA340];
	v30 =	vadd.f32 v19, v30;
	v29 =	vadd.f32 $9.189385170e-01, v29;
	[tilespmem:s14+$0x16200] =	vst v20  }
0x2a4: {  	v45 =	vld [tilespmem:s14+$0xA360];
	v27 =	vmul.f32 $5.000000000e-01, v31;
	v31 =	vmul.f32 $5.000000000e-01, v35;
	v35 =	vadd.f32 $9.189385170e-01, v59;
	[tilespmem:s14+$0x16220] =	vst v23  }
0x2a5: {  	v38 =	vmul.f32 v55, v55;
	v25 =	vld [tilespmem:s14+$0xA2D0];
	v19 =	vadd.f32 v21, v30;
	v30 =	vmul.f32 $5.000000000e-01, v32;
	[tilespmem:s14+$0x16230] =	vst v29  }
0x2a6: {  	s15 =	simm.s32 $0x1A420;
	v24 =	vmul.f32 v24, v24;
	v26 =	vmul.f32 v26, v26;
	v21 =	vld [tilespmem:s14+$0xA350];
	v62 =	vadd.f32 $9.189385170e-01, v27;
	[tilespmem:s14+$0x16330] =	vst v35  }
0x2a7: {  	v20 =	vadd.f32 v23, v20;
	[tilespmem:s15+$0x10] =	vst v19;
	v19 =	vmul.f32 $5.000000000e-01, v33;
	v43 =	vadd.f32 $9.189385170e-01, v30  }
0x2a8: {  	v32 =	vmul.f32 v47, v47;
	v63 =	vmul.f32 v22, v22;
	[tilespmem:s14+$0x16280] =	vst v62;
	v30 =	vadd.f32 $9.189385170e-01, v57  }
0x2a9: {  	v22 =	vmul.f32 $5.000000000e-01, v61;
	v33 =	vmul.f32 v45, v45;
	v44 =	vadd.f32 $9.189385170e-01, v19;
	[tilespmem:s14+$0x16290] =	vst v43  }
0x2aa: {  	v27 =	vmul.f32 v25, v25;
	v19 =	vmul.f32 $5.000000000e-01, v24;
	v24 =	vadd.f32 $9.189385170e-01, v31;
	[tilespmem:s14+$0x16310] =	vst v30  }
0x2ab: {  	v25 =	vmul.f32 $5.000000000e-01, v26;
	v31 =	vadd.f32 $9.189385170e-01, v58;
	v21 =	vmul.f32 v21, v21;
	[tilespmem:s14+$0x162A0] =	vst v44  }
0x2ac: {  	s17 =	simm.s32 $0x0;
	v26 =	vmul.f32 $5.000000000e-01, v27;
	v27 =	vmul.f32 $5.000000000e-01, v63;
	[tilespmem:s14+$0x16300] =	vst v24;
	v23 =	vadd.f32 v44, v62  }
0x2ad: {  	s16 =	simm.s32 $0x1A420;
	s13 =	simm.s32 $0x1A310;
	s18 =	simm.s32 $0x800;
	[tilespmem:s14+$0x16320] =	vst v31;
	v28 =	vmul.f32 $5.000000000e-01, v21;
	v21 =	vadd.f32 v29, v41;
	v29 =	vadd.f32 v46, v43  }
.LBB2_10:
0x2ae: {  	s19 =	sshra.s32 s18, $0x2;
	v38 =	vmul.f32 $5.000000000e-01, v38;
	v24 =	vadd.f32 v31, v24;
	v30 =	vadd.f32 v35, v30  }
0x2af: {  	v19 =	vadd.f32 $9.189385170e-01, v19;
	v22 =	vadd.f32 $9.189385170e-01, v22;
	v35 =	vmul.f32 $5.000000000e-01, v37;
	v31 =	vld [tilespmem:s19+$0xA3E0]  }
0x2b0: {  	v25 =	vadd.f32 $9.189385170e-01, v25;
	v26 =	vadd.f32 $9.189385170e-01, v26;
	v36 =	vmul.f32 $5.000000000e-01, v36;
	v37 =	vld [tilespmem:s19+$0xA3F0]  }
0x2b1: {  	v34 =	vmul.f32 $5.000000000e-01, v34;
	v27 =	vadd.f32 $9.189385170e-01, v27;
	v28 =	vadd.f32 $9.189385170e-01, v28;
	v39 =	vld [tilespmem:s19+$0xA3C0];
	[tilespmem:s14+$0x16240] =	vst v19  }
0x2b2: {  	v32 =	vmul.f32 $5.000000000e-01, v32;
	v19 =	vadd.f32 v19, v20;
	v20 =	vmul.f32 $5.000000000e-01, v33;
	v40 =	vld [tilespmem:s19+$0xA3D0];
	[tilespmem:s14+$0x16250] =	vst v22  }
0x2b3: {  	v21 =	vadd.f32 v22, v21;
	v22 =	vadd.f32 v25, v23;
	v33 =	vld [tilespmem:s19+$0xA380];
	[tilespmem:s14+$0x162C0] =	vst v25  }
0x2b4: {  	v24 =	vadd.f32 v27, v24;
	v25 =	vadd.f32 v26, v29;
	v23 =	vld [tilespmem:s19+$0xA390];
	[tilespmem:s14+$0x162D0] =	vst v26  }
0x2b5: {  	s17 =	sadd.s32 $0x4, s17;
	v29 =	vadd.f32 $9.189385170e-01, v38;
	v26 =	vld [tilespmem:s19+$0xA3A0];
	[tilespmem:s14+$0x16340] =	vst v27;
	v27 =	vadd.f32 v28, v30  }
0x2b6: {  	p0 =	slt.u32 s17, $0x7C;
	v35 =	vadd.f32 $9.189385170e-01, v35;
	v36 =	vadd.f32 $9.189385170e-01, v36;
	v30 =	vld [tilespmem:s19+$0xA3B0];
	[tilespmem:s14+$0x16350] =	vst v28  }
0x2b7: {  	v34 =	vadd.f32 $9.189385170e-01, v34;
	v20 =	vadd.f32 $9.189385170e-01, v20;
	v31 =	vmul.f32 v31, v31;
	v28 =	vld [tilespmem:s19+$0xA200];
	[tilespmem:s14+$0x16260] =	vst v29  }
0x2b8: {  	v32 =	vadd.f32 $9.189385170e-01, v32;
	v37 =	vmul.f32 v37, v37;
	v39 =	vmul.f32 v39, v39;
	v38 =	vld [tilespmem:s19+$0xA210];
	[tilespmem:s14+$0x16270] =	vst v35  }
0x2b9: {  	v19 =	vadd.f32 v29, v19;
	v40 =	vmul.f32 v40, v40;
	v33 =	vmul.f32 v33, v33;
	v41 =	vld [tilespmem:s19+$0xA220];
	[tilespmem:s14+$0x162E0] =	vst v36  }
0x2ba: {  	v21 =	vadd.f32 v35, v21;
	v23 =	vmul.f32 v23, v23;
	v29 =	vld [tilespmem:s19+$0xA230];
	v26 =	vmul.f32 v26, v26;
	[tilespmem:s14+$0x162F0] =	vst v34  }
0x2bb: {  	v22 =	vadd.f32 v36, v22;
	v39 =	vmul.f32 $5.000000000e-01, v39;
	v35 =	vld [tilespmem:s19+$0xA280];
	v30 =	vmul.f32 v30, v30;
	[tilespmem:s14+$0x16360] =	vst v20  }
0x2bc: {  	v25 =	vadd.f32 v34, v25;
	v33 =	vmul.f32 $5.000000000e-01, v33;
	v23 =	vmul.f32 $5.000000000e-01, v23;
	v36 =	vld [tilespmem:s19+$0xA290];
	[tilespmem:s14+$0x16370] =	vst v32;
	s14 =	smov.u32 s19  }
0x2bd: {  	v20 =	vadd.f32 v20, v24;
	v26 =	vmul.f32 $5.000000000e-01, v26;
	v34 =	vld [tilespmem:s14+$0xA2A0];
	v30 =	vmul.f32 $5.000000000e-01, v30  }
0x2be: {  	v40 =	vmul.f32 $5.000000000e-01, v40;
	v33 =	vadd.f32 $9.189385170e-01, v33;
	v23 =	vadd.f32 $9.189385170e-01, v23;
	v24 =	vld [tilespmem:s14+$0xA2B0]  }
0x2bf: {  	v31 =	vmul.f32 $5.000000000e-01, v31;
	v26 =	vadd.f32 $9.189385170e-01, v26;
	v42 =	vld [tilespmem:s14+$0xA300];
	v30 =	vadd.f32 $9.189385170e-01, v30  }
0x2c0: {  	v37 =	vmul.f32 $5.000000000e-01, v37;
	v39 =	vadd.f32 $9.189385170e-01, v39;
	v40 =	vadd.f32 $9.189385170e-01, v40;
	v43 =	vld [tilespmem:s14+$0xA310]  }
0x2c1: {  	v28 =	vmul.f32 v28, v28;
	v44 =	vld [tilespmem:s14+$0xA320];
	[tilespmem:s14+$0x16380] =	vst v33;
	v33 =	vadd.f32 v26, v33;
	v45 =	vadd.f32 v30, v23  }
0x2c2: {  	v38 =	vmul.f32 v38, v38;
	v46 =	vld [tilespmem:s14+$0xA330];
	[tilespmem:s14+$0x16390] =	vst v23;
	v23 =	vadd.f32 $9.189385170e-01, v31;
	v31 =	vadd.f32 $9.189385170e-01, v37  }
0x2c3: {  	v37 =	vmul.f32 v41, v41;
	v41 =	vld [tilespmem:s14+$0xA240];
	[tilespmem:s14+$0x163A0] =	vst v26;
	v26 =	vadd.f32 v39, v33;
	v33 =	vadd.f32 v40, v45  }
0x2c4: {  	v27 =	vadd.f32 v32, v27;
	v29 =	vmul.f32 v29, v29;
	v35 =	vmul.f32 v35, v35;
	v45 =	vld [tilespmem:s14+$0xA250];
	[tilespmem:s14+$0x163B0] =	vst v30  }
0x2c5: {  	v30 =	vmul.f32 v36, v36;
	v32 =	vld [tilespmem:s14+$0xA2C0];
	[tilespmem:s14+$0x163C0] =	vst v39;
	v26 =	vadd.f32 v23, v26;
	v33 =	vadd.f32 v31, v33  }
0x2c6: {  	v19 =	vadd.f32 v21, v19;
	v34 =	vmul.f32 v34, v34;
	v24 =	vmul.f32 v24, v24;
	v36 =	vld [tilespmem:s14+$0xA2D0];
	[tilespmem:s14+$0x163D0] =	vst v40  }
0x2c7: {  	v21 =	vmul.f32 v42, v42;
	v39 =	vmul.f32 v43, v43;
	v40 =	vld [tilespmem:s14+$0xA340];
	[tilespmem:s14+$0x163E0] =	vst v23;
	v23 =	vadd.f32 v33, v26  }
0x2c8: {  	s15 =	sadd.s32 $0x40, s15;
	v22 =	vadd.f32 v25, v22;
	v26 =	vmul.f32 v44, v44;
	v33 =	vmul.f32 v46, v46;
	v42 =	vld [tilespmem:s14+$0xA350];
	[tilespmem:s14+$0x163F0] =	vst v31  }
0x2c9: {  	s19 =	simm.s32 $0x100;
	v20 =	vadd.f32 v27, v20;
	v25 =	vmul.f32 $5.000000000e-01, v28;
	v28 =	vmul.f32 $5.000000000e-01, v38;
	v38 =	vld [tilespmem:s14+$0xA260];
	[tilespmem:s15+$0x10] =	vst v23  }
0x2ca: {  	v27 =	vmul.f32 $5.000000000e-01, v29;
	v23 =	vmul.f32 $5.000000000e-01, v37;
	v29 =	vld [tilespmem:s14+$0xA270];
	[tilespmem:s16+$0xFFFFFFE0] =	vst v19  }
0x2cb: {  	v37 =	vadd.f32 $9.189385170e-01, v25;
	v25 =	vmul.f32 $5.000000000e-01, v30;
	v19 =	vmul.f32 $5.000000000e-01, v35;
	v43 =	vld [tilespmem:s14+$0xA2E0];
	[tilespmem:s16+$0x0] =	vst v20  }
0x2cc: {  	v24 =	vmul.f32 $5.000000000e-01, v24;
	v44 =	vadd.f32 $9.189385170e-01, v28;
	v20 =	vmul.f32 $5.000000000e-01, v34;
	v34 =	vld [tilespmem:s14+$0xA2F0];
	[tilespmem:s16+$0xFFFFFFF0] =	vst v22;
	s16 =	smov.u32 s15  }
0x2cd: {  	v21 =	vmul.f32 $5.000000000e-01, v21;
	v28 =	vmul.f32 $5.000000000e-01, v39;
	v23 =	vadd.f32 $9.189385170e-01, v23;
	[tilespmem:s14+$0x16200] =	vst v37;
	v39 =	vld [tilespmem:s14+$0xA360]  }
0x2ce: {  	v46 =	vadd.f32 $9.189385170e-01, v27;
	v26 =	vmul.f32 $5.000000000e-01, v26;
	v27 =	vmul.f32 $5.000000000e-01, v33;
	[tilespmem:s14+$0x16210] =	vst v44;
	v47 =	vld [tilespmem:s14+$0xA370]  }
0x2cf: {  	v30 =	vmul.f32 v45, v45;
	v22 =	vmul.f32 v41, v41;
	v33 =	vadd.f32 $9.189385170e-01, v19;
	[tilespmem:s14+$0x16220] =	vst v23  }
0x2d0: {  	v41 =	vadd.f32 $9.189385170e-01, v25;
	v25 =	vmul.f32 v32, v32;
	v32 =	vmul.f32 v36, v36;
	[tilespmem:s14+$0x16230] =	vst v46  }
0x2d1: {  	v40 =	vmul.f32 v40, v40;
	v36 =	vadd.f32 $9.189385170e-01, v20;
	v42 =	vmul.f32 v42, v42;
	[tilespmem:s14+$0x16280] =	vst v33  }
0x2d2: {  	v45 =	vadd.f32 $9.189385170e-01, v24;
	v24 =	vadd.f32 $9.189385170e-01, v21;
	v19 =	vmul.f32 $5.000000000e-01, v22;
	[tilespmem:s14+$0x16290] =	vst v41  }
0x2d3: {  	v31 =	vadd.f32 $9.189385170e-01, v26;
	v22 =	vmul.f32 $5.000000000e-01, v30;
	v30 =	vadd.f32 $9.189385170e-01, v28;
	[tilespmem:s14+$0x162A0] =	vst v36  }
.Ltmp4:
0x2d4: {  	v35 =	vadd.f32 $9.189385170e-01, v27;
	v25 =	vmul.f32 $5.000000000e-01, v25;
	v26 =	vmul.f32 $5.000000000e-01, v32;
	[tilespmem:s14+$0x162B0] =	vst v45;
	(pc) =	sbr.rel @p0 .LBB2_10-.Ltmp4, $4  }
0x2d5: {  	v20 =	vadd.f32 v23, v37;
	v27 =	vmul.f32 $5.000000000e-01, v40;
	v28 =	vmul.f32 $5.000000000e-01, v42;
	[tilespmem:s14+$0x16300] =	vst v24  }
0x2d6: {  	v21 =	vadd.f32 v46, v44;
	v38 =	vmul.f32 v38, v38;
	v37 =	vmul.f32 v29, v29;
	[tilespmem:s14+$0x16310] =	vst v30  }
0x2d7: {  	v23 =	vadd.f32 v36, v33;
	v34 =	vmul.f32 v34, v34;
	v36 =	vmul.f32 v43, v43;
	[tilespmem:s14+$0x16320] =	vst v31  }
0x2d8: {  	s18 =	sadd.s32 $0x800, s18;
	v29 =	vadd.f32 v45, v41;
	v33 =	vmul.f32 v39, v39;
	v32 =	vmul.f32 v47, v47;
	[tilespmem:s14+$0x16330] =	vst v35  }
0x2d9: {  	v24 =	vadd.f32 v31, v24  }
0x2da: {  	v30 =	vadd.f32 v35, v30;
	v19 =	vadd.f32 $9.189385170e-01, v19  }
0x2db: {  	v22 =	vadd.f32 $9.189385170e-01, v22;
	v25 =	vadd.f32 $9.189385170e-01, v25  }
0x2dc: {  	v31 =	vmul.f32 $5.000000000e-01, v38;
	v26 =	vadd.f32 $9.189385170e-01, v26;
	v27 =	vadd.f32 $9.189385170e-01, v27;
	[tilespmem:s14+$0x16240] =	vst v19  }
0x2dd: {  	v53 =	vmul.f32 $5.000000000e-01, v37;
	v28 =	vadd.f32 $9.189385170e-01, v28;
	v19 =	vadd.f32 v19, v20;
	[tilespmem:s14+$0x16250] =	vst v22  }
0x2de: {  	v36 =	vmul.f32 $5.000000000e-01, v36;
	v20 =	vadd.f32 v22, v21;
	v22 =	vadd.f32 v25, v23;
	[tilespmem:s14+$0x162C0] =	vst v25  }
0x2df: {  	v21 =	vmul.f32 $5.000000000e-01, v34;
	v23 =	vadd.f32 v26, v29;
	[tilespmem:s14+$0x162D0] =	vst v26;
	v24 =	vadd.f32 v27, v24  }
0x2e0: {  	v25 =	vmul.f32 $5.000000000e-01, v33;
	v26 =	vadd.f32 $9.189385170e-01, v31;
	[tilespmem:s14+$0x16340] =	vst v27;
	v27 =	vadd.f32 v28, v30  }
0x2e1: {  	v29 =	vmul.f32 $5.000000000e-01, v32;
	v30 =	vadd.f32 $9.189385170e-01, v53;
	v31 =	vadd.f32 $9.189385170e-01, v36;
	[tilespmem:s14+$0x16350] =	vst v28  }
0x2e2: {  	v21 =	vadd.f32 $9.189385170e-01, v21;
	[tilespmem:s14+$0x16260] =	vst v26;
	v25 =	vadd.f32 $9.189385170e-01, v25  }
0x2e3: {  	v28 =	vadd.f32 $9.189385170e-01, v29;
	[tilespmem:s14+$0x16270] =	vst v30;
	v19 =	vadd.f32 v26, v19  }
0x2e4: {  	v20 =	vadd.f32 v30, v20;
	[tilespmem:s14+$0x162E0] =	vst v31;
	v23 =	vadd.f32 v21, v23  }
0x2e5: {  	v26 =	vor.u32 s19, v1;
	[tilespmem:s14+$0x162F0] =	vst v21;
	v21 =	vadd.f32 v25, v24;
	v24 =	vadd.f32 v28, v27  }
0x2e6: {  	s17 =	simm.s32 $0x0;
	v22 =	vadd.f32 v31, v22;
	[tilespmem:s14+$0x16360] =	vst v25;
	v19 =	vadd.f32 v20, v19;
	v25 =	vand.u32 v2, v26  }
0x2e7: {  	[tilespmem:s14+$0x16370] =	vst v28;
	v26 =	vor.u32 s17, v7;
	v21 =	vadd.f32 v24, v21  }
0x2e8: {  	v27 =	vor.u32 s19, v8;
	v22 =	vadd.f32 v23, v22;
	[tilespmem:s16+$0xFFFFFFE0] =	vst v19  }
0x2e9: {  	v28 =	vor.u32 s17, v8;
	[tilespmem:s16+$0x0] =	vst v21  }
0x2ea: {  	v29 =	vor.u32 s19, v9;
	[tilespmem:s16+$0xFFFFFFF0] =	vst v22  }
0x2eb: {  	v30 =	vor.u32 s17, v9;
	v24 =	vld.idx.msk [tilespmem:v25+s4+$0x0], $0xffff  }
0x2ec: {  	v31 =	vor.u32 s19, v10;
	v26 =	vld.idx.msk [tilespmem:v26+s4+$0x0], $0xffff  }
0x2ed: {  	v54 =	vor.u32 s17, v10;
	v27 =	vld.idx.msk [tilespmem:v27+s4+$0x0], $0xffff  }
0x2ee: {  	v55 =	vor.u32 s19, v11;
	v28 =	vld.idx.msk [tilespmem:v28+s4+$0x0], $0xffff  }
0x2ef: {  	v56 =	vor.u32 s17, v11;
	v29 =	vld.idx.msk [tilespmem:v29+s4+$0x0], $0xffff  }
0x2f0: {  	v57 =	vor.u32 s19, v12;
	v30 =	vld.idx.msk [tilespmem:v30+s4+$0x0], $0xffff  }
0x2f1: {  	v58 =	vor.u32 s17, v12;
	v31 =	vld.idx.msk [tilespmem:v31+s4+$0x0], $0xffff  }
0x2f2: {  	v59 =	vor.u32 s19, v13;
	v32 =	vld.idx.msk [tilespmem:v54+s4+$0x0], $0xffff  }
0x2f3: {  	v60 =	vor.u32 s17, v13;
	v33 =	vld.idx.msk [tilespmem:v55+s4+$0x0], $0xffff  }
0x2f4: {  	v39 =	vor.u32 s19, v14;
	v34 =	vld.idx.msk [tilespmem:v56+s4+$0x0], $0xffff  }
0x2f5: {  	v40 =	vor.u32 s17, v14;
	v35 =	vld.idx.msk [tilespmem:v57+s4+$0x0], $0xffff  }
0x2f6: {  	v41 =	vor.u32 s19, v15;
	v36 =	vld.idx.msk [tilespmem:v58+s4+$0x0], $0xffff  }
0x2f7: {  	v42 =	vor.u32 s17, v15;
	v37 =	vld.idx.msk [tilespmem:v59+s4+$0x0], $0xffff  }
0x2f8: {  	v43 =	vor.u32 s19, v16;
	v20 =	vor.u32 s17, v1;
	v38 =	vld.idx.msk [tilespmem:v60+s4+$0x0], $0xffff  }
0x2f9: {  	v20 =	vand.u32 v3, v20;
	v39 =	vld.idx.msk [tilespmem:v39+s4+$0x0], $0xffff  }
0x2fa: {  	v19 =	vor.u32 s19, v5;
	v40 =	vld.idx.msk [tilespmem:v40+s4+$0x0], $0xffff  }
0x2fb: {  	v21 =	vor.u32 s17, v5;
	v41 =	vld.idx.msk [tilespmem:v41+s4+$0x0], $0xffff  }
0x2fc: {  	v22 =	vor.u32 s19, v6;
	v42 =	vld.idx.msk [tilespmem:v42+s4+$0x0], $0xffff  }
0x2fd: {  	v23 =	vor.u32 s17, v6;
	v43 =	vld.idx.msk [tilespmem:v43+s4+$0x0], $0xffff  }
0x2fe: {  	v25 =	vor.u32 s19, v7;
	v20 =	vld.idx.msk [tilespmem:v20+s4+$0x0], $0xffff  }
0x2ff: {  	v45 =	vor.u32 s19, v17;
	v19 =	vld.idx.msk [tilespmem:v19+s4+$0x0], $0xffff  }
0x300: {  	v46 =	vor.u32 s17, v17;
	v21 =	vld.idx.msk [tilespmem:v21+s4+$0x0], $0xffff  }
0x301: {  	v48 =	vor.u32 s17, v4;
	v22 =	vld.idx.msk [tilespmem:v22+s4+$0x0], $0xffff  }
0x302: {  	v49 =	vor.u32 s19, v18;
	s15 =	simm.s32 $0x300;
	v23 =	vld.idx.msk [tilespmem:v23+s4+$0x0], $0xffff;
	v24 =	vadd.f32 $0.0e+00, v24  }
0x303: {  	v63 =	vor.u32 s15, v8;
	v25 =	vld.idx.msk [tilespmem:v25+s4+$0x0], $0xffff;
	v20 =	vadd.f32 $0.0e+00, v20  }
0x304: {  	v52 =	vor.u32 s15, v10;
	s14 =	simm.s32 $0x200;
	v45 =	vld.idx.msk [tilespmem:v45+s4+$0x0], $0xffff;
	v19 =	vadd.f32 v19, v24  }
0x305: {  	v44 =	vor.u32 s17, v16;
	v50 =	vor.u32 s14, v1;
	v46 =	vld.idx.msk [tilespmem:v46+s4+$0x0], $0xffff;
	v20 =	vadd.f32 v21, v20  }
0x306: {  	v48 =	vld.idx.msk [tilespmem:v48+s4+$0x0], $0xffff;
	v21 =	vor.u32 s15, v1;
	v19 =	vadd.f32 v22, v19;
	v22 =	vand.u32 v3, v50  }
0x307: {  	v49 =	vld.idx.msk [tilespmem:v49+s4+$0x0], $0xffff;
	v21 =	vand.u32 v2, v21  }
0x308: {  	v54 =	vld.idx.msk [tilespmem:v63+s4+$0x0], $0xffff;
	v20 =	vadd.f32 v23, v20;
	v19 =	vadd.f32 v25, v19;
	v25 =	vor.u32 s14, v5  }
0x309: {  	v62 =	vor.u32 s15, v5;
	v56 =	vld.idx.msk [tilespmem:v52+s4+$0x0], $0xffff  }
0x30a: {  	v24 =	vld.idx.msk [tilespmem:v44+s4+$0x0], $0xffff;
	v20 =	vadd.f32 v26, v20;
	v26 =	vor.u32 s15, v6;
	v19 =	vadd.f32 v27, v19  }
0x30b: {  	v27 =	vor.u32 s14, v6;
	v22 =	vld.idx.msk [tilespmem:v22+s4+$0x0], $0xffff  }
0x30c: {  	v20 =	vadd.f32 v28, v20;
	v21 =	vld.idx.msk [tilespmem:v21+s4+$0x0], $0xffff;
	v28 =	vor.u32 s15, v7;
	v19 =	vadd.f32 v29, v19  }
0x30d: {  	v29 =	vor.u32 s14, v7;
	v25 =	vld.idx.msk [tilespmem:v25+s4+$0x0], $0xffff  }
0x30e: {  	v61 =	vor.u32 s17, v18;
	v20 =	vadd.f32 v30, v20;
	v30 =	vld.idx.msk [tilespmem:v62+s4+$0x0], $0xffff;
	v19 =	vadd.f32 v31, v19  }
0x30f: {  	v31 =	vor.u32 s14, v8;
	v26 =	vld.idx.msk [tilespmem:v26+s4+$0x0], $0xffff  }
0x310: {  	v50 =	vor.u32 s15, v9;
	v27 =	vld.idx.msk [tilespmem:v27+s4+$0x0], $0xffff;
	v20 =	vadd.f32 v32, v20;
	v19 =	vadd.f32 v33, v19  }
0x311: {  	v51 =	vor.u32 s14, v9;
	v22 =	vadd.f32 $0.0e+00, v22;
	v28 =	vld.idx.msk [tilespmem:v28+s4+$0x0], $0xffff;
	v21 =	vadd.f32 $0.0e+00, v21  }
0x312: {  	v47 =	vor.u32 s19, v4;
	v29 =	vld.idx.msk [tilespmem:v29+s4+$0x0], $0xffff;
	v20 =	vadd.f32 v34, v20;
	v19 =	vadd.f32 v35, v19  }
0x313: {  	v53 =	vor.u32 s14, v10;
	v44 =	vld.idx.msk [tilespmem:v61+s4+$0x0], $0xffff;
	v22 =	vadd.f32 v25, v22;
	v21 =	vadd.f32 v30, v21  }
0x314: {  	v25 =	vor.u32 s15, v11;
	v30 =	vld.idx.msk [tilespmem:v31+s4+$0x0], $0xffff;
	v20 =	vadd.f32 v36, v20;
	v19 =	vadd.f32 v37, v19  }
0x315: {  	v32 =	vld.idx.msk [tilespmem:v50+s4+$0x0], $0xffff;
	v31 =	vor.u32 s14, v11;
	v22 =	vadd.f32 v27, v22;
	v21 =	vadd.f32 v26, v21  }
0x316: {  	v55 =	vor.u32 s15, v12;
	v26 =	vld.idx.msk [tilespmem:v51+s4+$0x0], $0xffff;
	v20 =	vadd.f32 v38, v20;
	v19 =	vadd.f32 v39, v19  }
0x317: {  	v23 =	vld.idx.msk [tilespmem:v47+s4+$0x0], $0xffff;
	v27 =	vor.u32 s14, v12;
	v22 =	vadd.f32 v29, v22;
	v21 =	vadd.f32 v28, v21  }
0x318: {  	v57 =	vor.u32 s15, v13;
	v28 =	vld.idx.msk [tilespmem:v53+s4+$0x0], $0xffff;
	v20 =	vadd.f32 v40, v20;
	v19 =	vadd.f32 v41, v19  }
0x319: {  	v29 =	vor.u32 s14, v13;
	v25 =	vld.idx.msk [tilespmem:v25+s4+$0x0], $0xffff;
	v22 =	vadd.f32 v30, v22;
	v21 =	vadd.f32 v54, v21  }
0x31a: {  	v58 =	vor.u32 s15, v14;
	v30 =	vld.idx.msk [tilespmem:v31+s4+$0x0], $0xffff;
	v20 =	vadd.f32 v42, v20;
	v19 =	vadd.f32 v43, v19  }
0x31b: {  	v59 =	vor.u32 s15, v15;
	v31 =	vld.idx.msk [tilespmem:v55+s4+$0x0], $0xffff;
	v22 =	vadd.f32 v26, v22;
	v21 =	vadd.f32 v32, v21  }
0x31c: {  	v27 =	vld.idx.msk [tilespmem:v27+s4+$0x0], $0xffff;
	v20 =	vadd.f32 v24, v20;
	v24 =	vor.u32 s14, v14;
	v19 =	vadd.f32 v45, v19  }
0x31d: {  	v60 =	vor.u32 s14, v15;
	v34 =	vld.idx.msk [tilespmem:v57+s4+$0x0], $0xffff;
	v22 =	vadd.f32 v28, v22;
	v21 =	vadd.f32 v56, v21  }
0x31e: {  	v62 =	vor.u32 s14, v16;
	v28 =	vld.idx.msk [tilespmem:v29+s4+$0x0], $0xffff;
	v20 =	vadd.f32 v46, v20;
	v19 =	vadd.f32 v23, v19  }
0x31f: {  	v61 =	vor.u32 s15, v16;
	v23 =	vld.idx.msk [tilespmem:v58+s4+$0x0], $0xffff;
	v29 =	vadd.f32 v30, v22;
	v25 =	vadd.f32 v25, v21  }
0x320: {  	v22 =	vld.idx.msk [tilespmem:v59+s4+$0x0], $0xffff;
	v21 =	vor.u32 s15, v17;
	v20 =	vadd.f32 v48, v20;
	v63 =	vadd.f32 v49, v19  }
0x321: {  	v30 =	vor.u32 s14, v17;
	v26 =	vld.idx.msk [tilespmem:v24+s4+$0x0], $0xffff;
	v25 =	vadd.f32 v31, v25;
	v31 =	vadd.f32 v27, v29  }
0x322: {  	v27 =	vld.idx.msk [tilespmem:v60+s4+$0x0], $0xffff;
	v24 =	vadd.f32 v44, v20;
	v20 =	vor.u32 s15, v4  }
0x323: {  	v29 =	vor.u32 s14, v4;
	[tilespmem:s13+$0x0] =	vst v63;
	v31 =	vadd.f32 v28, v31;
	v28 =	vld.idx.msk [tilespmem:v62+s4+$0x0], $0xffff  }
0x324: {  	s16 =	simm.s32 $0x500;
	v19 =	vor.u32 s15, v18;
	s15 =	simm.s32 $0x2;
	v25 =	vadd.f32 v34, v25;
	[tilespmem:s13+$0xFFFFFFF0] =	vst v24;
	v24 =	vld.idx.msk [tilespmem:v61+s4+$0x0], $0xffff  }
.LBB2_12:
0x325: {  	v32 =	vor.u32 s16, v1;
	v33 =	vor.u32 s16, v5;
	s15 =	sadd.s32 $0x2, s15;
	v34 =	vor.u32 s14, v18;
	s14 =	sadd.s32 $0xFFFFFF00, s16;
	v35 =	vld.idx.msk [tilespmem:v21+s4+$0x0], $0xffff  }
0x326: {  	v21 =	vor.u32 s14, v1;
	v32 =	vand.u32 v2, v32;
	p0 =	slt.u32 s15, $0x6;
	v26 =	vadd.f32 v26, v31;
	v30 =	vld.idx.msk [tilespmem:v30+s4+$0x0], $0xffff  }
0x327: {  	v36 =	vor.u32 s16, v7;
	v31 =	vor.u32 s16, v6;
	v21 =	vand.u32 v3, v21;
	v37 =	vld.idx.msk [tilespmem:v20+s4+$0x0], $0xffff  }
0x328: {  	v38 =	vor.u32 s16, v8;
	v39 =	vor.u32 s16, v9;
	v20 =	vadd.f32 v27, v26;
	v26 =	vld.idx.msk [tilespmem:v29+s4+$0x0], $0xffff  }
0x329: {  	v40 =	vor.u32 s16, v11;
	v27 =	vor.u32 s14, v5;
	v29 =	vor.u32 s16, v10;
	v41 =	vld.idx.msk [tilespmem:v19+s4+$0x0], $0xffff  }
0x32a: {  	v42 =	vor.u32 s16, v12;
	v43 =	vor.u32 s16, v13;
	v19 =	vadd.f32 v28, v20;
	v28 =	vld.idx.msk [tilespmem:v34+s4+$0x0], $0xffff  }
0x32b: {  	v44 =	vor.u32 s16, v14;
	v45 =	vor.u32 s16, v15;
	v34 =	vor.u32 s14, v6;
	v32 =	vld.idx.msk [tilespmem:v32+s4+$0x0], $0xffff  }
0x32c: {  	v47 =	vor.u32 s16, v16;
	v23 =	vadd.f32 v23, v25;
	v46 =	vld.idx.msk [tilespmem:v21+s4+$0x0], $0xffff;
	v30 =	vadd.f32 v30, v19  }
0x32d: {  	v25 =	vor.u32 s14, v7;
	v20 =	vor.u32 s16, v4;
	v21 =	vor.u32 s16, v17;
	v33 =	vld.idx.msk [tilespmem:v33+s4+$0x0], $0xffff  }
0x32e: {  	v22 =	vadd.f32 v22, v23;
	v19 =	vor.u32 s16, v18;
	v27 =	vld.idx.msk [tilespmem:v27+s4+$0x0], $0xffff;
	v26 =	vadd.f32 v26, v30  }
0x32f: {  	v23 =	vor.u32 s14, v8;
	v30 =	vld.idx.msk [tilespmem:v31+s4+$0x0], $0xffff  }
0x330: {  	v22 =	vadd.f32 v24, v22;
	v31 =	vld.idx.msk [tilespmem:v34+s4+$0x0], $0xffff;
	v26 =	vadd.f32 v28, v26  }
0x331: {  	s13 =	sadd.s32 $0x20, s13;
	v24 =	vor.u32 s14, v9;
	v28 =	vadd.f32 $0.0e+00, v32;
	v32 =	vld.idx.msk [tilespmem:v36+s4+$0x0], $0xffff  }
0x332: {  	v22 =	vadd.f32 v35, v22;
	v34 =	vadd.f32 $0.0e+00, v46;
	v25 =	vld.idx.msk [tilespmem:v25+s4+$0x0], $0xffff;
	[tilespmem:s13+$0xFFFFFFF0] =	vst v26  }
0x333: {  	v26 =	vor.u32 s14, v10;
	v28 =	vadd.f32 v33, v28;
	v33 =	vld.idx.msk [tilespmem:v38+s4+$0x0], $0xffff  }
0x334: {  	v22 =	vadd.f32 v37, v22;
	v27 =	vadd.f32 v27, v34;
	v23 =	vld.idx.msk [tilespmem:v23+s4+$0x0], $0xffff  }
0x335: {  	v34 =	vor.u32 s14, v11;
	v28 =	vadd.f32 v30, v28;
	v30 =	vld.idx.msk [tilespmem:v39+s4+$0x0], $0xffff  }
0x336: {  	v22 =	vadd.f32 v41, v22;
	v27 =	vadd.f32 v31, v27;
	v24 =	vld.idx.msk [tilespmem:v24+s4+$0x0], $0xffff  }
0x337: {  	v31 =	vor.u32 s14, v12;
	v28 =	vadd.f32 v32, v28;
	v29 =	vld.idx.msk [tilespmem:v29+s4+$0x0], $0xffff  }
0x338: {  	v25 =	vadd.f32 v25, v27;
	v26 =	vld.idx.msk [tilespmem:v26+s4+$0x0], $0xffff;
	[tilespmem:s13+$0x0] =	vst v22  }
0x339: {  	v22 =	vor.u32 s14, v13;
	v27 =	vadd.f32 v33, v28;
	v28 =	vld.idx.msk [tilespmem:v40+s4+$0x0], $0xffff  }
0x33a: {  	v23 =	vadd.f32 v23, v25;
	v25 =	vld.idx.msk [tilespmem:v34+s4+$0x0], $0xffff  }
0x33b: {  	v32 =	vor.u32 s14, v14;
	v27 =	vadd.f32 v30, v27;
	v33 =	vld.idx.msk [tilespmem:v42+s4+$0x0], $0xffff  }
0x33c: {  	v23 =	vadd.f32 v24, v23;
	v24 =	vld.idx.msk [tilespmem:v31+s4+$0x0], $0xffff  }
0x33d: {  	v31 =	vor.u32 s14, v15;
	v27 =	vadd.f32 v29, v27;
	v34 =	vld.idx.msk [tilespmem:v43+s4+$0x0], $0xffff  }
0x33e: {  	v26 =	vadd.f32 v26, v23;
	v35 =	vld.idx.msk [tilespmem:v22+s4+$0x0], $0xffff  }
0x33f: {  	v36 =	vor.u32 s14, v16;
	v22 =	vadd.f32 v28, v27;
	v23 =	vld.idx.msk [tilespmem:v44+s4+$0x0], $0xffff  }
.Ltmp5:
0x340: {  	v25 =	vadd.f32 v25, v26;
	v26 =	vld.idx.msk [tilespmem:v32+s4+$0x0], $0xffff;
	(pc) =	sbr.rel @p0 .LBB2_12-.Ltmp5, $4  }
0x341: {  	v30 =	vor.u32 s14, v17;
	v28 =	vadd.f32 v33, v22;
	v22 =	vld.idx.msk [tilespmem:v45+s4+$0x0], $0xffff  }
0x342: {  	v32 =	vadd.f32 v24, v25;
	v27 =	vld.idx.msk [tilespmem:v31+s4+$0x0], $0xffff  }
0x343: {  	v29 =	vor.u32 s14, v4;
	v25 =	vadd.f32 v34, v28;
	v24 =	vld.idx.msk [tilespmem:v47+s4+$0x0], $0xffff  }
0x344: {  	s16 =	sadd.s32 $0x200, s16;
	v31 =	vadd.f32 v35, v32;
	v28 =	vld.idx.msk [tilespmem:v36+s4+$0x0], $0xffff  }
0x345: {  	_ =	sdelay $0x2  }
0x346: {  	v23 =	vadd.f32 v23, v25  }
0x347: {  	v32 =	vor.u32 s14, v18;
	v21 =	vld.idx.msk [tilespmem:v21+s4+$0x0], $0xffff;
	v26 =	vadd.f32 v26, v31  }
0x348: {  	v30 =	vld.idx.msk [tilespmem:v30+s4+$0x0], $0xffff;
	v22 =	vadd.f32 v22, v23  }
0x349: {  	v20 =	vld.idx.msk [tilespmem:v20+s4+$0x0], $0xffff;
	v25 =	vadd.f32 v27, v26  }
0x34a: {  	v26 =	vld.idx.msk [tilespmem:v29+s4+$0x0], $0xffff;
	v22 =	vadd.f32 v24, v22  }
0x34b: {  	v19 =	vld.idx.msk [tilespmem:v19+s4+$0x0], $0xffff;
	v23 =	vadd.f32 v28, v25  }
0x34c: {  	v25 =	vld.idx.msk [tilespmem:v32+s4+$0x0], $0xffff;
	v21 =	vadd.f32 v21, v22  }
0x34d: {  	v23 =	vadd.f32 v30, v23  }
0x34e: {  	v20 =	vadd.f32 v20, v21  }
0x34f: {  	v22 =	vadd.f32 v26, v23  }
0x350: {  	v19 =	vadd.f32 v19, v20  }
0x351: {  	s13 =	sadd.s32 $0x20, s13;
	v21 =	vadd.f32 v25, v22  }
0x352: {  	[tilespmem:s13+$0x0] =	vst v19  }
0x353: {  	[tilespmem:s13+$0xFFFFFFF0] =	vst v21  }
0x354: {  	s19 =	simm.s32 $0x16200;
	s13 =	rddreg [dreg:$0x15]  }
0x355: {  	[hbm4b:s13+s3] =	stream.linear.scatter [tilespmem:s19], [sflag:$0xC], $0x4000, $0x38;
	[tilespmem:$0x1AC00] =	vst v63  }
0x356: {  	s21 =	simm.s32 $0x1A300;
	s20 =	rddreg [dreg:$0x16]  }
0x357: {  	[hbm4b:s20+s3] =	stream.linear.scatter [tilespmem:s21], [sflag:$0xC], $0x80, $0x38;
	[tilespmem:$0x1AC00] =	vst v63  }
0x358: {  	_ =	swait.ge [sflag:s9], $0x4000  }
0x359: {  	[sflag:s9] =	ssyncset.done $0x0  }
0x35a: {  	[sflag:s9] =	ssyncadd.s32 $0xFFFFC000  }
0x35b: {  	_ =	swait.ge [sflag:s9], $0x80  }
0x35c: {  	[sflag:s9] =	ssyncset.done $0x0  }
0x35d: {  	[sflag:s9] =	ssyncadd.s32 $0xFFFFFF80  }
0x35e: {  	_ =	swait.ge [sflag:s26], $0x4000  }
0x35f: {  	[sflag:s26] =	ssyncset.done $0x0  }
0x360: {  	s19 =	simm.s32 $0x2300;
	[sflag:s26] =	ssyncadd.s32 $0xFFFFC000  }
0x361: {  	v19 =	vld [tilespmem:s19+$0x0];
	_ =	sdelay $0x2  }
0x362: {  	v20 =	vld [tilespmem:s19+$0xFFFFFF00];
	_ =	sdelay $0x1  }
0x363: {  	v19 =	vmul.f32 v19, v19;
	_ =	sdelay $0x1  }
0x364: {  	v19 =	vmul.f32 $5.000000000e-01, v19  }
0x365: {  	v21 =	vld [tilespmem:s19+$0x80];
	v20 =	vmul.f32 v20, v20  }
0x366: {  	v19 =	vadd.f32 $9.189385170e-01, v19  }
0x367: {  	s13 =	simm.s32 $0xE300;
	v20 =	vmul.f32 $5.000000000e-01, v20  }
0x368: {  	[tilespmem:s13+$0x0] =	vst v19  }
0x369: {  	v20 =	vadd.f32 $9.189385170e-01, v20;
	v22 =	vld [tilespmem:s19+$0x10]  }
0x36a: {  	v21 =	vmul.f32 v21, v21  }
0x36b: {  	[tilespmem:s13+$0xFFFFFF00] =	vst v20  }
0x36c: {  	v21 =	vmul.f32 $5.000000000e-01, v21;
	v23 =	vld [tilespmem:s19+$0xFFFFFF10];
	_ =	sdelay $0x1  }
0x36d: {  	v24 =	vmul.f32 v22, v22;
	v22 =	vadd.f32 $9.189385170e-01, v21;
	_ =	sdelay $0x1  }
0x36e: {  	v21 =	vmul.f32 $5.000000000e-01, v24;
	[tilespmem:s13+$0x80] =	vst v22  }
0x36f: {  	v24 =	vmul.f32 v23, v23;
	v26 =	vld [tilespmem:s19+$0x90]  }
0x370: {  	v23 =	vadd.f32 $9.189385170e-01, v21  }
0x371: {  	v21 =	vmul.f32 $5.000000000e-01, v24  }
0x372: {  	v24 =	vld [tilespmem:s19+$0xFFFFFF80];
	[tilespmem:s13+$0x10] =	vst v23  }
0x373: {  	v25 =	vadd.f32 $9.189385170e-01, v21;
	v21 =	vld [tilespmem:s19+$0x20]  }
0x374: {  	v26 =	vmul.f32 v26, v26  }
0x375: {  	[tilespmem:s13+$0xFFFFFF10] =	vst v25  }
0x376: {  	v28 =	vld [tilespmem:s19+$0xFFFFFF20];
	v26 =	vmul.f32 $5.000000000e-01, v26  }
0x377: {  	v24 =	vmul.f32 v24, v24  }
0x378: {  	v21 =	vmul.f32 v21, v21;
	v27 =	vadd.f32 $9.189385170e-01, v26  }
0x379: {  	v24 =	vmul.f32 $5.000000000e-01, v24  }
0x37a: {  	v21 =	vmul.f32 $5.000000000e-01, v21;
	[tilespmem:s13+$0x90] =	vst v27  }
0x37b: {  	v24 =	vadd.f32 $9.189385170e-01, v24;
	v26 =	vmul.f32 v28, v28;
	v28 =	vld [tilespmem:s19+$0xA0]  }
0x37c: {  	v29 =	vadd.f32 $9.189385170e-01, v21  }
0x37d: {  	[tilespmem:s13+$0xFFFFFF80] =	vst v24;
	v21 =	vmul.f32 $5.000000000e-01, v26  }
0x37e: {  	v30 =	vld [tilespmem:s19+$0xFFFFFF90];
	[tilespmem:s13+$0x20] =	vst v29  }
0x37f: {  	s15 =	simm.s32 $0x2500;
	v26 =	vadd.f32 $9.189385170e-01, v21;
	v21 =	vld [tilespmem:s19+$0x30]  }
0x380: {  	v31 =	vld [tilespmem:s15+$0x0];
	v28 =	vmul.f32 v28, v28  }
0x381: {  	v33 =	vld [tilespmem:s15+$0xFFFFFF00];
	[tilespmem:s13+$0xFFFFFF20] =	vst v26  }
0x382: {  	v47 =	vld [tilespmem:s19+$0xFFFFFF30];
	v28 =	vmul.f32 $5.000000000e-01, v28  }
0x383: {  	v34 =	vld [tilespmem:s15+$0x80];
	v30 =	vmul.f32 v30, v30  }
0x384: {  	v21 =	vmul.f32 v21, v21;
	v35 =	vadd.f32 $9.189385170e-01, v28  }
0x385: {  	v30 =	vmul.f32 $5.000000000e-01, v30;
	v28 =	vmul.f32 v31, v31  }
0x386: {  	v21 =	vmul.f32 $5.000000000e-01, v21;
	[tilespmem:s13+$0xA0] =	vst v35  }
0x387: {  	v37 =	vadd.f32 $9.189385170e-01, v30;
	v31 =	vmul.f32 v47, v47;
	v28 =	vmul.f32 $5.000000000e-01, v28;
	v48 =	vld [tilespmem:s19+$0xB0]  }
0x388: {  	v30 =	vmul.f32 v34, v34;
	v36 =	vadd.f32 $9.189385170e-01, v21;
	v21 =	vmul.f32 v33, v33  }
0x389: {  	v49 =	vld [tilespmem:s15+$0xFFFFFF80];
	[tilespmem:s13+$0xFFFFFF90] =	vst v37;
	v31 =	vmul.f32 $5.000000000e-01, v31;
	v34 =	vadd.f32 $9.189385170e-01, v28  }
0x38a: {  	s14 =	simm.s32 $0xE500;
	v28 =	vmul.f32 $5.000000000e-01, v30;
	v38 =	vld [tilespmem:s19+$0xFFFFFFA0];
	[tilespmem:s13+$0x30] =	vst v36;
	v21 =	vmul.f32 $5.000000000e-01, v21  }
0x38b: {  	v31 =	vadd.f32 $9.189385170e-01, v31;
	[tilespmem:s14+$0x0] =	vst v34;
	v30 =	vld [tilespmem:s19+$0x40]  }
0x38c: {  	v28 =	vadd.f32 $9.189385170e-01, v28;
	v50 =	vld [tilespmem:s15+$0x10];
	v39 =	vadd.f32 $9.189385170e-01, v21;
	v21 =	vmul.f32 v48, v48  }
0x38d: {  	[tilespmem:s13+$0xFFFFFF30] =	vst v31  }
0x38e: {  	[tilespmem:s14+$0x80] =	vst v28;
	v40 =	vld [tilespmem:s19+$0xFFFFFF40];
	v21 =	vmul.f32 $5.000000000e-01, v21  }
0x38f: {  	v33 =	vmul.f32 v49, v49;
	v42 =	vld [tilespmem:s15+$0x90];
	[tilespmem:s14+$0xFFFFFF00] =	vst v39  }
0x390: {  	v38 =	vmul.f32 v38, v38;
	v41 =	vld [tilespmem:s15+$0xFFFFFF10];
	v30 =	vmul.f32 v30, v30;
	v43 =	vadd.f32 $9.189385170e-01, v21  }
0x391: {  	v21 =	vmul.f32 $5.000000000e-01, v33;
	v32 =	vmul.f32 v50, v50  }
0x392: {  	v51 =	vmul.f32 $5.000000000e-01, v38;
	v30 =	vmul.f32 $5.000000000e-01, v30;
	[tilespmem:s13+$0xB0] =	vst v43  }
0x393: {  	v38 =	vadd.f32 $9.189385170e-01, v21;
	v21 =	vmul.f32 v40, v40;
	v32 =	vmul.f32 $5.000000000e-01, v32;
	v52 =	vld [tilespmem:s19+$0xC0]  }
0x394: {  	v44 =	vadd.f32 $9.189385170e-01, v51;
	v53 =	vmul.f32 v42, v42;
	v45 =	vadd.f32 $9.189385170e-01, v30  }
0x395: {  	v30 =	vmul.f32 v41, v41;
	[tilespmem:s14+$0xFFFFFF80] =	vst v38;
	v21 =	vmul.f32 $5.000000000e-01, v21;
	v32 =	vadd.f32 $9.189385170e-01, v32  }
0x396: {  	[tilespmem:s13+$0xFFFFFFA0] =	vst v44;
	v41 =	vmul.f32 $5.000000000e-01, v53;
	v54 =	vld [tilespmem:s15+$0xFFFFFF90]  }
0x397: {  	v55 =	vmul.f32 $5.000000000e-01, v30;
	v30 =	vadd.f32 $9.189385170e-01, v21;
	v21 =	vld [tilespmem:s19+$0xFFFFFFB0];
	[tilespmem:s14+$0x10] =	vst v32  }
0x398: {  	[tilespmem:s13+$0x40] =	vst v45;
	v41 =	vadd.f32 $9.189385170e-01, v41;
	v56 =	vld [tilespmem:s15+$0x20];
	v40 =	vmul.f32 v52, v52  }
0x399: {  	v46 =	vld [tilespmem:s19+$0x50];
	v47 =	vadd.f32 $9.189385170e-01, v55;
	[tilespmem:s13+$0xFFFFFF40] =	vst v30  }
0x39a: {  	[tilespmem:s14+$0x90] =	vst v41;
	v48 =	vld [tilespmem:s19+$0xFFFFFF50];
	v40 =	vmul.f32 $5.000000000e-01, v40  }
0x39b: {  	v50 =	vld [tilespmem:s15+$0xA0];
	[tilespmem:s14+$0xFFFFFF10] =	vst v47;
	v33 =	vmul.f32 v54, v54  }
0x39c: {  	v49 =	vld [tilespmem:s15+$0xFFFFFF20];
	v21 =	vmul.f32 v21, v21;
	v40 =	vadd.f32 $9.189385170e-01, v40  }
0x39d: {  	v33 =	vmul.f32 $5.000000000e-01, v33;
	v51 =	vmul.f32 v56, v56  }
0x39e: {  	v58 =	vmul.f32 $5.000000000e-01, v21;
	[tilespmem:s13+$0xC0] =	vst v40  }
0x39f: {  	v46 =	vmul.f32 v46, v46;
	v42 =	vadd.f32 $9.189385170e-01, v33;
	v60 =	vmul.f32 $5.000000000e-01, v51;
	v52 =	vld [tilespmem:s19+$0xD0]  }
0x3a0: {  	s17 =	simm.s32 $0x2700;
	v57 =	vmul.f32 v48, v48;
	v50 =	vmul.f32 v50, v50;
	v48 =	vadd.f32 $9.189385170e-01, v58  }
0x3a1: {  	v46 =	vmul.f32 $5.000000000e-01, v46;
	v59 =	vmul.f32 v49, v49;
	[tilespmem:s14+$0xFFFFFF90] =	vst v42;
	v49 =	vadd.f32 $9.189385170e-01, v60;
	v60 =	vld [tilespmem:s17+$0x80]  }
0x3a2: {  	v19 =	vadd.f32 v29, v19;
	v62 =	vmul.f32 $5.000000000e-01, v50;
	v61 =	vld [tilespmem:s15+$0xFFFFFFA0];
	[tilespmem:s13+$0xFFFFFFB0] =	vst v48  }
0x3a3: {  	v35 =	vadd.f32 v35, v22;
	v21 =	vadd.f32 $9.189385170e-01, v46;
	v46 =	vmul.f32 $5.000000000e-01, v59;
	v63 =	vld [tilespmem:s19+$0xFFFFFFC0];
	[tilespmem:s14+$0x20] =	vst v49  }
0x3a4: {  	v33 =	vmul.f32 $5.000000000e-01, v57;
	v55 =	vadd.f32 $9.189385170e-01, v62;
	v56 =	vld [tilespmem:s15+$0x30];
	v52 =	vmul.f32 v52, v52  }
0x3a5: {  	v31 =	vadd.f32 v31, v25;
	[tilespmem:s13+$0x50] =	vst v21;
	v62 =	vld [tilespmem:s17+$0xFFFFFF00];
	v46 =	vadd.f32 $9.189385170e-01, v46  }
0x3a6: {  	v44 =	vadd.f32 v44, v24;
	v54 =	vadd.f32 $9.189385170e-01, v33;
	v53 =	vld [tilespmem:s19+$0x60];
	[tilespmem:s14+$0xA0] =	vst v55;
	v22 =	vmul.f32 $5.000000000e-01, v52  }
0x3a7: {  	v57 =	vadd.f32 v26, v20;
	v33 =	vadd.f32 v43, v27;
	v27 =	vld [tilespmem:s15+$0xB0];
	[tilespmem:s14+$0xFFFFFF20] =	vst v46  }
0x3a8: {  	[tilespmem:s13+$0xFFFFFF50] =	vst v54;
	v25 =	vld [tilespmem:s15+$0xFFFFFF30];
	v29 =	vmul.f32 v63, v63;
	v43 =	vadd.f32 $9.189385170e-01, v22;
	v22 =	vmul.f32 v61, v61  }
0x3a9: {  	v26 =	vadd.f32 v36, v23;
	v20 =	vld [tilespmem:s19+$0xFFFFFF60];
	v36 =	vmul.f32 v60, v60;
	v63 =	vmul.f32 v56, v56  }
0x3aa: {  	v19 =	vadd.f32 v45, v19;
	v52 =	vmul.f32 $5.000000000e-01, v22;
	v22 =	vmul.f32 $5.000000000e-01, v29;
	v29 =	vld [tilespmem:s17+$0x0]  }
0x3ab: {  	v23 =	vadd.f32 v49, v34;
	v61 =	vmul.f32 v53, v53;
	v56 =	vmul.f32 $5.000000000e-01, v63  }
0x3ac: {  	v59 =	vmul.f32 v62, v62;
	v51 =	vadd.f32 $9.189385170e-01, v22;
	v22 =	vmul.f32 v27, v27  }
0x3ad: {  	v24 =	vmul.f32 $5.000000000e-01, v61;
	v27 =	vld [tilespmem:s17+$0xFFFFFF80];
	v25 =	vmul.f32 v25, v25;
	v34 =	vadd.f32 $9.189385170e-01, v56  }
0x3ae: {  	v58 =	vmul.f32 v20, v20;
	v20 =	vadd.f32 v46, v39;
	[tilespmem:s13+$0xFFFFFFC0] =	vst v51;
	v22 =	vmul.f32 $5.000000000e-01, v22  }
0x3af: {  	v46 =	vadd.f32 $9.189385170e-01, v24;
	v25 =	vmul.f32 $5.000000000e-01, v25;
	[tilespmem:s14+$0x30] =	vst v34;
	v24 =	vld [tilespmem:s19+$0xFFFFFFD0];
	v29 =	vmul.f32 v29, v29  }
0x3b0: {  	v50 =	vadd.f32 v40, v35;
	v36 =	vmul.f32 $5.000000000e-01, v36;
	v60 =	vld [tilespmem:s15+$0x40];
	v22 =	vadd.f32 $9.189385170e-01, v22  }
0x3b1: {  	v39 =	vmul.f32 $5.000000000e-01, v59;
	[tilespmem:s13+$0xD0] =	vst v43;
	v25 =	vadd.f32 $9.189385170e-01, v25;
	v61 =	vmul.f32 $5.000000000e-01, v29  }
0x3b2: {  	v56 =	vld [tilespmem:s19+$0xE0];
	v62 =	vmul.f32 v27, v27;
	v29 =	vadd.f32 v46, v19;
	v27 =	vadd.f32 $9.189385170e-01, v36;
	[tilespmem:s14+$0xB0] =	vst v22  }
0x3b3: {  	s16 =	simm.s32 $0xE700;
	v36 =	vadd.f32 $9.189385170e-01, v39;
	v19 =	vmul.f32 $5.000000000e-01, v58;
	[tilespmem:s14+$0xFFFFFF30] =	vst v25;
	v45 =	vadd.f32 $9.189385170e-01, v61;
	v63 =	vld [tilespmem:s15+$0xC0]  }
0x3b4: {  	v25 =	vadd.f32 v25, v47;
	v58 =	vmul.f32 $5.000000000e-01, v62;
	[tilespmem:s16+$0x80] =	vst v27;
	v47 =	vld [tilespmem:s15+$0xFFFFFF40];
	v59 =	vmul.f32 v24, v24  }
0x3b5: {  	v53 =	vadd.f32 $9.189385170e-01, v19;
	v24 =	vadd.f32 v55, v28;
	v55 =	vld [tilespmem:s17+$0x90];
	v49 =	vmul.f32 v60, v60;
	[tilespmem:s16+$0x0] =	vst v45  }
0x3b6: {  	v37 =	vadd.f32 v48, v37;
	[tilespmem:s16+$0xFFFFFF00] =	vst v36;
	v28 =	vadd.f32 v34, v32;
	v32 =	vld [tilespmem:s17+$0x10];
	v60 =	vmul.f32 $5.000000000e-01, v59  }
0x3b7: {  	v30 =	vadd.f32 v30, v57;
	v61 =	vld [tilespmem:s17+$0xFFFFFF10];
	v19 =	vadd.f32 $9.189385170e-01, v58;
	[tilespmem:s13+$0xFFFFFF60] =	vst v53;
	v62 =	vmul.f32 $5.000000000e-01, v49  }
0x3b8: {  	v48 =	vadd.f32 v54, v31;
	v39 =	vmul.f32 v63, v63;
	v63 =	vld [tilespmem:s19+$0xFFFFFF70];
	v34 =	vadd.f32 $9.189385170e-01, v60  }
0x3b9: {  	v56 =	vmul.f32 v56, v56;
	[tilespmem:s16+$0xFFFFFF80] =	vst v19;
	v47 =	vmul.f32 v47, v47;
	v35 =	vadd.f32 $9.189385170e-01, v62  }
0x3ba: {  	v22 =	vadd.f32 v22, v41;
	v54 =	vld [tilespmem:s17+$0xFFFFFF90];
	v31 =	vmul.f32 v55, v55;
	v39 =	vmul.f32 $5.000000000e-01, v39;
	[tilespmem:s13+$0xFFFFFFD0] =	vst v34  }
0x3bb: {  	v55 =	vadd.f32 $9.189385170e-01, v52;
	v59 =	vmul.f32 $5.000000000e-01, v47;
	[tilespmem:s14+$0x40] =	vst v35;
	v32 =	vmul.f32 v32, v32;
	v47 =	vld [tilespmem:s19+$0xFFFFFFE0]  }
0x3bc: {  	v60 =	vmul.f32 v61, v61;
	v61 =	vmul.f32 $5.000000000e-01, v31;
	v52 =	vld [tilespmem:s15+$0x50];
	v31 =	vadd.f32 $9.189385170e-01, v39  }
0x3bd: {  	[tilespmem:s14+$0xFFFFFFA0] =	vst v55;
	v62 =	vmul.f32 $5.000000000e-01, v32;
	v32 =	vadd.f32 $9.189385170e-01, v59;
	v49 =	vmul.f32 v63, v63  }
0x3be: {  	v40 =	vadd.f32 v34, v37;
	v41 =	vld [tilespmem:s15+$0xFFFFFFB0];
	v63 =	vmul.f32 $5.000000000e-01, v60;
	v34 =	vadd.f32 $9.189385170e-01, v61;
	[tilespmem:s14+$0xC0] =	vst v31  }
0x3bf: {  	v54 =	vmul.f32 v54, v54;
	v37 =	vadd.f32 $9.189385170e-01, v62;
	[tilespmem:s14+$0xFFFFFF40] =	vst v32;
	v58 =	vld [tilespmem:s15+$0xD0];
	v49 =	vmul.f32 $5.000000000e-01, v49  }
0x3c0: {  	[tilespmem:s13+$0x60] =	vst v46;
	v61 =	vmul.f32 $5.000000000e-01, v56;
	v39 =	vadd.f32 $9.189385170e-01, v63;
	v57 =	vld [tilespmem:s15+$0xFFFFFF50];
	v60 =	vmul.f32 v47, v47  }
0x3c1: {  	v54 =	vmul.f32 $5.000000000e-01, v54;
	v52 =	vmul.f32 v52, v52;
	[tilespmem:s16+$0x10] =	vst v37;
	v56 =	vadd.f32 $9.189385170e-01, v49  }
0x3c2: {  	v53 =	vadd.f32 v53, v30;
	v47 =	vadd.f32 $9.189385170e-01, v61;
	[tilespmem:s16+$0xFFFFFF10] =	vst v39;
	v59 =	vld [tilespmem:s17+$0x20];
	v46 =	vmul.f32 $5.000000000e-01, v60  }
0x3c3: {  	[tilespmem:s16+$0x90] =	vst v34;
	v30 =	vadd.f32 $9.189385170e-01, v54;
	v60 =	vld [tilespmem:s17+$0xFFFFFF20];
	v52 =	vmul.f32 $5.000000000e-01, v52;
	v48 =	vadd.f32 v56, v48  }
0x3c4: {  	v54 =	vld [tilespmem:s17+$0xA0];
	[tilespmem:s13+$0xE0] =	vst v47;
	v58 =	vmul.f32 v58, v58;
	v49 =	vadd.f32 $9.189385170e-01, v46;
	v46 =	vadd.f32 v47, v50  }
0x3c5: {  	[tilespmem:s16+$0xFFFFFF90] =	vst v30;
	v50 =	vmul.f32 v41, v41;
	v41 =	vadd.f32 $9.189385170e-01, v52;
	v47 =	vmul.f32 v57, v57;
	v57 =	vld [tilespmem:s19+$0xF0]  }
0x3c6: {  	[tilespmem:s13+$0xFFFFFF70] =	vst v56;
	v61 =	vld [tilespmem:s17+$0xFFFFFFA0];
	v52 =	vadd.f32 v43, v33;
	v48 =	vadd.f32 v48, v53;
	v62 =	vmul.f32 $5.000000000e-01, v58  }
0x3c7: {  	v53 =	vadd.f32 v51, v44;
	v51 =	vld [tilespmem:s19+$0x70];
	v50 =	vmul.f32 $5.000000000e-01, v50;
	[tilespmem:s14+$0x50] =	vst v41;
	v63 =	vmul.f32 v59, v59  }
0x3c8: {  	s18 =	simm.s32 $0x1A420;
	[tilespmem:s13+$0xFFFFFFE0] =	vst v49;
	v44 =	vmul.f32 v60, v60;
	v47 =	vmul.f32 $5.000000000e-01, v47;
	v59 =	vld [tilespmem:s15+$0x60];
	v33 =	vadd.f32 $9.189385170e-01, v62  }
0x3c9: {  	v54 =	vmul.f32 v54, v54;
	[tilespmem:s18+$0xFFFFFFE0] =	vst v48;
	v50 =	vadd.f32 $9.189385170e-01, v50;
	v62 =	vld [tilespmem:s19+$0xFFFFFFF0];
	v48 =	vmul.f32 $5.000000000e-01, v63  }
0x3ca: {  	v56 =	vmul.f32 $5.000000000e-01, v44;
	v43 =	vadd.f32 $9.189385170e-01, v47;
	[tilespmem:s14+$0xD0] =	vst v33;
	v47 =	vmul.f32 v57, v57  }
0x3cb: {  	v42 =	vadd.f32 v50, v42;
	[tilespmem:s14+$0xFFFFFFB0] =	vst v50;
	v63 =	vadd.f32 $9.189385170e-01, v48;
	v48 =	vmul.f32 $5.000000000e-01, v54;
	v44 =	vld [tilespmem:s15+$0xE0]  }
0x3cc: {  	v50 =	vmul.f32 v61, v61;
	v56 =	vadd.f32 $9.189385170e-01, v56;
	[tilespmem:s14+$0xFFFFFF50] =	vst v43;
	v58 =	vld [tilespmem:s15+$0xFFFFFFC0];
	v61 =	vmul.f32 $5.000000000e-01, v47  }
0x3cd: {  	v38 =	vadd.f32 v55, v38;
	v54 =	vld [tilespmem:s15+$0xFFFFFF60];
	v0 =	vmul.f32 v59, v59;
	[tilespmem:s16+$0x20] =	vst v63;
	v47 =	vadd.f32 $9.189385170e-01, v48  }
0x3ce: {  	v57 =	vmul.f32 v51, v51;
	[tilespmem:s16+$0xFFFFFF20] =	vst v56;
	v59 =	vmul.f32 v62, v62;
	v60 =	vld [tilespmem:s17+$0x30];
	v48 =	vadd.f32 $9.189385170e-01, v61  }
0x3cf: {  	s20 =	simm.s32 $0x8;
	s21 =	simm.s32 $0x2900;
	s19 =	simm.s32 $0x1A420;
	v50 =	vmul.f32 $5.000000000e-01, v50;
	v45 =	vadd.f32 v63, v45;
	v61 =	vld [tilespmem:s17+$0xFFFFFF30];
	v55 =	vmul.f32 $5.000000000e-01, v0;
	[tilespmem:s16+$0xA0] =	vst v47  }
.LBB2_14:
0x3d0: {  	s20 =	sadd.s32 $0x4, s20;
	v0 =	vld [tilespmem:s17+$0xB0];
	v49 =	vadd.f32 v49, v53;
	v51 =	vmul.f32 $5.000000000e-01, v59;
	v52 =	vadd.f32 v48, v52;
	s18 =	sadd.s32 $0x40, s18  }
0x3d1: {  	v56 =	vadd.f32 v56, v36;
	v53 =	vld [tilespmem:s21+$0xFFFFFF80];
	p0 =	slt.u32 s20, $0x7C;
	v36 =	vmul.f32 v58, v58;
	v55 =	vadd.f32 $9.189385170e-01, v55  }
0x3d2: {  	v57 =	vmul.f32 $5.000000000e-01, v57;
	v58 =	vld [tilespmem:s21+$0x80];
	v51 =	vadd.f32 $9.189385170e-01, v51;
	v46 =	vadd.f32 v52, v46  }
0x3d3: {  	v52 =	vld [tilespmem:s21+$0xFFFFFF00];
	v59 =	vmul.f32 v60, v60;
	v36 =	vmul.f32 $5.000000000e-01, v36;
	v60 =	vadd.f32 v21, v26;
	[tilespmem:s13+$0xF0] =	vst v48;
	v26 =	vmovc v28  }
0x3d4: {  	v54 =	vmul.f32 v54, v54;
	v21 =	vmovc v41;
	v28 =	vld [tilespmem:s21+$0x0];
	v40 =	vadd.f32 v51, v40;
	[tilespmem:s13+$0xFFFFFFF0] =	vst v51;
	v51 =	vadd.f32 $9.189385170e-01, v57  }
0x3d5: {  	v41 =	vmul.f32 v61, v61;
	v57 =	vmul.f32 $5.000000000e-01, v59;
	v48 =	vadd.f32 $9.189385170e-01, v36;
	[tilespmem:s19+$0x10] =	vst v46  }
0x3d6: {  	v0 =	vmul.f32 v0, v0;
	v46 =	vmul.f32 v53, v53;
	v36 =	vadd.f32 v51, v60;
	[tilespmem:s13+$0x70] =	vst v51;
	s13 =	smov.u32 s14;
	s14 =	smov.u32 s16  }
0x3d7: {  	v40 =	vadd.f32 v40, v49;
	v51 =	vmul.f32 v58, v58;
	v53 =	vadd.f32 $9.189385170e-01, v57;
	[tilespmem:s13+$0xFFFFFFC0] =	vst v48  }
0x3d8: {  	v0 =	vmul.f32 $5.000000000e-01, v0;
	v49 =	vmul.f32 v52, v52;
	v52 =	vld [tilespmem:s15+$0xFFFFFFD0];
	[tilespmem:s13+$0x60] =	vst v55;
	v29 =	vadd.f32 v36, v29  }
0x3d9: {  	v35 =	vadd.f32 v35, v23;
	v23 =	vmovc v45;
	v36 =	vmul.f32 $5.000000000e-01, v41;
	v28 =	vmul.f32 v28, v28;
	[tilespmem:s16+$0x30] =	vst v53  }
0x3da: {  	v45 =	vmul.f32 $5.000000000e-01, v51;
	v0 =	vadd.f32 $9.189385170e-01, v0;
	s16 =	sadd.s32 $0x200, s16;
	v41 =	vmul.f32 $5.000000000e-01, v49;
	v49 =	vld [tilespmem:s17+$0x40];
	[tilespmem:s19+$0x0] =	vst v29  }
0x3db: {  	v51 =	vadd.f32 $9.189385170e-01, v36;
	v29 =	vadd.f32 v55, v35;
	v28 =	vmul.f32 $5.000000000e-01, v28;
	[tilespmem:s19+$0xFFFFFFF0] =	vst v40;
	s19 =	smov.u32 s18  }
0x3dc: {  	v35 =	vadd.f32 $9.189385170e-01, v45;
	v40 =	vmul.f32 $5.000000000e-01, v54;
	v36 =	vadd.f32 $9.189385170e-01, v41;
	[tilespmem:s14+$0xB0] =	vst v0  }
0x3dd: {  	v41 =	vmul.f32 $5.000000000e-01, v46;
	v39 =	vadd.f32 v51, v39;
	v45 =	vadd.f32 $9.189385170e-01, v28;
	[tilespmem:s14+$0xFFFFFF30] =	vst v51;
	v46 =	vld [tilespmem:s17+$0xC0]  }
0x3de: {  	v47 =	vadd.f32 v47, v27;
	v55 =	vadd.f32 $9.189385170e-01, v40;
	v40 =	vmul.f32 v52, v52;
	v27 =	vmovc v35;
	[tilespmem:s16+$0x80] =	vst v35;
	v54 =	vld [tilespmem:s17+$0xFFFFFF40]  }
0x3df: {  	v0 =	vadd.f32 v0, v34;
	v28 =	vadd.f32 v53, v37;
	[tilespmem:s16+$0x0] =	vst v45;
	v52 =	vld [tilespmem:s21+$0x90];
	v35 =	vmul.f32 v49, v49  }
0x3e0: {  	v51 =	vadd.f32 $9.189385170e-01, v41;
	v37 =	vmul.f32 $5.000000000e-01, v40;
	[tilespmem:s16+$0xFFFFFF00] =	vst v36;
	v34 =	vld [tilespmem:s21+$0x10]  }
0x3e1: {  	v53 =	vadd.f32 v31, v24;
	v24 =	vmov v47;
	v41 =	vld [tilespmem:s21+$0xFFFFFF10];
	v35 =	vmul.f32 $5.000000000e-01, v35;
	[tilespmem:s13+$0xFFFFFF60] =	vst v55  }
0x3e2: {  	v31 =	vmul.f32 v46, v46;
	v46 =	vadd.f32 v32, v20;
	v47 =	vld [tilespmem:s15+$0xFFFFFF70];
	v32 =	vadd.f32 $9.189385170e-01, v37;
	v20 =	vmovc v56  }
0x3e3: {  	v43 =	vadd.f32 v43, v25;
	v25 =	vmovc v39;
	[tilespmem:s16+$0xFFFFFF80] =	vst v51;
	v37 =	vmul.f32 v54, v54;
	v35 =	vadd.f32 $9.189385170e-01, v35  }
0x3e4: {  	v39 =	vld [tilespmem:s21+$0xFFFFFF90];
	v49 =	vmul.f32 v52, v52;
	v31 =	vmul.f32 $5.000000000e-01, v31;
	v40 =	vadd.f32 v32, v42;
	[tilespmem:s13+$0xFFFFFFD0] =	vst v32  }
0x3e5: {  	v62 =	vadd.f32 $9.189385170e-01, v50;
	v32 =	vmul.f32 v34, v34;
	v34 =	vmul.f32 $5.000000000e-01, v37;
	[tilespmem:s14+$0x40] =	vst v35;
	v42 =	vld [tilespmem:s15+$0xFFFFFFE0]  }
0x3e6: {  	v37 =	vmul.f32 v41, v41;
	v41 =	vmul.f32 $5.000000000e-01, v49;
	v49 =	vld [tilespmem:s17+$0x50];
	v31 =	vadd.f32 $9.189385170e-01, v31  }
0x3e7: {  	v50 =	vmul.f32 $5.000000000e-01, v32;
	v32 =	vadd.f32 $9.189385170e-01, v34;
	[tilespmem:s14+$0xFFFFFFA0] =	vst v62;
	v47 =	vmul.f32 v47, v47  }
0x3e8: {  	v44 =	vmul.f32 v44, v44;
	v52 =	vmul.f32 $5.000000000e-01, v37;
	v34 =	vadd.f32 $9.189385170e-01, v41;
	v41 =	vld [tilespmem:s17+$0xFFFFFFB0];
	[tilespmem:s14+$0xC0] =	vst v31  }
0x3e9: {  	v54 =	vmul.f32 v39, v39;
	v37 =	vadd.f32 $9.189385170e-01, v50;
	[tilespmem:s14+$0xFFFFFF40] =	vst v32;
	v50 =	vld [tilespmem:s17+$0xD0];
	v47 =	vmul.f32 $5.000000000e-01, v47  }
0x3ea: {  	v44 =	vmul.f32 $5.000000000e-01, v44;
	v39 =	vadd.f32 $9.189385170e-01, v52;
	[tilespmem:s16+$0x90] =	vst v34;
	v52 =	vld [tilespmem:s17+$0xFFFFFF50];
	v42 =	vmul.f32 v42, v42  }
0x3eb: {  	v54 =	vmul.f32 $5.000000000e-01, v54;
	[tilespmem:s16+$0x10] =	vst v37;
	v49 =	vmul.f32 v49, v49;
	v47 =	vadd.f32 $9.189385170e-01, v47  }
0x3ec: {  	v44 =	vadd.f32 $9.189385170e-01, v44;
	v55 =	vadd.f32 v55, v46;
	[tilespmem:s16+$0xFFFFFF10] =	vst v39;
	v56 =	vld [tilespmem:s21+$0x20];
	v42 =	vmul.f32 $5.000000000e-01, v42  }
0x3ed: {  	v57 =	vld [tilespmem:s21+$0xFFFFFF20];
	v54 =	vadd.f32 $9.189385170e-01, v54;
	v58 =	vmul.f32 $5.000000000e-01, v49;
	v43 =	vadd.f32 v47, v43;
	[tilespmem:s13+$0xFFFFFF70] =	vst v47  }
0x3ee: {  	v46 =	vadd.f32 v44, v53;
	v47 =	vld [tilespmem:s21+$0xA0];
	v50 =	vmul.f32 v50, v50;
	v49 =	vadd.f32 $9.189385170e-01, v42;
	[tilespmem:s13+$0xE0] =	vst v44  }
0x3ef: {  	v44 =	vmul.f32 v41, v41;
	[tilespmem:s16+$0xFFFFFF90] =	vst v54;
	v42 =	vmul.f32 v52, v52;
	v41 =	vadd.f32 $9.189385170e-01, v58;
	v58 =	vld [tilespmem:s15+$0xF0]  }
0x3f0: {  	v43 =	vadd.f32 v43, v55;
	v52 =	vadd.f32 v33, v22;
	v22 =	vmovc v0;
	v59 =	vld [tilespmem:s21+$0xFFFFFFA0];
	v50 =	vmul.f32 $5.000000000e-01, v50;
	[tilespmem:s13+$0xFFFFFFE0] =	vst v49  }
0x3f1: {  	v53 =	vadd.f32 v48, v38;
	v44 =	vmul.f32 $5.000000000e-01, v44;
	v0 =	vmul.f32 v56, v56;
	[tilespmem:s14+$0x50] =	vst v41;
	v38 =	vld [tilespmem:s15+$0x70]  }
0x3f2: {  	v42 =	vmul.f32 $5.000000000e-01, v42;
	v48 =	vmul.f32 v57, v57;
	v55 =	vld [tilespmem:s17+$0x60];
	v33 =	vadd.f32 $9.189385170e-01, v50;
	[tilespmem:s18+$0xFFFFFFE0] =	vst v43  }
0x3f3: {  	v44 =	vadd.f32 $9.189385170e-01, v44;
	v0 =	vmul.f32 $5.000000000e-01, v0;
	v47 =	vmul.f32 v47, v47;
	v61 =	vld [tilespmem:s15+$0xFFFFFFF0];
	s15 =	smov.u32 s17;
	s17 =	smov.u32 s21  }
0x3f4: {  	v43 =	vadd.f32 $9.189385170e-01, v42;
	v48 =	vmul.f32 $5.000000000e-01, v48;
	[tilespmem:s14+$0xD0] =	vst v33;
	v50 =	vmul.f32 v58, v58  }
.Ltmp6:
0x3f5: {  	v42 =	vadd.f32 v44, v30;
	v30 =	vmovc v54;
	v0 =	vadd.f32 $9.189385170e-01, v0;
	v47 =	vmul.f32 $5.000000000e-01, v47;
	[tilespmem:s14+$0xFFFFFFB0] =	vst v44;
	v44 =	vld [tilespmem:s15+$0xE0];
	(pc) =	sbr.rel @p0 .LBB2_14-.Ltmp6, $4  }
0x3f6: {  	v56 =	vadd.f32 $9.189385170e-01, v48;
	v48 =	vmul.f32 v59, v59;
	[tilespmem:s14+$0xFFFFFF50] =	vst v43;
	v58 =	vld [tilespmem:s15+$0xFFFFFFC0];
	v63 =	vmul.f32 $5.000000000e-01, v50  }
0x3f7: {  	v57 =	vmul.f32 v38, v38;
	[tilespmem:s16+$0x20] =	vst v0;
	v47 =	vadd.f32 $9.189385170e-01, v47;
	v54 =	vld [tilespmem:s15+$0xFFFFFF60];
	v55 =	vmul.f32 v55, v55  }
0x3f8: {  	[tilespmem:s16+$0xFFFFFF20] =	vst v56;
	v50 =	vmul.f32 $5.000000000e-01, v48;
	v60 =	vld [tilespmem:s21+$0x30];
	v59 =	vmul.f32 v61, v61;
	v48 =	vadd.f32 $9.189385170e-01, v63  }
0x3f9: {  	v38 =	vadd.f32 v62, v19;
	v19 =	vmovc v51;
	v45 =	vadd.f32 v0, v45;
	s21 =	sadd.s32 $0x200, s21;
	v61 =	vld [tilespmem:s17+$0xFFFFFF30];
	[tilespmem:s16+$0xA0] =	vst v47;
	v55 =	vmul.f32 $5.000000000e-01, v55  }
0x3fa: {  	_ =	sdelay $0x1  }
0x3fb: {  	v0 =	vld [tilespmem:s17+$0xB0];
	v50 =	vadd.f32 $9.189385170e-01, v50;
	_ =	sdelay $0x1  }
0x3fc: {  	[tilespmem:$0x1FFF0] =	vst v50;
	v51 =	vmul.f32 v61, v61  }
0x3fd: {  	[tilespmem:s16+$0xFFFFFFA0] =	vst v50  }
0x3fe: {  	v58 =	vmul.f32 v58, v58;
	v61 =	vld [tilespmem:s17+$0xFFFFFFB0];
	v51 =	vmul.f32 $5.000000000e-01, v51  }
0x3ff: {  	v0 =	vmul.f32 v0, v0  }
0x400: {  	v58 =	vmul.f32 $5.000000000e-01, v58;
	v51 =	vadd.f32 $9.189385170e-01, v51  }
0x401: {  	v60 =	vmul.f32 v60, v60;
	v0 =	vmul.f32 $5.000000000e-01, v0  }
0x402: {  	v50 =	vadd.f32 $9.189385170e-01, v58;
	[tilespmem:s16+$0xFFFFFF30] =	vst v51  }
0x403: {  	v60 =	vmul.f32 $5.000000000e-01, v60;
	v0 =	vadd.f32 $9.189385170e-01, v0;
	v61 =	vmul.f32 v61, v61;
	v62 =	vld [tilespmem:s17+$0xFFFFFF40]  }
0x404: {  	[tilespmem:$0x1FFE0] =	vst v50  }
0x405: {  	v60 =	vadd.f32 $9.189385170e-01, v60;
	v61 =	vmul.f32 $5.000000000e-01, v61;
	[tilespmem:s16+$0xB0] =	vst v0  }
0x406: {  	v63 =	vld [tilespmem:s17+$0xC0]  }
0x407: {  	[tilespmem:s16+$0x30] =	vst v60;
	v61 =	vadd.f32 $9.189385170e-01, v61  }
0x408: {  	v58 =	vmov v0;
	[tilespmem:s14+$0xFFFFFFC0] =	vst v50;
	v0 =	vld [tilespmem:s17+$0x40];
	v62 =	vmul.f32 v62, v62  }
0x409: {  	v59 =	vmul.f32 $5.000000000e-01, v59;
	v50 =	vld [tilespmem:s15+$0xFFFFFFD0];
	[tilespmem:s16+$0xFFFFFFB0] =	vst v61  }
0x40a: {  	v53 =	vadd.f32 v49, v53;
	v54 =	vmul.f32 v54, v54;
	v49 =	vmul.f32 $5.000000000e-01, v62;
	v62 =	vld [tilespmem:s17+$0xFFFFFFC0]  }
0x40b: {  	v52 =	vadd.f32 v48, v52;
	v36 =	vadd.f32 v56, v36;
	v63 =	vmul.f32 v63, v63  }
0x40c: {  	v57 =	vmul.f32 $5.000000000e-01, v57;
	v54 =	vmul.f32 $5.000000000e-01, v54;
	v49 =	vadd.f32 $9.189385170e-01, v49  }
0x40d: {  	v26 =	vadd.f32 v21, v26;
	v0 =	vmul.f32 v0, v0;
	v56 =	vmul.f32 $5.000000000e-01, v63  }
0x40e: {  	v59 =	vadd.f32 $9.189385170e-01, v59;
	v54 =	vadd.f32 $9.189385170e-01, v54;
	v50 =	vmul.f32 v50, v50;
	[tilespmem:s16+$0xFFFFFF40] =	vst v49  }
0x40f: {  	v0 =	vmul.f32 $5.000000000e-01, v0;
	v21 =	vadd.f32 $9.189385170e-01, v56;
	v56 =	vld [tilespmem:s17+$0xFFFFFF50];
	v62 =	vmul.f32 v62, v62  }
0x410: {  	v23 =	vadd.f32 v35, v23;
	v57 =	vadd.f32 $9.189385170e-01, v57;
	v50 =	vmul.f32 $5.000000000e-01, v50  }
0x411: {  	v40 =	vadd.f32 v59, v40;
	[tilespmem:s14+$0xFFFFFF60] =	vst v54;
	v0 =	vadd.f32 $9.189385170e-01, v0;
	v62 =	vmul.f32 $5.000000000e-01, v62  }
0x412: {  	v35 =	vadd.f32 v51, v39;
	v39 =	vld [tilespmem:s15+$0xFFFFFF70];
	v50 =	vadd.f32 $9.189385170e-01, v50;
	[tilespmem:s16+$0xC0] =	vst v21  }
0x413: {  	v63 =	vadd.f32 v57, v26;
	[tilespmem:s16+$0x40] =	vst v0;
	v26 =	vld [tilespmem:s17+$0xD0];
	v62 =	vadd.f32 $9.189385170e-01, v62  }
0x414: {  	v52 =	vadd.f32 v52, v46;
	[tilespmem:s14+$0xFFFFFFD0] =	vst v50;
	v46 =	vld [tilespmem:s17+$0x50];
	v56 =	vmul.f32 v56, v56  }
0x415: {  	v27 =	vadd.f32 v47, v27;
	v40 =	vadd.f32 v40, v53;
	v53 =	vld [tilespmem:s15+$0xFFFFFFE0];
	[tilespmem:s16+$0xFFFFFFC0] =	vst v62  }
0x416: {  	v44 =	vmul.f32 v44, v44;
	v29 =	vadd.f32 v63, v29;
	v47 =	vmul.f32 $5.000000000e-01, v56;
	v63 =	vld [tilespmem:s17+$0xFFFFFFD0]  }
0x417: {  	v20 =	vadd.f32 v32, v20;
	v24 =	vadd.f32 v31, v24  }
0x418: {  	v44 =	vmul.f32 $5.000000000e-01, v44;
	v26 =	vmul.f32 v26, v26;
	v47 =	vadd.f32 $9.189385170e-01, v47  }
0x419: {  	v55 =	vadd.f32 $9.189385170e-01, v55;
	v39 =	vmul.f32 v39, v39;
	v46 =	vmul.f32 v46, v46  }
0x41a: {  	v44 =	vadd.f32 $9.189385170e-01, v44;
	v53 =	vmul.f32 v53, v53;
	v26 =	vmul.f32 $5.000000000e-01, v26;
	[tilespmem:s16+$0xFFFFFF50] =	vst v47  }
0x41b: {  	v37 =	vadd.f32 v60, v37;
	v46 =	vmul.f32 $5.000000000e-01, v46;
	v60 =	vld [tilespmem:s17+$0xFFFFFF60];
	v51 =	vmul.f32 v63, v63  }
0x41c: {  	v24 =	vadd.f32 v44, v24;
	[tilespmem:s14+$0x60] =	vst v55;
	v53 =	vmul.f32 $5.000000000e-01, v53;
	v26 =	vadd.f32 $9.189385170e-01, v26  }
0x41d: {  	[tilespmem:s14+$0xE0] =	vst v44;
	v44 =	vld [tilespmem:s15+$0x70];
	v39 =	vmul.f32 $5.000000000e-01, v39;
	v46 =	vadd.f32 $9.189385170e-01, v46;
	v51 =	vmul.f32 $5.000000000e-01, v51  }
0x41e: {  	v25 =	vadd.f32 v43, v25;
	v32 =	vadd.f32 $9.189385170e-01, v53;
	v63 =	vld [tilespmem:s15+$0xF0];
	[tilespmem:s16+$0xD0] =	vst v26  }
0x41f: {  	v39 =	vadd.f32 $9.189385170e-01, v39;
	[tilespmem:s16+$0x50] =	vst v46;
	v43 =	vld [tilespmem:s17+$0xE0];
	v51 =	vadd.f32 $9.189385170e-01, v51  }
0x420: {  	v34 =	vadd.f32 v58, v34;
	[tilespmem:s14+$0xFFFFFFE0] =	vst v32;
	v58 =	vmul.f32 v60, v60  }
0x421: {  	v20 =	vadd.f32 v54, v20;
	v25 =	vadd.f32 v39, v25;
	v31 =	vld [tilespmem:s17+$0x60];
	[tilespmem:s16+$0xFFFFFFD0] =	vst v51  }
0x422: {  	v22 =	vadd.f32 v33, v22;
	v60 =	vmul.f32 $5.000000000e-01, v58;
	v56 =	vld [tilespmem:$0x1FFE0]  }
0x423: {  	v44 =	vmul.f32 v44, v44;
	v20 =	vadd.f32 v25, v20;
	v25 =	vmul.f32 v63, v63;
	v63 =	vld [tilespmem:s17+$0xFFFFFFE0]  }
0x424: {  	v28 =	vadd.f32 v41, v28;
	v54 =	vld [tilespmem:s15+$0xFFFFFFF0];
	v58 =	vmul.f32 v43, v43;
	v43 =	vadd.f32 $9.189385170e-01, v60  }
0x425: {  	v23 =	vadd.f32 v55, v23;
	v30 =	vadd.f32 v61, v30;
	v55 =	vmul.f32 $5.000000000e-01, v44;
	[tilespmem:s13+$0xF0] =	vst v48  }
0x426: {  	v42 =	vadd.f32 v50, v42;
	v0 =	vadd.f32 v0, v45;
	v31 =	vmul.f32 v31, v31;
	[tilespmem:s16+$0xFFFFFF60] =	vst v43  }
0x427: {  	v25 =	vmul.f32 $5.000000000e-01, v25;
	[tilespmem:s13+$0xFFFFFFF0] =	vst v59;
	v33 =	vadd.f32 v56, v38;
	v38 =	vmul.f32 $5.000000000e-01, v58;
	v50 =	vld [tilespmem:s17+$0xFFFFFF70]  }
0x428: {  	v21 =	vadd.f32 v21, v27;
	[tilespmem:s13+$0x70] =	vst v57;
	v31 =	vmul.f32 $5.000000000e-01, v31;
	v61 =	vmul.f32 v63, v63  }
0x429: {  	[tilespmem:s19+$0x10] =	vst v52;
	v60 =	vmul.f32 v54, v54;
	v25 =	vadd.f32 $9.189385170e-01, v25;
	v38 =	vadd.f32 $9.189385170e-01, v38  }
0x42a: {  	v31 =	vadd.f32 $9.189385170e-01, v31;
	v63 =	vld [tilespmem:$0x1FFF0];
	[tilespmem:s19+$0x0] =	vst v29;
	v29 =	vadd.f32 $9.189385170e-01, v55;
	v57 =	vmul.f32 $5.000000000e-01, v61  }
0x42b: {  	v27 =	vadd.f32 v51, v30;
	v48 =	vmul.f32 $5.000000000e-01, v60;
	v22 =	vadd.f32 v25, v22;
	[tilespmem:s16+$0xE0] =	vst v38  }
0x42c: {  	[tilespmem:s16+$0x60] =	vst v31;
	v28 =	vadd.f32 v29, v28;
	v59 =	vadd.f32 $9.189385170e-01, v57;
	v58 =	vld [tilespmem:s17+$0xF0];
	v61 =	vmul.f32 v50, v50  }
0x42d: {  	[tilespmem:s14+$0xF0] =	vst v25;
	v25 =	vadd.f32 v47, v35;
	v22 =	vadd.f32 v22, v24;
	v24 =	vld [tilespmem:s17+$0x70]  }
0x42e: {  	v56 =	vadd.f32 $9.189385170e-01, v48;
	v23 =	vadd.f32 v28, v23;
	[tilespmem:s16+$0xFFFFFFE0] =	vst v59;
	v28 =	vmul.f32 $5.000000000e-01, v61  }
0x42f: {  	s15 =	sadd.s32 $0x40, s18;
	[tilespmem:s14+$0xFFFFFF70] =	vst v39;
	v0 =	vadd.f32 v31, v0;
	v19 =	vadd.f32 v63, v19;
	v63 =	vld [tilespmem:s17+$0xFFFFFFF0]  }
0x430: {  	[tilespmem:s15+$0xFFFFFFE0] =	vst v20;
	v20 =	vadd.f32 v49, v36;
	v28 =	vadd.f32 $9.189385170e-01, v28  }
0x431: {  	[tilespmem:s19+$0xFFFFFFF0] =	vst v40;
	v32 =	vadd.f32 v32, v33;
	v60 =	vadd.f32 v56, v42;
	v31 =	vmul.f32 v58, v58  }
0x432: {  	[tilespmem:s15+$0x10] =	vst v22;
	v20 =	vadd.f32 v43, v20;
	v24 =	vmul.f32 v24, v24;
	v22 =	vadd.f32 v28, v25  }
0x433: {  	[tilespmem:s14+$0x70] =	vst v29;
	v32 =	vadd.f32 v60, v32;
	v25 =	vadd.f32 v26, v34;
	v30 =	vmul.f32 $5.000000000e-01, v31  }
0x434: {  	[tilespmem:s14+$0xFFFFFFF0] =	vst v56;
	v26 =	vmul.f32 v63, v63;
	v20 =	vadd.f32 v22, v20;
	v22 =	vmul.f32 $5.000000000e-01, v24  }
0x435: {  	[tilespmem:s15+$0x0] =	vst v23;
	v29 =	vadd.f32 $9.189385170e-01, v30  }
0x436: {  	[tilespmem:s15+$0xFFFFFFF0] =	vst v32;
	v19 =	vadd.f32 v62, v19;
	v23 =	vmul.f32 $5.000000000e-01, v26;
	v22 =	vadd.f32 $9.189385170e-01, v22  }
0x437: {  	s18 =	sadd.s32 $0x40, s15;
	[tilespmem:s16+$0xFFFFFF70] =	vst v28;
	v24 =	vadd.f32 v29, v25;
	v25 =	vadd.f32 v46, v37  }
0x438: {  	v21 =	vadd.f32 v38, v21;
	[tilespmem:s18+$0xFFFFFFE0] =	vst v20;
	v20 =	vadd.f32 $9.189385170e-01, v23  }
0x439: {  	s20 =	simm.s32 $0x0;
	v19 =	vadd.f32 v59, v19;
	[tilespmem:s16+$0xF0] =	vst v29;
	v23 =	vadd.f32 v22, v25  }
0x43a: {  	s19 =	simm.s32 $0x100;
	[tilespmem:s16+$0x70] =	vst v22;
	v21 =	vadd.f32 v24, v21;
	v25 =	vadd.f32 v20, v27;
	v22 =	vor.u32 s20, v6  }
0x43b: {  	v26 =	vor.u32 s19, v8;
	[tilespmem:s16+$0xFFFFFFF0] =	vst v20;
	v0 =	vadd.f32 v23, v0  }
0x43c: {  	v27 =	vor.u32 s20, v8;
	[tilespmem:s18+$0x10] =	vst v21;
	v19 =	vadd.f32 v25, v19  }
0x43d: {  	v28 =	vor.u32 s19, v9;
	[tilespmem:s18+$0x0] =	vst v0  }
0x43e: {  	v29 =	vor.u32 s20, v9;
	[tilespmem:s18+$0xFFFFFFF0] =	vst v19  }
0x43f: {  	v30 =	vor.u32 s19, v10;
	v22 =	vld.idx.msk [tilespmem:v22+s4+$0x0], $0xffff  }
0x440: {  	v31 =	vor.u32 s20, v10;
	v26 =	vld.idx.msk [tilespmem:v26+s4+$0x0], $0xffff  }
0x441: {  	v41 =	vor.u32 s19, v11;
	v27 =	vld.idx.msk [tilespmem:v27+s4+$0x0], $0xffff  }
0x442: {  	v42 =	vor.u32 s20, v11;
	v28 =	vld.idx.msk [tilespmem:v28+s4+$0x0], $0xffff  }
0x443: {  	v43 =	vor.u32 s19, v12;
	v29 =	vld.idx.msk [tilespmem:v29+s4+$0x0], $0xffff  }
0x444: {  	v44 =	vor.u32 s20, v12;
	v30 =	vld.idx.msk [tilespmem:v30+s4+$0x0], $0xffff  }
0x445: {  	v45 =	vor.u32 s19, v13;
	v31 =	vld.idx.msk [tilespmem:v31+s4+$0x0], $0xffff  }
0x446: {  	v46 =	vor.u32 s20, v13;
	v32 =	vld.idx.msk [tilespmem:v41+s4+$0x0], $0xffff  }
0x447: {  	v47 =	vor.u32 s19, v14;
	v33 =	vld.idx.msk [tilespmem:v42+s4+$0x0], $0xffff  }
0x448: {  	v48 =	vor.u32 s20, v14;
	v34 =	vld.idx.msk [tilespmem:v43+s4+$0x0], $0xffff  }
0x449: {  	v49 =	vor.u32 s19, v15;
	v35 =	vld.idx.msk [tilespmem:v44+s4+$0x0], $0xffff  }
0x44a: {  	v50 =	vor.u32 s20, v15;
	v36 =	vld.idx.msk [tilespmem:v45+s4+$0x0], $0xffff  }
0x44b: {  	v51 =	vor.u32 s19, v16;
	v37 =	vld.idx.msk [tilespmem:v46+s4+$0x0], $0xffff  }
0x44c: {  	v53 =	vor.u32 s19, v17;
	v24 =	vor.u32 s19, v1;
	v38 =	vld.idx.msk [tilespmem:v47+s4+$0x0], $0xffff  }
0x44d: {  	v20 =	vor.u32 s20, v1;
	v24 =	vand.u32 v2, v24;
	v39 =	vld.idx.msk [tilespmem:v48+s4+$0x0], $0xffff  }
0x44e: {  	v20 =	vand.u32 v3, v20;
	v40 =	vld.idx.msk [tilespmem:v49+s4+$0x0], $0xffff  }
0x44f: {  	v21 =	vor.u32 s19, v5;
	v41 =	vld.idx.msk [tilespmem:v50+s4+$0x0], $0xffff  }
0x450: {  	v0 =	vor.u32 s20, v5;
	v42 =	vld.idx.msk [tilespmem:v51+s4+$0x0], $0xffff  }
0x451: {  	v19 =	vor.u32 s19, v6;
	v44 =	vld.idx.msk [tilespmem:v53+s4+$0x0], $0xffff  }
0x452: {  	v54 =	vor.u32 s20, v17;
	v23 =	vld.idx.msk [tilespmem:v24+s4+$0x0], $0xffff  }
0x453: {  	v24 =	vor.u32 s19, v7;
	v20 =	vld.idx.msk [tilespmem:v20+s4+$0x0], $0xffff  }
0x454: {  	v25 =	vor.u32 s20, v7;
	v21 =	vld.idx.msk [tilespmem:v21+s4+$0x0], $0xffff  }
0x455: {  	v56 =	vor.u32 s20, v4;
	v0 =	vld.idx.msk [tilespmem:v0+s4+$0x0], $0xffff  }
0x456: {  	v58 =	vor.u32 s20, v18;
	v19 =	vld.idx.msk [tilespmem:v19+s4+$0x0], $0xffff  }
0x457: {  	s21 =	simm.s32 $0x300;
	v52 =	vor.u32 s20, v16;
	v45 =	vld.idx.msk [tilespmem:v54+s4+$0x0], $0xffff;
	v23 =	vadd.f32 $0.0e+00, v23  }
0x458: {  	v62 =	vor.u32 s21, v8;
	v24 =	vld.idx.msk [tilespmem:v24+s4+$0x0], $0xffff;
	v20 =	vadd.f32 $0.0e+00, v20  }
0x459: {  	s13 =	simm.s32 $0x200;
	v54 =	vor.u32 s21, v12;
	v25 =	vld.idx.msk [tilespmem:v25+s4+$0x0], $0xffff;
	v21 =	vadd.f32 v21, v23  }
0x45a: {  	v55 =	vor.u32 s19, v4;
	v59 =	vor.u32 s13, v1;
	v47 =	vld.idx.msk [tilespmem:v56+s4+$0x0], $0xffff;
	v0 =	vadd.f32 v0, v20  }
0x45b: {  	v43 =	vld.idx.msk [tilespmem:v58+s4+$0x0], $0xffff;
	v20 =	vor.u32 s21, v1;
	v19 =	vadd.f32 v19, v21;
	v21 =	vand.u32 v3, v59  }
0x45c: {  	v23 =	vld.idx.msk [tilespmem:v52+s4+$0x0], $0xffff;
	v20 =	vand.u32 v2, v20;
	v0 =	vadd.f32 v22, v0  }
0x45d: {  	v52 =	vld.idx.msk [tilespmem:v62+s4+$0x0], $0xffff;
	v19 =	vadd.f32 v24, v19;
	v24 =	vor.u32 s13, v5  }
0x45e: {  	v60 =	vor.u32 s21, v5;
	v59 =	vld.idx.msk [tilespmem:v54+s4+$0x0], $0xffff;
	v0 =	vadd.f32 v25, v0  }
0x45f: {  	v22 =	vld.idx.msk [tilespmem:v55+s4+$0x0], $0xffff;
	v19 =	vadd.f32 v26, v19;
	v26 =	vor.u32 s13, v6  }
0x460: {  	v61 =	vor.u32 s21, v6;
	v0 =	vadd.f32 v27, v0;
	v21 =	vld.idx.msk [tilespmem:v21+s4+$0x0], $0xffff  }
0x461: {  	v20 =	vld.idx.msk [tilespmem:v20+s4+$0x0], $0xffff;
	v19 =	vadd.f32 v28, v19;
	v28 =	vor.u32 s13, v7  }
0x462: {  	v27 =	vor.u32 s21, v7;
	v0 =	vadd.f32 v29, v0;
	v24 =	vld.idx.msk [tilespmem:v24+s4+$0x0], $0xffff  }
0x463: {  	v29 =	vld.idx.msk [tilespmem:v60+s4+$0x0], $0xffff;
	v19 =	vadd.f32 v30, v19;
	v30 =	vor.u32 s13, v8  }
0x464: {  	v50 =	vor.u32 s21, v10;
	v0 =	vadd.f32 v31, v0;
	v26 =	vld.idx.msk [tilespmem:v26+s4+$0x0], $0xffff  }
0x465: {  	v49 =	vor.u32 s13, v9;
	v31 =	vld.idx.msk [tilespmem:v61+s4+$0x0], $0xffff;
	v19 =	vadd.f32 v32, v19;
	v21 =	vadd.f32 $0.0e+00, v21  }
0x466: {  	v63 =	vor.u32 s21, v9;
	v20 =	vadd.f32 $0.0e+00, v20;
	v0 =	vadd.f32 v33, v0;
	v28 =	vld.idx.msk [tilespmem:v28+s4+$0x0], $0xffff  }
0x467: {  	v51 =	vor.u32 s13, v10;
	v27 =	vld.idx.msk [tilespmem:v27+s4+$0x0], $0xffff;
	v19 =	vadd.f32 v34, v19;
	v21 =	vadd.f32 v24, v21  }
0x468: {  	v57 =	vor.u32 s19, v18;
	v20 =	vadd.f32 v29, v20;
	v0 =	vadd.f32 v35, v0;
	v24 =	vld.idx.msk [tilespmem:v30+s4+$0x0], $0xffff  }
0x469: {  	v55 =	vld.idx.msk [tilespmem:v50+s4+$0x0], $0xffff;
	v29 =	vor.u32 s13, v11;
	v19 =	vadd.f32 v36, v19;
	v21 =	vadd.f32 v26, v21  }
0x46a: {  	v53 =	vor.u32 s21, v11;
	v20 =	vadd.f32 v31, v20;
	v26 =	vld.idx.msk [tilespmem:v49+s4+$0x0], $0xffff;
	v0 =	vadd.f32 v37, v0  }
0x46b: {  	v30 =	vld.idx.msk [tilespmem:v63+s4+$0x0], $0xffff;
	v31 =	vor.u32 s13, v12;
	v19 =	vadd.f32 v38, v19;
	v21 =	vadd.f32 v28, v21  }
0x46c: {  	v56 =	vor.u32 s21, v13;
	v20 =	vadd.f32 v27, v20;
	v27 =	vld.idx.msk [tilespmem:v51+s4+$0x0], $0xffff;
	v0 =	vadd.f32 v39, v0  }
0x46d: {  	v25 =	vld.idx.msk [tilespmem:v57+s4+$0x0], $0xffff;
	v28 =	vor.u32 s13, v13;
	v19 =	vadd.f32 v40, v19;
	v21 =	vadd.f32 v24, v21  }
0x46e: {  	v58 =	vor.u32 s21, v14;
	v20 =	vadd.f32 v52, v20;
	v24 =	vld.idx.msk [tilespmem:v29+s4+$0x0], $0xffff;
	v0 =	vadd.f32 v41, v0  }
0x46f: {  	v57 =	vld.idx.msk [tilespmem:v53+s4+$0x0], $0xffff;
	v29 =	vor.u32 s13, v14;
	v19 =	vadd.f32 v42, v19;
	v21 =	vadd.f32 v26, v21  }
0x470: {  	v60 =	vor.u32 s21, v15;
	v20 =	vadd.f32 v30, v20;
	v30 =	vld.idx.msk [tilespmem:v31+s4+$0x0], $0xffff;
	v0 =	vadd.f32 v23, v0  }
0x471: {  	v33 =	vld.idx.msk [tilespmem:v56+s4+$0x0], $0xffff;
	v31 =	vor.u32 s13, v15;
	v19 =	vadd.f32 v44, v19;
	v21 =	vadd.f32 v27, v21  }
0x472: {  	v61 =	vor.u32 s21, v16;
	v28 =	vld.idx.msk [tilespmem:v28+s4+$0x0], $0xffff;
	v20 =	vadd.f32 v55, v20;
	v0 =	vadd.f32 v45, v0  }
0x473: {  	v62 =	vor.u32 s13, v16;
	v23 =	vld.idx.msk [tilespmem:v58+s4+$0x0], $0xffff;
	v19 =	vadd.f32 v22, v19;
	v24 =	vadd.f32 v24, v21  }
0x474: {  	v26 =	vld.idx.msk [tilespmem:v29+s4+$0x0], $0xffff;
	v20 =	vadd.f32 v57, v20;
	v21 =	vor.u32 s21, v17;
	v0 =	vadd.f32 v47, v0  }
0x475: {  	v22 =	vld.idx.msk [tilespmem:v60+s4+$0x0], $0xffff;
	v25 =	vadd.f32 v25, v19;
	v63 =	vadd.f32 v30, v24;
	v30 =	vor.u32 s13, v17  }
0x476: {  	s14 =	simm.s32 $0x1A210;
	v27 =	vld.idx.msk [tilespmem:v31+s4+$0x0], $0xffff;
	v34 =	vadd.f32 v59, v20;
	v20 =	vor.u32 s21, v4;
	v0 =	vadd.f32 v43, v0  }
0x477: {  	v29 =	vor.u32 s13, v4;
	v24 =	vld.idx.msk [tilespmem:v61+s4+$0x0], $0xffff;
	[tilespmem:s14+$0x0] =	vst v25  }
0x478: {  	s15 =	simm.s32 $0x2;
	s16 =	simm.s32 $0x500;
	v19 =	vor.u32 s21, v18;
	v25 =	vadd.f32 v33, v34;
	v31 =	vadd.f32 v28, v63;
	v28 =	vld.idx.msk [tilespmem:v62+s4+$0x0], $0xffff;
	[tilespmem:s14+$0xFFFFFFF0] =	vst v0  }
.LBB2_16:
0x479: {  	v0 =	vor.u32 s16, v1;
	v32 =	vor.u32 s16, v5;
	s15 =	sadd.s32 $0x2, s15;
	v33 =	vor.u32 s13, v18;
	s13 =	sadd.s32 $0xFFFFFF00, s16;
	v34 =	vld.idx.msk [tilespmem:v21+s4+$0x0], $0xffff  }
0x47a: {  	v21 =	vor.u32 s13, v1;
	v0 =	vand.u32 v2, v0;
	p0 =	slt.u32 s15, $0x6;
	v26 =	vadd.f32 v26, v31;
	v30 =	vld.idx.msk [tilespmem:v30+s4+$0x0], $0xffff  }
0x47b: {  	v35 =	vor.u32 s16, v7;
	v31 =	vor.u32 s16, v6;
	v21 =	vand.u32 v3, v21;
	v36 =	vld.idx.msk [tilespmem:v20+s4+$0x0], $0xffff  }
0x47c: {  	v37 =	vor.u32 s16, v8;
	v38 =	vor.u32 s16, v9;
	v20 =	vadd.f32 v27, v26;
	v26 =	vld.idx.msk [tilespmem:v29+s4+$0x0], $0xffff  }
0x47d: {  	v39 =	vor.u32 s16, v11;
	v27 =	vor.u32 s13, v5;
	v29 =	vor.u32 s16, v10;
	v40 =	vld.idx.msk [tilespmem:v19+s4+$0x0], $0xffff  }
0x47e: {  	v41 =	vor.u32 s16, v12;
	v42 =	vor.u32 s16, v13;
	v19 =	vadd.f32 v28, v20;
	v28 =	vld.idx.msk [tilespmem:v33+s4+$0x0], $0xffff  }
0x47f: {  	v43 =	vor.u32 s16, v14;
	v44 =	vor.u32 s16, v15;
	v33 =	vor.u32 s13, v6;
	v0 =	vld.idx.msk [tilespmem:v0+s4+$0x0], $0xffff  }
0x480: {  	v46 =	vor.u32 s16, v16;
	v23 =	vadd.f32 v23, v25;
	v45 =	vld.idx.msk [tilespmem:v21+s4+$0x0], $0xffff;
	v30 =	vadd.f32 v30, v19  }
0x481: {  	v25 =	vor.u32 s13, v7;
	v20 =	vor.u32 s16, v4;
	v21 =	vor.u32 s16, v17;
	v32 =	vld.idx.msk [tilespmem:v32+s4+$0x0], $0xffff  }
0x482: {  	v22 =	vadd.f32 v22, v23;
	v19 =	vor.u32 s16, v18;
	v27 =	vld.idx.msk [tilespmem:v27+s4+$0x0], $0xffff;
	v26 =	vadd.f32 v26, v30  }
0x483: {  	v23 =	vor.u32 s13, v8;
	v30 =	vld.idx.msk [tilespmem:v31+s4+$0x0], $0xffff  }
0x484: {  	v22 =	vadd.f32 v24, v22;
	v31 =	vld.idx.msk [tilespmem:v33+s4+$0x0], $0xffff;
	v26 =	vadd.f32 v28, v26  }
0x485: {  	s14 =	sadd.s32 $0x20, s14;
	v24 =	vor.u32 s13, v9;
	v0 =	vadd.f32 $0.0e+00, v0;
	v28 =	vld.idx.msk [tilespmem:v35+s4+$0x0], $0xffff  }
0x486: {  	v22 =	vadd.f32 v34, v22;
	v33 =	vadd.f32 $0.0e+00, v45;
	v25 =	vld.idx.msk [tilespmem:v25+s4+$0x0], $0xffff;
	[tilespmem:s14+$0xFFFFFFF0] =	vst v26  }
0x487: {  	v26 =	vor.u32 s13, v10;
	v0 =	vadd.f32 v32, v0;
	v32 =	vld.idx.msk [tilespmem:v37+s4+$0x0], $0xffff  }
0x488: {  	v22 =	vadd.f32 v36, v22;
	v27 =	vadd.f32 v27, v33;
	v23 =	vld.idx.msk [tilespmem:v23+s4+$0x0], $0xffff  }
0x489: {  	v33 =	vor.u32 s13, v11;
	v0 =	vadd.f32 v30, v0;
	v30 =	vld.idx.msk [tilespmem:v38+s4+$0x0], $0xffff  }
0x48a: {  	v22 =	vadd.f32 v40, v22;
	v27 =	vadd.f32 v31, v27;
	v24 =	vld.idx.msk [tilespmem:v24+s4+$0x0], $0xffff  }
0x48b: {  	v31 =	vor.u32 s13, v12;
	v0 =	vadd.f32 v28, v0;
	v28 =	vld.idx.msk [tilespmem:v29+s4+$0x0], $0xffff  }
0x48c: {  	v25 =	vadd.f32 v25, v27;
	v26 =	vld.idx.msk [tilespmem:v26+s4+$0x0], $0xffff;
	[tilespmem:s14+$0x0] =	vst v22  }
0x48d: {  	v22 =	vor.u32 s13, v13;
	v0 =	vadd.f32 v32, v0;
	v27 =	vld.idx.msk [tilespmem:v39+s4+$0x0], $0xffff  }
0x48e: {  	v23 =	vadd.f32 v23, v25;
	v25 =	vld.idx.msk [tilespmem:v33+s4+$0x0], $0xffff  }
0x48f: {  	v29 =	vor.u32 s13, v14;
	v0 =	vadd.f32 v30, v0;
	v32 =	vld.idx.msk [tilespmem:v41+s4+$0x0], $0xffff  }
0x490: {  	v23 =	vadd.f32 v24, v23;
	v24 =	vld.idx.msk [tilespmem:v31+s4+$0x0], $0xffff  }
0x491: {  	v31 =	vor.u32 s13, v15;
	v0 =	vadd.f32 v28, v0;
	v28 =	vld.idx.msk [tilespmem:v42+s4+$0x0], $0xffff  }
0x492: {  	v26 =	vadd.f32 v26, v23;
	v33 =	vld.idx.msk [tilespmem:v22+s4+$0x0], $0xffff  }
0x493: {  	v34 =	vor.u32 s13, v16;
	v0 =	vadd.f32 v27, v0;
	v23 =	vld.idx.msk [tilespmem:v43+s4+$0x0], $0xffff  }
.Ltmp7:
0x494: {  	v25 =	vadd.f32 v25, v26;
	v26 =	vld.idx.msk [tilespmem:v29+s4+$0x0], $0xffff;
	(pc) =	sbr.rel @p0 .LBB2_16-.Ltmp7, $4  }
0x495: {  	v30 =	vor.u32 s13, v17;
	v0 =	vadd.f32 v32, v0;
	v22 =	vld.idx.msk [tilespmem:v44+s4+$0x0], $0xffff  }
0x496: {  	v32 =	vadd.f32 v24, v25;
	v27 =	vld.idx.msk [tilespmem:v31+s4+$0x0], $0xffff  }
0x497: {  	v29 =	vor.u32 s13, v4;
	v25 =	vadd.f32 v28, v0;
	v24 =	vld.idx.msk [tilespmem:v46+s4+$0x0], $0xffff  }
0x498: {  	s16 =	sadd.s32 $0x200, s16;
	v31 =	vadd.f32 v33, v32;
	v28 =	vld.idx.msk [tilespmem:v34+s4+$0x0], $0xffff  }
0x499: {  	_ =	sdelay $0x2  }
0x49a: {  	v3 =	vadd.f32 v23, v25  }
0x49b: {  	v0 =	vor.u32 s13, v18;
	v4 =	vld.idx.msk [tilespmem:v21+s4+$0x0], $0xffff;
	v1 =	vadd.f32 v26, v31  }
0x49c: {  	v2 =	vld.idx.msk [tilespmem:v30+s4+$0x0], $0xffff;
	v3 =	vadd.f32 v22, v3  }
0x49d: {  	v6 =	vld.idx.msk [tilespmem:v20+s4+$0x0], $0xffff;
	v1 =	vadd.f32 v27, v1  }
0x49e: {  	v5 =	vld.idx.msk [tilespmem:v29+s4+$0x0], $0xffff;
	v3 =	vadd.f32 v24, v3  }
0x49f: {  	v7 =	vld.idx.msk [tilespmem:v19+s4+$0x0], $0xffff;
	v1 =	vadd.f32 v28, v1  }
0x4a0: {  	v0 =	vld.idx.msk [tilespmem:v0+s4+$0x0], $0xffff;
	v62 =	vadd.f32 v4, v3  }
0x4a1: {  	v1 =	vadd.f32 v2, v1  }
0x4a2: {  	v2 =	vadd.f32 v6, v62  }
0x4a3: {  	v1 =	vadd.f32 v5, v1  }
0x4a4: {  	v63 =	vadd.f32 v7, v2  }
0x4a5: {  	s18 =	sadd.s32 $0x20, s14;
	v0 =	vadd.f32 v0, v1  }
0x4a6: {  	[tilespmem:s18+$0x0] =	vst v63  }
0x4a7: {  	[tilespmem:s18+$0xFFFFFFF0] =	vst v0  }
0x4a8: {  	s19 =	simm.s32 $0xE200;
	s13 =	rddreg [dreg:$0x17]  }
0x4a9: {  	[hbm4b:s13+s3] =	stream.linear.scatter [tilespmem:s19], [sflag:$0xA], $0x4000, $0x38;
	[tilespmem:$0x1AC00] =	vst v63  }
0x4aa: {  	s21 =	simm.s32 $0x1A200;
	s20 =	rddreg [dreg:$0x18]  }
0x4ab: {  	[hbm4b:s20+s3] =	stream.linear.scatter [tilespmem:s21], [sflag:$0xA], $0x80, $0x38;
	[tilespmem:$0x1AC00] =	vst v63  }
0x4ac: {  	_ =	swait.ge [sflag:s10], $0x4000  }
0x4ad: {  	[sflag:s10] =	ssyncset.done $0x0  }
0x4ae: {  	[sflag:s10] =	ssyncadd.s32 $0xFFFFC000  }
0x4af: {  	_ =	swait.ge [sflag:s10], $0x80  }
0x4b0: {  	[sflag:s10] =	ssyncset.done $0x0  }
0x4b1: {  	[sflag:s10] =	ssyncadd.s32 $0xFFFFFF80  }
0x4b2: {  	_ =	swait.ge [sflag:s11], $0x4000  }
0x4b3: {  	[sflag:s11] =	ssyncset.done $0x0  }
0x4b4: {  	[sflag:s11] =	ssyncadd.s32 $0xFFFFC000  }
0x4b5: {  	_ =	swait.ge [sflag:s11], $0x80  }
0x4b6: {  	[sflag:s11] =	ssyncset.done $0x0  }
0x4b7: {  	s12 =	sadd.s32 $0x1, s12;
	[sflag:s11] =	ssyncadd.s32 $0xFFFFFF80  }
0x4b8: {  	p0 =	sne.s32 s12, s22;
	_ =	swait.ge [sflag:s9], $0x4000  }
.Ltmp8:
0x4b9: {  	[sflag:s9] =	ssyncset.done $0x0;
	(pc) =	sbr.rel @p0 .LBB2_1-.Ltmp8, $4  }
0x4ba: {  	[sflag:s9] =	ssyncadd.s32 $0xFFFFC000  }
0x4bb: {  	_ =	swait.ge [sflag:s9], $0x80  }
0x4bc: {  	[sflag:s9] =	ssyncset.done $0x0  }
0x4bd: {  	[sflag:s9] =	ssyncadd.s32 $0xFFFFFF80  }
0x4be: {  	_ =	sfence.sel $0x180000  }
0x4bf: {  	[bflag:$0x0] =	sbarrier.arrive $0xFFFF  }
0x4c0: {  	_ =	strace $0x90000047  }
0x4c1: {  	s0 =	stileid.u32;
	[bflag:$0x2] =	sbarrier.arrive $0xFFFF  }
0x4c2: {  	p0 =	sne.s32 s0, $0x0;
	s0 =	rddreg [dreg:$0x6]  }
0x4c3: {  	s0 =	sadd.s32 @!p0 $0x100000, s0  }
0x4c4: {  	[sflag:s0] =	ssyncadd.tile.s32 @!p0 $0x1;
	_ =	shalt  }
.Lfunc_end2:
_tile_overlayer_lowered:
.L_overlay_start_2:
0x4c5: {  	(tag) =	ssettag $0x2  }
0x4c6: {  	s0 =	rddreg [dreg:$0x0];
	s2 =	stileid.u32  }
0x4c7: {  	s1 =	rddreg [dreg:$0x1];
	p0 =	sne.s32 s2, $0x0  }
0x4c8: {  	s3 =	rddreg [dreg:$0x2];
	[bflag:$0x3] =	sbarrier.arrive $0xFFFF;
	s2 =	simm.s32 @!p0 $0x1C0E  }
0x4c9: {  	[timem:s3], [sflag:s2] =	dma.local @!p0 [hbm:s0], s1  }
0x4ca: {  	s0 =	simm.s32 @!p0 $0xE  }
0x4cb: {  	_ =	swait.ge @!p0 [sflag:s0], s1  }
0x4cc: {  	s1 =	ssub.s32 @!p0 $0x0, s1;
	[sflag:s0] =	ssyncset.done @!p0 $0x0  }
0x4cd: {  	[sflag:s0] =	ssyncadd.s32 @!p0 s1  }
0x4ce: {  	[bflag:$0x3] =	sbarrier.arrive $0xFFFF  }
0x4cf: {  	_ =	shalt  }

</sc_bundles>
